<compile_context>
chip_gen: v7x
topology: tpu7x:2x2x1
jax: 0.10.2.dev20260603
libtpu: 0.0.44.dev20260713+nightly
codegen_flags: <defaults>
</compile_context>

<pallas_src>
import functools

import jax
import jax.numpy as jnp
from jax import lax
from jax.experimental import pallas as pl
from jax.experimental.pallas import tpu as pltpu
from jax.experimental.pallas import tpu_sc as plsc

N = 10000
E = 320000
D = 128
G = 64

NP = 10112
NC = 2
NS = 16
NW = NC * NS
CH = 48
ET = E + N
K_CHUNKS = 216
EP = NW * CH * K_CHUNKS
ROWS_PER_TILE = NP // NS
BN = 1264


def _mm_body(x_ref, wl_ref, wr_ref, xl_ref, xr_ref):
    x = x_ref[...]
    xl_ref[...] = jnp.dot(x, wl_ref[...], preferred_element_type=jnp.float32)
    xr_ref[...] = jnp.dot(x, wr_ref[...], preferred_element_type=jnp.float32)


def _node_transforms(x_pad, W_l, W_r):
    bn = BN
    grid = (NP // bn,)
    return pl.pallas_call(
        _mm_body,
        grid=grid,
        in_specs=[
            pl.BlockSpec((bn, D), lambda i: (i, 0)),
            pl.BlockSpec((D, D), lambda i: (0, 0)),
            pl.BlockSpec((D, D), lambda i: (0, 0)),
        ],
        out_specs=[
            pl.BlockSpec((bn, D), lambda i: (i, 0)),
            pl.BlockSpec((bn, D), lambda i: (i, 0)),
        ],
        out_shape=[
            jax.ShapeDtypeStruct((NP, D), jnp.float32),
            jax.ShapeDtypeStruct((NP, D), jnp.float32),
        ],
    )(x_pad, W_l, W_r)


def _edge_body(xl, xr, edges, atth, accout, denout,
               src0, dst0, src1, dst1, src2, dst2,
               A0, B0, A1, B1, A2, B2,
               att_v, exb0, exb1, exb2, den_st, acc_sh, den_sh,
               s0, s1, s2, t0, t1, t2):
    c = lax.axis_index("c")
    s = lax.axis_index("s")
    wid = c * NS + s
    tb = s * ROWS_PER_TILE
    zero16 = jnp.zeros((16,), jnp.float32)
    lane = lax.iota(jnp.int32, 16)
    m0 = lane == 0

    A = A0

    def zrow(i, _):
        for v in range(8):
            A[i, pl.ds(v * 16, 16)] = zero16
        return 0
    lax.fori_loop(0, CH, zrow, 0)

    for v in range(CH // 16):
        exb0[pl.ds(v * 16, 16)] = zero16
    for j in range(ROWS_PER_TILE // CH):
        pltpu.sync_copy(A, acc_sh.at[pl.ds(tb + j * CH, CH)])
    tail = ROWS_PER_TILE % CH
    if tail:
        tb2 = tb + (ROWS_PER_TILE // CH) * CH
        pltpu.sync_copy(A.at[pl.ds(0, tail)], acc_sh.at[pl.ds(tb2, tail)])
    for j in range(ROWS_PER_TILE // CH):
        pltpu.sync_copy(exb0, den_sh.at[pl.ds(tb + j * CH, CH)])
    if tail:
        tb2 = tb + (ROWS_PER_TILE // CH) * CH
        pltpu.sync_copy(exb0.at[pl.ds(0, tail)], den_sh.at[pl.ds(tb2, tail)])
    pltpu.sync_copy(atth, att_v)
    plsc.subcore_barrier()

    att8 = [att_v[pl.ds(v * 16, 16)] for v in range(8)]
    ebase = wid * (K_CHUNKS * CH)
    bufs = ((src0, dst0, A0, B0, exb0, s0, t0),
            (src1, dst1, A1, B1, exb1, s1, t1),
            (src2, dst2, A2, B2, exb2, s2, t2))

    def issue(p, j):
        sv, dv, Ab, Bb, eb, sm, st = bufs[p]
        base = ebase + j * CH
        pltpu.sync_copy(edges.at[pl.ds(base, CH)], sv)
        pltpu.sync_copy(edges.at[pl.ds(EP + base, CH)], dv)
        pltpu.async_copy(xl.at[sv], Ab, sm)
        pltpu.async_copy(xr.at[dv], Bb, sm)

    def drain_scatter(p):
        sv, dv, Ab, Bb, eb, sm, st = bufs[p]
        pltpu.make_async_copy(Ab, acc_sh.at[dv], st).wait()
        pltpu.make_async_copy(eb, den_sh.at[dv], st).wait()

    def process(p):
        sv, dv, Ab, Bb, eb, sm, st = bufs[p]
        pltpu.make_async_copy(xl.at[sv], Ab, sm).wait()
        pltpu.make_async_copy(xr.at[dv], Bb, sm).wait()

        @plsc.parallel_loop(0, CH, step=4, unroll=4)
        def ibody(t):
            edges = tuple(t + u for u in range(4))
            avss = []
            evs = []
            for i in edges:
                avs = []
                pv = zero16
                ms = []
                for v in range(8):
                    a = Ab[i, pl.ds(v * 16, 16)]
                    b = Bb[i, pl.ds(v * 16, 16)]
                    avs.append(a)
                    z = a + b
                    z = jnp.maximum(z, z * 0.2)
                    ms.append(z * att8[v])
                pv = (((ms[0] + ms[1]) + (ms[2] + ms[3]))
                      + ((ms[4] + ms[5]) + (ms[6] + ms[7])))
                avss.append(avs)
                evs.append(jnp.exp(jnp.full((16,), jnp.sum(pv),
                                            jnp.float32)))
            for n, i in enumerate(edges):
                for v in range(8):
                    Ab[i, pl.ds(v * 16, 16)] = avss[n][v] * evs[n]
                plsc.store_scatter(eb, [jnp.full((16,), i, jnp.int32)],
                                   evs[n], mask=m0)

        pltpu.async_copy(Ab, acc_sh.at[dv], st, add=True)
        pltpu.async_copy(eb, den_sh.at[dv], st, add=True)

    issue(0, 0)
    issue(1, 1)

    def ring(m, _):
        for p in range(3):
            j = 3 * m + p
            process(p)
            r = (p + 2) % 3
            if p == 0:
                @pl.when(m > 0)
                def _():
                    drain_scatter(r)
            else:
                drain_scatter(r)

            @pl.when(j + 2 < K_CHUNKS)
            def _():
                issue(r, j + 2)
        return 0
    lax.fori_loop(0, K_CHUNKS // 3, ring, 0)
    drain_scatter(2)

    plsc.subcore_barrier()
    pltpu.sync_copy(acc_sh.at[pl.ds(tb, ROWS_PER_TILE)],
                    accout.at[c, pl.ds(tb, ROWS_PER_TILE)])
    pltpu.sync_copy(den_sh.at[pl.ds(tb, ROWS_PER_TILE)], den_st)
    pltpu.sync_copy(den_st, denout.at[pl.ds(c * NP + tb, ROWS_PER_TILE)])


def _edge_aggregate(xl, xr, edges, att):
    mesh = plsc.VectorSubcoreMesh(core_axis_name="c", subcore_axis_name="s")
    f = functools.partial(
        pl.kernel,
        mesh=mesh,
        compiler_params=pltpu.CompilerParams(needs_layout_passes=False),
        out_type=[
            jax.ShapeDtypeStruct((NC, NP, D), jnp.float32),
            jax.ShapeDtypeStruct((NC * NP,), jnp.float32),
        ],
        scratch_types=(
            [pltpu.VMEM((CH,), jnp.int32)] * 6
            + [pltpu.VMEM((CH, D), jnp.float32)] * 6
            + [pltpu.VMEM((D,), jnp.float32)]
            + [pltpu.VMEM((CH,), jnp.float32)] * 3
            + [pltpu.VMEM((ROWS_PER_TILE,), jnp.float32)]
            + [pltpu.VMEM_SHARED((NP, D), jnp.float32)]
            + [pltpu.VMEM_SHARED((NP,), jnp.float32)]
            + [pltpu.SemaphoreType.DMA] * 6
        ),
    )(_edge_body)
    return f(xl, xr, edges, att)


def _finish_body(a0_ref, a1_ref, d_ref, b_ref, bias_ref, out_ref,
                 pacc, cacc):
    i = pl.program_id(0)

    @pl.when(i == 0)
    def _():
        pacc[...] = jnp.zeros_like(pacc)
        cacc[...] = jnp.zeros_like(cacc)

    v = a0_ref[0] + a1_ref[0]
    d = jnp.sum(d_ref[...], axis=1, keepdims=True) + 1e-16
    u = v / d + bias_ref[...]
    u = jnp.where(u > 0, u, jnp.exp(jnp.minimum(u, 0.0)) - 1.0)

    bvec = b_ref[0]
    gid = lax.broadcasted_iota(jnp.int32, (G, bvec.shape[1]), 0)
    oh = (gid == bvec).astype(jnp.float32)
    pacc[...] += jnp.dot(oh, u, preferred_element_type=jnp.float32)
    cacc[...] += jnp.sum(oh, axis=1, keepdims=True)

    @pl.when(i == pl.num_programs(0) - 1)
    def _():
        out_ref[...] = pacc[...] / jnp.maximum(cacc[...], 1.0)


def _finish(acc, dent, batch_f, bias):
    bn = BN
    grid = (NP // bn,)
    return pl.pallas_call(
        _finish_body,
        grid=grid,
        in_specs=[
            pl.BlockSpec((1, bn, D), lambda i: (0, i, 0)),
            pl.BlockSpec((1, bn, D), lambda i: (1, i, 0)),
            pl.BlockSpec((bn, NC), lambda i: (i, 0)),
            pl.BlockSpec((1, 1, bn), lambda i: (i, 0, 0)),
            pl.BlockSpec((1, D), lambda i: (0, 0)),
        ],
        out_specs=pl.BlockSpec((G, D), lambda i: (0, 0)),
        out_shape=jax.ShapeDtypeStruct((G, D), jnp.float32),
        scratch_shapes=[
            pltpu.VMEM((G, D), jnp.float32),
            pltpu.VMEM((G, 1), jnp.float32),
        ],
    )(acc, acc, dent, batch_f, bias)


def kernel(x, edge_index, batch, W_l, W_r, att, bias):
    x_pad = jnp.pad(x, ((0, NP - N), (0, 0)))
    xl, xr = _node_transforms(x_pad, W_l, W_r)

    loop = jnp.arange(N, dtype=jnp.int32)
    pad_idx = (N + jnp.arange(EP - ET, dtype=jnp.int32) % (NP - N))
    edges = jnp.concatenate([edge_index[0], loop, pad_idx,
                             edge_index[1], loop, pad_idx])

    acc, den = _edge_aggregate(xl, xr, edges, att)

    batch_f = jnp.concatenate(
        [batch, jnp.full((NP - N,), G, jnp.int32)])
    pooled = _finish(acc, den.reshape(NC, NP).T,
                     batch_f.reshape(NP // BN, 1, BN), bias.reshape(1, D))
    return pooled

# --- scband reference (transcript-rebuilt; emitter-appended) ---
"""Pipeline reference for scband-gatencoder-48893907697673 (READ-ONLY COPY).

The authoritative reference and input builder live on the scoring server;
editing this copy changes nothing except your own understanding.
"""

import jax, jax.numpy as jnp
import numpy as np

N = 10000
E = 320000
D_IN = 128
D_OUT = 128
HEADS = 1
G = 64  # number of graphs in the batch vector


def setup_inputs(seed: int = 0) -> dict:
    key = jax.random.key(seed)
    ks = jax.random.split(key, 8)
    x = jax.random.normal(ks[0], (N, D_IN), dtype=jnp.float32)
    edge_index = jax.random.randint(ks[1], (2, E), 0, N, dtype=jnp.int32)
    batch = jnp.sort(jax.random.randint(ks[2], (N,), 0, G, dtype=jnp.int32))
    scale = 1.0 / np.sqrt(D_IN)
    # GATv2Conv parameters (heads=1, concat=True, share_weights=False)
    W_l = jax.random.normal(ks[3], (D_IN, D_OUT), dtype=jnp.float32) * scale  # applied to source nodes
    W_r = jax.random.normal(ks[4], (D_IN, D_OUT), dtype=jnp.float32) * scale  # applied to target nodes
    att = jax.random.normal(ks[5], (D_OUT,), dtype=jnp.float32) * (1.0 / np.sqrt(D_OUT))
    bias = jnp.zeros((D_OUT,), dtype=jnp.float32)
    return {"x": x, "edge_index": edge_index, "batch": batch,
            "W_l": W_l, "W_r": W_r, "att": att, "bias": bias}


def reference(x, edge_index, batch, W_l, W_r, att, bias):
    n = x.shape[0]
    # GATv2Conv default add_self_loops=True
    loop = jnp.arange(n, dtype=edge_index.dtype)
    src = jnp.concatenate([edge_index[0], loop])
    dst = jnp.concatenate([edge_index[1], loop])

    xl = x @ W_l  # source transform
    xr = x @ W_r  # target transform

    z = xl[src] + xr[dst]
    z = jax.nn.leaky_relu(z, negative_slope=0.2)
    e = z @ att  # [E + N]

    # softmax over incoming edges per destination node
    m = jax.ops.segment_max(e, dst, num_segments=n)
    m = jnp.where(jnp.isfinite(m), m, 0.0)
    ex = jnp.exp(e - m[dst])
    denom = jax.ops.segment_sum(ex, dst, num_segments=n)
    alpha = ex / (denom[dst] + 1e-16)

    out = jax.ops.segment_sum(alpha[:, None] * xl[src], dst, num_segments=n)
    out = out + bias
    out = jax.nn.elu(out)

    # global_mean_pool over batch assignment
    ones = jnp.ones((n,), dtype=jnp.float32)
    cnt = jax.ops.segment_sum(ones, batch, num_segments=G)
    pooled = jax.ops.segment_sum(out, batch, num_segments=G) / jnp.clip(cnt, 1.0)[:, None]
    return pooled

if __name__ == "__main__":
    import jax
    _d = setup_inputs()
    print(jax.jit(kernel)(*tuple(_d.values())))

</pallas_src>

<mosaic_0001>
#map = affine_map<(d0, d1) -> (0, 0)>
#map1 = affine_map<(d0, d1) -> (0)>
#map2 = affine_map<(d0, d1) -> (0, 0, 0)>
module attributes {stable_mosaic.version = 14 : i64} {
  func.func @_edge_body(%arg0: i32, %arg1: i32, %arg2: memref<10112x128xf32, #tpu.memory_space<hbm>>, %arg3: memref<10112x128xf32, #tpu.memory_space<hbm>>, %arg4: memref<663552xi32, #tpu.memory_space<hbm>>, %arg5: memref<128xf32, #tpu.memory_space<hbm>>, %arg6: memref<2x10112x128xf32, #tpu.memory_space<hbm>>, %arg7: memref<20224xf32, #tpu.memory_space<hbm>>, %arg8: memref<48xi32, #tpu.memory_space<vmem>>, %arg9: memref<48xi32, #tpu.memory_space<vmem>>, %arg10: memref<48xi32, #tpu.memory_space<vmem>>, %arg11: memref<48xi32, #tpu.memory_space<vmem>>, %arg12: memref<48xi32, #tpu.memory_space<vmem>>, %arg13: memref<48xi32, #tpu.memory_space<vmem>>, %arg14: memref<48x128xf32, #tpu.memory_space<vmem>>, %arg15: memref<48x128xf32, #tpu.memory_space<vmem>>, %arg16: memref<48x128xf32, #tpu.memory_space<vmem>>, %arg17: memref<48x128xf32, #tpu.memory_space<vmem>>, %arg18: memref<48x128xf32, #tpu.memory_space<vmem>>, %arg19: memref<48x128xf32, #tpu.memory_space<vmem>>, %arg20: memref<128xf32, #tpu.memory_space<vmem>>, %arg21: memref<48xf32, #tpu.memory_space<vmem>>, %arg22: memref<48xf32, #tpu.memory_space<vmem>>, %arg23: memref<48xf32, #tpu.memory_space<vmem>>, %arg24: memref<632xf32, #tpu.memory_space<vmem>>, %arg25: memref<10112x128xf32, #tpu.memory_space<vmem_shared>>, %arg26: memref<10112xf32, #tpu.memory_space<vmem_shared>>, %arg27: memref<!tpu.dma_semaphore, #tpu.memory_space<semaphore_mem>>, %arg28: memref<!tpu.dma_semaphore, #tpu.memory_space<semaphore_mem>>, %arg29: memref<!tpu.dma_semaphore, #tpu.memory_space<semaphore_mem>>, %arg30: memref<!tpu.dma_semaphore, #tpu.memory_space<semaphore_mem>>, %arg31: memref<!tpu.dma_semaphore, #tpu.memory_space<semaphore_mem>>, %arg32: memref<!tpu.dma_semaphore, #tpu.memory_space<semaphore_mem>>) attributes {dimension_semantics = [#tpu.dimension_semantics<core_parallel>, #tpu.dimension_semantics<subcore_parallel>], iteration_bounds = array<i64: 2, 16>, scalar_prefetch = 0 : i64, scratch_operands = 25 : i64, tpu.core_type = #tpu.core_type<sc_vector_subcore>, window_params = [{transform_indices = #map}, {transform_indices = #map}, {transform_indices = #map1}, {transform_indices = #map1}, {transform_indices = #map2}, {transform_indices = #map1}]} {
    %mul3A = arith.constant 16 : i32
    %mul3A_0 = arith.muli %arg0, %mul3A : i32
    %add3A = arith.addi %mul3A_0, %arg1 : i32
    %mul3A_1 = arith.constant 632 : i32
    %mul3A_2 = arith.muli %arg1, %mul3A_1 : i32
    %broadcast_in_dim3A = arith.constant 0.000000e+00 : f32
    %broadcast_in_dim3A_3 = vector.broadcast %broadcast_in_dim3A : f32 to vector<16xf32>
    %iota3A = tpu.iota {dimensions = array<i32: 0>} : vector<16xi32>
    %eq3A = arith.constant 0 : i32
    %eq3A_4 = vector.broadcast %eq3A : i32 to vector<16xi32>
    %eq3A_5 = arith.cmpi eq, %iota3A, %eq3A_4 : vector<16xi32>
    %scan3A = arith.constant 0 : i32
    %scan3A_6 = arith.constant 0 : i32
    %scan3A_7 = arith.constant 48 : i32
    %scan3A_8 = arith.addi %scan3A_6, %scan3A_7 : i32
    %scan3A_9 = arith.constant 1 : i32
    %scan3A_10 = scf.for %scan3A_124 = %scan3A_6 to %scan3A_8 step %scan3A_9 iter_args(%scan3A_125 = %scan3A) -> (i32)  : i32 {
      %swap3A_126 = arith.index_cast %scan3A_124 : i32 to index
      %swap3A_127 = arith.constant 0 : index
      %swap3A_128 = tpu.vector_load %arg14[%swap3A_126, %swap3A_127] {strides = array<i32>} : memref<48x128xf32, #tpu.memory_space<vmem>>, vector<16xf32>,
      tpu.vector_store %arg14[%swap3A_126, %swap3A_127], %broadcast_in_dim3A_3 {strides = array<i32>} : memref<48x128xf32, #tpu.memory_space<vmem>>, vector<16xf32>,
      %swap3A_129 = arith.index_cast %scan3A_124 : i32 to index
      %swap3A_130 = arith.constant 16 : index
      %swap3A_131 = tpu.vector_load %arg14[%swap3A_129, %swap3A_130] {strides = array<i32>} : memref<48x128xf32, #tpu.memory_space<vmem>>, vector<16xf32>,
      tpu.vector_store %arg14[%swap3A_129, %swap3A_130], %broadcast_in_dim3A_3 {strides = array<i32>} : memref<48x128xf32, #tpu.memory_space<vmem>>, vector<16xf32>,
      %swap3A_132 = arith.index_cast %scan3A_124 : i32 to index
      %swap3A_133 = arith.constant 32 : index
      %swap3A_134 = tpu.vector_load %arg14[%swap3A_132, %swap3A_133] {strides = array<i32>} : memref<48x128xf32, #tpu.memory_space<vmem>>, vector<16xf32>,
      tpu.vector_store %arg14[%swap3A_132, %swap3A_133], %broadcast_in_dim3A_3 {strides = array<i32>} : memref<48x128xf32, #tpu.memory_space<vmem>>, vector<16xf32>,
      %swap3A_135 = arith.index_cast %scan3A_124 : i32 to index
      %swap3A_136 = arith.constant 48 : index
      %swap3A_137 = tpu.vector_load %arg14[%swap3A_135, %swap3A_136] {strides = array<i32>} : memref<48x128xf32, #tpu.memory_space<vmem>>, vector<16xf32>,
      tpu.vector_store %arg14[%swap3A_135, %swap3A_136], %broadcast_in_dim3A_3 {strides = array<i32>} : memref<48x128xf32, #tpu.memory_space<vmem>>, vector<16xf32>,
      %swap3A_138 = arith.index_cast %scan3A_124 : i32 to index
      %swap3A_139 = arith.constant 64 : index
      %swap3A_140 = tpu.vector_load %arg14[%swap3A_138, %swap3A_139] {strides = array<i32>} : memref<48x128xf32, #tpu.memory_space<vmem>>, vector<16xf32>,
      tpu.vector_store %arg14[%swap3A_138, %swap3A_139], %broadcast_in_dim3A_3 {strides = array<i32>} : memref<48x128xf32, #tpu.memory_space<vmem>>, vector<16xf32>,
      %swap3A_141 = arith.index_cast %scan3A_124 : i32 to index
      %swap3A_142 = arith.constant 80 : index
      %swap3A_143 = tpu.vector_load %arg14[%swap3A_141, %swap3A_142] {strides = array<i32>} : memref<48x128xf32, #tpu.memory_space<vmem>>, vector<16xf32>,
      tpu.vector_store %arg14[%swap3A_141, %swap3A_142], %broadcast_in_dim3A_3 {strides = array<i32>} : memref<48x128xf32, #tpu.memory_space<vmem>>, vector<16xf32>,
      %swap3A_144 = arith.index_cast %scan3A_124 : i32 to index
      %swap3A_145 = arith.constant 96 : index
      %swap3A_146 = tpu.vector_load %arg14[%swap3A_144, %swap3A_145] {strides = array<i32>} : memref<48x128xf32, #tpu.memory_space<vmem>>, vector<16xf32>,
      tpu.vector_store %arg14[%swap3A_144, %swap3A_145], %broadcast_in_dim3A_3 {strides = array<i32>} : memref<48x128xf32, #tpu.memory_space<vmem>>, vector<16xf32>,
      %swap3A_147 = arith.index_cast %scan3A_124 : i32 to index
      %swap3A_148 = arith.constant 112 : index
      %swap3A_149 = tpu.vector_load %arg14[%swap3A_147, %swap3A_148] {strides = array<i32>} : memref<48x128xf32, #tpu.memory_space<vmem>>, vector<16xf32>,
      tpu.vector_store %arg14[%swap3A_147, %swap3A_148], %broadcast_in_dim3A_3 {strides = array<i32>} : memref<48x128xf32, #tpu.memory_space<vmem>>, vector<16xf32>,
      %scan3A_150 = arith.constant 0 : i32
      scf.yield %scan3A_150 : i32
    }
    %scan3A_11 = arith.constant 48 : i32
    %swap3A = arith.constant 0 : index
    %swap3A_12 = tpu.vector_load %arg21[%swap3A] {strides = array<i32>} : memref<48xf32, #tpu.memory_space<vmem>>, vector<16xf32>,
    tpu.vector_store %arg21[%swap3A], %broadcast_in_dim3A_3 {strides = array<i32>} : memref<48xf32, #tpu.memory_space<vmem>>, vector<16xf32>,
    %swap3A_13 = arith.constant 16 : index
    %swap3A_14 = tpu.vector_load %arg21[%swap3A_13] {strides = array<i32>} : memref<48xf32, #tpu.memory_space<vmem>>, vector<16xf32>,
    tpu.vector_store %arg21[%swap3A_13], %broadcast_in_dim3A_3 {strides = array<i32>} : memref<48xf32, #tpu.memory_space<vmem>>, vector<16xf32>,
    %swap3A_15 = arith.constant 32 : index
    %swap3A_16 = tpu.vector_load %arg21[%swap3A_15] {strides = array<i32>} : memref<48xf32, #tpu.memory_space<vmem>>, vector<16xf32>,
    tpu.vector_store %arg21[%swap3A_15], %broadcast_in_dim3A_3 {strides = array<i32>} : memref<48xf32, #tpu.memory_space<vmem>>, vector<16xf32>,
    %add3A_17 = arith.constant 0 : i32
    %add3A_18 = arith.addi %mul3A_2, %add3A_17 : i32
    "tpu.region"() ({
      %run_scoped3A = tpu.sem_alloc : memref<!tpu.dma_semaphore, #tpu.memory_space<semaphore_mem>>
      %dma_start3A_124 = arith.constant 0 : i32
      %dma_start3A_125 = tpu.memref_slice %arg25[%add3A_18, %dma_start3A_124] : memref<10112x128xf32, #tpu.memory_space<vmem_shared>> -> memref<48x128xf32, #tpu.memory_space<vmem_shared>>
      %dma_start3A_126 = arith.constant 0 : i32
      %dma_start3A_127 = tpu.memref_slice %arg25[%add3A_18, %dma_start3A_126] : memref<10112x128xf32, #tpu.memory_space<vmem_shared>> -> memref<48x128xf32, #tpu.memory_space<vmem_shared>>
      tpu.enqueue_dma source(%arg14 : memref<48x128xf32, #tpu.memory_space<vmem>>) target(%dma_start3A_127 : memref<48x128xf32, #tpu.memory_space<vmem_shared>>) target_semaphore(%run_scoped3A : memref<!tpu.dma_semaphore, #tpu.memory_space<semaphore_mem>>)
      %dma_wait3A_128 = arith.constant 0 : i32
      %dma_wait3A_129 = tpu.memref_slice %arg25[%add3A_18, %dma_wait3A_128] : memref<10112x128xf32, #tpu.memory_space<vmem_shared>> -> memref<48x128xf32, #tpu.memory_space<vmem_shared>>
      %dma_wait3A_130 = arith.constant 0 : i32
      %dma_wait3A_131 = tpu.memref_slice %arg25[%add3A_18, %dma_wait3A_130] : memref<10112x128xf32, #tpu.memory_space<vmem_shared>> -> memref<48x128xf32, #tpu.memory_space<vmem_shared>>
      tpu.wait_dma2 semaphore(%run_scoped3A : memref<!tpu.dma_semaphore, #tpu.memory_space<semaphore_mem>>) src(%arg14 : memref<48x128xf32, #tpu.memory_space<vmem>>) dst(%dma_wait3A_131 : memref<48x128xf32, #tpu.memory_space<vmem_shared>>)
      tpu.yield
    }) : () -> ()
    %add3A_19 = arith.constant 48 : i32
    %add3A_20 = arith.addi %mul3A_2, %add3A_19 : i32
    "tpu.region"() ({
      %run_scoped3A = tpu.sem_alloc : memref<!tpu.dma_semaphore, #tpu.memory_space<semaphore_mem>>
      %dma_start3A_124 = arith.constant 0 : i32
      %dma_start3A_125 = tpu.memref_slice %arg25[%add3A_20, %dma_start3A_124] : memref<10112x128xf32, #tpu.memory_space<vmem_shared>> -> memref<48x128xf32, #tpu.memory_space<vmem_shared>>
      %dma_start3A_126 = arith.constant 0 : i32
      %dma_start3A_127 = tpu.memref_slice %arg25[%add3A_20, %dma_start3A_126] : memref<10112x128xf32, #tpu.memory_space<vmem_shared>> -> memref<48x128xf32, #tpu.memory_space<vmem_shared>>
      tpu.enqueue_dma source(%arg14 : memref<48x128xf32, #tpu.memory_space<vmem>>) target(%dma_start3A_127 : memref<48x128xf32, #tpu.memory_space<vmem_shared>>) target_semaphore(%run_scoped3A : memref<!tpu.dma_semaphore, #tpu.memory_space<semaphore_mem>>)
      %dma_wait3A_128 = arith.constant 0 : i32
      %dma_wait3A_129 = tpu.memref_slice %arg25[%add3A_20, %dma_wait3A_128] : memref<10112x128xf32, #tpu.memory_space<vmem_shared>> -> memref<48x128xf32, #tpu.memory_space<vmem_shared>>
      %dma_wait3A_130 = arith.constant 0 : i32
      %dma_wait3A_131 = tpu.memref_slice %arg25[%add3A_20, %dma_wait3A_130] : memref<10112x128xf32, #tpu.memory_space<vmem_shared>> -> memref<48x128xf32, #tpu.memory_space<vmem_shared>>
      tpu.wait_dma2 semaphore(%run_scoped3A : memref<!tpu.dma_semaphore, #tpu.memory_space<semaphore_mem>>) src(%arg14 : memref<48x128xf32, #tpu.memory_space<vmem>>) dst(%dma_wait3A_131 : memref<48x128xf32, #tpu.memory_space<vmem_shared>>)
      tpu.yield
    }) : () -> ()
    %add3A_21 = arith.constant 96 : i32
    %add3A_22 = arith.addi %mul3A_2, %add3A_21 : i32
    "tpu.region"() ({
      %run_scoped3A = tpu.sem_alloc : memref<!tpu.dma_semaphore, #tpu.memory_space<semaphore_mem>>
      %dma_start3A_124 = arith.constant 0 : i32
      %dma_start3A_125 = tpu.memref_slice %arg25[%add3A_22, %dma_start3A_124] : memref<10112x128xf32, #tpu.memory_space<vmem_shared>> -> memref<48x128xf32, #tpu.memory_space<vmem_shared>>
      %dma_start3A_126 = arith.constant 0 : i32
      %dma_start3A_127 = tpu.memref_slice %arg25[%add3A_22, %dma_start3A_126] : memref<10112x128xf32, #tpu.memory_space<vmem_shared>> -> memref<48x128xf32, #tpu.memory_space<vmem_shared>>
      tpu.enqueue_dma source(%arg14 : memref<48x128xf32, #tpu.memory_space<vmem>>) target(%dma_start3A_127 : memref<48x128xf32, #tpu.memory_space<vmem_shared>>) target_semaphore(%run_scoped3A : memref<!tpu.dma_semaphore, #tpu.memory_space<semaphore_mem>>)
      %dma_wait3A_128 = arith.constant 0 : i32
      %dma_wait3A_129 = tpu.memref_slice %arg25[%add3A_22, %dma_wait3A_128] : memref<10112x128xf32, #tpu.memory_space<vmem_shared>> -> memref<48x128xf32, #tpu.memory_space<vmem_shared>>
      %dma_wait3A_130 = arith.constant 0 : i32
      %dma_wait3A_131 = tpu.memref_slice %arg25[%add3A_22, %dma_wait3A_130] : memref<10112x128xf32, #tpu.memory_space<vmem_shared>> -> memref<48x128xf32, #tpu.memory_space<vmem_shared>>
      tpu.wait_dma2 semaphore(%run_scoped3A : memref<!tpu.dma_semaphore, #tpu.memory_space<semaphore_mem>>) src(%arg14 : memref<48x128xf32, #tpu.memory_space<vmem>>) dst(%dma_wait3A_131 : memref<48x128xf32, #tpu.memory_space<vmem_shared>>)
      tpu.yield
    }) : () -> ()
    %add3A_23 = arith.constant 144 : i32
    %add3A_24 = arith.addi %mul3A_2, %add3A_23 : i32
    "tpu.region"() ({
      %run_scoped3A = tpu.sem_alloc : memref<!tpu.dma_semaphore, #tpu.memory_space<semaphore_mem>>
      %dma_start3A_124 = arith.constant 0 : i32
      %dma_start3A_125 = tpu.memref_slice %arg25[%add3A_24, %dma_start3A_124] : memref<10112x128xf32, #tpu.memory_space<vmem_shared>> -> memref<48x128xf32, #tpu.memory_space<vmem_shared>>
      %dma_start3A_126 = arith.constant 0 : i32
      %dma_start3A_127 = tpu.memref_slice %arg25[%add3A_24, %dma_start3A_126] : memref<10112x128xf32, #tpu.memory_space<vmem_shared>> -> memref<48x128xf32, #tpu.memory_space<vmem_shared>>
      tpu.enqueue_dma source(%arg14 : memref<48x128xf32, #tpu.memory_space<vmem>>) target(%dma_start3A_127 : memref<48x128xf32, #tpu.memory_space<vmem_shared>>) target_semaphore(%run_scoped3A : memref<!tpu.dma_semaphore, #tpu.memory_space<semaphore_mem>>)
      %dma_wait3A_128 = arith.constant 0 : i32
      %dma_wait3A_129 = tpu.memref_slice %arg25[%add3A_24, %dma_wait3A_128] : memref<10112x128xf32, #tpu.memory_space<vmem_shared>> -> memref<48x128xf32, #tpu.memory_space<vmem_shared>>
      %dma_wait3A_130 = arith.constant 0 : i32
      %dma_wait3A_131 = tpu.memref_slice %arg25[%add3A_24, %dma_wait3A_130] : memref<10112x128xf32, #tpu.memory_space<vmem_shared>> -> memref<48x128xf32, #tpu.memory_space<vmem_shared>>
      tpu.wait_dma2 semaphore(%run_scoped3A : memref<!tpu.dma_semaphore, #tpu.memory_space<semaphore_mem>>) src(%arg14 : memref<48x128xf32, #tpu.memory_space<vmem>>) dst(%dma_wait3A_131 : memref<48x128xf32, #tpu.memory_space<vmem_shared>>)
      tpu.yield
    }) : () -> ()
    %add3A_25 = arith.constant 192 : i32
    %add3A_26 = arith.addi %mul3A_2, %add3A_25 : i32
    "tpu.region"() ({
      %run_scoped3A = tpu.sem_alloc : memref<!tpu.dma_semaphore, #tpu.memory_space<semaphore_mem>>
      %dma_start3A_124 = arith.constant 0 : i32
      %dma_start3A_125 = tpu.memref_slice %arg25[%add3A_26, %dma_start3A_124] : memref<10112x128xf32, #tpu.memory_space<vmem_shared>> -> memref<48x128xf32, #tpu.memory_space<vmem_shared>>
      %dma_start3A_126 = arith.constant 0 : i32
      %dma_start3A_127 = tpu.memref_slice %arg25[%add3A_26, %dma_start3A_126] : memref<10112x128xf32, #tpu.memory_space<vmem_shared>> -> memref<48x128xf32, #tpu.memory_space<vmem_shared>>
      tpu.enqueue_dma source(%arg14 : memref<48x128xf32, #tpu.memory_space<vmem>>) target(%dma_start3A_127 : memref<48x128xf32, #tpu.memory_space<vmem_shared>>) target_semaphore(%run_scoped3A : memref<!tpu.dma_semaphore, #tpu.memory_space<semaphore_mem>>)
      %dma_wait3A_128 = arith.constant 0 : i32
      %dma_wait3A_129 = tpu.memref_slice %arg25[%add3A_26, %dma_wait3A_128] : memref<10112x128xf32, #tpu.memory_space<vmem_shared>> -> memref<48x128xf32, #tpu.memory_space<vmem_shared>>
      %dma_wait3A_130 = arith.constant 0 : i32
      %dma_wait3A_131 = tpu.memref_slice %arg25[%add3A_26, %dma_wait3A_130] : memref<10112x128xf32, #tpu.memory_space<vmem_shared>> -> memref<48x128xf32, #tpu.memory_space<vmem_shared>>
      tpu.wait_dma2 semaphore(%run_scoped3A : memref<!tpu.dma_semaphore, #tpu.memory_space<semaphore_mem>>) src(%arg14 : memref<48x128xf32, #tpu.memory_space<vmem>>) dst(%dma_wait3A_131 : memref<48x128xf32, #tpu.memory_space<vmem_shared>>)
      tpu.yield
    }) : () -> ()
    %add3A_27 = arith.constant 240 : i32
    %add3A_28 = arith.addi %mul3A_2, %add3A_27 : i32
    "tpu.region"() ({
      %run_scoped3A = tpu.sem_alloc : memref<!tpu.dma_semaphore, #tpu.memory_space<semaphore_mem>>
      %dma_start3A_124 = arith.constant 0 : i32
      %dma_start3A_125 = tpu.memref_slice %arg25[%add3A_28, %dma_start3A_124] : memref<10112x128xf32, #tpu.memory_space<vmem_shared>> -> memref<48x128xf32, #tpu.memory_space<vmem_shared>>
      %dma_start3A_126 = arith.constant 0 : i32
      %dma_start3A_127 = tpu.memref_slice %arg25[%add3A_28, %dma_start3A_126] : memref<10112x128xf32, #tpu.memory_space<vmem_shared>> -> memref<48x128xf32, #tpu.memory_space<vmem_shared>>
      tpu.enqueue_dma source(%arg14 : memref<48x128xf32, #tpu.memory_space<vmem>>) target(%dma_start3A_127 : memref<48x128xf32, #tpu.memory_space<vmem_shared>>) target_semaphore(%run_scoped3A : memref<!tpu.dma_semaphore, #tpu.memory_space<semaphore_mem>>)
      %dma_wait3A_128 = arith.constant 0 : i32
      %dma_wait3A_129 = tpu.memref_slice %arg25[%add3A_28, %dma_wait3A_128] : memref<10112x128xf32, #tpu.memory_space<vmem_shared>> -> memref<48x128xf32, #tpu.memory_space<vmem_shared>>
      %dma_wait3A_130 = arith.constant 0 : i32
      %dma_wait3A_131 = tpu.memref_slice %arg25[%add3A_28, %dma_wait3A_130] : memref<10112x128xf32, #tpu.memory_space<vmem_shared>> -> memref<48x128xf32, #tpu.memory_space<vmem_shared>>
      tpu.wait_dma2 semaphore(%run_scoped3A : memref<!tpu.dma_semaphore, #tpu.memory_space<semaphore_mem>>) src(%arg14 : memref<48x128xf32, #tpu.memory_space<vmem>>) dst(%dma_wait3A_131 : memref<48x128xf32, #tpu.memory_space<vmem_shared>>)
      tpu.yield
    }) : () -> ()
    %add3A_29 = arith.constant 288 : i32
    %add3A_30 = arith.addi %mul3A_2, %add3A_29 : i32
    "tpu.region"() ({
      %run_scoped3A = tpu.sem_alloc : memref<!tpu.dma_semaphore, #tpu.memory_space<semaphore_mem>>
      %dma_start3A_124 = arith.constant 0 : i32
      %dma_start3A_125 = tpu.memref_slice %arg25[%add3A_30, %dma_start3A_124] : memref<10112x128xf32, #tpu.memory_space<vmem_shared>> -> memref<48x128xf32, #tpu.memory_space<vmem_shared>>
      %dma_start3A_126 = arith.constant 0 : i32
      %dma_start3A_127 = tpu.memref_slice %arg25[%add3A_30, %dma_start3A_126] : memref<10112x128xf32, #tpu.memory_space<vmem_shared>> -> memref<48x128xf32, #tpu.memory_space<vmem_shared>>
      tpu.enqueue_dma source(%arg14 : memref<48x128xf32, #tpu.memory_space<vmem>>) target(%dma_start3A_127 : memref<48x128xf32, #tpu.memory_space<vmem_shared>>) target_semaphore(%run_scoped3A : memref<!tpu.dma_semaphore, #tpu.memory_space<semaphore_mem>>)
      %dma_wait3A_128 = arith.constant 0 : i32
      %dma_wait3A_129 = tpu.memref_slice %arg25[%add3A_30, %dma_wait3A_128] : memref<10112x128xf32, #tpu.memory_space<vmem_shared>> -> memref<48x128xf32, #tpu.memory_space<vmem_shared>>
      %dma_wait3A_130 = arith.constant 0 : i32
      %dma_wait3A_131 = tpu.memref_slice %arg25[%add3A_30, %dma_wait3A_130] : memref<10112x128xf32, #tpu.memory_space<vmem_shared>> -> memref<48x128xf32, #tpu.memory_space<vmem_shared>>
      tpu.wait_dma2 semaphore(%run_scoped3A : memref<!tpu.dma_semaphore, #tpu.memory_space<semaphore_mem>>) src(%arg14 : memref<48x128xf32, #tpu.memory_space<vmem>>) dst(%dma_wait3A_131 : memref<48x128xf32, #tpu.memory_space<vmem_shared>>)
      tpu.yield
    }) : () -> ()
    %add3A_31 = arith.constant 336 : i32
    %add3A_32 = arith.addi %mul3A_2, %add3A_31 : i32
    "tpu.region"() ({
      %run_scoped3A = tpu.sem_alloc : memref<!tpu.dma_semaphore, #tpu.memory_space<semaphore_mem>>
      %dma_start3A_124 = arith.constant 0 : i32
      %dma_start3A_125 = tpu.memref_slice %arg25[%add3A_32, %dma_start3A_124] : memref<10112x128xf32, #tpu.memory_space<vmem_shared>> -> memref<48x128xf32, #tpu.memory_space<vmem_shared>>
      %dma_start3A_126 = arith.constant 0 : i32
      %dma_start3A_127 = tpu.memref_slice %arg25[%add3A_32, %dma_start3A_126] : memref<10112x128xf32, #tpu.memory_space<vmem_shared>> -> memref<48x128xf32, #tpu.memory_space<vmem_shared>>
      tpu.enqueue_dma source(%arg14 : memref<48x128xf32, #tpu.memory_space<vmem>>) target(%dma_start3A_127 : memref<48x128xf32, #tpu.memory_space<vmem_shared>>) target_semaphore(%run_scoped3A : memref<!tpu.dma_semaphore, #tpu.memory_space<semaphore_mem>>)
      %dma_wait3A_128 = arith.constant 0 : i32
      %dma_wait3A_129 = tpu.memref_slice %arg25[%add3A_32, %dma_wait3A_128] : memref<10112x128xf32, #tpu.memory_space<vmem_shared>> -> memref<48x128xf32, #tpu.memory_space<vmem_shared>>
      %dma_wait3A_130 = arith.constant 0 : i32
      %dma_wait3A_131 = tpu.memref_slice %arg25[%add3A_32, %dma_wait3A_130] : memref<10112x128xf32, #tpu.memory_space<vmem_shared>> -> memref<48x128xf32, #tpu.memory_space<vmem_shared>>
      tpu.wait_dma2 semaphore(%run_scoped3A : memref<!tpu.dma_semaphore, #tpu.memory_space<semaphore_mem>>) src(%arg14 : memref<48x128xf32, #tpu.memory_space<vmem>>) dst(%dma_wait3A_131 : memref<48x128xf32, #tpu.memory_space<vmem_shared>>)
      tpu.yield
    }) : () -> ()
    %add3A_33 = arith.constant 384 : i32
    %add3A_34 = arith.addi %mul3A_2, %add3A_33 : i32
    "tpu.region"() ({
      %run_scoped3A = tpu.sem_alloc : memref<!tpu.dma_semaphore, #tpu.memory_space<semaphore_mem>>
      %dma_start3A_124 = arith.constant 0 : i32
      %dma_start3A_125 = tpu.memref_slice %arg25[%add3A_34, %dma_start3A_124] : memref<10112x128xf32, #tpu.memory_space<vmem_shared>> -> memref<48x128xf32, #tpu.memory_space<vmem_shared>>
      %dma_start3A_126 = arith.constant 0 : i32
      %dma_start3A_127 = tpu.memref_slice %arg25[%add3A_34, %dma_start3A_126] : memref<10112x128xf32, #tpu.memory_space<vmem_shared>> -> memref<48x128xf32, #tpu.memory_space<vmem_shared>>
      tpu.enqueue_dma source(%arg14 : memref<48x128xf32, #tpu.memory_space<vmem>>) target(%dma_start3A_127 : memref<48x128xf32, #tpu.memory_space<vmem_shared>>) target_semaphore(%run_scoped3A : memref<!tpu.dma_semaphore, #tpu.memory_space<semaphore_mem>>)
      %dma_wait3A_128 = arith.constant 0 : i32
      %dma_wait3A_129 = tpu.memref_slice %arg25[%add3A_34, %dma_wait3A_128] : memref<10112x128xf32, #tpu.memory_space<vmem_shared>> -> memref<48x128xf32, #tpu.memory_space<vmem_shared>>
      %dma_wait3A_130 = arith.constant 0 : i32
      %dma_wait3A_131 = tpu.memref_slice %arg25[%add3A_34, %dma_wait3A_130] : memref<10112x128xf32, #tpu.memory_space<vmem_shared>> -> memref<48x128xf32, #tpu.memory_space<vmem_shared>>
      tpu.wait_dma2 semaphore(%run_scoped3A : memref<!tpu.dma_semaphore, #tpu.memory_space<semaphore_mem>>) src(%arg14 : memref<48x128xf32, #tpu.memory_space<vmem>>) dst(%dma_wait3A_131 : memref<48x128xf32, #tpu.memory_space<vmem_shared>>)
      tpu.yield
    }) : () -> ()
    %add3A_35 = arith.constant 432 : i32
    %add3A_36 = arith.addi %mul3A_2, %add3A_35 : i32
    "tpu.region"() ({
      %run_scoped3A = tpu.sem_alloc : memref<!tpu.dma_semaphore, #tpu.memory_space<semaphore_mem>>
      %dma_start3A_124 = arith.constant 0 : i32
      %dma_start3A_125 = tpu.memref_slice %arg25[%add3A_36, %dma_start3A_124] : memref<10112x128xf32, #tpu.memory_space<vmem_shared>> -> memref<48x128xf32, #tpu.memory_space<vmem_shared>>
      %dma_start3A_126 = arith.constant 0 : i32
      %dma_start3A_127 = tpu.memref_slice %arg25[%add3A_36, %dma_start3A_126] : memref<10112x128xf32, #tpu.memory_space<vmem_shared>> -> memref<48x128xf32, #tpu.memory_space<vmem_shared>>
      tpu.enqueue_dma source(%arg14 : memref<48x128xf32, #tpu.memory_space<vmem>>) target(%dma_start3A_127 : memref<48x128xf32, #tpu.memory_space<vmem_shared>>) target_semaphore(%run_scoped3A : memref<!tpu.dma_semaphore, #tpu.memory_space<semaphore_mem>>)
      %dma_wait3A_128 = arith.constant 0 : i32
      %dma_wait3A_129 = tpu.memref_slice %arg25[%add3A_36, %dma_wait3A_128] : memref<10112x128xf32, #tpu.memory_space<vmem_shared>> -> memref<48x128xf32, #tpu.memory_space<vmem_shared>>
      %dma_wait3A_130 = arith.constant 0 : i32
      %dma_wait3A_131 = tpu.memref_slice %arg25[%add3A_36, %dma_wait3A_130] : memref<10112x128xf32, #tpu.memory_space<vmem_shared>> -> memref<48x128xf32, #tpu.memory_space<vmem_shared>>
      tpu.wait_dma2 semaphore(%run_scoped3A : memref<!tpu.dma_semaphore, #tpu.memory_space<semaphore_mem>>) src(%arg14 : memref<48x128xf32, #tpu.memory_space<vmem>>) dst(%dma_wait3A_131 : memref<48x128xf32, #tpu.memory_space<vmem_shared>>)
      tpu.yield
    }) : () -> ()
    %add3A_37 = arith.constant 480 : i32
    %add3A_38 = arith.addi %mul3A_2, %add3A_37 : i32
    "tpu.region"() ({
      %run_scoped3A = tpu.sem_alloc : memref<!tpu.dma_semaphore, #tpu.memory_space<semaphore_mem>>
      %dma_start3A_124 = arith.constant 0 : i32
      %dma_start3A_125 = tpu.memref_slice %arg25[%add3A_38, %dma_start3A_124] : memref<10112x128xf32, #tpu.memory_space<vmem_shared>> -> memref<48x128xf32, #tpu.memory_space<vmem_shared>>
      %dma_start3A_126 = arith.constant 0 : i32
      %dma_start3A_127 = tpu.memref_slice %arg25[%add3A_38, %dma_start3A_126] : memref<10112x128xf32, #tpu.memory_space<vmem_shared>> -> memref<48x128xf32, #tpu.memory_space<vmem_shared>>
      tpu.enqueue_dma source(%arg14 : memref<48x128xf32, #tpu.memory_space<vmem>>) target(%dma_start3A_127 : memref<48x128xf32, #tpu.memory_space<vmem_shared>>) target_semaphore(%run_scoped3A : memref<!tpu.dma_semaphore, #tpu.memory_space<semaphore_mem>>)
      %dma_wait3A_128 = arith.constant 0 : i32
      %dma_wait3A_129 = tpu.memref_slice %arg25[%add3A_38, %dma_wait3A_128] : memref<10112x128xf32, #tpu.memory_space<vmem_shared>> -> memref<48x128xf32, #tpu.memory_space<vmem_shared>>
      %dma_wait3A_130 = arith.constant 0 : i32
      %dma_wait3A_131 = tpu.memref_slice %arg25[%add3A_38, %dma_wait3A_130] : memref<10112x128xf32, #tpu.memory_space<vmem_shared>> -> memref<48x128xf32, #tpu.memory_space<vmem_shared>>
      tpu.wait_dma2 semaphore(%run_scoped3A : memref<!tpu.dma_semaphore, #tpu.memory_space<semaphore_mem>>) src(%arg14 : memref<48x128xf32, #tpu.memory_space<vmem>>) dst(%dma_wait3A_131 : memref<48x128xf32, #tpu.memory_space<vmem_shared>>)
      tpu.yield
    }) : () -> ()
    %add3A_39 = arith.constant 528 : i32
    %add3A_40 = arith.addi %mul3A_2, %add3A_39 : i32
    "tpu.region"() ({
      %run_scoped3A = tpu.sem_alloc : memref<!tpu.dma_semaphore, #tpu.memory_space<semaphore_mem>>
      %dma_start3A_124 = arith.constant 0 : i32
      %dma_start3A_125 = tpu.memref_slice %arg25[%add3A_40, %dma_start3A_124] : memref<10112x128xf32, #tpu.memory_space<vmem_shared>> -> memref<48x128xf32, #tpu.memory_space<vmem_shared>>
      %dma_start3A_126 = arith.constant 0 : i32
      %dma_start3A_127 = tpu.memref_slice %arg25[%add3A_40, %dma_start3A_126] : memref<10112x128xf32, #tpu.memory_space<vmem_shared>> -> memref<48x128xf32, #tpu.memory_space<vmem_shared>>
      tpu.enqueue_dma source(%arg14 : memref<48x128xf32, #tpu.memory_space<vmem>>) target(%dma_start3A_127 : memref<48x128xf32, #tpu.memory_space<vmem_shared>>) target_semaphore(%run_scoped3A : memref<!tpu.dma_semaphore, #tpu.memory_space<semaphore_mem>>)
      %dma_wait3A_128 = arith.constant 0 : i32
      %dma_wait3A_129 = tpu.memref_slice %arg25[%add3A_40, %dma_wait3A_128] : memref<10112x128xf32, #tpu.memory_space<vmem_shared>> -> memref<48x128xf32, #tpu.memory_space<vmem_shared>>
      %dma_wait3A_130 = arith.constant 0 : i32
      %dma_wait3A_131 = tpu.memref_slice %arg25[%add3A_40, %dma_wait3A_130] : memref<10112x128xf32, #tpu.memory_space<vmem_shared>> -> memref<48x128xf32, #tpu.memory_space<vmem_shared>>
      tpu.wait_dma2 semaphore(%run_scoped3A : memref<!tpu.dma_semaphore, #tpu.memory_space<semaphore_mem>>) src(%arg14 : memref<48x128xf32, #tpu.memory_space<vmem>>) dst(%dma_wait3A_131 : memref<48x128xf32, #tpu.memory_space<vmem_shared>>)
      tpu.yield
    }) : () -> ()
    %add3A_41 = arith.constant 576 : i32
    %add3A_42 = arith.addi %mul3A_2, %add3A_41 : i32
    "tpu.region"() ({
      %run_scoped3A = tpu.sem_alloc : memref<!tpu.dma_semaphore, #tpu.memory_space<semaphore_mem>>
      %dma_start3A_124 = arith.constant 0 : i32
      %dma_start3A_125 = tpu.memref_slice %arg25[%add3A_42, %dma_start3A_124] : memref<10112x128xf32, #tpu.memory_space<vmem_shared>> -> memref<48x128xf32, #tpu.memory_space<vmem_shared>>
      %dma_start3A_126 = arith.constant 0 : i32
      %dma_start3A_127 = tpu.memref_slice %arg25[%add3A_42, %dma_start3A_126] : memref<10112x128xf32, #tpu.memory_space<vmem_shared>> -> memref<48x128xf32, #tpu.memory_space<vmem_shared>>
      tpu.enqueue_dma source(%arg14 : memref<48x128xf32, #tpu.memory_space<vmem>>) target(%dma_start3A_127 : memref<48x128xf32, #tpu.memory_space<vmem_shared>>) target_semaphore(%run_scoped3A : memref<!tpu.dma_semaphore, #tpu.memory_space<semaphore_mem>>)
      %dma_wait3A_128 = arith.constant 0 : i32
      %dma_wait3A_129 = tpu.memref_slice %arg25[%add3A_42, %dma_wait3A_128] : memref<10112x128xf32, #tpu.memory_space<vmem_shared>> -> memref<48x128xf32, #tpu.memory_space<vmem_shared>>
      %dma_wait3A_130 = arith.constant 0 : i32
      %dma_wait3A_131 = tpu.memref_slice %arg25[%add3A_42, %dma_wait3A_130] : memref<10112x128xf32, #tpu.memory_space<vmem_shared>> -> memref<48x128xf32, #tpu.memory_space<vmem_shared>>
      tpu.wait_dma2 semaphore(%run_scoped3A : memref<!tpu.dma_semaphore, #tpu.memory_space<semaphore_mem>>) src(%arg14 : memref<48x128xf32, #tpu.memory_space<vmem>>) dst(%dma_wait3A_131 : memref<48x128xf32, #tpu.memory_space<vmem_shared>>)
      tpu.yield
    }) : () -> ()
    %add3A_43 = arith.constant 624 : i32
    %add3A_44 = arith.addi %mul3A_2, %add3A_43 : i32
    "tpu.region"() ({
      %run_scoped3A = tpu.sem_alloc : memref<!tpu.dma_semaphore, #tpu.memory_space<semaphore_mem>>
      %dma_start3A_124 = arith.constant 0 : i32
      %dma_start3A_125 = arith.constant 0 : i32
      %dma_start3A_126 = tpu.memref_slice %arg14[%dma_start3A_124, %dma_start3A_125] : memref<48x128xf32, #tpu.memory_space<vmem>> -> memref<8x128xf32, #tpu.memory_space<vmem>>
      %dma_start3A_127 = arith.constant 0 : i32
      %dma_start3A_128 = tpu.memref_slice %arg25[%add3A_44, %dma_start3A_127] : memref<10112x128xf32, #tpu.memory_space<vmem_shared>> -> memref<8x128xf32, #tpu.memory_space<vmem_shared>>
      %dma_start3A_129 = arith.constant 0 : i32
      %dma_start3A_130 = tpu.memref_slice %arg25[%add3A_44, %dma_start3A_129] : memref<10112x128xf32, #tpu.memory_space<vmem_shared>> -> memref<8x128xf32, #tpu.memory_space<vmem_shared>>
      %dma_start3A_131 = arith.constant 0 : i32
      %dma_start3A_132 = arith.constant 0 : i32
      %dma_start3A_133 = tpu.memref_slice %arg14[%dma_start3A_131, %dma_start3A_132] : memref<48x128xf32, #tpu.memory_space<vmem>> -> memref<8x128xf32, #tpu.memory_space<vmem>>
      tpu.enqueue_dma source(%dma_start3A_133 : memref<8x128xf32, #tpu.memory_space<vmem>>) target(%dma_start3A_130 : memref<8x128xf32, #tpu.memory_space<vmem_shared>>) target_semaphore(%run_scoped3A : memref<!tpu.dma_semaphore, #tpu.memory_space<semaphore_mem>>)
      %dma_wait3A_134 = arith.constant 0 : i32
      %dma_wait3A_135 = arith.constant 0 : i32
      %dma_wait3A_136 = tpu.memref_slice %arg14[%dma_wait3A_134, %dma_wait3A_135] : memref<48x128xf32, #tpu.memory_space<vmem>> -> memref<8x128xf32, #tpu.memory_space<vmem>>
      %dma_wait3A_137 = arith.constant 0 : i32
      %dma_wait3A_138 = tpu.memref_slice %arg25[%add3A_44, %dma_wait3A_137] : memref<10112x128xf32, #tpu.memory_space<vmem_shared>> -> memref<8x128xf32, #tpu.memory_space<vmem_shared>>
      %dma_wait3A_139 = arith.constant 0 : i32
      %dma_wait3A_140 = tpu.memref_slice %arg25[%add3A_44, %dma_wait3A_139] : memref<10112x128xf32, #tpu.memory_space<vmem_shared>> -> memref<8x128xf32, #tpu.memory_space<vmem_shared>>
      %dma_wait3A_141 = arith.constant 0 : i32
      %dma_wait3A_142 = arith.constant 0 : i32
      %dma_wait3A_143 = tpu.memref_slice %arg14[%dma_wait3A_141, %dma_wait3A_142] : memref<48x128xf32, #tpu.memory_space<vmem>> -> memref<8x128xf32, #tpu.memory_space<vmem>>
      tpu.wait_dma2 semaphore(%run_scoped3A : memref<!tpu.dma_semaphore, #tpu.memory_space<semaphore_mem>>) src(%dma_wait3A_143 : memref<8x128xf32, #tpu.memory_space<vmem>>) dst(%dma_wait3A_140 : memref<8x128xf32, #tpu.memory_space<vmem_shared>>)
      tpu.yield
    }) : () -> ()
    %add3A_45 = arith.constant 0 : i32
    %add3A_46 = arith.addi %mul3A_2, %add3A_45 : i32
    "tpu.region"() ({
      %run_scoped3A = tpu.sem_alloc : memref<!tpu.dma_semaphore, #tpu.memory_space<semaphore_mem>>
      %dma_start3A_124 = tpu.memref_slice %arg26[%add3A_46] : memref<10112xf32, #tpu.memory_space<vmem_shared>> -> memref<48xf32, #tpu.memory_space<vmem_shared>>
      %dma_start3A_125 = tpu.memref_slice %arg26[%add3A_46] : memref<10112xf32, #tpu.memory_space<vmem_shared>> -> memref<48xf32, #tpu.memory_space<vmem_shared>>
      tpu.enqueue_dma source(%arg21 : memref<48xf32, #tpu.memory_space<vmem>>) target(%dma_start3A_125 : memref<48xf32, #tpu.memory_space<vmem_shared>>) target_semaphore(%run_scoped3A : memref<!tpu.dma_semaphore, #tpu.memory_space<semaphore_mem>>)
      %dma_wait3A_126 = tpu.memref_slice %arg26[%add3A_46] : memref<10112xf32, #tpu.memory_space<vmem_shared>> -> memref<48xf32, #tpu.memory_space<vmem_shared>>
      %dma_wait3A_127 = tpu.memref_slice %arg26[%add3A_46] : memref<10112xf32, #tpu.memory_space<vmem_shared>> -> memref<48xf32, #tpu.memory_space<vmem_shared>>
      tpu.wait_dma2 semaphore(%run_scoped3A : memref<!tpu.dma_semaphore, #tpu.memory_space<semaphore_mem>>) src(%arg21 : memref<48xf32, #tpu.memory_space<vmem>>) dst(%dma_wait3A_127 : memref<48xf32, #tpu.memory_space<vmem_shared>>)
      tpu.yield
    }) : () -> ()
    %add3A_47 = arith.constant 48 : i32
    %add3A_48 = arith.addi %mul3A_2, %add3A_47 : i32
    "tpu.region"() ({
      %run_scoped3A = tpu.sem_alloc : memref<!tpu.dma_semaphore, #tpu.memory_space<semaphore_mem>>
      %dma_start3A_124 = tpu.memref_slice %arg26[%add3A_48] : memref<10112xf32, #tpu.memory_space<vmem_shared>> -> memref<48xf32, #tpu.memory_space<vmem_shared>>
      %dma_start3A_125 = tpu.memref_slice %arg26[%add3A_48] : memref<10112xf32, #tpu.memory_space<vmem_shared>> -> memref<48xf32, #tpu.memory_space<vmem_shared>>
      tpu.enqueue_dma source(%arg21 : memref<48xf32, #tpu.memory_space<vmem>>) target(%dma_start3A_125 : memref<48xf32, #tpu.memory_space<vmem_shared>>) target_semaphore(%run_scoped3A : memref<!tpu.dma_semaphore, #tpu.memory_space<semaphore_mem>>)
      %dma_wait3A_126 = tpu.memref_slice %arg26[%add3A_48] : memref<10112xf32, #tpu.memory_space<vmem_shared>> -> memref<48xf32, #tpu.memory_space<vmem_shared>>
      %dma_wait3A_127 = tpu.memref_slice %arg26[%add3A_48] : memref<10112xf32, #tpu.memory_space<vmem_shared>> -> memref<48xf32, #tpu.memory_space<vmem_shared>>
      tpu.wait_dma2 semaphore(%run_scoped3A : memref<!tpu.dma_semaphore, #tpu.memory_space<semaphore_mem>>) src(%arg21 : memref<48xf32, #tpu.memory_space<vmem>>) dst(%dma_wait3A_127 : memref<48xf32, #tpu.memory_space<vmem_shared>>)
      tpu.yield
    }) : () -> ()
    %add3A_49 = arith.constant 96 : i32
    %add3A_50 = arith.addi %mul3A_2, %add3A_49 : i32
    "tpu.region"() ({
      %run_scoped3A = tpu.sem_alloc : memref<!tpu.dma_semaphore, #tpu.memory_space<semaphore_mem>>
      %dma_start3A_124 = tpu.memref_slice %arg26[%add3A_50] : memref<10112xf32, #tpu.memory_space<vmem_shared>> -> memref<48xf32, #tpu.memory_space<vmem_shared>>
      %dma_start3A_125 = tpu.memref_slice %arg26[%add3A_50] : memref<10112xf32, #tpu.memory_space<vmem_shared>> -> memref<48xf32, #tpu.memory_space<vmem_shared>>
      tpu.enqueue_dma source(%arg21 : memref<48xf32, #tpu.memory_space<vmem>>) target(%dma_start3A_125 : memref<48xf32, #tpu.memory_space<vmem_shared>>) target_semaphore(%run_scoped3A : memref<!tpu.dma_semaphore, #tpu.memory_space<semaphore_mem>>)
      %dma_wait3A_126 = tpu.memref_slice %arg26[%add3A_50] : memref<10112xf32, #tpu.memory_space<vmem_shared>> -> memref<48xf32, #tpu.memory_space<vmem_shared>>
      %dma_wait3A_127 = tpu.memref_slice %arg26[%add3A_50] : memref<10112xf32, #tpu.memory_space<vmem_shared>> -> memref<48xf32, #tpu.memory_space<vmem_shared>>
      tpu.wait_dma2 semaphore(%run_scoped3A : memref<!tpu.dma_semaphore, #tpu.memory_space<semaphore_mem>>) src(%arg21 : memref<48xf32, #tpu.memory_space<vmem>>) dst(%dma_wait3A_127 : memref<48xf32, #tpu.memory_space<vmem_shared>>)
      tpu.yield
    }) : () -> ()
    %add3A_51 = arith.constant 144 : i32
    %add3A_52 = arith.addi %mul3A_2, %add3A_51 : i32
    "tpu.region"() ({
      %run_scoped3A = tpu.sem_alloc : memref<!tpu.dma_semaphore, #tpu.memory_space<semaphore_mem>>
      %dma_start3A_124 = tpu.memref_slice %arg26[%add3A_52] : memref<10112xf32, #tpu.memory_space<vmem_shared>> -> memref<48xf32, #tpu.memory_space<vmem_shared>>
      %dma_start3A_125 = tpu.memref_slice %arg26[%add3A_52] : memref<10112xf32, #tpu.memory_space<vmem_shared>> -> memref<48xf32, #tpu.memory_space<vmem_shared>>
      tpu.enqueue_dma source(%arg21 : memref<48xf32, #tpu.memory_space<vmem>>) target(%dma_start3A_125 : memref<48xf32, #tpu.memory_space<vmem_shared>>) target_semaphore(%run_scoped3A : memref<!tpu.dma_semaphore, #tpu.memory_space<semaphore_mem>>)
      %dma_wait3A_126 = tpu.memref_slice %arg26[%add3A_52] : memref<10112xf32, #tpu.memory_space<vmem_shared>> -> memref<48xf32, #tpu.memory_space<vmem_shared>>
      %dma_wait3A_127 = tpu.memref_slice %arg26[%add3A_52] : memref<10112xf32, #tpu.memory_space<vmem_shared>> -> memref<48xf32, #tpu.memory_space<vmem_shared>>
      tpu.wait_dma2 semaphore(%run_scoped3A : memref<!tpu.dma_semaphore, #tpu.memory_space<semaphore_mem>>) src(%arg21 : memref<48xf32, #tpu.memory_space<vmem>>) dst(%dma_wait3A_127 : memref<48xf32, #tpu.memory_space<vmem_shared>>)
      tpu.yield
    }) : () -> ()
    %add3A_53 = arith.constant 192 : i32
    %add3A_54 = arith.addi %mul3A_2, %add3A_53 : i32
    "tpu.region"() ({
      %run_scoped3A = tpu.sem_alloc : memref<!tpu.dma_semaphore, #tpu.memory_space<semaphore_mem>>
      %dma_start3A_124 = tpu.memref_slice %arg26[%add3A_54] : memref<10112xf32, #tpu.memory_space<vmem_shared>> -> memref<48xf32, #tpu.memory_space<vmem_shared>>
      %dma_start3A_125 = tpu.memref_slice %arg26[%add3A_54] : memref<10112xf32, #tpu.memory_space<vmem_shared>> -> memref<48xf32, #tpu.memory_space<vmem_shared>>
      tpu.enqueue_dma source(%arg21 : memref<48xf32, #tpu.memory_space<vmem>>) target(%dma_start3A_125 : memref<48xf32, #tpu.memory_space<vmem_shared>>) target_semaphore(%run_scoped3A : memref<!tpu.dma_semaphore, #tpu.memory_space<semaphore_mem>>)
      %dma_wait3A_126 = tpu.memref_slice %arg26[%add3A_54] : memref<10112xf32, #tpu.memory_space<vmem_shared>> -> memref<48xf32, #tpu.memory_space<vmem_shared>>
      %dma_wait3A_127 = tpu.memref_slice %arg26[%add3A_54] : memref<10112xf32, #tpu.memory_space<vmem_shared>> -> memref<48xf32, #tpu.memory_space<vmem_shared>>
      tpu.wait_dma2 semaphore(%run_scoped3A : memref<!tpu.dma_semaphore, #tpu.memory_space<semaphore_mem>>) src(%arg21 : memref<48xf32, #tpu.memory_space<vmem>>) dst(%dma_wait3A_127 : memref<48xf32, #tpu.memory_space<vmem_shared>>)
      tpu.yield
    }) : () -> ()
    %add3A_55 = arith.constant 240 : i32
    %add3A_56 = arith.addi %mul3A_2, %add3A_55 : i32
    "tpu.region"() ({
      %run_scoped3A = tpu.sem_alloc : memref<!tpu.dma_semaphore, #tpu.memory_space<semaphore_mem>>
      %dma_start3A_124 = tpu.memref_slice %arg26[%add3A_56] : memref<10112xf32, #tpu.memory_space<vmem_shared>> -> memref<48xf32, #tpu.memory_space<vmem_shared>>
      %dma_start3A_125 = tpu.memref_slice %arg26[%add3A_56] : memref<10112xf32, #tpu.memory_space<vmem_shared>> -> memref<48xf32, #tpu.memory_space<vmem_shared>>
      tpu.enqueue_dma source(%arg21 : memref<48xf32, #tpu.memory_space<vmem>>) target(%dma_start3A_125 : memref<48xf32, #tpu.memory_space<vmem_shared>>) target_semaphore(%run_scoped3A : memref<!tpu.dma_semaphore, #tpu.memory_space<semaphore_mem>>)
      %dma_wait3A_126 = tpu.memref_slice %arg26[%add3A_56] : memref<10112xf32, #tpu.memory_space<vmem_shared>> -> memref<48xf32, #tpu.memory_space<vmem_shared>>
      %dma_wait3A_127 = tpu.memref_slice %arg26[%add3A_56] : memref<10112xf32, #tpu.memory_space<vmem_shared>> -> memref<48xf32, #tpu.memory_space<vmem_shared>>
      tpu.wait_dma2 semaphore(%run_scoped3A : memref<!tpu.dma_semaphore, #tpu.memory_space<semaphore_mem>>) src(%arg21 : memref<48xf32, #tpu.memory_space<vmem>>) dst(%dma_wait3A_127 : memref<48xf32, #tpu.memory_space<vmem_shared>>)
      tpu.yield
    }) : () -> ()
    %add3A_57 = arith.constant 288 : i32
    %add3A_58 = arith.addi %mul3A_2, %add3A_57 : i32
    "tpu.region"() ({
      %run_scoped3A = tpu.sem_alloc : memref<!tpu.dma_semaphore, #tpu.memory_space<semaphore_mem>>
      %dma_start3A_124 = tpu.memref_slice %arg26[%add3A_58] : memref<10112xf32, #tpu.memory_space<vmem_shared>> -> memref<48xf32, #tpu.memory_space<vmem_shared>>
      %dma_start3A_125 = tpu.memref_slice %arg26[%add3A_58] : memref<10112xf32, #tpu.memory_space<vmem_shared>> -> memref<48xf32, #tpu.memory_space<vmem_shared>>
      tpu.enqueue_dma source(%arg21 : memref<48xf32, #tpu.memory_space<vmem>>) target(%dma_start3A_125 : memref<48xf32, #tpu.memory_space<vmem_shared>>) target_semaphore(%run_scoped3A : memref<!tpu.dma_semaphore, #tpu.memory_space<semaphore_mem>>)
      %dma_wait3A_126 = tpu.memref_slice %arg26[%add3A_58] : memref<10112xf32, #tpu.memory_space<vmem_shared>> -> memref<48xf32, #tpu.memory_space<vmem_shared>>
      %dma_wait3A_127 = tpu.memref_slice %arg26[%add3A_58] : memref<10112xf32, #tpu.memory_space<vmem_shared>> -> memref<48xf32, #tpu.memory_space<vmem_shared>>
      tpu.wait_dma2 semaphore(%run_scoped3A : memref<!tpu.dma_semaphore, #tpu.memory_space<semaphore_mem>>) src(%arg21 : memref<48xf32, #tpu.memory_space<vmem>>) dst(%dma_wait3A_127 : memref<48xf32, #tpu.memory_space<vmem_shared>>)
      tpu.yield
    }) : () -> ()
    %add3A_59 = arith.constant 336 : i32
    %add3A_60 = arith.addi %mul3A_2, %add3A_59 : i32
    "tpu.region"() ({
      %run_scoped3A = tpu.sem_alloc : memref<!tpu.dma_semaphore, #tpu.memory_space<semaphore_mem>>
      %dma_start3A_124 = tpu.memref_slice %arg26[%add3A_60] : memref<10112xf32, #tpu.memory_space<vmem_shared>> -> memref<48xf32, #tpu.memory_space<vmem_shared>>
      %dma_start3A_125 = tpu.memref_slice %arg26[%add3A_60] : memref<10112xf32, #tpu.memory_space<vmem_shared>> -> memref<48xf32, #tpu.memory_space<vmem_shared>>
      tpu.enqueue_dma source(%arg21 : memref<48xf32, #tpu.memory_space<vmem>>) target(%dma_start3A_125 : memref<48xf32, #tpu.memory_space<vmem_shared>>) target_semaphore(%run_scoped3A : memref<!tpu.dma_semaphore, #tpu.memory_space<semaphore_mem>>)
      %dma_wait3A_126 = tpu.memref_slice %arg26[%add3A_60] : memref<10112xf32, #tpu.memory_space<vmem_shared>> -> memref<48xf32, #tpu.memory_space<vmem_shared>>
      %dma_wait3A_127 = tpu.memref_slice %arg26[%add3A_60] : memref<10112xf32, #tpu.memory_space<vmem_shared>> -> memref<48xf32, #tpu.memory_space<vmem_shared>>
      tpu.wait_dma2 semaphore(%run_scoped3A : memref<!tpu.dma_semaphore, #tpu.memory_space<semaphore_mem>>) src(%arg21 : memref<48xf32, #tpu.memory_space<vmem>>) dst(%dma_wait3A_127 : memref<48xf32, #tpu.memory_space<vmem_shared>>)
      tpu.yield
    }) : () -> ()
    %add3A_61 = arith.constant 384 : i32
    %add3A_62 = arith.addi %mul3A_2, %add3A_61 : i32
    "tpu.region"() ({
      %run_scoped3A = tpu.sem_alloc : memref<!tpu.dma_semaphore, #tpu.memory_space<semaphore_mem>>
      %dma_start3A_124 = tpu.memref_slice %arg26[%add3A_62] : memref<10112xf32, #tpu.memory_space<vmem_shared>> -> memref<48xf32, #tpu.memory_space<vmem_shared>>
      %dma_start3A_125 = tpu.memref_slice %arg26[%add3A_62] : memref<10112xf32, #tpu.memory_space<vmem_shared>> -> memref<48xf32, #tpu.memory_space<vmem_shared>>
      tpu.enqueue_dma source(%arg21 : memref<48xf32, #tpu.memory_space<vmem>>) target(%dma_start3A_125 : memref<48xf32, #tpu.memory_space<vmem_shared>>) target_semaphore(%run_scoped3A : memref<!tpu.dma_semaphore, #tpu.memory_space<semaphore_mem>>)
      %dma_wait3A_126 = tpu.memref_slice %arg26[%add3A_62] : memref<10112xf32, #tpu.memory_space<vmem_shared>> -> memref<48xf32, #tpu.memory_space<vmem_shared>>
      %dma_wait3A_127 = tpu.memref_slice %arg26[%add3A_62] : memref<10112xf32, #tpu.memory_space<vmem_shared>> -> memref<48xf32, #tpu.memory_space<vmem_shared>>
      tpu.wait_dma2 semaphore(%run_scoped3A : memref<!tpu.dma_semaphore, #tpu.memory_space<semaphore_mem>>) src(%arg21 : memref<48xf32, #tpu.memory_space<vmem>>) dst(%dma_wait3A_127 : memref<48xf32, #tpu.memory_space<vmem_shared>>)
      tpu.yield
    }) : () -> ()
    %add3A_63 = arith.constant 432 : i32
    %add3A_64 = arith.addi %mul3A_2, %add3A_63 : i32
    "tpu.region"() ({
      %run_scoped3A = tpu.sem_alloc : memref<!tpu.dma_semaphore, #tpu.memory_space<semaphore_mem>>
      %dma_start3A_124 = tpu.memref_slice %arg26[%add3A_64] : memref<10112xf32, #tpu.memory_space<vmem_shared>> -> memref<48xf32, #tpu.memory_space<vmem_shared>>
      %dma_start3A_125 = tpu.memref_slice %arg26[%add3A_64] : memref<10112xf32, #tpu.memory_space<vmem_shared>> -> memref<48xf32, #tpu.memory_space<vmem_shared>>
      tpu.enqueue_dma source(%arg21 : memref<48xf32, #tpu.memory_space<vmem>>) target(%dma_start3A_125 : memref<48xf32, #tpu.memory_space<vmem_shared>>) target_semaphore(%run_scoped3A : memref<!tpu.dma_semaphore, #tpu.memory_space<semaphore_mem>>)
      %dma_wait3A_126 = tpu.memref_slice %arg26[%add3A_64] : memref<10112xf32, #tpu.memory_space<vmem_shared>> -> memref<48xf32, #tpu.memory_space<vmem_shared>>
      %dma_wait3A_127 = tpu.memref_slice %arg26[%add3A_64] : memref<10112xf32, #tpu.memory_space<vmem_shared>> -> memref<48xf32, #tpu.memory_space<vmem_shared>>
      tpu.wait_dma2 semaphore(%run_scoped3A : memref<!tpu.dma_semaphore, #tpu.memory_space<semaphore_mem>>) src(%arg21 : memref<48xf32, #tpu.memory_space<vmem>>) dst(%dma_wait3A_127 : memref<48xf32, #tpu.memory_space<vmem_shared>>)
      tpu.yield
    }) : () -> ()
    %add3A_65 = arith.constant 480 : i32
    %add3A_66 = arith.addi %mul3A_2, %add3A_65 : i32
    "tpu.region"() ({
      %run_scoped3A = tpu.sem_alloc : memref<!tpu.dma_semaphore, #tpu.memory_space<semaphore_mem>>
      %dma_start3A_124 = tpu.memref_slice %arg26[%add3A_66] : memref<10112xf32, #tpu.memory_space<vmem_shared>> -> memref<48xf32, #tpu.memory_space<vmem_shared>>
      %dma_start3A_125 = tpu.memref_slice %arg26[%add3A_66] : memref<10112xf32, #tpu.memory_space<vmem_shared>> -> memref<48xf32, #tpu.memory_space<vmem_shared>>
      tpu.enqueue_dma source(%arg21 : memref<48xf32, #tpu.memory_space<vmem>>) target(%dma_start3A_125 : memref<48xf32, #tpu.memory_space<vmem_shared>>) target_semaphore(%run_scoped3A : memref<!tpu.dma_semaphore, #tpu.memory_space<semaphore_mem>>)
      %dma_wait3A_126 = tpu.memref_slice %arg26[%add3A_66] : memref<10112xf32, #tpu.memory_space<vmem_shared>> -> memref<48xf32, #tpu.memory_space<vmem_shared>>
      %dma_wait3A_127 = tpu.memref_slice %arg26[%add3A_66] : memref<10112xf32, #tpu.memory_space<vmem_shared>> -> memref<48xf32, #tpu.memory_space<vmem_shared>>
      tpu.wait_dma2 semaphore(%run_scoped3A : memref<!tpu.dma_semaphore, #tpu.memory_space<semaphore_mem>>) src(%arg21 : memref<48xf32, #tpu.memory_space<vmem>>) dst(%dma_wait3A_127 : memref<48xf32, #tpu.memory_space<vmem_shared>>)
      tpu.yield
    }) : () -> ()
    %add3A_67 = arith.constant 528 : i32
    %add3A_68 = arith.addi %mul3A_2, %add3A_67 : i32
    "tpu.region"() ({
      %run_scoped3A = tpu.sem_alloc : memref<!tpu.dma_semaphore, #tpu.memory_space<semaphore_mem>>
      %dma_start3A_124 = tpu.memref_slice %arg26[%add3A_68] : memref<10112xf32, #tpu.memory_space<vmem_shared>> -> memref<48xf32, #tpu.memory_space<vmem_shared>>
      %dma_start3A_125 = tpu.memref_slice %arg26[%add3A_68] : memref<10112xf32, #tpu.memory_space<vmem_shared>> -> memref<48xf32, #tpu.memory_space<vmem_shared>>
      tpu.enqueue_dma source(%arg21 : memref<48xf32, #tpu.memory_space<vmem>>) target(%dma_start3A_125 : memref<48xf32, #tpu.memory_space<vmem_shared>>) target_semaphore(%run_scoped3A : memref<!tpu.dma_semaphore, #tpu.memory_space<semaphore_mem>>)
      %dma_wait3A_126 = tpu.memref_slice %arg26[%add3A_68] : memref<10112xf32, #tpu.memory_space<vmem_shared>> -> memref<48xf32, #tpu.memory_space<vmem_shared>>
      %dma_wait3A_127 = tpu.memref_slice %arg26[%add3A_68] : memref<10112xf32, #tpu.memory_space<vmem_shared>> -> memref<48xf32, #tpu.memory_space<vmem_shared>>
      tpu.wait_dma2 semaphore(%run_scoped3A : memref<!tpu.dma_semaphore, #tpu.memory_space<semaphore_mem>>) src(%arg21 : memref<48xf32, #tpu.memory_space<vmem>>) dst(%dma_wait3A_127 : memref<48xf32, #tpu.memory_space<vmem_shared>>)
      tpu.yield
    }) : () -> ()
    %add3A_69 = arith.constant 576 : i32
    %add3A_70 = arith.addi %mul3A_2, %add3A_69 : i32
    "tpu.region"() ({
      %run_scoped3A = tpu.sem_alloc : memref<!tpu.dma_semaphore, #tpu.memory_space<semaphore_mem>>
      %dma_start3A_124 = tpu.memref_slice %arg26[%add3A_70] : memref<10112xf32, #tpu.memory_space<vmem_shared>> -> memref<48xf32, #tpu.memory_space<vmem_shared>>
      %dma_start3A_125 = tpu.memref_slice %arg26[%add3A_70] : memref<10112xf32, #tpu.memory_space<vmem_shared>> -> memref<48xf32, #tpu.memory_space<vmem_shared>>
      tpu.enqueue_dma source(%arg21 : memref<48xf32, #tpu.memory_space<vmem>>) target(%dma_start3A_125 : memref<48xf32, #tpu.memory_space<vmem_shared>>) target_semaphore(%run_scoped3A : memref<!tpu.dma_semaphore, #tpu.memory_space<semaphore_mem>>)
      %dma_wait3A_126 = tpu.memref_slice %arg26[%add3A_70] : memref<10112xf32, #tpu.memory_space<vmem_shared>> -> memref<48xf32, #tpu.memory_space<vmem_shared>>
      %dma_wait3A_127 = tpu.memref_slice %arg26[%add3A_70] : memref<10112xf32, #tpu.memory_space<vmem_shared>> -> memref<48xf32, #tpu.memory_space<vmem_shared>>
      tpu.wait_dma2 semaphore(%run_scoped3A : memref<!tpu.dma_semaphore, #tpu.memory_space<semaphore_mem>>) src(%arg21 : memref<48xf32, #tpu.memory_space<vmem>>) dst(%dma_wait3A_127 : memref<48xf32, #tpu.memory_space<vmem_shared>>)
      tpu.yield
    }) : () -> ()
    %add3A_71 = arith.constant 624 : i32
    %add3A_72 = arith.addi %mul3A_2, %add3A_71 : i32
    "tpu.region"() ({
      %run_scoped3A = tpu.sem_alloc : memref<!tpu.dma_semaphore, #tpu.memory_space<semaphore_mem>>
      %dma_start3A_124 = arith.constant 0 : i32
      %dma_start3A_125 = tpu.memref_slice %arg21[%dma_start3A_124] : memref<48xf32, #tpu.memory_space<vmem>> -> memref<8xf32, #tpu.memory_space<vmem>>
      %dma_start3A_126 = tpu.memref_slice %arg26[%add3A_72] : memref<10112xf32, #tpu.memory_space<vmem_shared>> -> memref<8xf32, #tpu.memory_space<vmem_shared>>
      %dma_start3A_127 = tpu.memref_slice %arg26[%add3A_72] : memref<10112xf32, #tpu.memory_space<vmem_shared>> -> memref<8xf32, #tpu.memory_space<vmem_shared>>
      %dma_start3A_128 = arith.constant 0 : i32
      %dma_start3A_129 = tpu.memref_slice %arg21[%dma_start3A_128] : memref<48xf32, #tpu.memory_space<vmem>> -> memref<8xf32, #tpu.memory_space<vmem>>
      tpu.enqueue_dma source(%dma_start3A_129 : memref<8xf32, #tpu.memory_space<vmem>>) target(%dma_start3A_127 : memref<8xf32, #tpu.memory_space<vmem_shared>>) target_semaphore(%run_scoped3A : memref<!tpu.dma_semaphore, #tpu.memory_space<semaphore_mem>>)
      %dma_wait3A_130 = arith.constant 0 : i32
      %dma_wait3A_131 = tpu.memref_slice %arg21[%dma_wait3A_130] : memref<48xf32, #tpu.memory_space<vmem>> -> memref<8xf32, #tpu.memory_space<vmem>>
      %dma_wait3A_132 = tpu.memref_slice %arg26[%add3A_72] : memref<10112xf32, #tpu.memory_space<vmem_shared>> -> memref<8xf32, #tpu.memory_space<vmem_shared>>
      %dma_wait3A_133 = tpu.memref_slice %arg26[%add3A_72] : memref<10112xf32, #tpu.memory_space<vmem_shared>> -> memref<8xf32, #tpu.memory_space<vmem_shared>>
      %dma_wait3A_134 = arith.constant 0 : i32
      %dma_wait3A_135 = tpu.memref_slice %arg21[%dma_wait3A_134] : memref<48xf32, #tpu.memory_space<vmem>> -> memref<8xf32, #tpu.memory_space<vmem>>
      tpu.wait_dma2 semaphore(%run_scoped3A : memref<!tpu.dma_semaphore, #tpu.memory_space<semaphore_mem>>) src(%dma_wait3A_135 : memref<8xf32, #tpu.memory_space<vmem>>) dst(%dma_wait3A_133 : memref<8xf32, #tpu.memory_space<vmem_shared>>)
      tpu.yield
    }) : () -> ()
    "tpu.region"() ({
      %run_scoped3A = tpu.sem_alloc : memref<!tpu.dma_semaphore, #tpu.memory_space<semaphore_mem>>
      tpu.enqueue_dma source(%arg5 : memref<128xf32, #tpu.memory_space<hbm>>) target(%arg20 : memref<128xf32, #tpu.memory_space<vmem>>) target_semaphore(%run_scoped3A : memref<!tpu.dma_semaphore, #tpu.memory_space<semaphore_mem>>)
      tpu.wait_dma2 semaphore(%run_scoped3A : memref<!tpu.dma_semaphore, #tpu.memory_space<semaphore_mem>>) src(%arg5 : memref<128xf32, #tpu.memory_space<hbm>>) dst(%arg20 : memref<128xf32, #tpu.memory_space<vmem>>)
      tpu.yield
    }) : () -> ()
    %barrier3A = arith.constant 0 : index
    tpu.barrier barrier_id(%barrier3A)
    %get3A = arith.constant 0 : index
    %get3A_73 = tpu.vector_load %arg20[%get3A] {strides = array<i32>} : memref<128xf32, #tpu.memory_space<vmem>>, vector<16xf32>,
    %get3A_74 = arith.constant 16 : index
    %get3A_75 = tpu.vector_load %arg20[%get3A_74] {strides = array<i32>} : memref<128xf32, #tpu.memory_space<vmem>>, vector<16xf32>,
    %get3A_76 = arith.constant 32 : index
    %get3A_77 = tpu.vector_load %arg20[%get3A_76] {strides = array<i32>} : memref<128xf32, #tpu.memory_space<vmem>>, vector<16xf32>,
    %get3A_78 = arith.constant 48 : index
    %get3A_79 = tpu.vector_load %arg20[%get3A_78] {strides = array<i32>} : memref<128xf32, #tpu.memory_space<vmem>>, vector<16xf32>,
    %get3A_80 = arith.constant 64 : index
    %get3A_81 = tpu.vector_load %arg20[%get3A_80] {strides = array<i32>} : memref<128xf32, #tpu.memory_space<vmem>>, vector<16xf32>,
    %get3A_82 = arith.constant 80 : index
    %get3A_83 = tpu.vector_load %arg20[%get3A_82] {strides = array<i32>} : memref<128xf32, #tpu.memory_space<vmem>>, vector<16xf32>,
    %get3A_84 = arith.constant 96 : index
    %get3A_85 = tpu.vector_load %arg20[%get3A_84] {strides = array<i32>} : memref<128xf32, #tpu.memory_space<vmem>>, vector<16xf32>,
    %get3A_86 = arith.constant 112 : index
    %get3A_87 = tpu.vector_load %arg20[%get3A_86] {strides = array<i32>} : memref<128xf32, #tpu.memory_space<vmem>>, vector<16xf32>,
    %mul3A_88 = arith.constant 10368 : i32
    %mul3A_89 = arith.muli %add3A, %mul3A_88 : i32
    %add3A_90 = arith.constant 0 : i32
    %add3A_91 = arith.addi %mul3A_89, %add3A_90 : i32
    "tpu.region"() ({
      %run_scoped3A = tpu.sem_alloc : memref<!tpu.dma_semaphore, #tpu.memory_space<semaphore_mem>>
      %dma_start3A_124 = tpu.memref_slice %arg4[%add3A_91] : memref<663552xi32, #tpu.memory_space<hbm>> -> memref<48xi32, #tpu.memory_space<hbm>>
      %dma_start3A_125 = tpu.memref_slice %arg4[%add3A_91] : memref<663552xi32, #tpu.memory_space<hbm>> -> memref<48xi32, #tpu.memory_space<hbm>>
      tpu.enqueue_dma source(%dma_start3A_125 : memref<48xi32, #tpu.memory_space<hbm>>) target(%arg8 : memref<48xi32, #tpu.memory_space<vmem>>) target_semaphore(%run_scoped3A : memref<!tpu.dma_semaphore, #tpu.memory_space<semaphore_mem>>)
      %dma_wait3A_126 = tpu.memref_slice %arg4[%add3A_91] : memref<663552xi32, #tpu.memory_space<hbm>> -> memref<48xi32, #tpu.memory_space<hbm>>
      %dma_wait3A_127 = tpu.memref_slice %arg4[%add3A_91] : memref<663552xi32, #tpu.memory_space<hbm>> -> memref<48xi32, #tpu.memory_space<hbm>>
      tpu.wait_dma2 semaphore(%run_scoped3A : memref<!tpu.dma_semaphore, #tpu.memory_space<semaphore_mem>>) src(%dma_wait3A_127 : memref<48xi32, #tpu.memory_space<hbm>>) dst(%arg8 : memref<48xi32, #tpu.memory_space<vmem>>)
      tpu.yield
    }) : () -> ()
    %add3A_92 = arith.constant 331776 : i32
    %add3A_93 = arith.addi %add3A_92, %add3A_91 : i32
    "tpu.region"() ({
      %run_scoped3A = tpu.sem_alloc : memref<!tpu.dma_semaphore, #tpu.memory_space<semaphore_mem>>
      %dma_start3A_124 = tpu.memref_slice %arg4[%add3A_93] : memref<663552xi32, #tpu.memory_space<hbm>> -> memref<48xi32, #tpu.memory_space<hbm>>
      %dma_start3A_125 = tpu.memref_slice %arg4[%add3A_93] : memref<663552xi32, #tpu.memory_space<hbm>> -> memref<48xi32, #tpu.memory_space<hbm>>
      tpu.enqueue_dma source(%dma_start3A_125 : memref<48xi32, #tpu.memory_space<hbm>>) target(%arg9 : memref<48xi32, #tpu.memory_space<vmem>>) target_semaphore(%run_scoped3A : memref<!tpu.dma_semaphore, #tpu.memory_space<semaphore_mem>>)
      %dma_wait3A_126 = tpu.memref_slice %arg4[%add3A_93] : memref<663552xi32, #tpu.memory_space<hbm>> -> memref<48xi32, #tpu.memory_space<hbm>>
      %dma_wait3A_127 = tpu.memref_slice %arg4[%add3A_93] : memref<663552xi32, #tpu.memory_space<hbm>> -> memref<48xi32, #tpu.memory_space<hbm>>
      tpu.wait_dma2 semaphore(%run_scoped3A : memref<!tpu.dma_semaphore, #tpu.memory_space<semaphore_mem>>) src(%dma_wait3A_127 : memref<48xi32, #tpu.memory_space<hbm>>) dst(%arg9 : memref<48xi32, #tpu.memory_space<vmem>>)
      tpu.yield
    }) : () -> ()
    %dma_start3A = arith.constant 0 : i32
    %dma_start3A_94 = arith.constant 0 : i32
    %dma_start3A_95 = tpu.memref_slice %arg2[%dma_start3A, %dma_start3A_94] : memref<10112x128xf32, #tpu.memory_space<hbm>> -> memref<10112x128xf32, #tpu.memory_space<hbm>>
    tpu.enqueue_indirect_dma source(%dma_start3A_95 : memref<10112x128xf32, #tpu.memory_space<hbm>>) target(%arg14 : memref<48x128xf32, #tpu.memory_space<vmem>>) offsets(%arg8 : memref<48xi32, #tpu.memory_space<vmem>>) semaphore(%arg27 : memref<!tpu.dma_semaphore, #tpu.memory_space<semaphore_mem>>)
    %dma_start3A_96 = arith.constant 0 : i32
    %dma_start3A_97 = arith.constant 0 : i32
    %dma_start3A_98 = tpu.memref_slice %arg3[%dma_start3A_96, %dma_start3A_97] : memref<10112x128xf32, #tpu.memory_space<hbm>> -> memref<10112x128xf32, #tpu.memory_space<hbm>>
    tpu.enqueue_indirect_dma source(%dma_start3A_98 : memref<10112x128xf32, #tpu.memory_space<hbm>>) target(%arg15 : memref<48x128xf32, #tpu.memory_space<vmem>>) offsets(%arg9 : memref<48xi32, #tpu.memory_space<vmem>>) semaphore(%arg27 : memref<!tpu.dma_semaphore, #tpu.memory_space<semaphore_mem>>)
    %add3A_99 = arith.constant 48 : i32
    %add3A_100 = arith.addi %mul3A_89, %add3A_99 : i32
    "tpu.region"() ({
      %run_scoped3A = tpu.sem_alloc : memref<!tpu.dma_semaphore, #tpu.memory_space<semaphore_mem>>
      %dma_start3A_124 = tpu.memref_slice %arg4[%add3A_100] : memref<663552xi32, #tpu.memory_space<hbm>> -> memref<48xi32, #tpu.memory_space<hbm>>
      %dma_start3A_125 = tpu.memref_slice %arg4[%add3A_100] : memref<663552xi32, #tpu.memory_space<hbm>> -> memref<48xi32, #tpu.memory_space<hbm>>
      tpu.enqueue_dma source(%dma_start3A_125 : memref<48xi32, #tpu.memory_space<hbm>>) target(%arg10 : memref<48xi32, #tpu.memory_space<vmem>>) target_semaphore(%run_scoped3A : memref<!tpu.dma_semaphore, #tpu.memory_space<semaphore_mem>>)
      %dma_wait3A_126 = tpu.memref_slice %arg4[%add3A_100] : memref<663552xi32, #tpu.memory_space<hbm>> -> memref<48xi32, #tpu.memory_space<hbm>>
      %dma_wait3A_127 = tpu.memref_slice %arg4[%add3A_100] : memref<663552xi32, #tpu.memory_space<hbm>> -> memref<48xi32, #tpu.memory_space<hbm>>
      tpu.wait_dma2 semaphore(%run_scoped3A : memref<!tpu.dma_semaphore, #tpu.memory_space<semaphore_mem>>) src(%dma_wait3A_127 : memref<48xi32, #tpu.memory_space<hbm>>) dst(%arg10 : memref<48xi32, #tpu.memory_space<vmem>>)
      tpu.yield
    }) : () -> ()
    %add3A_101 = arith.constant 331776 : i32
    %add3A_102 = arith.addi %add3A_101, %add3A_100 : i32
    "tpu.region"() ({
      %run_scoped3A = tpu.sem_alloc : memref<!tpu.dma_semaphore, #tpu.memory_space<semaphore_mem>>
      %dma_start3A_124 = tpu.memref_slice %arg4[%add3A_102] : memref<663552xi32, #tpu.memory_space<hbm>> -> memref<48xi32, #tpu.memory_space<hbm>>
      %dma_start3A_125 = tpu.memref_slice %arg4[%add3A_102] : memref<663552xi32, #tpu.memory_space<hbm>> -> memref<48xi32, #tpu.memory_space<hbm>>
      tpu.enqueue_dma source(%dma_start3A_125 : memref<48xi32, #tpu.memory_space<hbm>>) target(%arg11 : memref<48xi32, #tpu.memory_space<vmem>>) target_semaphore(%run_scoped3A : memref<!tpu.dma_semaphore, #tpu.memory_space<semaphore_mem>>)
      %dma_wait3A_126 = tpu.memref_slice %arg4[%add3A_102] : memref<663552xi32, #tpu.memory_space<hbm>> -> memref<48xi32, #tpu.memory_space<hbm>>
      %dma_wait3A_127 = tpu.memref_slice %arg4[%add3A_102] : memref<663552xi32, #tpu.memory_space<hbm>> -> memref<48xi32, #tpu.memory_space<hbm>>
      tpu.wait_dma2 semaphore(%run_scoped3A : memref<!tpu.dma_semaphore, #tpu.memory_space<semaphore_mem>>) src(%dma_wait3A_127 : memref<48xi32, #tpu.memory_space<hbm>>) dst(%arg11 : memref<48xi32, #tpu.memory_space<vmem>>)
      tpu.yield
    }) : () -> ()
    %dma_start3A_103 = arith.constant 0 : i32
    %dma_start3A_104 = arith.constant 0 : i32
    %dma_start3A_105 = tpu.memref_slice %arg2[%dma_start3A_103, %dma_start3A_104] : memref<10112x128xf32, #tpu.memory_space<hbm>> -> memref<10112x128xf32, #tpu.memory_space<hbm>>
    tpu.enqueue_indirect_dma source(%dma_start3A_105 : memref<10112x128xf32, #tpu.memory_space<hbm>>) target(%arg16 : memref<48x128xf32, #tpu.memory_space<vmem>>) offsets(%arg10 : memref<48xi32, #tpu.memory_space<vmem>>) semaphore(%arg28 : memref<!tpu.dma_semaphore, #tpu.memory_space<semaphore_mem>>)
    %dma_start3A_106 = arith.constant 0 : i32
    %dma_start3A_107 = arith.constant 0 : i32
    %dma_start3A_108 = tpu.memref_slice %arg3[%dma_start3A_106, %dma_start3A_107] : memref<10112x128xf32, #tpu.memory_space<hbm>> -> memref<10112x128xf32, #tpu.memory_space<hbm>>
    tpu.enqueue_indirect_dma source(%dma_start3A_108 : memref<10112x128xf32, #tpu.memory_space<hbm>>) target(%arg17 : memref<48x128xf32, #tpu.memory_space<vmem>>) offsets(%arg11 : memref<48xi32, #tpu.memory_space<vmem>>) semaphore(%arg28 : memref<!tpu.dma_semaphore, #tpu.memory_space<semaphore_mem>>)
    %scan3A_109 = arith.constant 0 : i32
    %scan3A_110 = arith.constant 0 : i32
    %scan3A_111 = arith.constant 72 : i32
    %scan3A_112 = arith.addi %scan3A_110, %scan3A_111 : i32
    %scan3A_113 = arith.constant 1 : i32
    %scan3A_114 = scf.for %scan3A_124 = %scan3A_110 to %scan3A_112 step %scan3A_113 iter_args(%scan3A_125 = %scan3A_109) -> (i32)  : i32 {
      %mul3A_126 = arith.constant 3 : i32
      %mul3A_127 = arith.muli %mul3A_126, %scan3A_124 : i32
      %add3A_128 = arith.constant 0 : i32
      %add3A_129 = arith.addi %mul3A_127, %add3A_128 : i32
      %dma_wait3A_130 = arith.constant 0 : i32
      %dma_wait3A_131 = arith.constant 0 : i32
      %dma_wait3A_132 = tpu.memref_slice %arg2[%dma_wait3A_130, %dma_wait3A_131] : memref<10112x128xf32, #tpu.memory_space<hbm>> -> memref<10112x128xf32, #tpu.memory_space<hbm>>
      tpu.wait_indirect_dma semaphore(%arg27 : memref<!tpu.dma_semaphore, #tpu.memory_space<semaphore_mem>>) src(%dma_wait3A_132 : memref<10112x128xf32, #tpu.memory_space<hbm>>) dst(%arg14 : memref<48x128xf32, #tpu.memory_space<vmem>>)
      %dma_wait3A_133 = arith.constant 0 : i32
      %dma_wait3A_134 = arith.constant 0 : i32
      %dma_wait3A_135 = tpu.memref_slice %arg3[%dma_wait3A_133, %dma_wait3A_134] : memref<10112x128xf32, #tpu.memory_space<hbm>> -> memref<10112x128xf32, #tpu.memory_space<hbm>>
      tpu.wait_indirect_dma semaphore(%arg27 : memref<!tpu.dma_semaphore, #tpu.memory_space<semaphore_mem>>) src(%dma_wait3A_135 : memref<10112x128xf32, #tpu.memory_space<hbm>>) dst(%arg15 : memref<48x128xf32, #tpu.memory_space<vmem>>)
      %parallel_loop3A = arith.constant 0 : i32
      %parallel_loop3A_136 = arith.constant 48 : i32
      %parallel_loop3A_137 = arith.constant 4 : i32
      scf.for %parallel_loop3A_212 = %parallel_loop3A to %parallel_loop3A_136 step %parallel_loop3A_137  : i32 {
        %parallel_loop3A_213 = arith.constant 0 : i32
        %parallel_loop3A_214 = arith.addi %parallel_loop3A_212, %parallel_loop3A_213 : i32
        %parallel_loop3A_215 = arith.constant 1 : i32
        %parallel_loop3A_216 = arith.addi %parallel_loop3A_212, %parallel_loop3A_215 : i32
        %parallel_loop3A_217 = arith.constant 2 : i32
        %parallel_loop3A_218 = arith.addi %parallel_loop3A_212, %parallel_loop3A_217 : i32
        %parallel_loop3A_219 = arith.constant 3 : i32
        %parallel_loop3A_220 = arith.addi %parallel_loop3A_212, %parallel_loop3A_219 : i32
        %parallel_loop3A_221 = arith.index_cast %parallel_loop3A_214 : i32 to index
        %parallel_loop3A_222 = arith.constant 0 : index
        %parallel_loop3A_223 = tpu.vector_load %arg14[%parallel_loop3A_221, %parallel_loop3A_222] {strides = array<i32>} : memref<48x128xf32, #tpu.memory_space<vmem>>, vector<16xf32>,
        %parallel_loop3A_224 = arith.index_cast %parallel_loop3A_214 : i32 to index
        %parallel_loop3A_225 = arith.constant 0 : index
        %parallel_loop3A_226 = tpu.vector_load %arg15[%parallel_loop3A_224, %parallel_loop3A_225] {strides = array<i32>} : memref<48x128xf32, #tpu.memory_space<vmem>>, vector<16xf32>,
        %parallel_loop3A_227 = arith.addf %parallel_loop3A_223, %parallel_loop3A_226 : vector<16xf32>
        %parallel_loop3A_228 = arith.constant 2.000000e-01 : f32
        %parallel_loop3A_229 = vector.broadcast %parallel_loop3A_228 : f32 to vector<16xf32>
        %parallel_loop3A_230 = arith.mulf %parallel_loop3A_227, %parallel_loop3A_229 : vector<16xf32>
        %parallel_loop3A_231 = arith.maximumf %parallel_loop3A_227, %parallel_loop3A_230 : vector<16xf32>
        %parallel_loop3A_232 = arith.mulf %parallel_loop3A_231, %get3A_73 : vector<16xf32>
        %parallel_loop3A_233 = arith.index_cast %parallel_loop3A_214 : i32 to index
        %parallel_loop3A_234 = arith.constant 16 : index
        %parallel_loop3A_235 = tpu.vector_load %arg14[%parallel_loop3A_233, %parallel_loop3A_234] {strides = array<i32>} : memref<48x128xf32, #tpu.memory_space<vmem>>, vector<16xf32>,
        %parallel_loop3A_236 = arith.index_cast %parallel_loop3A_214 : i32 to index
        %parallel_loop3A_237 = arith.constant 16 : index
        %parallel_loop3A_238 = tpu.vector_load %arg15[%parallel_loop3A_236, %parallel_loop3A_237] {strides = array<i32>} : memref<48x128xf32, #tpu.memory_space<vmem>>, vector<16xf32>,
        %parallel_loop3A_239 = arith.addf %parallel_loop3A_235, %parallel_loop3A_238 : vector<16xf32>
        %parallel_loop3A_240 = arith.constant 2.000000e-01 : f32
        %parallel_loop3A_241 = vector.broadcast %parallel_loop3A_240 : f32 to vector<16xf32>
        %parallel_loop3A_242 = arith.mulf %parallel_loop3A_239, %parallel_loop3A_241 : vector<16xf32>
        %parallel_loop3A_243 = arith.maximumf %parallel_loop3A_239, %parallel_loop3A_242 : vector<16xf32>
        %parallel_loop3A_244 = arith.mulf %parallel_loop3A_243, %get3A_75 : vector<16xf32>
        %parallel_loop3A_245 = arith.index_cast %parallel_loop3A_214 : i32 to index
        %parallel_loop3A_246 = arith.constant 32 : index
        %parallel_loop3A_247 = tpu.vector_load %arg14[%parallel_loop3A_245, %parallel_loop3A_246] {strides = array<i32>} : memref<48x128xf32, #tpu.memory_space<vmem>>, vector<16xf32>,
        %parallel_loop3A_248 = arith.index_cast %parallel_loop3A_214 : i32 to index
        %parallel_loop3A_249 = arith.constant 32 : index
        %parallel_loop3A_250 = tpu.vector_load %arg15[%parallel_loop3A_248, %parallel_loop3A_249] {strides = array<i32>} : memref<48x128xf32, #tpu.memory_space<vmem>>, vector<16xf32>,
        %parallel_loop3A_251 = arith.addf %parallel_loop3A_247, %parallel_loop3A_250 : vector<16xf32>
        %parallel_loop3A_252 = arith.constant 2.000000e-01 : f32
        %parallel_loop3A_253 = vector.broadcast %parallel_loop3A_252 : f32 to vector<16xf32>
        %parallel_loop3A_254 = arith.mulf %parallel_loop3A_251, %parallel_loop3A_253 : vector<16xf32>
        %parallel_loop3A_255 = arith.maximumf %parallel_loop3A_251, %parallel_loop3A_254 : vector<16xf32>
        %parallel_loop3A_256 = arith.mulf %parallel_loop3A_255, %get3A_77 : vector<16xf32>
        %parallel_loop3A_257 = arith.index_cast %parallel_loop3A_214 : i32 to index
        %parallel_loop3A_258 = arith.constant 48 : index
        %parallel_loop3A_259 = tpu.vector_load %arg14[%parallel_loop3A_257, %parallel_loop3A_258] {strides = array<i32>} : memref<48x128xf32, #tpu.memory_space<vmem>>, vector<16xf32>,
        %parallel_loop3A_260 = arith.index_cast %parallel_loop3A_214 : i32 to index
        %parallel_loop3A_261 = arith.constant 48 : index
        %parallel_loop3A_262 = tpu.vector_load %arg15[%parallel_loop3A_260, %parallel_loop3A_261] {strides = array<i32>} : memref<48x128xf32, #tpu.memory_space<vmem>>, vector<16xf32>,
        %parallel_loop3A_263 = arith.addf %parallel_loop3A_259, %parallel_loop3A_262 : vector<16xf32>
        %parallel_loop3A_264 = arith.constant 2.000000e-01 : f32
        %parallel_loop3A_265 = vector.broadcast %parallel_loop3A_264 : f32 to vector<16xf32>
        %parallel_loop3A_266 = arith.mulf %parallel_loop3A_263, %parallel_loop3A_265 : vector<16xf32>
        %parallel_loop3A_267 = arith.maximumf %parallel_loop3A_263, %parallel_loop3A_266 : vector<16xf32>
        %parallel_loop3A_268 = arith.mulf %parallel_loop3A_267, %get3A_79 : vector<16xf32>
        %parallel_loop3A_269 = arith.index_cast %parallel_loop3A_214 : i32 to index
        %parallel_loop3A_270 = arith.constant 64 : index
        %parallel_loop3A_271 = tpu.vector_load %arg14[%parallel_loop3A_269, %parallel_loop3A_270] {strides = array<i32>} : memref<48x128xf32, #tpu.memory_space<vmem>>, vector<16xf32>,
        %parallel_loop3A_272 = arith.index_cast %parallel_loop3A_214 : i32 to index
        %parallel_loop3A_273 = arith.constant 64 : index
        %parallel_loop3A_274 = tpu.vector_load %arg15[%parallel_loop3A_272, %parallel_loop3A_273] {strides = array<i32>} : memref<48x128xf32, #tpu.memory_space<vmem>>, vector<16xf32>,
        %parallel_loop3A_275 = arith.addf %parallel_loop3A_271, %parallel_loop3A_274 : vector<16xf32>
        %parallel_loop3A_276 = arith.constant 2.000000e-01 : f32
        %parallel_loop3A_277 = vector.broadcast %parallel_loop3A_276 : f32 to vector<16xf32>
        %parallel_loop3A_278 = arith.mulf %parallel_loop3A_275, %parallel_loop3A_277 : vector<16xf32>
        %parallel_loop3A_279 = arith.maximumf %parallel_loop3A_275, %parallel_loop3A_278 : vector<16xf32>
        %parallel_loop3A_280 = arith.mulf %parallel_loop3A_279, %get3A_81 : vector<16xf32>
        %parallel_loop3A_281 = arith.index_cast %parallel_loop3A_214 : i32 to index
        %parallel_loop3A_282 = arith.constant 80 : index
        %parallel_loop3A_283 = tpu.vector_load %arg14[%parallel_loop3A_281, %parallel_loop3A_282] {strides = array<i32>} : memref<48x128xf32, #tpu.memory_space<vmem>>, vector<16xf32>,
        %parallel_loop3A_284 = arith.index_cast %parallel_loop3A_214 : i32 to index
        %parallel_loop3A_285 = arith.constant 80 : index
        %parallel_loop3A_286 = tpu.vector_load %arg15[%parallel_loop3A_284, %parallel_loop3A_285] {strides = array<i32>} : memref<48x128xf32, #tpu.memory_space<vmem>>, vector<16xf32>,
        %parallel_loop3A_287 = arith.addf %parallel_loop3A_283, %parallel_loop3A_286 : vector<16xf32>
        %parallel_loop3A_288 = arith.constant 2.000000e-01 : f32
        %parallel_loop3A_289 = vector.broadcast %parallel_loop3A_288 : f32 to vector<16xf32>
        %parallel_loop3A_290 = arith.mulf %parallel_loop3A_287, %parallel_loop3A_289 : vector<16xf32>
        %parallel_loop3A_291 = arith.maximumf %parallel_loop3A_287, %parallel_loop3A_290 : vector<16xf32>
        %parallel_loop3A_292 = arith.mulf %parallel_loop3A_291, %get3A_83 : vector<16xf32>
        %parallel_loop3A_293 = arith.index_cast %parallel_loop3A_214 : i32 to index
        %parallel_loop3A_294 = arith.constant 96 : index
        %parallel_loop3A_295 = tpu.vector_load %arg14[%parallel_loop3A_293, %parallel_loop3A_294] {strides = array<i32>} : memref<48x128xf32, #tpu.memory_space<vmem>>, vector<16xf32>,
        %parallel_loop3A_296 = arith.index_cast %parallel_loop3A_214 : i32 to index
        %parallel_loop3A_297 = arith.constant 96 : index
        %parallel_loop3A_298 = tpu.vector_load %arg15[%parallel_loop3A_296, %parallel_loop3A_297] {strides = array<i32>} : memref<48x128xf32, #tpu.memory_space<vmem>>, vector<16xf32>,
        %parallel_loop3A_299 = arith.addf %parallel_loop3A_295, %parallel_loop3A_298 : vector<16xf32>
        %parallel_loop3A_300 = arith.constant 2.000000e-01 : f32
        %parallel_loop3A_301 = vector.broadcast %parallel_loop3A_300 : f32 to vector<16xf32>
        %parallel_loop3A_302 = arith.mulf %parallel_loop3A_299, %parallel_loop3A_301 : vector<16xf32>
        %parallel_loop3A_303 = arith.maximumf %parallel_loop3A_299, %parallel_loop3A_302 : vector<16xf32>
        %parallel_loop3A_304 = arith.mulf %parallel_loop3A_303, %get3A_85 : vector<16xf32>
        %parallel_loop3A_305 = arith.index_cast %parallel_loop3A_214 : i32 to index
        %parallel_loop3A_306 = arith.constant 112 : index
        %parallel_loop3A_307 = tpu.vector_load %arg14[%parallel_loop3A_305, %parallel_loop3A_306] {strides = array<i32>} : memref<48x128xf32, #tpu.memory_space<vmem>>, vector<16xf32>,
        %parallel_loop3A_308 = arith.index_cast %parallel_loop3A_214 : i32 to index
        %parallel_loop3A_309 = arith.constant 112 : index
        %parallel_loop3A_310 = tpu.vector_load %arg15[%parallel_loop3A_308, %parallel_loop3A_309] {strides = array<i32>} : memref<48x128xf32, #tpu.memory_space<vmem>>, vector<16xf32>,
        %parallel_loop3A_311 = arith.addf %parallel_loop3A_307, %parallel_loop3A_310 : vector<16xf32>
        %parallel_loop3A_312 = arith.constant 2.000000e-01 : f32
        %parallel_loop3A_313 = vector.broadcast %parallel_loop3A_312 : f32 to vector<16xf32>
        %parallel_loop3A_314 = arith.mulf %parallel_loop3A_311, %parallel_loop3A_313 : vector<16xf32>
        %parallel_loop3A_315 = arith.maximumf %parallel_loop3A_311, %parallel_loop3A_314 : vector<16xf32>
        %parallel_loop3A_316 = arith.mulf %parallel_loop3A_315, %get3A_87 : vector<16xf32>
        %parallel_loop3A_317 = arith.addf %parallel_loop3A_232, %parallel_loop3A_244 : vector<16xf32>
        %parallel_loop3A_318 = arith.addf %parallel_loop3A_256, %parallel_loop3A_268 : vector<16xf32>
        %parallel_loop3A_319 = arith.addf %parallel_loop3A_317, %parallel_loop3A_318 : vector<16xf32>
        %parallel_loop3A_320 = arith.addf %parallel_loop3A_280, %parallel_loop3A_292 : vector<16xf32>
        %parallel_loop3A_321 = arith.addf %parallel_loop3A_304, %parallel_loop3A_316 : vector<16xf32>
        %parallel_loop3A_322 = arith.addf %parallel_loop3A_320, %parallel_loop3A_321 : vector<16xf32>
        %parallel_loop3A_323 = arith.addf %parallel_loop3A_319, %parallel_loop3A_322 : vector<16xf32>
        %parallel_loop3A_324 = arith.constant true
        %parallel_loop3A_325 = vector.broadcast %parallel_loop3A_324 : i1 to vector<16xi1>
        %parallel_loop3A_326 = tpu.scan <sum>, %parallel_loop3A_323 masked %parallel_loop3A_325 : vector<16xf32>, vector<16xi1> -> vector<16xf32>
        %parallel_loop3A_327 = vector.extract %parallel_loop3A_326[15] : f32 from vector<16xf32>
        %parallel_loop3A_328 = vector.broadcast %parallel_loop3A_327 : f32 to vector<16xf32>
        %parallel_loop3A_329 = math.exp %parallel_loop3A_328 : vector<16xf32>
        %parallel_loop3A_330 = arith.index_cast %parallel_loop3A_216 : i32 to index
        %parallel_loop3A_331 = arith.constant 0 : index
        %parallel_loop3A_332 = tpu.vector_load %arg14[%parallel_loop3A_330, %parallel_loop3A_331] {strides = array<i32>} : memref<48x128xf32, #tpu.memory_space<vmem>>, vector<16xf32>,
        %parallel_loop3A_333 = arith.index_cast %parallel_loop3A_216 : i32 to index
        %parallel_loop3A_334 = arith.constant 0 : index
        %parallel_loop3A_335 = tpu.vector_load %arg15[%parallel_loop3A_333, %parallel_loop3A_334] {strides = array<i32>} : memref<48x128xf32, #tpu.memory_space<vmem>>, vector<16xf32>,
        %parallel_loop3A_336 = arith.addf %parallel_loop3A_332, %parallel_loop3A_335 : vector<16xf32>
        %parallel_loop3A_337 = arith.constant 2.000000e-01 : f32
        %parallel_loop3A_338 = vector.broadcast %parallel_loop3A_337 : f32 to vector<16xf32>
        %parallel_loop3A_339 = arith.mulf %parallel_loop3A_336, %parallel_loop3A_338 : vector<16xf32>
        %parallel_loop3A_340 = arith.maximumf %parallel_loop3A_336, %parallel_loop3A_339 : vector<16xf32>
        %parallel_loop3A_341 = arith.mulf %parallel_loop3A_340, %get3A_73 : vector<16xf32>
        %parallel_loop3A_342 = arith.index_cast %parallel_loop3A_216 : i32 to index
        %parallel_loop3A_343 = arith.constant 16 : index
        %parallel_loop3A_344 = tpu.vector_load %arg14[%parallel_loop3A_342, %parallel_loop3A_343] {strides = array<i32>} : memref<48x128xf32, #tpu.memory_space<vmem>>, vector<16xf32>,
        %parallel_loop3A_345 = arith.index_cast %parallel_loop3A_216 : i32 to index
        %parallel_loop3A_346 = arith.constant 16 : index
        %parallel_loop3A_347 = tpu.vector_load %arg15[%parallel_loop3A_345, %parallel_loop3A_346] {strides = array<i32>} : memref<48x128xf32, #tpu.memory_space<vmem>>, vector<16xf32>,
        %parallel_loop3A_348 = arith.addf %parallel_loop3A_344, %parallel_loop3A_347 : vector<16xf32>
        %parallel_loop3A_349 = arith.constant 2.000000e-01 : f32
        %parallel_loop3A_350 = vector.broadcast %parallel_loop3A_349 : f32 to vector<16xf32>
        %parallel_loop3A_351 = arith.mulf %parallel_loop3A_348, %parallel_loop3A_350 : vector<16xf32>
        %parallel_loop3A_352 = arith.maximumf %parallel_loop3A_348, %parallel_loop3A_351 : vector<16xf32>
        %parallel_loop3A_353 = arith.mulf %parallel_loop3A_352, %get3A_75 : vector<16xf32>
        %parallel_loop3A_354 = arith.index_cast %parallel_loop3A_216 : i32 to index
        %parallel_loop3A_355 = arith.constant 32 : index
        %parallel_loop3A_356 = tpu.vector_load %arg14[%parallel_loop3A_354, %parallel_loop3A_355] {strides = array<i32>} : memref<48x128xf32, #tpu.memory_space<vmem>>, vector<16xf32>,
        %parallel_loop3A_357 = arith.index_cast %parallel_loop3A_216 : i32 to index
        %parallel_loop3A_358 = arith.constant 32 : index
        %parallel_loop3A_359 = tpu.vector_load %arg15[%parallel_loop3A_357, %parallel_loop3A_358] {strides = array<i32>} : memref<48x128xf32, #tpu.memory_space<vmem>>, vector<16xf32>,
        %parallel_loop3A_360 = arith.addf %parallel_loop3A_356, %parallel_loop3A_359 : vector<16xf32>
        %parallel_loop3A_361 = arith.constant 2.000000e-01 : f32
        %parallel_loop3A_362 = vector.broadcast %parallel_loop3A_361 : f32 to vector<16xf32>
        %parallel_loop3A_363 = arith.mulf %parallel_loop3A_360, %parallel_loop3A_362 : vector<16xf32>
        %parallel_loop3A_364 = arith.maximumf %parallel_loop3A_360, %parallel_loop3A_363 : vector<16xf32>
        %parallel_loop3A_365 = arith.mulf %parallel_loop3A_364, %get3A_77 : vector<16xf32>
        %parallel_loop3A_366 = arith.index_cast %parallel_loop3A_216 : i32 to index
        %parallel_loop3A_367 = arith.constant 48 : index
        %parallel_loop3A_368 = tpu.vector_load %arg14[%parallel_loop3A_366, %parallel_loop3A_367] {strides = array<i32>} : memref<48x128xf32, #tpu.memory_space<vmem>>, vector<16xf32>,
        %parallel_loop3A_369 = arith.index_cast %parallel_loop3A_216 : i32 to index
        %parallel_loop3A_370 = arith.constant 48 : index
        %parallel_loop3A_371 = tpu.vector_load %arg15[%parallel_loop3A_369, %parallel_loop3A_370] {strides = array<i32>} : memref<48x128xf32, #tpu.memory_space<vmem>>, vector<16xf32>,
        %parallel_loop3A_372 = arith.addf %parallel_loop3A_368, %parallel_loop3A_371 : vector<16xf32>
        %parallel_loop3A_373 = arith.constant 2.000000e-01 : f32
        %parallel_loop3A_374 = vector.broadcast %parallel_loop3A_373 : f32 to vector<16xf32>
        %parallel_loop3A_375 = arith.mulf %parallel_loop3A_372, %parallel_loop3A_374 : vector<16xf32>
        %parallel_loop3A_376 = arith.maximumf %parallel_loop3A_372, %parallel_loop3A_375 : vector<16xf32>
        %parallel_loop3A_377 = arith.mulf %parallel_loop3A_376, %get3A_79 : vector<16xf32>
        %parallel_loop3A_378 = arith.index_cast %parallel_loop3A_216 : i32 to index
        %parallel_loop3A_379 = arith.constant 64 : index
        %parallel_loop3A_380 = tpu.vector_load %arg14[%parallel_loop3A_378, %parallel_loop3A_379] {strides = array<i32>} : memref<48x128xf32, #tpu.memory_space<vmem>>, vector<16xf32>,
        %parallel_loop3A_381 = arith.index_cast %parallel_loop3A_216 : i32 to index
        %parallel_loop3A_382 = arith.constant 64 : index
        %parallel_loop3A_383 = tpu.vector_load %arg15[%parallel_loop3A_381, %parallel_loop3A_382] {strides = array<i32>} : memref<48x128xf32, #tpu.memory_space<vmem>>, vector<16xf32>,
        %parallel_loop3A_384 = arith.addf %parallel_loop3A_380, %parallel_loop3A_383 : vector<16xf32>
        %parallel_loop3A_385 = arith.constant 2.000000e-01 : f32
        %parallel_loop3A_386 = vector.broadcast %parallel_loop3A_385 : f32 to vector<16xf32>
        %parallel_loop3A_387 = arith.mulf %parallel_loop3A_384, %parallel_loop3A_386 : vector<16xf32>
        %parallel_loop3A_388 = arith.maximumf %parallel_loop3A_384, %parallel_loop3A_387 : vector<16xf32>
        %parallel_loop3A_389 = arith.mulf %parallel_loop3A_388, %get3A_81 : vector<16xf32>
        %parallel_loop3A_390 = arith.index_cast %parallel_loop3A_216 : i32 to index
        %parallel_loop3A_391 = arith.constant 80 : index
        %parallel_loop3A_392 = tpu.vector_load %arg14[%parallel_loop3A_390, %parallel_loop3A_391] {strides = array<i32>} : memref<48x128xf32, #tpu.memory_space<vmem>>, vector<16xf32>,
        %parallel_loop3A_393 = arith.index_cast %parallel_loop3A_216 : i32 to index
        %parallel_loop3A_394 = arith.constant 80 : index
        %parallel_loop3A_395 = tpu.vector_load %arg15[%parallel_loop3A_393, %parallel_loop3A_394] {strides = array<i32>} : memref<48x128xf32, #tpu.memory_space<vmem>>, vector<16xf32>,
        %parallel_loop3A_396 = arith.addf %parallel_loop3A_392, %parallel_loop3A_395 : vector<16xf32>
        %parallel_loop3A_397 = arith.constant 2.000000e-01 : f32
        %parallel_loop3A_398 = vector.broadcast %parallel_loop3A_397 : f32 to vector<16xf32>
        %parallel_loop3A_399 = arith.mulf %parallel_loop3A_396, %parallel_loop3A_398 : vector<16xf32>
        %parallel_loop3A_400 = arith.maximumf %parallel_loop3A_396, %parallel_loop3A_399 : vector<16xf32>
        %parallel_loop3A_401 = arith.mulf %parallel_loop3A_400, %get3A_83 : vector<16xf32>
        %parallel_loop3A_402 = arith.index_cast %parallel_loop3A_216 : i32 to index
        %parallel_loop3A_403 = arith.constant 96 : index
        %parallel_loop3A_404 = tpu.vector_load %arg14[%parallel_loop3A_402, %parallel_loop3A_403] {strides = array<i32>} : memref<48x128xf32, #tpu.memory_space<vmem>>, vector<16xf32>,
        %parallel_loop3A_405 = arith.index_cast %parallel_loop3A_216 : i32 to index
        %parallel_loop3A_406 = arith.constant 96 : index
        %parallel_loop3A_407 = tpu.vector_load %arg15[%parallel_loop3A_405, %parallel_loop3A_406] {strides = array<i32>} : memref<48x128xf32, #tpu.memory_space<vmem>>, vector<16xf32>,
        %parallel_loop3A_408 = arith.addf %parallel_loop3A_404, %parallel_loop3A_407 : vector<16xf32>
        %parallel_loop3A_409 = arith.constant 2.000000e-01 : f32
        %parallel_loop3A_410 = vector.broadcast %parallel_loop3A_409 : f32 to vector<16xf32>
        %parallel_loop3A_411 = arith.mulf %parallel_loop3A_408, %parallel_loop3A_410 : vector<16xf32>
        %parallel_loop3A_412 = arith.maximumf %parallel_loop3A_408, %parallel_loop3A_411 : vector<16xf32>
        %parallel_loop3A_413 = arith.mulf %parallel_loop3A_412, %get3A_85 : vector<16xf32>
        %parallel_loop3A_414 = arith.index_cast %parallel_loop3A_216 : i32 to index
        %parallel_loop3A_415 = arith.constant 112 : index
        %parallel_loop3A_416 = tpu.vector_load %arg14[%parallel_loop3A_414, %parallel_loop3A_415] {strides = array<i32>} : memref<48x128xf32, #tpu.memory_space<vmem>>, vector<16xf32>,
        %parallel_loop3A_417 = arith.index_cast %parallel_loop3A_216 : i32 to index
        %parallel_loop3A_418 = arith.constant 112 : index
        %parallel_loop3A_419 = tpu.vector_load %arg15[%parallel_loop3A_417, %parallel_loop3A_418] {strides = array<i32>} : memref<48x128xf32, #tpu.memory_space<vmem>>, vector<16xf32>,
        %parallel_loop3A_420 = arith.addf %parallel_loop3A_416, %parallel_loop3A_419 : vector<16xf32>
        %parallel_loop3A_421 = arith.constant 2.000000e-01 : f32
        %parallel_loop3A_422 = vector.broadcast %parallel_loop3A_421 : f32 to vector<16xf32>
        %parallel_loop3A_423 = arith.mulf %parallel_loop3A_420, %parallel_loop3A_422 : vector<16xf32>
        %parallel_loop3A_424 = arith.maximumf %parallel_loop3A_420, %parallel_loop3A_423 : vector<16xf32>
        %parallel_loop3A_425 = arith.mulf %parallel_loop3A_424, %get3A_87 : vector<16xf32>
        %parallel_loop3A_426 = arith.addf %parallel_loop3A_341, %parallel_loop3A_353 : vector<16xf32>
        %parallel_loop3A_427 = arith.addf %parallel_loop3A_365, %parallel_loop3A_377 : vector<16xf32>
        %parallel_loop3A_428 = arith.addf %parallel_loop3A_426, %parallel_loop3A_427 : vector<16xf32>
        %parallel_loop3A_429 = arith.addf %parallel_loop3A_389, %parallel_loop3A_401 : vector<16xf32>
        %parallel_loop3A_430 = arith.addf %parallel_loop3A_413, %parallel_loop3A_425 : vector<16xf32>
        %parallel_loop3A_431 = arith.addf %parallel_loop3A_429, %parallel_loop3A_430 : vector<16xf32>
        %parallel_loop3A_432 = arith.addf %parallel_loop3A_428, %parallel_loop3A_431 : vector<16xf32>
        %parallel_loop3A_433 = arith.constant true
        %parallel_loop3A_434 = vector.broadcast %parallel_loop3A_433 : i1 to vector<16xi1>
        %parallel_loop3A_435 = tpu.scan <sum>, %parallel_loop3A_432 masked %parallel_loop3A_434 : vector<16xf32>, vector<16xi1> -> vector<16xf32>
        %parallel_loop3A_436 = vector.extract %parallel_loop3A_435[15] : f32 from vector<16xf32>
        %parallel_loop3A_437 = vector.broadcast %parallel_loop3A_436 : f32 to vector<16xf32>
        %parallel_loop3A_438 = math.exp %parallel_loop3A_437 : vector<16xf32>
        %parallel_loop3A_439 = arith.index_cast %parallel_loop3A_218 : i32 to index
        %parallel_loop3A_440 = arith.constant 0 : index
        %parallel_loop3A_441 = tpu.vector_load %arg14[%parallel_loop3A_439, %parallel_loop3A_440] {strides = array<i32>} : memref<48x128xf32, #tpu.memory_space<vmem>>, vector<16xf32>,
        %parallel_loop3A_442 = arith.index_cast %parallel_loop3A_218 : i32 to index
        %parallel_loop3A_443 = arith.constant 0 : index
        %parallel_loop3A_444 = tpu.vector_load %arg15[%parallel_loop3A_442, %parallel_loop3A_443] {strides = array<i32>} : memref<48x128xf32, #tpu.memory_space<vmem>>, vector<16xf32>,
        %parallel_loop3A_445 = arith.addf %parallel_loop3A_441, %parallel_loop3A_444 : vector<16xf32>
        %parallel_loop3A_446 = arith.constant 2.000000e-01 : f32
        %parallel_loop3A_447 = vector.broadcast %parallel_loop3A_446 : f32 to vector<16xf32>
        %parallel_loop3A_448 = arith.mulf %parallel_loop3A_445, %parallel_loop3A_447 : vector<16xf32>
        %parallel_loop3A_449 = arith.maximumf %parallel_loop3A_445, %parallel_loop3A_448 : vector<16xf32>
        %parallel_loop3A_450 = arith.mulf %parallel_loop3A_449, %get3A_73 : vector<16xf32>
        %parallel_loop3A_451 = arith.index_cast %parallel_loop3A_218 : i32 to index
        %parallel_loop3A_452 = arith.constant 16 : index
        %parallel_loop3A_453 = tpu.vector_load %arg14[%parallel_loop3A_451, %parallel_loop3A_452] {strides = array<i32>} : memref<48x128xf32, #tpu.memory_space<vmem>>, vector<16xf32>,
        %parallel_loop3A_454 = arith.index_cast %parallel_loop3A_218 : i32 to index
        %parallel_loop3A_455 = arith.constant 16 : index
        %parallel_loop3A_456 = tpu.vector_load %arg15[%parallel_loop3A_454, %parallel_loop3A_455] {strides = array<i32>} : memref<48x128xf32, #tpu.memory_space<vmem>>, vector<16xf32>,
        %parallel_loop3A_457 = arith.addf %parallel_loop3A_453, %parallel_loop3A_456 : vector<16xf32>
        %parallel_loop3A_458 = arith.constant 2.000000e-01 : f32
        %parallel_loop3A_459 = vector.broadcast %parallel_loop3A_458 : f32 to vector<16xf32>
        %parallel_loop3A_460 = arith.mulf %parallel_loop3A_457, %parallel_loop3A_459 : vector<16xf32>
        %parallel_loop3A_461 = arith.maximumf %parallel_loop3A_457, %parallel_loop3A_460 : vector<16xf32>
        %parallel_loop3A_462 = arith.mulf %parallel_loop3A_461, %get3A_75 : vector<16xf32>
        %parallel_loop3A_463 = arith.index_cast %parallel_loop3A_218 : i32 to index
        %parallel_loop3A_464 = arith.constant 32 : index
        %parallel_loop3A_465 = tpu.vector_load %arg14[%parallel_loop3A_463, %parallel_loop3A_464] {strides = array<i32>} : memref<48x128xf32, #tpu.memory_space<vmem>>, vector<16xf32>,
        %parallel_loop3A_466 = arith.index_cast %parallel_loop3A_218 : i32 to index
        %parallel_loop3A_467 = arith.constant 32 : index
        %parallel_loop3A_468 = tpu.vector_load %arg15[%parallel_loop3A_466, %parallel_loop3A_467] {strides = array<i32>} : memref<48x128xf32, #tpu.memory_space<vmem>>, vector<16xf32>,
        %parallel_loop3A_469 = arith.addf %parallel_loop3A_465, %parallel_loop3A_468 : vector<16xf32>
        %parallel_loop3A_470 = arith.constant 2.000000e-01 : f32
        %parallel_loop3A_471 = vector.broadcast %parallel_loop3A_470 : f32 to vector<16xf32>
        %parallel_loop3A_472 = arith.mulf %parallel_loop3A_469, %parallel_loop3A_471 : vector<16xf32>
        %parallel_loop3A_473 = arith.maximumf %parallel_loop3A_469, %parallel_loop3A_472 : vector<16xf32>
        %parallel_loop3A_474 = arith.mulf %parallel_loop3A_473, %get3A_77 : vector<16xf32>
        %parallel_loop3A_475 = arith.index_cast %parallel_loop3A_218 : i32 to index
        %parallel_loop3A_476 = arith.constant 48 : index
        %parallel_loop3A_477 = tpu.vector_load %arg14[%parallel_loop3A_475, %parallel_loop3A_476] {strides = array<i32>} : memref<48x128xf32, #tpu.memory_space<vmem>>, vector<16xf32>,
        %parallel_loop3A_478 = arith.index_cast %parallel_loop3A_218 : i32 to index
        %parallel_loop3A_479 = arith.constant 48 : index
        %parallel_loop3A_480 = tpu.vector_load %arg15[%parallel_loop3A_478, %parallel_loop3A_479] {strides = array<i32>} : memref<48x128xf32, #tpu.memory_space<vmem>>, vector<16xf32>,
        %parallel_loop3A_481 = arith.addf %parallel_loop3A_477, %parallel_loop3A_480 : vector<16xf32>
        %parallel_loop3A_482 = arith.constant 2.000000e-01 : f32
        %parallel_loop3A_483 = vector.broadcast %parallel_loop3A_482 : f32 to vector<16xf32>
        %parallel_loop3A_484 = arith.mulf %parallel_loop3A_481, %parallel_loop3A_483 : vector<16xf32>
        %parallel_loop3A_485 = arith.maximumf %parallel_loop3A_481, %parallel_loop3A_484 : vector<16xf32>
        %parallel_loop3A_486 = arith.mulf %parallel_loop3A_485, %get3A_79 : vector<16xf32>
        %parallel_loop3A_487 = arith.index_cast %parallel_loop3A_218 : i32 to index
        %parallel_loop3A_488 = arith.constant 64 : index
        %parallel_loop3A_489 = tpu.vector_load %arg14[%parallel_loop3A_487, %parallel_loop3A_488] {strides = array<i32>} : memref<48x128xf32, #tpu.memory_space<vmem>>, vector<16xf32>,
        %parallel_loop3A_490 = arith.index_cast %parallel_loop3A_218 : i32 to index
        %parallel_loop3A_491 = arith.constant 64 : index
        %parallel_loop3A_492 = tpu.vector_load %arg15[%parallel_loop3A_490, %parallel_loop3A_491] {strides = array<i32>} : memref<48x128xf32, #tpu.memory_space<vmem>>, vector<16xf32>,
        %parallel_loop3A_493 = arith.addf %parallel_loop3A_489, %parallel_loop3A_492 : vector<16xf32>
        %parallel_loop3A_494 = arith.constant 2.000000e-01 : f32
        %parallel_loop3A_495 = vector.broadcast %parallel_loop3A_494 : f32 to vector<16xf32>
        %parallel_loop3A_496 = arith.mulf %parallel_loop3A_493, %parallel_loop3A_495 : vector<16xf32>
        %parallel_loop3A_497 = arith.maximumf %parallel_loop3A_493, %parallel_loop3A_496 : vector<16xf32>
        %parallel_loop3A_498 = arith.mulf %parallel_loop3A_497, %get3A_81 : vector<16xf32>
        %parallel_loop3A_499 = arith.index_cast %parallel_loop3A_218 : i32 to index
        %parallel_loop3A_500 = arith.constant 80 : index
        %parallel_loop3A_501 = tpu.vector_load %arg14[%parallel_loop3A_499, %parallel_loop3A_500] {strides = array<i32>} : memref<48x128xf32, #tpu.memory_space<vmem>>, vector<16xf32>,
        %parallel_loop3A_502 = arith.index_cast %parallel_loop3A_218 : i32 to index
        %parallel_loop3A_503 = arith.constant 80 : index
        %parallel_loop3A_504 = tpu.vector_load %arg15[%parallel_loop3A_502, %parallel_loop3A_503] {strides = array<i32>} : memref<48x128xf32, #tpu.memory_space<vmem>>, vector<16xf32>,
        %parallel_loop3A_505 = arith.addf %parallel_loop3A_501, %parallel_loop3A_504 : vector<16xf32>
        %parallel_loop3A_506 = arith.constant 2.000000e-01 : f32
        %parallel_loop3A_507 = vector.broadcast %parallel_loop3A_506 : f32 to vector<16xf32>
        %parallel_loop3A_508 = arith.mulf %parallel_loop3A_505, %parallel_loop3A_507 : vector<16xf32>
        %parallel_loop3A_509 = arith.maximumf %parallel_loop3A_505, %parallel_loop3A_508 : vector<16xf32>
        %parallel_loop3A_510 = arith.mulf %parallel_loop3A_509, %get3A_83 : vector<16xf32>
        %parallel_loop3A_511 = arith.index_cast %parallel_loop3A_218 : i32 to index
        %parallel_loop3A_512 = arith.constant 96 : index
        %parallel_loop3A_513 = tpu.vector_load %arg14[%parallel_loop3A_511, %parallel_loop3A_512] {strides = array<i32>} : memref<48x128xf32, #tpu.memory_space<vmem>>, vector<16xf32>,
        %parallel_loop3A_514 = arith.index_cast %parallel_loop3A_218 : i32 to index
        %parallel_loop3A_515 = arith.constant 96 : index
        %parallel_loop3A_516 = tpu.vector_load %arg15[%parallel_loop3A_514, %parallel_loop3A_515] {strides = array<i32>} : memref<48x128xf32, #tpu.memory_space<vmem>>, vector<16xf32>,
        %parallel_loop3A_517 = arith.addf %parallel_loop3A_513, %parallel_loop3A_516 : vector<16xf32>
        %parallel_loop3A_518 = arith.constant 2.000000e-01 : f32
        %parallel_loop3A_519 = vector.broadcast %parallel_loop3A_518 : f32 to vector<16xf32>
        %parallel_loop3A_520 = arith.mulf %parallel_loop3A_517, %parallel_loop3A_519 : vector<16xf32>
        %parallel_loop3A_521 = arith.maximumf %parallel_loop3A_517, %parallel_loop3A_520 : vector<16xf32>
        %parallel_loop3A_522 = arith.mulf %parallel_loop3A_521, %get3A_85 : vector<16xf32>
        %parallel_loop3A_523 = arith.index_cast %parallel_loop3A_218 : i32 to index
        %parallel_loop3A_524 = arith.constant 112 : index
        %parallel_loop3A_525 = tpu.vector_load %arg14[%parallel_loop3A_523, %parallel_loop3A_524] {strides = array<i32>} : memref<48x128xf32, #tpu.memory_space<vmem>>, vector<16xf32>,
        %parallel_loop3A_526 = arith.index_cast %parallel_loop3A_218 : i32 to index
        %parallel_loop3A_527 = arith.constant 112 : index
        %parallel_loop3A_528 = tpu.vector_load %arg15[%parallel_loop3A_526, %parallel_loop3A_527] {strides = array<i32>} : memref<48x128xf32, #tpu.memory_space<vmem>>, vector<16xf32>,
        %parallel_loop3A_529 = arith.addf %parallel_loop3A_525, %parallel_loop3A_528 : vector<16xf32>
        %parallel_loop3A_530 = arith.constant 2.000000e-01 : f32
        %parallel_loop3A_531 = vector.broadcast %parallel_loop3A_530 : f32 to vector<16xf32>
        %parallel_loop3A_532 = arith.mulf %parallel_loop3A_529, %parallel_loop3A_531 : vector<16xf32>
        %parallel_loop3A_533 = arith.maximumf %parallel_loop3A_529, %parallel_loop3A_532 : vector<16xf32>
        %parallel_loop3A_534 = arith.mulf %parallel_loop3A_533, %get3A_87 : vector<16xf32>
        %parallel_loop3A_535 = arith.addf %parallel_loop3A_450, %parallel_loop3A_462 : vector<16xf32>
        %parallel_loop3A_536 = arith.addf %parallel_loop3A_474, %parallel_loop3A_486 : vector<16xf32>
        %parallel_loop3A_537 = arith.addf %parallel_loop3A_535, %parallel_loop3A_536 : vector<16xf32>
        %parallel_loop3A_538 = arith.addf %parallel_loop3A_498, %parallel_loop3A_510 : vector<16xf32>
        %parallel_loop3A_539 = arith.addf %parallel_loop3A_522, %parallel_loop3A_534 : vector<16xf32>
        %parallel_loop3A_540 = arith.addf %parallel_loop3A_538, %parallel_loop3A_539 : vector<16xf32>
        %parallel_loop3A_541 = arith.addf %parallel_loop3A_537, %parallel_loop3A_540 : vector<16xf32>
        %parallel_loop3A_542 = arith.constant true
        %parallel_loop3A_543 = vector.broadcast %parallel_loop3A_542 : i1 to vector<16xi1>
        %parallel_loop3A_544 = tpu.scan <sum>, %parallel_loop3A_541 masked %parallel_loop3A_543 : vector<16xf32>, vector<16xi1> -> vector<16xf32>
        %parallel_loop3A_545 = vector.extract %parallel_loop3A_544[15] : f32 from vector<16xf32>
        %parallel_loop3A_546 = vector.broadcast %parallel_loop3A_545 : f32 to vector<16xf32>
        %parallel_loop3A_547 = math.exp %parallel_loop3A_546 : vector<16xf32>
        %parallel_loop3A_548 = arith.index_cast %parallel_loop3A_220 : i32 to index
        %parallel_loop3A_549 = arith.constant 0 : index
        %parallel_loop3A_550 = tpu.vector_load %arg14[%parallel_loop3A_548, %parallel_loop3A_549] {strides = array<i32>} : memref<48x128xf32, #tpu.memory_space<vmem>>, vector<16xf32>,
        %parallel_loop3A_551 = arith.index_cast %parallel_loop3A_220 : i32 to index
        %parallel_loop3A_552 = arith.constant 0 : index
        %parallel_loop3A_553 = tpu.vector_load %arg15[%parallel_loop3A_551, %parallel_loop3A_552] {strides = array<i32>} : memref<48x128xf32, #tpu.memory_space<vmem>>, vector<16xf32>,
        %parallel_loop3A_554 = arith.addf %parallel_loop3A_550, %parallel_loop3A_553 : vector<16xf32>
        %parallel_loop3A_555 = arith.constant 2.000000e-01 : f32
        %parallel_loop3A_556 = vector.broadcast %parallel_loop3A_555 : f32 to vector<16xf32>
        %parallel_loop3A_557 = arith.mulf %parallel_loop3A_554, %parallel_loop3A_556 : vector<16xf32>
        %parallel_loop3A_558 = arith.maximumf %parallel_loop3A_554, %parallel_loop3A_557 : vector<16xf32>
        %parallel_loop3A_559 = arith.mulf %parallel_loop3A_558, %get3A_73 : vector<16xf32>
        %parallel_loop3A_560 = arith.index_cast %parallel_loop3A_220 : i32 to index
        %parallel_loop3A_561 = arith.constant 16 : index
        %parallel_loop3A_562 = tpu.vector_load %arg14[%parallel_loop3A_560, %parallel_loop3A_561] {strides = array<i32>} : memref<48x128xf32, #tpu.memory_space<vmem>>, vector<16xf32>,
        %parallel_loop3A_563 = arith.index_cast %parallel_loop3A_220 : i32 to index
        %parallel_loop3A_564 = arith.constant 16 : index
        %parallel_loop3A_565 = tpu.vector_load %arg15[%parallel_loop3A_563, %parallel_loop3A_564] {strides = array<i32>} : memref<48x128xf32, #tpu.memory_space<vmem>>, vector<16xf32>,
        %parallel_loop3A_566 = arith.addf %parallel_loop3A_562, %parallel_loop3A_565 : vector<16xf32>
        %parallel_loop3A_567 = arith.constant 2.000000e-01 : f32
        %parallel_loop3A_568 = vector.broadcast %parallel_loop3A_567 : f32 to vector<16xf32>
        %parallel_loop3A_569 = arith.mulf %parallel_loop3A_566, %parallel_loop3A_568 : vector<16xf32>
        %parallel_loop3A_570 = arith.maximumf %parallel_loop3A_566, %parallel_loop3A_569 : vector<16xf32>
        %parallel_loop3A_571 = arith.mulf %parallel_loop3A_570, %get3A_75 : vector<16xf32>
        %parallel_loop3A_572 = arith.index_cast %parallel_loop3A_220 : i32 to index
        %parallel_loop3A_573 = arith.constant 32 : index
        %parallel_loop3A_574 = tpu.vector_load %arg14[%parallel_loop3A_572, %parallel_loop3A_573] {strides = array<i32>} : memref<48x128xf32, #tpu.memory_space<vmem>>, vector<16xf32>,
        %parallel_loop3A_575 = arith.index_cast %parallel_loop3A_220 : i32 to index
        %parallel_loop3A_576 = arith.constant 32 : index
        %parallel_loop3A_577 = tpu.vector_load %arg15[%parallel_loop3A_575, %parallel_loop3A_576] {strides = array<i32>} : memref<48x128xf32, #tpu.memory_space<vmem>>, vector<16xf32>,
        %parallel_loop3A_578 = arith.addf %parallel_loop3A_574, %parallel_loop3A_577 : vector<16xf32>
        %parallel_loop3A_579 = arith.constant 2.000000e-01 : f32
        %parallel_loop3A_580 = vector.broadcast %parallel_loop3A_579 : f32 to vector<16xf32>
        %parallel_loop3A_581 = arith.mulf %parallel_loop3A_578, %parallel_loop3A_580 : vector<16xf32>
        %parallel_loop3A_582 = arith.maximumf %parallel_loop3A_578, %parallel_loop3A_581 : vector<16xf32>
        %parallel_loop3A_583 = arith.mulf %parallel_loop3A_582, %get3A_77 : vector<16xf32>
        %parallel_loop3A_584 = arith.index_cast %parallel_loop3A_220 : i32 to index
        %parallel_loop3A_585 = arith.constant 48 : index
        %parallel_loop3A_586 = tpu.vector_load %arg14[%parallel_loop3A_584, %parallel_loop3A_585] {strides = array<i32>} : memref<48x128xf32, #tpu.memory_space<vmem>>, vector<16xf32>,
        %parallel_loop3A_587 = arith.index_cast %parallel_loop3A_220 : i32 to index
        %parallel_loop3A_588 = arith.constant 48 : index
        %parallel_loop3A_589 = tpu.vector_load %arg15[%parallel_loop3A_587, %parallel_loop3A_588] {strides = array<i32>} : memref<48x128xf32, #tpu.memory_space<vmem>>, vector<16xf32>,
        %parallel_loop3A_590 = arith.addf %parallel_loop3A_586, %parallel_loop3A_589 : vector<16xf32>
        %parallel_loop3A_591 = arith.constant 2.000000e-01 : f32
        %parallel_loop3A_592 = vector.broadcast %parallel_loop3A_591 : f32 to vector<16xf32>
        %parallel_loop3A_593 = arith.mulf %parallel_loop3A_590, %parallel_loop3A_592 : vector<16xf32>
        %parallel_loop3A_594 = arith.maximumf %parallel_loop3A_590, %parallel_loop3A_593 : vector<16xf32>
        %parallel_loop3A_595 = arith.mulf %parallel_loop3A_594, %get3A_79 : vector<16xf32>
        %parallel_loop3A_596 = arith.index_cast %parallel_loop3A_220 : i32 to index
        %parallel_loop3A_597 = arith.constant 64 : index
        %parallel_loop3A_598 = tpu.vector_load %arg14[%parallel_loop3A_596, %parallel_loop3A_597] {strides = array<i32>} : memref<48x128xf32, #tpu.memory_space<vmem>>, vector<16xf32>,
        %parallel_loop3A_599 = arith.index_cast %parallel_loop3A_220 : i32 to index
        %parallel_loop3A_600 = arith.constant 64 : index
        %parallel_loop3A_601 = tpu.vector_load %arg15[%parallel_loop3A_599, %parallel_loop3A_600] {strides = array<i32>} : memref<48x128xf32, #tpu.memory_space<vmem>>, vector<16xf32>,
        %parallel_loop3A_602 = arith.addf %parallel_loop3A_598, %parallel_loop3A_601 : vector<16xf32>
        %parallel_loop3A_603 = arith.constant 2.000000e-01 : f32
        %parallel_loop3A_604 = vector.broadcast %parallel_loop3A_603 : f32 to vector<16xf32>
        %parallel_loop3A_605 = arith.mulf %parallel_loop3A_602, %parallel_loop3A_604 : vector<16xf32>
        %parallel_loop3A_606 = arith.maximumf %parallel_loop3A_602, %parallel_loop3A_605 : vector<16xf32>
        %parallel_loop3A_607 = arith.mulf %parallel_loop3A_606, %get3A_81 : vector<16xf32>
        %parallel_loop3A_608 = arith.index_cast %parallel_loop3A_220 : i32 to index
        %parallel_loop3A_609 = arith.constant 80 : index
        %parallel_loop3A_610 = tpu.vector_load %arg14[%parallel_loop3A_608, %parallel_loop3A_609] {strides = array<i32>} : memref<48x128xf32, #tpu.memory_space<vmem>>, vector<16xf32>,
        %parallel_loop3A_611 = arith.index_cast %parallel_loop3A_220 : i32 to index
        %parallel_loop3A_612 = arith.constant 80 : index
        %parallel_loop3A_613 = tpu.vector_load %arg15[%parallel_loop3A_611, %parallel_loop3A_612] {strides = array<i32>} : memref<48x128xf32, #tpu.memory_space<vmem>>, vector<16xf32>,
        %parallel_loop3A_614 = arith.addf %parallel_loop3A_610, %parallel_loop3A_613 : vector<16xf32>
        %parallel_loop3A_615 = arith.constant 2.000000e-01 : f32
        %parallel_loop3A_616 = vector.broadcast %parallel_loop3A_615 : f32 to vector<16xf32>
        %parallel_loop3A_617 = arith.mulf %parallel_loop3A_614, %parallel_loop3A_616 : vector<16xf32>
        %parallel_loop3A_618 = arith.maximumf %parallel_loop3A_614, %parallel_loop3A_617 : vector<16xf32>
        %parallel_loop3A_619 = arith.mulf %parallel_loop3A_618, %get3A_83 : vector<16xf32>
        %parallel_loop3A_620 = arith.index_cast %parallel_loop3A_220 : i32 to index
        %parallel_loop3A_621 = arith.constant 96 : index
        %parallel_loop3A_622 = tpu.vector_load %arg14[%parallel_loop3A_620, %parallel_loop3A_621] {strides = array<i32>} : memref<48x128xf32, #tpu.memory_space<vmem>>, vector<16xf32>,
        %parallel_loop3A_623 = arith.index_cast %parallel_loop3A_220 : i32 to index
        %parallel_loop3A_624 = arith.constant 96 : index
        %parallel_loop3A_625 = tpu.vector_load %arg15[%parallel_loop3A_623, %parallel_loop3A_624] {strides = array<i32>} : memref<48x128xf32, #tpu.memory_space<vmem>>, vector<16xf32>,
        %parallel_loop3A_626 = arith.addf %parallel_loop3A_622, %parallel_loop3A_625 : vector<16xf32>
        %parallel_loop3A_627 = arith.constant 2.000000e-01 : f32
        %parallel_loop3A_628 = vector.broadcast %parallel_loop3A_627 : f32 to vector<16xf32>
        %parallel_loop3A_629 = arith.mulf %parallel_loop3A_626, %parallel_loop3A_628 : vector<16xf32>
        %parallel_loop3A_630 = arith.maximumf %parallel_loop3A_626, %parallel_loop3A_629 : vector<16xf32>
        %parallel_loop3A_631 = arith.mulf %parallel_loop3A_630, %get3A_85 : vector<16xf32>
        %parallel_loop3A_632 = arith.index_cast %parallel_loop3A_220 : i32 to index
        %parallel_loop3A_633 = arith.constant 112 : index
        %parallel_loop3A_634 = tpu.vector_load %arg14[%parallel_loop3A_632, %parallel_loop3A_633] {strides = array<i32>} : memref<48x128xf32, #tpu.memory_space<vmem>>, vector<16xf32>,
        %parallel_loop3A_635 = arith.index_cast %parallel_loop3A_220 : i32 to index
        %parallel_loop3A_636 = arith.constant 112 : index
        %parallel_loop3A_637 = tpu.vector_load %arg15[%parallel_loop3A_635, %parallel_loop3A_636] {strides = array<i32>} : memref<48x128xf32, #tpu.memory_space<vmem>>, vector<16xf32>,
        %parallel_loop3A_638 = arith.addf %parallel_loop3A_634, %parallel_loop3A_637 : vector<16xf32>
        %parallel_loop3A_639 = arith.constant 2.000000e-01 : f32
        %parallel_loop3A_640 = vector.broadcast %parallel_loop3A_639 : f32 to vector<16xf32>
        %parallel_loop3A_641 = arith.mulf %parallel_loop3A_638, %parallel_loop3A_640 : vector<16xf32>
        %parallel_loop3A_642 = arith.maximumf %parallel_loop3A_638, %parallel_loop3A_641 : vector<16xf32>
        %parallel_loop3A_643 = arith.mulf %parallel_loop3A_642, %get3A_87 : vector<16xf32>
        %parallel_loop3A_644 = arith.addf %parallel_loop3A_559, %parallel_loop3A_571 : vector<16xf32>
        %parallel_loop3A_645 = arith.addf %parallel_loop3A_583, %parallel_loop3A_595 : vector<16xf32>
        %parallel_loop3A_646 = arith.addf %parallel_loop3A_644, %parallel_loop3A_645 : vector<16xf32>
        %parallel_loop3A_647 = arith.addf %parallel_loop3A_607, %parallel_loop3A_619 : vector<16xf32>
        %parallel_loop3A_648 = arith.addf %parallel_loop3A_631, %parallel_loop3A_643 : vector<16xf32>
        %parallel_loop3A_649 = arith.addf %parallel_loop3A_647, %parallel_loop3A_648 : vector<16xf32>
        %parallel_loop3A_650 = arith.addf %parallel_loop3A_646, %parallel_loop3A_649 : vector<16xf32>
        %parallel_loop3A_651 = arith.constant true
        %parallel_loop3A_652 = vector.broadcast %parallel_loop3A_651 : i1 to vector<16xi1>
        %parallel_loop3A_653 = tpu.scan <sum>, %parallel_loop3A_650 masked %parallel_loop3A_652 : vector<16xf32>, vector<16xi1> -> vector<16xf32>
        %parallel_loop3A_654 = vector.extract %parallel_loop3A_653[15] : f32 from vector<16xf32>
        %parallel_loop3A_655 = vector.broadcast %parallel_loop3A_654 : f32 to vector<16xf32>
        %parallel_loop3A_656 = math.exp %parallel_loop3A_655 : vector<16xf32>
        %parallel_loop3A_657 = arith.mulf %parallel_loop3A_223, %parallel_loop3A_329 : vector<16xf32>
        %parallel_loop3A_658 = arith.index_cast %parallel_loop3A_214 : i32 to index
        %parallel_loop3A_659 = arith.constant 0 : index
        %parallel_loop3A_660 = tpu.vector_load %arg14[%parallel_loop3A_658, %parallel_loop3A_659] {strides = array<i32>} : memref<48x128xf32, #tpu.memory_space<vmem>>, vector<16xf32>,
        tpu.vector_store %arg14[%parallel_loop3A_658, %parallel_loop3A_659], %parallel_loop3A_657 {strides = array<i32>} : memref<48x128xf32, #tpu.memory_space<vmem>>, vector<16xf32>,
        %parallel_loop3A_661 = arith.mulf %parallel_loop3A_235, %parallel_loop3A_329 : vector<16xf32>
        %parallel_loop3A_662 = arith.index_cast %parallel_loop3A_214 : i32 to index
        %parallel_loop3A_663 = arith.constant 16 : index
        %parallel_loop3A_664 = tpu.vector_load %arg14[%parallel_loop3A_662, %parallel_loop3A_663] {strides = array<i32>} : memref<48x128xf32, #tpu.memory_space<vmem>>, vector<16xf32>,
        tpu.vector_store %arg14[%parallel_loop3A_662, %parallel_loop3A_663], %parallel_loop3A_661 {strides = array<i32>} : memref<48x128xf32, #tpu.memory_space<vmem>>, vector<16xf32>,
        %parallel_loop3A_665 = arith.mulf %parallel_loop3A_247, %parallel_loop3A_329 : vector<16xf32>
        %parallel_loop3A_666 = arith.index_cast %parallel_loop3A_214 : i32 to index
        %parallel_loop3A_667 = arith.constant 32 : index
        %parallel_loop3A_668 = tpu.vector_load %arg14[%parallel_loop3A_666, %parallel_loop3A_667] {strides = array<i32>} : memref<48x128xf32, #tpu.memory_space<vmem>>, vector<16xf32>,
        tpu.vector_store %arg14[%parallel_loop3A_666, %parallel_loop3A_667], %parallel_loop3A_665 {strides = array<i32>} : memref<48x128xf32, #tpu.memory_space<vmem>>, vector<16xf32>,
        %parallel_loop3A_669 = arith.mulf %parallel_loop3A_259, %parallel_loop3A_329 : vector<16xf32>
        %parallel_loop3A_670 = arith.index_cast %parallel_loop3A_214 : i32 to index
        %parallel_loop3A_671 = arith.constant 48 : index
        %parallel_loop3A_672 = tpu.vector_load %arg14[%parallel_loop3A_670, %parallel_loop3A_671] {strides = array<i32>} : memref<48x128xf32, #tpu.memory_space<vmem>>, vector<16xf32>,
        tpu.vector_store %arg14[%parallel_loop3A_670, %parallel_loop3A_671], %parallel_loop3A_669 {strides = array<i32>} : memref<48x128xf32, #tpu.memory_space<vmem>>, vector<16xf32>,
        %parallel_loop3A_673 = arith.mulf %parallel_loop3A_271, %parallel_loop3A_329 : vector<16xf32>
        %parallel_loop3A_674 = arith.index_cast %parallel_loop3A_214 : i32 to index
        %parallel_loop3A_675 = arith.constant 64 : index
        %parallel_loop3A_676 = tpu.vector_load %arg14[%parallel_loop3A_674, %parallel_loop3A_675] {strides = array<i32>} : memref<48x128xf32, #tpu.memory_space<vmem>>, vector<16xf32>,
        tpu.vector_store %arg14[%parallel_loop3A_674, %parallel_loop3A_675], %parallel_loop3A_673 {strides = array<i32>} : memref<48x128xf32, #tpu.memory_space<vmem>>, vector<16xf32>,
        %parallel_loop3A_677 = arith.mulf %parallel_loop3A_283, %parallel_loop3A_329 : vector<16xf32>
        %parallel_loop3A_678 = arith.index_cast %parallel_loop3A_214 : i32 to index
        %parallel_loop3A_679 = arith.constant 80 : index
        %parallel_loop3A_680 = tpu.vector_load %arg14[%parallel_loop3A_678, %parallel_loop3A_679] {strides = array<i32>} : memref<48x128xf32, #tpu.memory_space<vmem>>, vector<16xf32>,
        tpu.vector_store %arg14[%parallel_loop3A_678, %parallel_loop3A_679], %parallel_loop3A_677 {strides = array<i32>} : memref<48x128xf32, #tpu.memory_space<vmem>>, vector<16xf32>,
        %parallel_loop3A_681 = arith.mulf %parallel_loop3A_295, %parallel_loop3A_329 : vector<16xf32>
        %parallel_loop3A_682 = arith.index_cast %parallel_loop3A_214 : i32 to index
        %parallel_loop3A_683 = arith.constant 96 : index
        %parallel_loop3A_684 = tpu.vector_load %arg14[%parallel_loop3A_682, %parallel_loop3A_683] {strides = array<i32>} : memref<48x128xf32, #tpu.memory_space<vmem>>, vector<16xf32>,
        tpu.vector_store %arg14[%parallel_loop3A_682, %parallel_loop3A_683], %parallel_loop3A_681 {strides = array<i32>} : memref<48x128xf32, #tpu.memory_space<vmem>>, vector<16xf32>,
        %parallel_loop3A_685 = arith.mulf %parallel_loop3A_307, %parallel_loop3A_329 : vector<16xf32>
        %parallel_loop3A_686 = arith.index_cast %parallel_loop3A_214 : i32 to index
        %parallel_loop3A_687 = arith.constant 112 : index
        %parallel_loop3A_688 = tpu.vector_load %arg14[%parallel_loop3A_686, %parallel_loop3A_687] {strides = array<i32>} : memref<48x128xf32, #tpu.memory_space<vmem>>, vector<16xf32>,
        tpu.vector_store %arg14[%parallel_loop3A_686, %parallel_loop3A_687], %parallel_loop3A_685 {strides = array<i32>} : memref<48x128xf32, #tpu.memory_space<vmem>>, vector<16xf32>,
        %parallel_loop3A_689 = vector.broadcast %parallel_loop3A_214 : i32 to vector<16xi32>
        tpu.vector_store_idx %arg21[%parallel_loop3A_689], %parallel_loop3A_329 masked %eq3A_5 : memref<48xf32, #tpu.memory_space<vmem>>[vector<16xi32>], vector<16xf32>, vector<16xi1>
        %parallel_loop3A_690 = arith.mulf %parallel_loop3A_332, %parallel_loop3A_438 : vector<16xf32>
        %parallel_loop3A_691 = arith.index_cast %parallel_loop3A_216 : i32 to index
        %parallel_loop3A_692 = arith.constant 0 : index
        %parallel_loop3A_693 = tpu.vector_load %arg14[%parallel_loop3A_691, %parallel_loop3A_692] {strides = array<i32>} : memref<48x128xf32, #tpu.memory_space<vmem>>, vector<16xf32>,
        tpu.vector_store %arg14[%parallel_loop3A_691, %parallel_loop3A_692], %parallel_loop3A_690 {strides = array<i32>} : memref<48x128xf32, #tpu.memory_space<vmem>>, vector<16xf32>,
        %parallel_loop3A_694 = arith.mulf %parallel_loop3A_344, %parallel_loop3A_438 : vector<16xf32>
        %parallel_loop3A_695 = arith.index_cast %parallel_loop3A_216 : i32 to index
        %parallel_loop3A_696 = arith.constant 16 : index
        %parallel_loop3A_697 = tpu.vector_load %arg14[%parallel_loop3A_695, %parallel_loop3A_696] {strides = array<i32>} : memref<48x128xf32, #tpu.memory_space<vmem>>, vector<16xf32>,
        tpu.vector_store %arg14[%parallel_loop3A_695, %parallel_loop3A_696], %parallel_loop3A_694 {strides = array<i32>} : memref<48x128xf32, #tpu.memory_space<vmem>>, vector<16xf32>,
        %parallel_loop3A_698 = arith.mulf %parallel_loop3A_356, %parallel_loop3A_438 : vector<16xf32>
        %parallel_loop3A_699 = arith.index_cast %parallel_loop3A_216 : i32 to index
        %parallel_loop3A_700 = arith.constant 32 : index
        %parallel_loop3A_701 = tpu.vector_load %arg14[%parallel_loop3A_699, %parallel_loop3A_700] {strides = array<i32>} : memref<48x128xf32, #tpu.memory_space<vmem>>, vector<16xf32>,
        tpu.vector_store %arg14[%parallel_loop3A_699, %parallel_loop3A_700], %parallel_loop3A_698 {strides = array<i32>} : memref<48x128xf32, #tpu.memory_space<vmem>>, vector<16xf32>,
        %parallel_loop3A_702 = arith.mulf %parallel_loop3A_368, %parallel_loop3A_438 : vector<16xf32>
        %parallel_loop3A_703 = arith.index_cast %parallel_loop3A_216 : i32 to index
        %parallel_loop3A_704 = arith.constant 48 : index
        %parallel_loop3A_705 = tpu.vector_load %arg14[%parallel_loop3A_703, %parallel_loop3A_704] {strides = array<i32>} : memref<48x128xf32, #tpu.memory_space<vmem>>, vector<16xf32>,
        tpu.vector_store %arg14[%parallel_loop3A_703, %parallel_loop3A_704], %parallel_loop3A_702 {strides = array<i32>} : memref<48x128xf32, #tpu.memory_space<vmem>>, vector<16xf32>,
        %parallel_loop3A_706 = arith.mulf %parallel_loop3A_380, %parallel_loop3A_438 : vector<16xf32>
        %parallel_loop3A_707 = arith.index_cast %parallel_loop3A_216 : i32 to index
        %parallel_loop3A_708 = arith.constant 64 : index
        %parallel_loop3A_709 = tpu.vector_load %arg14[%parallel_loop3A_707, %parallel_loop3A_708] {strides = array<i32>} : memref<48x128xf32, #tpu.memory_space<vmem>>, vector<16xf32>,
        tpu.vector_store %arg14[%parallel_loop3A_707, %parallel_loop3A_708], %parallel_loop3A_706 {strides = array<i32>} : memref<48x128xf32, #tpu.memory_space<vmem>>, vector<16xf32>,
        %parallel_loop3A_710 = arith.mulf %parallel_loop3A_392, %parallel_loop3A_438 : vector<16xf32>
        %parallel_loop3A_711 = arith.index_cast %parallel_loop3A_216 : i32 to index
        %parallel_loop3A_712 = arith.constant 80 : index
        %parallel_loop3A_713 = tpu.vector_load %arg14[%parallel_loop3A_711, %parallel_loop3A_712] {strides = array<i32>} : memref<48x128xf32, #tpu.memory_space<vmem>>, vector<16xf32>,
        tpu.vector_store %arg14[%parallel_loop3A_711, %parallel_loop3A_712], %parallel_loop3A_710 {strides = array<i32>} : memref<48x128xf32, #tpu.memory_space<vmem>>, vector<16xf32>,
        %parallel_loop3A_714 = arith.mulf %parallel_loop3A_404, %parallel_loop3A_438 : vector<16xf32>
        %parallel_loop3A_715 = arith.index_cast %parallel_loop3A_216 : i32 to index
        %parallel_loop3A_716 = arith.constant 96 : index
        %parallel_loop3A_717 = tpu.vector_load %arg14[%parallel_loop3A_715, %parallel_loop3A_716] {strides = array<i32>} : memref<48x128xf32, #tpu.memory_space<vmem>>, vector<16xf32>,
        tpu.vector_store %arg14[%parallel_loop3A_715, %parallel_loop3A_716], %parallel_loop3A_714 {strides = array<i32>} : memref<48x128xf32, #tpu.memory_space<vmem>>, vector<16xf32>,
        %parallel_loop3A_718 = arith.mulf %parallel_loop3A_416, %parallel_loop3A_438 : vector<16xf32>
        %parallel_loop3A_719 = arith.index_cast %parallel_loop3A_216 : i32 to index
        %parallel_loop3A_720 = arith.constant 112 : index
        %parallel_loop3A_721 = tpu.vector_load %arg14[%parallel_loop3A_719, %parallel_loop3A_720] {strides = array<i32>} : memref<48x128xf32, #tpu.memory_space<vmem>>, vector<16xf32>,
        tpu.vector_store %arg14[%parallel_loop3A_719, %parallel_loop3A_720], %parallel_loop3A_718 {strides = array<i32>} : memref<48x128xf32, #tpu.memory_space<vmem>>, vector<16xf32>,
        %parallel_loop3A_722 = vector.broadcast %parallel_loop3A_216 : i32 to vector<16xi32>
        tpu.vector_store_idx %arg21[%parallel_loop3A_722], %parallel_loop3A_438 masked %eq3A_5 : memref<48xf32, #tpu.memory_space<vmem>>[vector<16xi32>], vector<16xf32>, vector<16xi1>
        %parallel_loop3A_723 = arith.mulf %parallel_loop3A_441, %parallel_loop3A_547 : vector<16xf32>
        %parallel_loop3A_724 = arith.index_cast %parallel_loop3A_218 : i32 to index
        %parallel_loop3A_725 = arith.constant 0 : index
        %parallel_loop3A_726 = tpu.vector_load %arg14[%parallel_loop3A_724, %parallel_loop3A_725] {strides = array<i32>} : memref<48x128xf32, #tpu.memory_space<vmem>>, vector<16xf32>,
        tpu.vector_store %arg14[%parallel_loop3A_724, %parallel_loop3A_725], %parallel_loop3A_723 {strides = array<i32>} : memref<48x128xf32, #tpu.memory_space<vmem>>, vector<16xf32>,
        %parallel_loop3A_727 = arith.mulf %parallel_loop3A_453, %parallel_loop3A_547 : vector<16xf32>
        %parallel_loop3A_728 = arith.index_cast %parallel_loop3A_218 : i32 to index
        %parallel_loop3A_729 = arith.constant 16 : index
        %parallel_loop3A_730 = tpu.vector_load %arg14[%parallel_loop3A_728, %parallel_loop3A_729] {strides = array<i32>} : memref<48x128xf32, #tpu.memory_space<vmem>>, vector<16xf32>,
        tpu.vector_store %arg14[%parallel_loop3A_728, %parallel_loop3A_729], %parallel_loop3A_727 {strides = array<i32>} : memref<48x128xf32, #tpu.memory_space<vmem>>, vector<16xf32>,
        %parallel_loop3A_731 = arith.mulf %parallel_loop3A_465, %parallel_loop3A_547 : vector<16xf32>
        %parallel_loop3A_732 = arith.index_cast %parallel_loop3A_218 : i32 to index
        %parallel_loop3A_733 = arith.constant 32 : index
        %parallel_loop3A_734 = tpu.vector_load %arg14[%parallel_loop3A_732, %parallel_loop3A_733] {strides = array<i32>} : memref<48x128xf32, #tpu.memory_space<vmem>>, vector<16xf32>,
        tpu.vector_store %arg14[%parallel_loop3A_732, %parallel_loop3A_733], %parallel_loop3A_731 {strides = array<i32>} : memref<48x128xf32, #tpu.memory_space<vmem>>, vector<16xf32>,
        %parallel_loop3A_735 = arith.mulf %parallel_loop3A_477, %parallel_loop3A_547 : vector<16xf32>
        %parallel_loop3A_736 = arith.index_cast %parallel_loop3A_218 : i32 to index
        %parallel_loop3A_737 = arith.constant 48 : index
        %parallel_loop3A_738 = tpu.vector_load %arg14[%parallel_loop3A_736, %parallel_loop3A_737] {strides = array<i32>} : memref<48x128xf32, #tpu.memory_space<vmem>>, vector<16xf32>,
        tpu.vector_store %arg14[%parallel_loop3A_736, %parallel_loop3A_737], %parallel_loop3A_735 {strides = array<i32>} : memref<48x128xf32, #tpu.memory_space<vmem>>, vector<16xf32>,
        %parallel_loop3A_739 = arith.mulf %parallel_loop3A_489, %parallel_loop3A_547 : vector<16xf32>
        %parallel_loop3A_740 = arith.index_cast %parallel_loop3A_218 : i32 to index
        %parallel_loop3A_741 = arith.constant 64 : index
        %parallel_loop3A_742 = tpu.vector_load %arg14[%parallel_loop3A_740, %parallel_loop3A_741] {strides = array<i32>} : memref<48x128xf32, #tpu.memory_space<vmem>>, vector<16xf32>,
        tpu.vector_store %arg14[%parallel_loop3A_740, %parallel_loop3A_741], %parallel_loop3A_739 {strides = array<i32>} : memref<48x128xf32, #tpu.memory_space<vmem>>, vector<16xf32>,
        %parallel_loop3A_743 = arith.mulf %parallel_loop3A_501, %parallel_loop3A_547 : vector<16xf32>
        %parallel_loop3A_744 = arith.index_cast %parallel_loop3A_218 : i32 to index
        %parallel_loop3A_745 = arith.constant 80 : index
        %parallel_loop3A_746 = tpu.vector_load %arg14[%parallel_loop3A_744, %parallel_loop3A_745] {strides = array<i32>} : memref<48x128xf32, #tpu.memory_space<vmem>>, vector<16xf32>,
        tpu.vector_store %arg14[%parallel_loop3A_744, %parallel_loop3A_745], %parallel_loop3A_743 {strides = array<i32>} : memref<48x128xf32, #tpu.memory_space<vmem>>, vector<16xf32>,
        %parallel_loop3A_747 = arith.mulf %parallel_loop3A_513, %parallel_loop3A_547 : vector<16xf32>
        %parallel_loop3A_748 = arith.index_cast %parallel_loop3A_218 : i32 to index
        %parallel_loop3A_749 = arith.constant 96 : index
        %parallel_loop3A_750 = tpu.vector_load %arg14[%parallel_loop3A_748, %parallel_loop3A_749] {strides = array<i32>} : memref<48x128xf32, #tpu.memory_space<vmem>>, vector<16xf32>,
        tpu.vector_store %arg14[%parallel_loop3A_748, %parallel_loop3A_749], %parallel_loop3A_747 {strides = array<i32>} : memref<48x128xf32, #tpu.memory_space<vmem>>, vector<16xf32>,
        %parallel_loop3A_751 = arith.mulf %parallel_loop3A_525, %parallel_loop3A_547 : vector<16xf32>
        %parallel_loop3A_752 = arith.index_cast %parallel_loop3A_218 : i32 to index
        %parallel_loop3A_753 = arith.constant 112 : index
        %parallel_loop3A_754 = tpu.vector_load %arg14[%parallel_loop3A_752, %parallel_loop3A_753] {strides = array<i32>} : memref<48x128xf32, #tpu.memory_space<vmem>>, vector<16xf32>,
        tpu.vector_store %arg14[%parallel_loop3A_752, %parallel_loop3A_753], %parallel_loop3A_751 {strides = array<i32>} : memref<48x128xf32, #tpu.memory_space<vmem>>, vector<16xf32>,
        %parallel_loop3A_755 = vector.broadcast %parallel_loop3A_218 : i32 to vector<16xi32>
        tpu.vector_store_idx %arg21[%parallel_loop3A_755], %parallel_loop3A_547 masked %eq3A_5 : memref<48xf32, #tpu.memory_space<vmem>>[vector<16xi32>], vector<16xf32>, vector<16xi1>
        %parallel_loop3A_756 = arith.mulf %parallel_loop3A_550, %parallel_loop3A_656 : vector<16xf32>
        %parallel_loop3A_757 = arith.index_cast %parallel_loop3A_220 : i32 to index
        %parallel_loop3A_758 = arith.constant 0 : index
        %parallel_loop3A_759 = tpu.vector_load %arg14[%parallel_loop3A_757, %parallel_loop3A_758] {strides = array<i32>} : memref<48x128xf32, #tpu.memory_space<vmem>>, vector<16xf32>,
        tpu.vector_store %arg14[%parallel_loop3A_757, %parallel_loop3A_758], %parallel_loop3A_756 {strides = array<i32>} : memref<48x128xf32, #tpu.memory_space<vmem>>, vector<16xf32>,
        %parallel_loop3A_760 = arith.mulf %parallel_loop3A_562, %parallel_loop3A_656 : vector<16xf32>
        %parallel_loop3A_761 = arith.index_cast %parallel_loop3A_220 : i32 to index
        %parallel_loop3A_762 = arith.constant 16 : index
        %parallel_loop3A_763 = tpu.vector_load %arg14[%parallel_loop3A_761, %parallel_loop3A_762] {strides = array<i32>} : memref<48x128xf32, #tpu.memory_space<vmem>>, vector<16xf32>,
        tpu.vector_store %arg14[%parallel_loop3A_761, %parallel_loop3A_762], %parallel_loop3A_760 {strides = array<i32>} : memref<48x128xf32, #tpu.memory_space<vmem>>, vector<16xf32>,
        %parallel_loop3A_764 = arith.mulf %parallel_loop3A_574, %parallel_loop3A_656 : vector<16xf32>
        %parallel_loop3A_765 = arith.index_cast %parallel_loop3A_220 : i32 to index
        %parallel_loop3A_766 = arith.constant 32 : index
        %parallel_loop3A_767 = tpu.vector_load %arg14[%parallel_loop3A_765, %parallel_loop3A_766] {strides = array<i32>} : memref<48x128xf32, #tpu.memory_space<vmem>>, vector<16xf32>,
        tpu.vector_store %arg14[%parallel_loop3A_765, %parallel_loop3A_766], %parallel_loop3A_764 {strides = array<i32>} : memref<48x128xf32, #tpu.memory_space<vmem>>, vector<16xf32>,
        %parallel_loop3A_768 = arith.mulf %parallel_loop3A_586, %parallel_loop3A_656 : vector<16xf32>
        %parallel_loop3A_769 = arith.index_cast %parallel_loop3A_220 : i32 to index
        %parallel_loop3A_770 = arith.constant 48 : index
        %parallel_loop3A_771 = tpu.vector_load %arg14[%parallel_loop3A_769, %parallel_loop3A_770] {strides = array<i32>} : memref<48x128xf32, #tpu.memory_space<vmem>>, vector<16xf32>,
        tpu.vector_store %arg14[%parallel_loop3A_769, %parallel_loop3A_770], %parallel_loop3A_768 {strides = array<i32>} : memref<48x128xf32, #tpu.memory_space<vmem>>, vector<16xf32>,
        %parallel_loop3A_772 = arith.mulf %parallel_loop3A_598, %parallel_loop3A_656 : vector<16xf32>
        %parallel_loop3A_773 = arith.index_cast %parallel_loop3A_220 : i32 to index
        %parallel_loop3A_774 = arith.constant 64 : index
        %parallel_loop3A_775 = tpu.vector_load %arg14[%parallel_loop3A_773, %parallel_loop3A_774] {strides = array<i32>} : memref<48x128xf32, #tpu.memory_space<vmem>>, vector<16xf32>,
        tpu.vector_store %arg14[%parallel_loop3A_773, %parallel_loop3A_774], %parallel_loop3A_772 {strides = array<i32>} : memref<48x128xf32, #tpu.memory_space<vmem>>, vector<16xf32>,
        %parallel_loop3A_776 = arith.mulf %parallel_loop3A_610, %parallel_loop3A_656 : vector<16xf32>
        %parallel_loop3A_777 = arith.index_cast %parallel_loop3A_220 : i32 to index
        %parallel_loop3A_778 = arith.constant 80 : index
        %parallel_loop3A_779 = tpu.vector_load %arg14[%parallel_loop3A_777, %parallel_loop3A_778] {strides = array<i32>} : memref<48x128xf32, #tpu.memory_space<vmem>>, vector<16xf32>,
        tpu.vector_store %arg14[%parallel_loop3A_777, %parallel_loop3A_778], %parallel_loop3A_776 {strides = array<i32>} : memref<48x128xf32, #tpu.memory_space<vmem>>, vector<16xf32>,
        %parallel_loop3A_780 = arith.mulf %parallel_loop3A_622, %parallel_loop3A_656 : vector<16xf32>
        %parallel_loop3A_781 = arith.index_cast %parallel_loop3A_220 : i32 to index
        %parallel_loop3A_782 = arith.constant 96 : index
        %parallel_loop3A_783 = tpu.vector_load %arg14[%parallel_loop3A_781, %parallel_loop3A_782] {strides = array<i32>} : memref<48x128xf32, #tpu.memory_space<vmem>>, vector<16xf32>,
        tpu.vector_store %arg14[%parallel_loop3A_781, %parallel_loop3A_782], %parallel_loop3A_780 {strides = array<i32>} : memref<48x128xf32, #tpu.memory_space<vmem>>, vector<16xf32>,
        %parallel_loop3A_784 = arith.mulf %parallel_loop3A_634, %parallel_loop3A_656 : vector<16xf32>
        %parallel_loop3A_785 = arith.index_cast %parallel_loop3A_220 : i32 to index
        %parallel_loop3A_786 = arith.constant 112 : index
        %parallel_loop3A_787 = tpu.vector_load %arg14[%parallel_loop3A_785, %parallel_loop3A_786] {strides = array<i32>} : memref<48x128xf32, #tpu.memory_space<vmem>>, vector<16xf32>,
        tpu.vector_store %arg14[%parallel_loop3A_785, %parallel_loop3A_786], %parallel_loop3A_784 {strides = array<i32>} : memref<48x128xf32, #tpu.memory_space<vmem>>, vector<16xf32>,
        %parallel_loop3A_788 = vector.broadcast %parallel_loop3A_220 : i32 to vector<16xi32>
        tpu.vector_store_idx %arg21[%parallel_loop3A_788], %parallel_loop3A_656 masked %eq3A_5 : memref<48xf32, #tpu.memory_space<vmem>>[vector<16xi32>], vector<16xf32>, vector<16xi1>
      } {sc.loop_unroll_factor = 4 : i64, sc.parallel_access}
      %dma_start3A_138 = arith.constant 0 : i32
      %dma_start3A_139 = arith.constant 0 : i32
      %dma_start3A_140 = tpu.memref_slice %arg25[%dma_start3A_138, %dma_start3A_139] : memref<10112x128xf32, #tpu.memory_space<vmem_shared>> -> memref<10112x128xf32, #tpu.memory_space<vmem_shared>>
      tpu.enqueue_indirect_dma source(%arg14 : memref<48x128xf32, #tpu.memory_space<vmem>>) target(%dma_start3A_140 : memref<10112x128xf32, #tpu.memory_space<vmem_shared>>) offsets(%arg9 : memref<48xi32, #tpu.memory_space<vmem>>) semaphore(%arg30 : memref<!tpu.dma_semaphore, #tpu.memory_space<semaphore_mem>>) {add = true}
      %dma_start3A_141 = arith.constant 0 : i32
      %dma_start3A_142 = tpu.memref_slice %arg26[%dma_start3A_141] : memref<10112xf32, #tpu.memory_space<vmem_shared>> -> memref<10112xf32, #tpu.memory_space<vmem_shared>>
      tpu.enqueue_indirect_dma source(%arg21 : memref<48xf32, #tpu.memory_space<vmem>>) target(%dma_start3A_142 : memref<10112xf32, #tpu.memory_space<vmem_shared>>) offsets(%arg9 : memref<48xi32, #tpu.memory_space<vmem>>) semaphore(%arg30 : memref<!tpu.dma_semaphore, #tpu.memory_space<semaphore_mem>>) {add = true}
      %gt3A = arith.constant 0 : i32
      %gt3A_143 = arith.cmpi sgt, %scan3A_124, %gt3A : i32
      %convert_element_type3A = arith.extui %gt3A_143 : i1 to i32
      %cond3A = arith.constant 0 : i32
      %cond3A_144 = arith.cmpi ne, %convert_element_type3A, %cond3A : i32
      scf.if %cond3A_144 {
        %dma_wait3A_212 = arith.constant 0 : i32
        %dma_wait3A_213 = arith.constant 0 : i32
        %dma_wait3A_214 = tpu.memref_slice %arg25[%dma_wait3A_212, %dma_wait3A_213] : memref<10112x128xf32, #tpu.memory_space<vmem_shared>> -> memref<10112x128xf32, #tpu.memory_space<vmem_shared>>
        tpu.wait_indirect_dma semaphore(%arg32 : memref<!tpu.dma_semaphore, #tpu.memory_space<semaphore_mem>>) src(%arg18 : memref<48x128xf32, #tpu.memory_space<vmem>>) dst(%dma_wait3A_214 : memref<10112x128xf32, #tpu.memory_space<vmem_shared>>)
        %dma_wait3A_215 = arith.constant 0 : i32
        %dma_wait3A_216 = tpu.memref_slice %arg26[%dma_wait3A_215] : memref<10112xf32, #tpu.memory_space<vmem_shared>> -> memref<10112xf32, #tpu.memory_space<vmem_shared>>
        tpu.wait_indirect_dma semaphore(%arg32 : memref<!tpu.dma_semaphore, #tpu.memory_space<semaphore_mem>>) src(%arg23 : memref<48xf32, #tpu.memory_space<vmem>>) dst(%dma_wait3A_216 : memref<10112xf32, #tpu.memory_space<vmem_shared>>)
      } else {
      }
      %add3A_145 = arith.constant 2 : i32
      %add3A_146 = arith.addi %add3A_129, %add3A_145 : i32
      %lt3A = arith.constant 216 : i32
      %lt3A_147 = arith.cmpi slt, %add3A_146, %lt3A : i32
      %convert_element_type3A_148 = arith.extui %lt3A_147 : i1 to i32
      %cond3A_149 = arith.constant 0 : i32
      %cond3A_150 = arith.cmpi ne, %convert_element_type3A_148, %cond3A_149 : i32
      scf.if %cond3A_150 {
        %add3A_212 = arith.constant 2 : i32
        %add3A_213 = arith.addi %add3A_129, %add3A_212 : i32
        %mul3A_214 = arith.constant 48 : i32
        %mul3A_215 = arith.muli %add3A_213, %mul3A_214 : i32
        %add3A_216 = arith.addi %mul3A_89, %mul3A_215 : i32
        "tpu.region"() ({
          %run_scoped3A = tpu.sem_alloc : memref<!tpu.dma_semaphore, #tpu.memory_space<semaphore_mem>>
          %dma_start3A_225 = tpu.memref_slice %arg4[%add3A_216] : memref<663552xi32, #tpu.memory_space<hbm>> -> memref<48xi32, #tpu.memory_space<hbm>>
          %dma_start3A_226 = tpu.memref_slice %arg4[%add3A_216] : memref<663552xi32, #tpu.memory_space<hbm>> -> memref<48xi32, #tpu.memory_space<hbm>>
          tpu.enqueue_dma source(%dma_start3A_226 : memref<48xi32, #tpu.memory_space<hbm>>) target(%arg12 : memref<48xi32, #tpu.memory_space<vmem>>) target_semaphore(%run_scoped3A : memref<!tpu.dma_semaphore, #tpu.memory_space<semaphore_mem>>)
          %dma_wait3A_227 = tpu.memref_slice %arg4[%add3A_216] : memref<663552xi32, #tpu.memory_space<hbm>> -> memref<48xi32, #tpu.memory_space<hbm>>
          %dma_wait3A_228 = tpu.memref_slice %arg4[%add3A_216] : memref<663552xi32, #tpu.memory_space<hbm>> -> memref<48xi32, #tpu.memory_space<hbm>>
          tpu.wait_dma2 semaphore(%run_scoped3A : memref<!tpu.dma_semaphore, #tpu.memory_space<semaphore_mem>>) src(%dma_wait3A_228 : memref<48xi32, #tpu.memory_space<hbm>>) dst(%arg12 : memref<48xi32, #tpu.memory_space<vmem>>)
          tpu.yield
        }) : () -> ()
        %add3A_217 = arith.constant 331776 : i32
        %add3A_218 = arith.addi %add3A_217, %add3A_216 : i32
        "tpu.region"() ({
          %run_scoped3A = tpu.sem_alloc : memref<!tpu.dma_semaphore, #tpu.memory_space<semaphore_mem>>
          %dma_start3A_225 = tpu.memref_slice %arg4[%add3A_218] : memref<663552xi32, #tpu.memory_space<hbm>> -> memref<48xi32, #tpu.memory_space<hbm>>
          %dma_start3A_226 = tpu.memref_slice %arg4[%add3A_218] : memref<663552xi32, #tpu.memory_space<hbm>> -> memref<48xi32, #tpu.memory_space<hbm>>
          tpu.enqueue_dma source(%dma_start3A_226 : memref<48xi32, #tpu.memory_space<hbm>>) target(%arg13 : memref<48xi32, #tpu.memory_space<vmem>>) target_semaphore(%run_scoped3A : memref<!tpu.dma_semaphore, #tpu.memory_space<semaphore_mem>>)
          %dma_wait3A_227 = tpu.memref_slice %arg4[%add3A_218] : memref<663552xi32, #tpu.memory_space<hbm>> -> memref<48xi32, #tpu.memory_space<hbm>>
          %dma_wait3A_228 = tpu.memref_slice %arg4[%add3A_218] : memref<663552xi32, #tpu.memory_space<hbm>> -> memref<48xi32, #tpu.memory_space<hbm>>
          tpu.wait_dma2 semaphore(%run_scoped3A : memref<!tpu.dma_semaphore, #tpu.memory_space<semaphore_mem>>) src(%dma_wait3A_228 : memref<48xi32, #tpu.memory_space<hbm>>) dst(%arg13 : memref<48xi32, #tpu.memory_space<vmem>>)
          tpu.yield
        }) : () -> ()
        %dma_start3A_219 = arith.constant 0 : i32
        %dma_start3A_220 = arith.constant 0 : i32
        %dma_start3A_221 = tpu.memref_slice %arg2[%dma_start3A_219, %dma_start3A_220] : memref<10112x128xf32, #tpu.memory_space<hbm>> -> memref<10112x128xf32, #tpu.memory_space<hbm>>
        tpu.enqueue_indirect_dma source(%dma_start3A_221 : memref<10112x128xf32, #tpu.memory_space<hbm>>) target(%arg18 : memref<48x128xf32, #tpu.memory_space<vmem>>) offsets(%arg12 : memref<48xi32, #tpu.memory_space<vmem>>) semaphore(%arg29 : memref<!tpu.dma_semaphore, #tpu.memory_space<semaphore_mem>>)
        %dma_start3A_222 = arith.constant 0 : i32
        %dma_start3A_223 = arith.constant 0 : i32
        %dma_start3A_224 = tpu.memref_slice %arg3[%dma_start3A_222, %dma_start3A_223] : memref<10112x128xf32, #tpu.memory_space<hbm>> -> memref<10112x128xf32, #tpu.memory_space<hbm>>
        tpu.enqueue_indirect_dma source(%dma_start3A_224 : memref<10112x128xf32, #tpu.memory_space<hbm>>) target(%arg19 : memref<48x128xf32, #tpu.memory_space<vmem>>) offsets(%arg13 : memref<48xi32, #tpu.memory_space<vmem>>) semaphore(%arg29 : memref<!tpu.dma_semaphore, #tpu.memory_space<semaphore_mem>>)
      } else {
      }
      %mul3A_151 = arith.constant 3 : i32
      %mul3A_152 = arith.muli %mul3A_151, %scan3A_124 : i32
      %add3A_153 = arith.constant 1 : i32
      %add3A_154 = arith.addi %mul3A_152, %add3A_153 : i32
      %dma_wait3A_155 = arith.constant 0 : i32
      %dma_wait3A_156 = arith.constant 0 : i32
      %dma_wait3A_157 = tpu.memref_slice %arg2[%dma_wait3A_155, %dma_wait3A_156] : memref<10112x128xf32, #tpu.memory_space<hbm>> -> memref<10112x128xf32, #tpu.memory_space<hbm>>
      tpu.wait_indirect_dma semaphore(%arg28 : memref<!tpu.dma_semaphore, #tpu.memory_space<semaphore_mem>>) src(%dma_wait3A_157 : memref<10112x128xf32, #tpu.memory_space<hbm>>) dst(%arg16 : memref<48x128xf32, #tpu.memory_space<vmem>>)
      %dma_wait3A_158 = arith.constant 0 : i32
      %dma_wait3A_159 = arith.constant 0 : i32
      %dma_wait3A_160 = tpu.memref_slice %arg3[%dma_wait3A_158, %dma_wait3A_159] : memref<10112x128xf32, #tpu.memory_space<hbm>> -> memref<10112x128xf32, #tpu.memory_space<hbm>>
      tpu.wait_indirect_dma semaphore(%arg28 : memref<!tpu.dma_semaphore, #tpu.memory_space<semaphore_mem>>) src(%dma_wait3A_160 : memref<10112x128xf32, #tpu.memory_space<hbm>>) dst(%arg17 : memref<48x128xf32, #tpu.memory_space<vmem>>)
      %parallel_loop3A_161 = arith.constant 0 : i32
      %parallel_loop3A_162 = arith.constant 48 : i32
      %parallel_loop3A_163 = arith.constant 4 : i32
      scf.for %parallel_loop3A_212 = %parallel_loop3A_161 to %parallel_loop3A_162 step %parallel_loop3A_163  : i32 {
        %parallel_loop3A_213 = arith.constant 0 : i32
        %parallel_loop3A_214 = arith.addi %parallel_loop3A_212, %parallel_loop3A_213 : i32
        %parallel_loop3A_215 = arith.constant 1 : i32
        %parallel_loop3A_216 = arith.addi %parallel_loop3A_212, %parallel_loop3A_215 : i32
        %parallel_loop3A_217 = arith.constant 2 : i32
        %parallel_loop3A_218 = arith.addi %parallel_loop3A_212, %parallel_loop3A_217 : i32
        %parallel_loop3A_219 = arith.constant 3 : i32
        %parallel_loop3A_220 = arith.addi %parallel_loop3A_212, %parallel_loop3A_219 : i32
        %parallel_loop3A_221 = arith.index_cast %parallel_loop3A_214 : i32 to index
        %parallel_loop3A_222 = arith.constant 0 : index
        %parallel_loop3A_223 = tpu.vector_load %arg16[%parallel_loop3A_221, %parallel_loop3A_222] {strides = array<i32>} : memref<48x128xf32, #tpu.memory_space<vmem>>, vector<16xf32>,
        %parallel_loop3A_224 = arith.index_cast %parallel_loop3A_214 : i32 to index
        %parallel_loop3A_225 = arith.constant 0 : index
        %parallel_loop3A_226 = tpu.vector_load %arg17[%parallel_loop3A_224, %parallel_loop3A_225] {strides = array<i32>} : memref<48x128xf32, #tpu.memory_space<vmem>>, vector<16xf32>,
        %parallel_loop3A_227 = arith.addf %parallel_loop3A_223, %parallel_loop3A_226 : vector<16xf32>
        %parallel_loop3A_228 = arith.constant 2.000000e-01 : f32
        %parallel_loop3A_229 = vector.broadcast %parallel_loop3A_228 : f32 to vector<16xf32>
        %parallel_loop3A_230 = arith.mulf %parallel_loop3A_227, %parallel_loop3A_229 : vector<16xf32>
        %parallel_loop3A_231 = arith.maximumf %parallel_loop3A_227, %parallel_loop3A_230 : vector<16xf32>
        %parallel_loop3A_232 = arith.mulf %parallel_loop3A_231, %get3A_73 : vector<16xf32>
        %parallel_loop3A_233 = arith.index_cast %parallel_loop3A_214 : i32 to index
        %parallel_loop3A_234 = arith.constant 16 : index
        %parallel_loop3A_235 = tpu.vector_load %arg16[%parallel_loop3A_233, %parallel_loop3A_234] {strides = array<i32>} : memref<48x128xf32, #tpu.memory_space<vmem>>, vector<16xf32>,
        %parallel_loop3A_236 = arith.index_cast %parallel_loop3A_214 : i32 to index
        %parallel_loop3A_237 = arith.constant 16 : index
        %parallel_loop3A_238 = tpu.vector_load %arg17[%parallel_loop3A_236, %parallel_loop3A_237] {strides = array<i32>} : memref<48x128xf32, #tpu.memory_space<vmem>>, vector<16xf32>,
        %parallel_loop3A_239 = arith.addf %parallel_loop3A_235, %parallel_loop3A_238 : vector<16xf32>
        %parallel_loop3A_240 = arith.constant 2.000000e-01 : f32
        %parallel_loop3A_241 = vector.broadcast %parallel_loop3A_240 : f32 to vector<16xf32>
        %parallel_loop3A_242 = arith.mulf %parallel_loop3A_239, %parallel_loop3A_241 : vector<16xf32>
        %parallel_loop3A_243 = arith.maximumf %parallel_loop3A_239, %parallel_loop3A_242 : vector<16xf32>
        %parallel_loop3A_244 = arith.mulf %parallel_loop3A_243, %get3A_75 : vector<16xf32>
        %parallel_loop3A_245 = arith.index_cast %parallel_loop3A_214 : i32 to index
        %parallel_loop3A_246 = arith.constant 32 : index
        %parallel_loop3A_247 = tpu.vector_load %arg16[%parallel_loop3A_245, %parallel_loop3A_246] {strides = array<i32>} : memref<48x128xf32, #tpu.memory_space<vmem>>, vector<16xf32>,
        %parallel_loop3A_248 = arith.index_cast %parallel_loop3A_214 : i32 to index
        %parallel_loop3A_249 = arith.constant 32 : index
        %parallel_loop3A_250 = tpu.vector_load %arg17[%parallel_loop3A_248, %parallel_loop3A_249] {strides = array<i32>} : memref<48x128xf32, #tpu.memory_space<vmem>>, vector<16xf32>,
        %parallel_loop3A_251 = arith.addf %parallel_loop3A_247, %parallel_loop3A_250 : vector<16xf32>
        %parallel_loop3A_252 = arith.constant 2.000000e-01 : f32
        %parallel_loop3A_253 = vector.broadcast %parallel_loop3A_252 : f32 to vector<16xf32>
        %parallel_loop3A_254 = arith.mulf %parallel_loop3A_251, %parallel_loop3A_253 : vector<16xf32>
        %parallel_loop3A_255 = arith.maximumf %parallel_loop3A_251, %parallel_loop3A_254 : vector<16xf32>
        %parallel_loop3A_256 = arith.mulf %parallel_loop3A_255, %get3A_77 : vector<16xf32>
        %parallel_loop3A_257 = arith.index_cast %parallel_loop3A_214 : i32 to index
        %parallel_loop3A_258 = arith.constant 48 : index
        %parallel_loop3A_259 = tpu.vector_load %arg16[%parallel_loop3A_257, %parallel_loop3A_258] {strides = array<i32>} : memref<48x128xf32, #tpu.memory_space<vmem>>, vector<16xf32>,
        %parallel_loop3A_260 = arith.index_cast %parallel_loop3A_214 : i32 to index
        %parallel_loop3A_261 = arith.constant 48 : index
        %parallel_loop3A_262 = tpu.vector_load %arg17[%parallel_loop3A_260, %parallel_loop3A_261] {strides = array<i32>} : memref<48x128xf32, #tpu.memory_space<vmem>>, vector<16xf32>,
        %parallel_loop3A_263 = arith.addf %parallel_loop3A_259, %parallel_loop3A_262 : vector<16xf32>
        %parallel_loop3A_264 = arith.constant 2.000000e-01 : f32
        %parallel_loop3A_265 = vector.broadcast %parallel_loop3A_264 : f32 to vector<16xf32>
        %parallel_loop3A_266 = arith.mulf %parallel_loop3A_263, %parallel_loop3A_265 : vector<16xf32>
        %parallel_loop3A_267 = arith.maximumf %parallel_loop3A_263, %parallel_loop3A_266 : vector<16xf32>
        %parallel_loop3A_268 = arith.mulf %parallel_loop3A_267, %get3A_79 : vector<16xf32>
        %parallel_loop3A_269 = arith.index_cast %parallel_loop3A_214 : i32 to index
        %parallel_loop3A_270 = arith.constant 64 : index
        %parallel_loop3A_271 = tpu.vector_load %arg16[%parallel_loop3A_269, %parallel_loop3A_270] {strides = array<i32>} : memref<48x128xf32, #tpu.memory_space<vmem>>, vector<16xf32>,
        %parallel_loop3A_272 = arith.index_cast %parallel_loop3A_214 : i32 to index
        %parallel_loop3A_273 = arith.constant 64 : index
        %parallel_loop3A_274 = tpu.vector_load %arg17[%parallel_loop3A_272, %parallel_loop3A_273] {strides = array<i32>} : memref<48x128xf32, #tpu.memory_space<vmem>>, vector<16xf32>,
        %parallel_loop3A_275 = arith.addf %parallel_loop3A_271, %parallel_loop3A_274 : vector<16xf32>
        %parallel_loop3A_276 = arith.constant 2.000000e-01 : f32
        %parallel_loop3A_277 = vector.broadcast %parallel_loop3A_276 : f32 to vector<16xf32>
        %parallel_loop3A_278 = arith.mulf %parallel_loop3A_275, %parallel_loop3A_277 : vector<16xf32>
        %parallel_loop3A_279 = arith.maximumf %parallel_loop3A_275, %parallel_loop3A_278 : vector<16xf32>
        %parallel_loop3A_280 = arith.mulf %parallel_loop3A_279, %get3A_81 : vector<16xf32>
        %parallel_loop3A_281 = arith.index_cast %parallel_loop3A_214 : i32 to index
        %parallel_loop3A_282 = arith.constant 80 : index
        %parallel_loop3A_283 = tpu.vector_load %arg16[%parallel_loop3A_281, %parallel_loop3A_282] {strides = array<i32>} : memref<48x128xf32, #tpu.memory_space<vmem>>, vector<16xf32>,
        %parallel_loop3A_284 = arith.index_cast %parallel_loop3A_214 : i32 to index
        %parallel_loop3A_285 = arith.constant 80 : index
        %parallel_loop3A_286 = tpu.vector_load %arg17[%parallel_loop3A_284, %parallel_loop3A_285] {strides = array<i32>} : memref<48x128xf32, #tpu.memory_space<vmem>>, vector<16xf32>,
        %parallel_loop3A_287 = arith.addf %parallel_loop3A_283, %parallel_loop3A_286 : vector<16xf32>
        %parallel_loop3A_288 = arith.constant 2.000000e-01 : f32
        %parallel_loop3A_289 = vector.broadcast %parallel_loop3A_288 : f32 to vector<16xf32>
        %parallel_loop3A_290 = arith.mulf %parallel_loop3A_287, %parallel_loop3A_289 : vector<16xf32>
        %parallel_loop3A_291 = arith.maximumf %parallel_loop3A_287, %parallel_loop3A_290 : vector<16xf32>
        %parallel_loop3A_292 = arith.mulf %parallel_loop3A_291, %get3A_83 : vector<16xf32>
        %parallel_loop3A_293 = arith.index_cast %parallel_loop3A_214 : i32 to index
        %parallel_loop3A_294 = arith.constant 96 : index
        %parallel_loop3A_295 = tpu.vector_load %arg16[%parallel_loop3A_293, %parallel_loop3A_294] {strides = array<i32>} : memref<48x128xf32, #tpu.memory_space<vmem>>, vector<16xf32>,
        %parallel_loop3A_296 = arith.index_cast %parallel_loop3A_214 : i32 to index
        %parallel_loop3A_297 = arith.constant 96 : index
        %parallel_loop3A_298 = tpu.vector_load %arg17[%parallel_loop3A_296, %parallel_loop3A_297] {strides = array<i32>} : memref<48x128xf32, #tpu.memory_space<vmem>>, vector<16xf32>,
        %parallel_loop3A_299 = arith.addf %parallel_loop3A_295, %parallel_loop3A_298 : vector<16xf32>
        %parallel_loop3A_300 = arith.constant 2.000000e-01 : f32
        %parallel_loop3A_301 = vector.broadcast %parallel_loop3A_300 : f32 to vector<16xf32>
        %parallel_loop3A_302 = arith.mulf %parallel_loop3A_299, %parallel_loop3A_301 : vector<16xf32>
        %parallel_loop3A_303 = arith.maximumf %parallel_loop3A_299, %parallel_loop3A_302 : vector<16xf32>
        %parallel_loop3A_304 = arith.mulf %parallel_loop3A_303, %get3A_85 : vector<16xf32>
        %parallel_loop3A_305 = arith.index_cast %parallel_loop3A_214 : i32 to index
        %parallel_loop3A_306 = arith.constant 112 : index
        %parallel_loop3A_307 = tpu.vector_load %arg16[%parallel_loop3A_305, %parallel_loop3A_306] {strides = array<i32>} : memref<48x128xf32, #tpu.memory_space<vmem>>, vector<16xf32>,
        %parallel_loop3A_308 = arith.index_cast %parallel_loop3A_214 : i32 to index
        %parallel_loop3A_309 = arith.constant 112 : index
        %parallel_loop3A_310 = tpu.vector_load %arg17[%parallel_loop3A_308, %parallel_loop3A_309] {strides = array<i32>} : memref<48x128xf32, #tpu.memory_space<vmem>>, vector<16xf32>,
        %parallel_loop3A_311 = arith.addf %parallel_loop3A_307, %parallel_loop3A_310 : vector<16xf32>
        %parallel_loop3A_312 = arith.constant 2.000000e-01 : f32
        %parallel_loop3A_313 = vector.broadcast %parallel_loop3A_312 : f32 to vector<16xf32>
        %parallel_loop3A_314 = arith.mulf %parallel_loop3A_311, %parallel_loop3A_313 : vector<16xf32>
        %parallel_loop3A_315 = arith.maximumf %parallel_loop3A_311, %parallel_loop3A_314 : vector<16xf32>
        %parallel_loop3A_316 = arith.mulf %parallel_loop3A_315, %get3A_87 : vector<16xf32>
        %parallel_loop3A_317 = arith.addf %parallel_loop3A_232, %parallel_loop3A_244 : vector<16xf32>
        %parallel_loop3A_318 = arith.addf %parallel_loop3A_256, %parallel_loop3A_268 : vector<16xf32>
        %parallel_loop3A_319 = arith.addf %parallel_loop3A_317, %parallel_loop3A_318 : vector<16xf32>
        %parallel_loop3A_320 = arith.addf %parallel_loop3A_280, %parallel_loop3A_292 : vector<16xf32>
        %parallel_loop3A_321 = arith.addf %parallel_loop3A_304, %parallel_loop3A_316 : vector<16xf32>
        %parallel_loop3A_322 = arith.addf %parallel_loop3A_320, %parallel_loop3A_321 : vector<16xf32>
        %parallel_loop3A_323 = arith.addf %parallel_loop3A_319, %parallel_loop3A_322 : vector<16xf32>
        %parallel_loop3A_324 = arith.constant true
        %parallel_loop3A_325 = vector.broadcast %parallel_loop3A_324 : i1 to vector<16xi1>
        %parallel_loop3A_326 = tpu.scan <sum>, %parallel_loop3A_323 masked %parallel_loop3A_325 : vector<16xf32>, vector<16xi1> -> vector<16xf32>
        %parallel_loop3A_327 = vector.extract %parallel_loop3A_326[15] : f32 from vector<16xf32>
        %parallel_loop3A_328 = vector.broadcast %parallel_loop3A_327 : f32 to vector<16xf32>
        %parallel_loop3A_329 = math.exp %parallel_loop3A_328 : vector<16xf32>
        %parallel_loop3A_330 = arith.index_cast %parallel_loop3A_216 : i32 to index
        %parallel_loop3A_331 = arith.constant 0 : index
        %parallel_loop3A_332 = tpu.vector_load %arg16[%parallel_loop3A_330, %parallel_loop3A_331] {strides = array<i32>} : memref<48x128xf32, #tpu.memory_space<vmem>>, vector<16xf32>,
        %parallel_loop3A_333 = arith.index_cast %parallel_loop3A_216 : i32 to index
        %parallel_loop3A_334 = arith.constant 0 : index
        %parallel_loop3A_335 = tpu.vector_load %arg17[%parallel_loop3A_333, %parallel_loop3A_334] {strides = array<i32>} : memref<48x128xf32, #tpu.memory_space<vmem>>, vector<16xf32>,
        %parallel_loop3A_336 = arith.addf %parallel_loop3A_332, %parallel_loop3A_335 : vector<16xf32>
        %parallel_loop3A_337 = arith.constant 2.000000e-01 : f32
        %parallel_loop3A_338 = vector.broadcast %parallel_loop3A_337 : f32 to vector<16xf32>
        %parallel_loop3A_339 = arith.mulf %parallel_loop3A_336, %parallel_loop3A_338 : vector<16xf32>
        %parallel_loop3A_340 = arith.maximumf %parallel_loop3A_336, %parallel_loop3A_339 : vector<16xf32>
        %parallel_loop3A_341 = arith.mulf %parallel_loop3A_340, %get3A_73 : vector<16xf32>
        %parallel_loop3A_342 = arith.index_cast %parallel_loop3A_216 : i32 to index
        %parallel_loop3A_343 = arith.constant 16 : index
        %parallel_loop3A_344 = tpu.vector_load %arg16[%parallel_loop3A_342, %parallel_loop3A_343] {strides = array<i32>} : memref<48x128xf32, #tpu.memory_space<vmem>>, vector<16xf32>,
        %parallel_loop3A_345 = arith.index_cast %parallel_loop3A_216 : i32 to index
        %parallel_loop3A_346 = arith.constant 16 : index
        %parallel_loop3A_347 = tpu.vector_load %arg17[%parallel_loop3A_345, %parallel_loop3A_346] {strides = array<i32>} : memref<48x128xf32, #tpu.memory_space<vmem>>, vector<16xf32>,
        %parallel_loop3A_348 = arith.addf %parallel_loop3A_344, %parallel_loop3A_347 : vector<16xf32>
        %parallel_loop3A_349 = arith.constant 2.000000e-01 : f32
        %parallel_loop3A_350 = vector.broadcast %parallel_loop3A_349 : f32 to vector<16xf32>
        %parallel_loop3A_351 = arith.mulf %parallel_loop3A_348, %parallel_loop3A_350 : vector<16xf32>
        %parallel_loop3A_352 = arith.maximumf %parallel_loop3A_348, %parallel_loop3A_351 : vector<16xf32>
        %parallel_loop3A_353 = arith.mulf %parallel_loop3A_352, %get3A_75 : vector<16xf32>
        %parallel_loop3A_354 = arith.index_cast %parallel_loop3A_216 : i32 to index
        %parallel_loop3A_355 = arith.constant 32 : index
        %parallel_loop3A_356 = tpu.vector_load %arg16[%parallel_loop3A_354, %parallel_loop3A_355] {strides = array<i32>} : memref<48x128xf32, #tpu.memory_space<vmem>>, vector<16xf32>,
        %parallel_loop3A_357 = arith.index_cast %parallel_loop3A_216 : i32 to index
        %parallel_loop3A_358 = arith.constant 32 : index
        %parallel_loop3A_359 = tpu.vector_load %arg17[%parallel_loop3A_357, %parallel_loop3A_358] {strides = array<i32>} : memref<48x128xf32, #tpu.memory_space<vmem>>, vector<16xf32>,
        %parallel_loop3A_360 = arith.addf %parallel_loop3A_356, %parallel_loop3A_359 : vector<16xf32>
        %parallel_loop3A_361 = arith.constant 2.000000e-01 : f32
        %parallel_loop3A_362 = vector.broadcast %parallel_loop3A_361 : f32 to vector<16xf32>
        %parallel_loop3A_363 = arith.mulf %parallel_loop3A_360, %parallel_loop3A_362 : vector<16xf32>
        %parallel_loop3A_364 = arith.maximumf %parallel_loop3A_360, %parallel_loop3A_363 : vector<16xf32>
        %parallel_loop3A_365 = arith.mulf %parallel_loop3A_364, %get3A_77 : vector<16xf32>
        %parallel_loop3A_366 = arith.index_cast %parallel_loop3A_216 : i32 to index
        %parallel_loop3A_367 = arith.constant 48 : index
        %parallel_loop3A_368 = tpu.vector_load %arg16[%parallel_loop3A_366, %parallel_loop3A_367] {strides = array<i32>} : memref<48x128xf32, #tpu.memory_space<vmem>>, vector<16xf32>,
        %parallel_loop3A_369 = arith.index_cast %parallel_loop3A_216 : i32 to index
        %parallel_loop3A_370 = arith.constant 48 : index
        %parallel_loop3A_371 = tpu.vector_load %arg17[%parallel_loop3A_369, %parallel_loop3A_370] {strides = array<i32>} : memref<48x128xf32, #tpu.memory_space<vmem>>, vector<16xf32>,
        %parallel_loop3A_372 = arith.addf %parallel_loop3A_368, %parallel_loop3A_371 : vector<16xf32>
        %parallel_loop3A_373 = arith.constant 2.000000e-01 : f32
        %parallel_loop3A_374 = vector.broadcast %parallel_loop3A_373 : f32 to vector<16xf32>
        %parallel_loop3A_375 = arith.mulf %parallel_loop3A_372, %parallel_loop3A_374 : vector<16xf32>
        %parallel_loop3A_376 = arith.maximumf %parallel_loop3A_372, %parallel_loop3A_375 : vector<16xf32>
        %parallel_loop3A_377 = arith.mulf %parallel_loop3A_376, %get3A_79 : vector<16xf32>
        %parallel_loop3A_378 = arith.index_cast %parallel_loop3A_216 : i32 to index
        %parallel_loop3A_379 = arith.constant 64 : index
        %parallel_loop3A_380 = tpu.vector_load %arg16[%parallel_loop3A_378, %parallel_loop3A_379] {strides = array<i32>} : memref<48x128xf32, #tpu.memory_space<vmem>>, vector<16xf32>,
        %parallel_loop3A_381 = arith.index_cast %parallel_loop3A_216 : i32 to index
        %parallel_loop3A_382 = arith.constant 64 : index
        %parallel_loop3A_383 = tpu.vector_load %arg17[%parallel_loop3A_381, %parallel_loop3A_382] {strides = array<i32>} : memref<48x128xf32, #tpu.memory_space<vmem>>, vector<16xf32>,
        %parallel_loop3A_384 = arith.addf %parallel_loop3A_380, %parallel_loop3A_383 : vector<16xf32>
        %parallel_loop3A_385 = arith.constant 2.000000e-01 : f32
        %parallel_loop3A_386 = vector.broadcast %parallel_loop3A_385 : f32 to vector<16xf32>
        %parallel_loop3A_387 = arith.mulf %parallel_loop3A_384, %parallel_loop3A_386 : vector<16xf32>
        %parallel_loop3A_388 = arith.maximumf %parallel_loop3A_384, %parallel_loop3A_387 : vector<16xf32>
        %parallel_loop3A_389 = arith.mulf %parallel_loop3A_388, %get3A_81 : vector<16xf32>
        %parallel_loop3A_390 = arith.index_cast %parallel_loop3A_216 : i32 to index
        %parallel_loop3A_391 = arith.constant 80 : index
        %parallel_loop3A_392 = tpu.vector_load %arg16[%parallel_loop3A_390, %parallel_loop3A_391] {strides = array<i32>} : memref<48x128xf32, #tpu.memory_space<vmem>>, vector<16xf32>,
        %parallel_loop3A_393 = arith.index_cast %parallel_loop3A_216 : i32 to index
        %parallel_loop3A_394 = arith.constant 80 : index
        %parallel_loop3A_395 = tpu.vector_load %arg17[%parallel_loop3A_393, %parallel_loop3A_394] {strides = array<i32>} : memref<48x128xf32, #tpu.memory_space<vmem>>, vector<16xf32>,
        %parallel_loop3A_396 = arith.addf %parallel_loop3A_392, %parallel_loop3A_395 : vector<16xf32>
        %parallel_loop3A_397 = arith.constant 2.000000e-01 : f32
        %parallel_loop3A_398 = vector.broadcast %parallel_loop3A_397 : f32 to vector<16xf32>
        %parallel_loop3A_399 = arith.mulf %parallel_loop3A_396, %parallel_loop3A_398 : vector<16xf32>
        %parallel_loop3A_400 = arith.maximumf %parallel_loop3A_396, %parallel_loop3A_399 : vector<16xf32>
        %parallel_loop3A_401 = arith.mulf %parallel_loop3A_400, %get3A_83 : vector<16xf32>
        %parallel_loop3A_402 = arith.index_cast %parallel_loop3A_216 : i32 to index
        %parallel_loop3A_403 = arith.constant 96 : index
        %parallel_loop3A_404 = tpu.vector_load %arg16[%parallel_loop3A_402, %parallel_loop3A_403] {strides = array<i32>} : memref<48x128xf32, #tpu.memory_space<vmem>>, vector<16xf32>,
        %parallel_loop3A_405 = arith.index_cast %parallel_loop3A_216 : i32 to index
        %parallel_loop3A_406 = arith.constant 96 : index
        %parallel_loop3A_407 = tpu.vector_load %arg17[%parallel_loop3A_405, %parallel_loop3A_406] {strides = array<i32>} : memref<48x128xf32, #tpu.memory_space<vmem>>, vector<16xf32>,
        %parallel_loop3A_408 = arith.addf %parallel_loop3A_404, %parallel_loop3A_407 : vector<16xf32>
        %parallel_loop3A_409 = arith.constant 2.000000e-01 : f32
        %parallel_loop3A_410 = vector.broadcast %parallel_loop3A_409 : f32 to vector<16xf32>
        %parallel_loop3A_411 = arith.mulf %parallel_loop3A_408, %parallel_loop3A_410 : vector<16xf32>
        %parallel_loop3A_412 = arith.maximumf %parallel_loop3A_408, %parallel_loop3A_411 : vector<16xf32>
        %parallel_loop3A_413 = arith.mulf %parallel_loop3A_412, %get3A_85 : vector<16xf32>
        %parallel_loop3A_414 = arith.index_cast %parallel_loop3A_216 : i32 to index
        %parallel_loop3A_415 = arith.constant 112 : index
        %parallel_loop3A_416 = tpu.vector_load %arg16[%parallel_loop3A_414, %parallel_loop3A_415] {strides = array<i32>} : memref<48x128xf32, #tpu.memory_space<vmem>>, vector<16xf32>,
        %parallel_loop3A_417 = arith.index_cast %parallel_loop3A_216 : i32 to index
        %parallel_loop3A_418 = arith.constant 112 : index
        %parallel_loop3A_419 = tpu.vector_load %arg17[%parallel_loop3A_417, %parallel_loop3A_418] {strides = array<i32>} : memref<48x128xf32, #tpu.memory_space<vmem>>, vector<16xf32>,
        %parallel_loop3A_420 = arith.addf %parallel_loop3A_416, %parallel_loop3A_419 : vector<16xf32>
        %parallel_loop3A_421 = arith.constant 2.000000e-01 : f32
        %parallel_loop3A_422 = vector.broadcast %parallel_loop3A_421 : f32 to vector<16xf32>
        %parallel_loop3A_423 = arith.mulf %parallel_loop3A_420, %parallel_loop3A_422 : vector<16xf32>
        %parallel_loop3A_424 = arith.maximumf %parallel_loop3A_420, %parallel_loop3A_423 : vector<16xf32>
        %parallel_loop3A_425 = arith.mulf %parallel_loop3A_424, %get3A_87 : vector<16xf32>
        %parallel_loop3A_426 = arith.addf %parallel_loop3A_341, %parallel_loop3A_353 : vector<16xf32>
        %parallel_loop3A_427 = arith.addf %parallel_loop3A_365, %parallel_loop3A_377 : vector<16xf32>
        %parallel_loop3A_428 = arith.addf %parallel_loop3A_426, %parallel_loop3A_427 : vector<16xf32>
        %parallel_loop3A_429 = arith.addf %parallel_loop3A_389, %parallel_loop3A_401 : vector<16xf32>
        %parallel_loop3A_430 = arith.addf %parallel_loop3A_413, %parallel_loop3A_425 : vector<16xf32>
        %parallel_loop3A_431 = arith.addf %parallel_loop3A_429, %parallel_loop3A_430 : vector<16xf32>
        %parallel_loop3A_432 = arith.addf %parallel_loop3A_428, %parallel_loop3A_431 : vector<16xf32>
        %parallel_loop3A_433 = arith.constant true
        %parallel_loop3A_434 = vector.broadcast %parallel_loop3A_433 : i1 to vector<16xi1>
        %parallel_loop3A_435 = tpu.scan <sum>, %parallel_loop3A_432 masked %parallel_loop3A_434 : vector<16xf32>, vector<16xi1> -> vector<16xf32>
        %parallel_loop3A_436 = vector.extract %parallel_loop3A_435[15] : f32 from vector<16xf32>
        %parallel_loop3A_437 = vector.broadcast %parallel_loop3A_436 : f32 to vector<16xf32>
        %parallel_loop3A_438 = math.exp %parallel_loop3A_437 : vector<16xf32>
        %parallel_loop3A_439 = arith.index_cast %parallel_loop3A_218 : i32 to index
        %parallel_loop3A_440 = arith.constant 0 : index
        %parallel_loop3A_441 = tpu.vector_load %arg16[%parallel_loop3A_439, %parallel_loop3A_440] {strides = array<i32>} : memref<48x128xf32, #tpu.memory_space<vmem>>, vector<16xf32>,
        %parallel_loop3A_442 = arith.index_cast %parallel_loop3A_218 : i32 to index
        %parallel_loop3A_443 = arith.constant 0 : index
        %parallel_loop3A_444 = tpu.vector_load %arg17[%parallel_loop3A_442, %parallel_loop3A_443] {strides = array<i32>} : memref<48x128xf32, #tpu.memory_space<vmem>>, vector<16xf32>,
        %parallel_loop3A_445 = arith.addf %parallel_loop3A_441, %parallel_loop3A_444 : vector<16xf32>
        %parallel_loop3A_446 = arith.constant 2.000000e-01 : f32
        %parallel_loop3A_447 = vector.broadcast %parallel_loop3A_446 : f32 to vector<16xf32>
        %parallel_loop3A_448 = arith.mulf %parallel_loop3A_445, %parallel_loop3A_447 : vector<16xf32>
        %parallel_loop3A_449 = arith.maximumf %parallel_loop3A_445, %parallel_loop3A_448 : vector<16xf32>
        %parallel_loop3A_450 = arith.mulf %parallel_loop3A_449, %get3A_73 : vector<16xf32>
        %parallel_loop3A_451 = arith.index_cast %parallel_loop3A_218 : i32 to index
        %parallel_loop3A_452 = arith.constant 16 : index
        %parallel_loop3A_453 = tpu.vector_load %arg16[%parallel_loop3A_451, %parallel_loop3A_452] {strides = array<i32>} : memref<48x128xf32, #tpu.memory_space<vmem>>, vector<16xf32>,
        %parallel_loop3A_454 = arith.index_cast %parallel_loop3A_218 : i32 to index
        %parallel_loop3A_455 = arith.constant 16 : index
        %parallel_loop3A_456 = tpu.vector_load %arg17[%parallel_loop3A_454, %parallel_loop3A_455] {strides = array<i32>} : memref<48x128xf32, #tpu.memory_space<vmem>>, vector<16xf32>,
        %parallel_loop3A_457 = arith.addf %parallel_loop3A_453, %parallel_loop3A_456 : vector<16xf32>
        %parallel_loop3A_458 = arith.constant 2.000000e-01 : f32
        %parallel_loop3A_459 = vector.broadcast %parallel_loop3A_458 : f32 to vector<16xf32>
        %parallel_loop3A_460 = arith.mulf %parallel_loop3A_457, %parallel_loop3A_459 : vector<16xf32>
        %parallel_loop3A_461 = arith.maximumf %parallel_loop3A_457, %parallel_loop3A_460 : vector<16xf32>
        %parallel_loop3A_462 = arith.mulf %parallel_loop3A_461, %get3A_75 : vector<16xf32>
        %parallel_loop3A_463 = arith.index_cast %parallel_loop3A_218 : i32 to index
        %parallel_loop3A_464 = arith.constant 32 : index
        %parallel_loop3A_465 = tpu.vector_load %arg16[%parallel_loop3A_463, %parallel_loop3A_464] {strides = array<i32>} : memref<48x128xf32, #tpu.memory_space<vmem>>, vector<16xf32>,
        %parallel_loop3A_466 = arith.index_cast %parallel_loop3A_218 : i32 to index
        %parallel_loop3A_467 = arith.constant 32 : index
        %parallel_loop3A_468 = tpu.vector_load %arg17[%parallel_loop3A_466, %parallel_loop3A_467] {strides = array<i32>} : memref<48x128xf32, #tpu.memory_space<vmem>>, vector<16xf32>,
        %parallel_loop3A_469 = arith.addf %parallel_loop3A_465, %parallel_loop3A_468 : vector<16xf32>
        %parallel_loop3A_470 = arith.constant 2.000000e-01 : f32
        %parallel_loop3A_471 = vector.broadcast %parallel_loop3A_470 : f32 to vector<16xf32>
        %parallel_loop3A_472 = arith.mulf %parallel_loop3A_469, %parallel_loop3A_471 : vector<16xf32>
        %parallel_loop3A_473 = arith.maximumf %parallel_loop3A_469, %parallel_loop3A_472 : vector<16xf32>
        %parallel_loop3A_474 = arith.mulf %parallel_loop3A_473, %get3A_77 : vector<16xf32>
        %parallel_loop3A_475 = arith.index_cast %parallel_loop3A_218 : i32 to index
        %parallel_loop3A_476 = arith.constant 48 : index
        %parallel_loop3A_477 = tpu.vector_load %arg16[%parallel_loop3A_475, %parallel_loop3A_476] {strides = array<i32>} : memref<48x128xf32, #tpu.memory_space<vmem>>, vector<16xf32>,
        %parallel_loop3A_478 = arith.index_cast %parallel_loop3A_218 : i32 to index
        %parallel_loop3A_479 = arith.constant 48 : index
        %parallel_loop3A_480 = tpu.vector_load %arg17[%parallel_loop3A_478, %parallel_loop3A_479] {strides = array<i32>} : memref<48x128xf32, #tpu.memory_space<vmem>>, vector<16xf32>,
        %parallel_loop3A_481 = arith.addf %parallel_loop3A_477, %parallel_loop3A_480 : vector<16xf32>
        %parallel_loop3A_482 = arith.constant 2.000000e-01 : f32
        %parallel_loop3A_483 = vector.broadcast %parallel_loop3A_482 : f32 to vector<16xf32>
        %parallel_loop3A_484 = arith.mulf %parallel_loop3A_481, %parallel_loop3A_483 : vector<16xf32>
        %parallel_loop3A_485 = arith.maximumf %parallel_loop3A_481, %parallel_loop3A_484 : vector<16xf32>
        %parallel_loop3A_486 = arith.mulf %parallel_loop3A_485, %get3A_79 : vector<16xf32>
        %parallel_loop3A_487 = arith.index_cast %parallel_loop3A_218 : i32 to index
        %parallel_loop3A_488 = arith.constant 64 : index
        %parallel_loop3A_489 = tpu.vector_load %arg16[%parallel_loop3A_487, %parallel_loop3A_488] {strides = array<i32>} : memref<48x128xf32, #tpu.memory_space<vmem>>, vector<16xf32>,
        %parallel_loop3A_490 = arith.index_cast %parallel_loop3A_218 : i32 to index
        %parallel_loop3A_491 = arith.constant 64 : index
        %parallel_loop3A_492 = tpu.vector_load %arg17[%parallel_loop3A_490, %parallel_loop3A_491] {strides = array<i32>} : memref<48x128xf32, #tpu.memory_space<vmem>>, vector<16xf32>,
        %parallel_loop3A_493 = arith.addf %parallel_loop3A_489, %parallel_loop3A_492 : vector<16xf32>
        %parallel_loop3A_494 = arith.constant 2.000000e-01 : f32
        %parallel_loop3A_495 = vector.broadcast %parallel_loop3A_494 : f32 to vector<16xf32>
        %parallel_loop3A_496 = arith.mulf %parallel_loop3A_493, %parallel_loop3A_495 : vector<16xf32>
        %parallel_loop3A_497 = arith.maximumf %parallel_loop3A_493, %parallel_loop3A_496 : vector<16xf32>
        %parallel_loop3A_498 = arith.mulf %parallel_loop3A_497, %get3A_81 : vector<16xf32>
        %parallel_loop3A_499 = arith.index_cast %parallel_loop3A_218 : i32 to index
        %parallel_loop3A_500 = arith.constant 80 : index
        %parallel_loop3A_501 = tpu.vector_load %arg16[%parallel_loop3A_499, %parallel_loop3A_500] {strides = array<i32>} : memref<48x128xf32, #tpu.memory_space<vmem>>, vector<16xf32>,
        %parallel_loop3A_502 = arith.index_cast %parallel_loop3A_218 : i32 to index
        %parallel_loop3A_503 = arith.constant 80 : index
        %parallel_loop3A_504 = tpu.vector_load %arg17[%parallel_loop3A_502, %parallel_loop3A_503] {strides = array<i32>} : memref<48x128xf32, #tpu.memory_space<vmem>>, vector<16xf32>,
        %parallel_loop3A_505 = arith.addf %parallel_loop3A_501, %parallel_loop3A_504 : vector<16xf32>
        %parallel_loop3A_506 = arith.constant 2.000000e-01 : f32
        %parallel_loop3A_507 = vector.broadcast %parallel_loop3A_506 : f32 to vector<16xf32>
        %parallel_loop3A_508 = arith.mulf %parallel_loop3A_505, %parallel_loop3A_507 : vector<16xf32>
        %parallel_loop3A_509 = arith.maximumf %parallel_loop3A_505, %parallel_loop3A_508 : vector<16xf32>
        %parallel_loop3A_510 = arith.mulf %parallel_loop3A_509, %get3A_83 : vector<16xf32>
        %parallel_loop3A_511 = arith.index_cast %parallel_loop3A_218 : i32 to index
        %parallel_loop3A_512 = arith.constant 96 : index
        %parallel_loop3A_513 = tpu.vector_load %arg16[%parallel_loop3A_511, %parallel_loop3A_512] {strides = array<i32>} : memref<48x128xf32, #tpu.memory_space<vmem>>, vector<16xf32>,
        %parallel_loop3A_514 = arith.index_cast %parallel_loop3A_218 : i32 to index
        %parallel_loop3A_515 = arith.constant 96 : index
        %parallel_loop3A_516 = tpu.vector_load %arg17[%parallel_loop3A_514, %parallel_loop3A_515] {strides = array<i32>} : memref<48x128xf32, #tpu.memory_space<vmem>>, vector<16xf32>,
        %parallel_loop3A_517 = arith.addf %parallel_loop3A_513, %parallel_loop3A_516 : vector<16xf32>
        %parallel_loop3A_518 = arith.constant 2.000000e-01 : f32
        %parallel_loop3A_519 = vector.broadcast %parallel_loop3A_518 : f32 to vector<16xf32>
        %parallel_loop3A_520 = arith.mulf %parallel_loop3A_517, %parallel_loop3A_519 : vector<16xf32>
        %parallel_loop3A_521 = arith.maximumf %parallel_loop3A_517, %parallel_loop3A_520 : vector<16xf32>
        %parallel_loop3A_522 = arith.mulf %parallel_loop3A_521, %get3A_85 : vector<16xf32>
        %parallel_loop3A_523 = arith.index_cast %parallel_loop3A_218 : i32 to index
        %parallel_loop3A_524 = arith.constant 112 : index
        %parallel_loop3A_525 = tpu.vector_load %arg16[%parallel_loop3A_523, %parallel_loop3A_524] {strides = array<i32>} : memref<48x128xf32, #tpu.memory_space<vmem>>, vector<16xf32>,
        %parallel_loop3A_526 = arith.index_cast %parallel_loop3A_218 : i32 to index
        %parallel_loop3A_527 = arith.constant 112 : index
        %parallel_loop3A_528 = tpu.vector_load %arg17[%parallel_loop3A_526, %parallel_loop3A_527] {strides = array<i32>} : memref<48x128xf32, #tpu.memory_space<vmem>>, vector<16xf32>,
        %parallel_loop3A_529 = arith.addf %parallel_loop3A_525, %parallel_loop3A_528 : vector<16xf32>
        %parallel_loop3A_530 = arith.constant 2.000000e-01 : f32
        %parallel_loop3A_531 = vector.broadcast %parallel_loop3A_530 : f32 to vector<16xf32>
        %parallel_loop3A_532 = arith.mulf %parallel_loop3A_529, %parallel_loop3A_531 : vector<16xf32>
        %parallel_loop3A_533 = arith.maximumf %parallel_loop3A_529, %parallel_loop3A_532 : vector<16xf32>
        %parallel_loop3A_534 = arith.mulf %parallel_loop3A_533, %get3A_87 : vector<16xf32>
        %parallel_loop3A_535 = arith.addf %parallel_loop3A_450, %parallel_loop3A_462 : vector<16xf32>
        %parallel_loop3A_536 = arith.addf %parallel_loop3A_474, %parallel_loop3A_486 : vector<16xf32>
        %parallel_loop3A_537 = arith.addf %parallel_loop3A_535, %parallel_loop3A_536 : vector<16xf32>
        %parallel_loop3A_538 = arith.addf %parallel_loop3A_498, %parallel_loop3A_510 : vector<16xf32>
        %parallel_loop3A_539 = arith.addf %parallel_loop3A_522, %parallel_loop3A_534 : vector<16xf32>
        %parallel_loop3A_540 = arith.addf %parallel_loop3A_538, %parallel_loop3A_539 : vector<16xf32>
        %parallel_loop3A_541 = arith.addf %parallel_loop3A_537, %parallel_loop3A_540 : vector<16xf32>
        %parallel_loop3A_542 = arith.constant true
        %parallel_loop3A_543 = vector.broadcast %parallel_loop3A_542 : i1 to vector<16xi1>
        %parallel_loop3A_544 = tpu.scan <sum>, %parallel_loop3A_541 masked %parallel_loop3A_543 : vector<16xf32>, vector<16xi1> -> vector<16xf32>
        %parallel_loop3A_545 = vector.extract %parallel_loop3A_544[15] : f32 from vector<16xf32>
        %parallel_loop3A_546 = vector.broadcast %parallel_loop3A_545 : f32 to vector<16xf32>
        %parallel_loop3A_547 = math.exp %parallel_loop3A_546 : vector<16xf32>
        %parallel_loop3A_548 = arith.index_cast %parallel_loop3A_220 : i32 to index
        %parallel_loop3A_549 = arith.constant 0 : index
        %parallel_loop3A_550 = tpu.vector_load %arg16[%parallel_loop3A_548, %parallel_loop3A_549] {strides = array<i32>} : memref<48x128xf32, #tpu.memory_space<vmem>>, vector<16xf32>,
        %parallel_loop3A_551 = arith.index_cast %parallel_loop3A_220 : i32 to index
        %parallel_loop3A_552 = arith.constant 0 : index
        %parallel_loop3A_553 = tpu.vector_load %arg17[%parallel_loop3A_551, %parallel_loop3A_552] {strides = array<i32>} : memref<48x128xf32, #tpu.memory_space<vmem>>, vector<16xf32>,
        %parallel_loop3A_554 = arith.addf %parallel_loop3A_550, %parallel_loop3A_553 : vector<16xf32>
        %parallel_loop3A_555 = arith.constant 2.000000e-01 : f32
        %parallel_loop3A_556 = vector.broadcast %parallel_loop3A_555 : f32 to vector<16xf32>
        %parallel_loop3A_557 = arith.mulf %parallel_loop3A_554, %parallel_loop3A_556 : vector<16xf32>
        %parallel_loop3A_558 = arith.maximumf %parallel_loop3A_554, %parallel_loop3A_557 : vector<16xf32>
        %parallel_loop3A_559 = arith.mulf %parallel_loop3A_558, %get3A_73 : vector<16xf32>
        %parallel_loop3A_560 = arith.index_cast %parallel_loop3A_220 : i32 to index
        %parallel_loop3A_561 = arith.constant 16 : index
        %parallel_loop3A_562 = tpu.vector_load %arg16[%parallel_loop3A_560, %parallel_loop3A_561] {strides = array<i32>} : memref<48x128xf32, #tpu.memory_space<vmem>>, vector<16xf32>,
        %parallel_loop3A_563 = arith.index_cast %parallel_loop3A_220 : i32 to index
        %parallel_loop3A_564 = arith.constant 16 : index
        %parallel_loop3A_565 = tpu.vector_load %arg17[%parallel_loop3A_563, %parallel_loop3A_564] {strides = array<i32>} : memref<48x128xf32, #tpu.memory_space<vmem>>, vector<16xf32>,
        %parallel_loop3A_566 = arith.addf %parallel_loop3A_562, %parallel_loop3A_565 : vector<16xf32>
        %parallel_loop3A_567 = arith.constant 2.000000e-01 : f32
        %parallel_loop3A_568 = vector.broadcast %parallel_loop3A_567 : f32 to vector<16xf32>
        %parallel_loop3A_569 = arith.mulf %parallel_loop3A_566, %parallel_loop3A_568 : vector<16xf32>
        %parallel_loop3A_570 = arith.maximumf %parallel_loop3A_566, %parallel_loop3A_569 : vector<16xf32>
        %parallel_loop3A_571 = arith.mulf %parallel_loop3A_570, %get3A_75 : vector<16xf32>
        %parallel_loop3A_572 = arith.index_cast %parallel_loop3A_220 : i32 to index
        %parallel_loop3A_573 = arith.constant 32 : index
        %parallel_loop3A_574 = tpu.vector_load %arg16[%parallel_loop3A_572, %parallel_loop3A_573] {strides = array<i32>} : memref<48x128xf32, #tpu.memory_space<vmem>>, vector<16xf32>,
        %parallel_loop3A_575 = arith.index_cast %parallel_loop3A_220 : i32 to index
        %parallel_loop3A_576 = arith.constant 32 : index
        %parallel_loop3A_577 = tpu.vector_load %arg17[%parallel_loop3A_575, %parallel_loop3A_576] {strides = array<i32>} : memref<48x128xf32, #tpu.memory_space<vmem>>, vector<16xf32>,
        %parallel_loop3A_578 = arith.addf %parallel_loop3A_574, %parallel_loop3A_577 : vector<16xf32>
        %parallel_loop3A_579 = arith.constant 2.000000e-01 : f32
        %parallel_loop3A_580 = vector.broadcast %parallel_loop3A_579 : f32 to vector<16xf32>
        %parallel_loop3A_581 = arith.mulf %parallel_loop3A_578, %parallel_loop3A_580 : vector<16xf32>
        %parallel_loop3A_582 = arith.maximumf %parallel_loop3A_578, %parallel_loop3A_581 : vector<16xf32>
        %parallel_loop3A_583 = arith.mulf %parallel_loop3A_582, %get3A_77 : vector<16xf32>
        %parallel_loop3A_584 = arith.index_cast %parallel_loop3A_220 : i32 to index
        %parallel_loop3A_585 = arith.constant 48 : index
        %parallel_loop3A_586 = tpu.vector_load %arg16[%parallel_loop3A_584, %parallel_loop3A_585] {strides = array<i32>} : memref<48x128xf32, #tpu.memory_space<vmem>>, vector<16xf32>,
        %parallel_loop3A_587 = arith.index_cast %parallel_loop3A_220 : i32 to index
        %parallel_loop3A_588 = arith.constant 48 : index
        %parallel_loop3A_589 = tpu.vector_load %arg17[%parallel_loop3A_587, %parallel_loop3A_588] {strides = array<i32>} : memref<48x128xf32, #tpu.memory_space<vmem>>, vector<16xf32>,
        %parallel_loop3A_590 = arith.addf %parallel_loop3A_586, %parallel_loop3A_589 : vector<16xf32>
        %parallel_loop3A_591 = arith.constant 2.000000e-01 : f32
        %parallel_loop3A_592 = vector.broadcast %parallel_loop3A_591 : f32 to vector<16xf32>
        %parallel_loop3A_593 = arith.mulf %parallel_loop3A_590, %parallel_loop3A_592 : vector<16xf32>
        %parallel_loop3A_594 = arith.maximumf %parallel_loop3A_590, %parallel_loop3A_593 : vector<16xf32>
        %parallel_loop3A_595 = arith.mulf %parallel_loop3A_594, %get3A_79 : vector<16xf32>
        %parallel_loop3A_596 = arith.index_cast %parallel_loop3A_220 : i32 to index
        %parallel_loop3A_597 = arith.constant 64 : index
        %parallel_loop3A_598 = tpu.vector_load %arg16[%parallel_loop3A_596, %parallel_loop3A_597] {strides = array<i32>} : memref<48x128xf32, #tpu.memory_space<vmem>>, vector<16xf32>,
        %parallel_loop3A_599 = arith.index_cast %parallel_loop3A_220 : i32 to index
        %parallel_loop3A_600 = arith.constant 64 : index
        %parallel_loop3A_601 = tpu.vector_load %arg17[%parallel_loop3A_599, %parallel_loop3A_600] {strides = array<i32>} : memref<48x128xf32, #tpu.memory_space<vmem>>, vector<16xf32>,
        %parallel_loop3A_602 = arith.addf %parallel_loop3A_598, %parallel_loop3A_601 : vector<16xf32>
        %parallel_loop3A_603 = arith.constant 2.000000e-01 : f32
        %parallel_loop3A_604 = vector.broadcast %parallel_loop3A_603 : f32 to vector<16xf32>
        %parallel_loop3A_605 = arith.mulf %parallel_loop3A_602, %parallel_loop3A_604 : vector<16xf32>
        %parallel_loop3A_606 = arith.maximumf %parallel_loop3A_602, %parallel_loop3A_605 : vector<16xf32>
        %parallel_loop3A_607 = arith.mulf %parallel_loop3A_606, %get3A_81 : vector<16xf32>
        %parallel_loop3A_608 = arith.index_cast %parallel_loop3A_220 : i32 to index
        %parallel_loop3A_609 = arith.constant 80 : index
        %parallel_loop3A_610 = tpu.vector_load %arg16[%parallel_loop3A_608, %parallel_loop3A_609] {strides = array<i32>} : memref<48x128xf32, #tpu.memory_space<vmem>>, vector<16xf32>,
        %parallel_loop3A_611 = arith.index_cast %parallel_loop3A_220 : i32 to index
        %parallel_loop3A_612 = arith.constant 80 : index
        %parallel_loop3A_613 = tpu.vector_load %arg17[%parallel_loop3A_611, %parallel_loop3A_612] {strides = array<i32>} : memref<48x128xf32, #tpu.memory_space<vmem>>, vector<16xf32>,
        %parallel_loop3A_614 = arith.addf %parallel_loop3A_610, %parallel_loop3A_613 : vector<16xf32>
        %parallel_loop3A_615 = arith.constant 2.000000e-01 : f32
        %parallel_loop3A_616 = vector.broadcast %parallel_loop3A_615 : f32 to vector<16xf32>
        %parallel_loop3A_617 = arith.mulf %parallel_loop3A_614, %parallel_loop3A_616 : vector<16xf32>
        %parallel_loop3A_618 = arith.maximumf %parallel_loop3A_614, %parallel_loop3A_617 : vector<16xf32>
        %parallel_loop3A_619 = arith.mulf %parallel_loop3A_618, %get3A_83 : vector<16xf32>
        %parallel_loop3A_620 = arith.index_cast %parallel_loop3A_220 : i32 to index
        %parallel_loop3A_621 = arith.constant 96 : index
        %parallel_loop3A_622 = tpu.vector_load %arg16[%parallel_loop3A_620, %parallel_loop3A_621] {strides = array<i32>} : memref<48x128xf32, #tpu.memory_space<vmem>>, vector<16xf32>,
        %parallel_loop3A_623 = arith.index_cast %parallel_loop3A_220 : i32 to index
        %parallel_loop3A_624 = arith.constant 96 : index
        %parallel_loop3A_625 = tpu.vector_load %arg17[%parallel_loop3A_623, %parallel_loop3A_624] {strides = array<i32>} : memref<48x128xf32, #tpu.memory_space<vmem>>, vector<16xf32>,
        %parallel_loop3A_626 = arith.addf %parallel_loop3A_622, %parallel_loop3A_625 : vector<16xf32>
        %parallel_loop3A_627 = arith.constant 2.000000e-01 : f32
        %parallel_loop3A_628 = vector.broadcast %parallel_loop3A_627 : f32 to vector<16xf32>
        %parallel_loop3A_629 = arith.mulf %parallel_loop3A_626, %parallel_loop3A_628 : vector<16xf32>
        %parallel_loop3A_630 = arith.maximumf %parallel_loop3A_626, %parallel_loop3A_629 : vector<16xf32>
        %parallel_loop3A_631 = arith.mulf %parallel_loop3A_630, %get3A_85 : vector<16xf32>
        %parallel_loop3A_632 = arith.index_cast %parallel_loop3A_220 : i32 to index
        %parallel_loop3A_633 = arith.constant 112 : index
        %parallel_loop3A_634 = tpu.vector_load %arg16[%parallel_loop3A_632, %parallel_loop3A_633] {strides = array<i32>} : memref<48x128xf32, #tpu.memory_space<vmem>>, vector<16xf32>,
        %parallel_loop3A_635 = arith.index_cast %parallel_loop3A_220 : i32 to index
        %parallel_loop3A_636 = arith.constant 112 : index
        %parallel_loop3A_637 = tpu.vector_load %arg17[%parallel_loop3A_635, %parallel_loop3A_636] {strides = array<i32>} : memref<48x128xf32, #tpu.memory_space<vmem>>, vector<16xf32>,
        %parallel_loop3A_638 = arith.addf %parallel_loop3A_634, %parallel_loop3A_637 : vector<16xf32>
        %parallel_loop3A_639 = arith.constant 2.000000e-01 : f32
        %parallel_loop3A_640 = vector.broadcast %parallel_loop3A_639 : f32 to vector<16xf32>
        %parallel_loop3A_641 = arith.mulf %parallel_loop3A_638, %parallel_loop3A_640 : vector<16xf32>
        %parallel_loop3A_642 = arith.maximumf %parallel_loop3A_638, %parallel_loop3A_641 : vector<16xf32>
        %parallel_loop3A_643 = arith.mulf %parallel_loop3A_642, %get3A_87 : vector<16xf32>
        %parallel_loop3A_644 = arith.addf %parallel_loop3A_559, %parallel_loop3A_571 : vector<16xf32>
        %parallel_loop3A_645 = arith.addf %parallel_loop3A_583, %parallel_loop3A_595 : vector<16xf32>
        %parallel_loop3A_646 = arith.addf %parallel_loop3A_644, %parallel_loop3A_645 : vector<16xf32>
        %parallel_loop3A_647 = arith.addf %parallel_loop3A_607, %parallel_loop3A_619 : vector<16xf32>
        %parallel_loop3A_648 = arith.addf %parallel_loop3A_631, %parallel_loop3A_643 : vector<16xf32>
        %parallel_loop3A_649 = arith.addf %parallel_loop3A_647, %parallel_loop3A_648 : vector<16xf32>
        %parallel_loop3A_650 = arith.addf %parallel_loop3A_646, %parallel_loop3A_649 : vector<16xf32>
        %parallel_loop3A_651 = arith.constant true
        %parallel_loop3A_652 = vector.broadcast %parallel_loop3A_651 : i1 to vector<16xi1>
        %parallel_loop3A_653 = tpu.scan <sum>, %parallel_loop3A_650 masked %parallel_loop3A_652 : vector<16xf32>, vector<16xi1> -> vector<16xf32>
        %parallel_loop3A_654 = vector.extract %parallel_loop3A_653[15] : f32 from vector<16xf32>
        %parallel_loop3A_655 = vector.broadcast %parallel_loop3A_654 : f32 to vector<16xf32>
        %parallel_loop3A_656 = math.exp %parallel_loop3A_655 : vector<16xf32>
        %parallel_loop3A_657 = arith.mulf %parallel_loop3A_223, %parallel_loop3A_329 : vector<16xf32>
        %parallel_loop3A_658 = arith.index_cast %parallel_loop3A_214 : i32 to index
        %parallel_loop3A_659 = arith.constant 0 : index
        %parallel_loop3A_660 = tpu.vector_load %arg16[%parallel_loop3A_658, %parallel_loop3A_659] {strides = array<i32>} : memref<48x128xf32, #tpu.memory_space<vmem>>, vector<16xf32>,
        tpu.vector_store %arg16[%parallel_loop3A_658, %parallel_loop3A_659], %parallel_loop3A_657 {strides = array<i32>} : memref<48x128xf32, #tpu.memory_space<vmem>>, vector<16xf32>,
        %parallel_loop3A_661 = arith.mulf %parallel_loop3A_235, %parallel_loop3A_329 : vector<16xf32>
        %parallel_loop3A_662 = arith.index_cast %parallel_loop3A_214 : i32 to index
        %parallel_loop3A_663 = arith.constant 16 : index
        %parallel_loop3A_664 = tpu.vector_load %arg16[%parallel_loop3A_662, %parallel_loop3A_663] {strides = array<i32>} : memref<48x128xf32, #tpu.memory_space<vmem>>, vector<16xf32>,
        tpu.vector_store %arg16[%parallel_loop3A_662, %parallel_loop3A_663], %parallel_loop3A_661 {strides = array<i32>} : memref<48x128xf32, #tpu.memory_space<vmem>>, vector<16xf32>,
        %parallel_loop3A_665 = arith.mulf %parallel_loop3A_247, %parallel_loop3A_329 : vector<16xf32>
        %parallel_loop3A_666 = arith.index_cast %parallel_loop3A_214 : i32 to index
        %parallel_loop3A_667 = arith.constant 32 : index
        %parallel_loop3A_668 = tpu.vector_load %arg16[%parallel_loop3A_666, %parallel_loop3A_667] {strides = array<i32>} : memref<48x128xf32, #tpu.memory_space<vmem>>, vector<16xf32>,
        tpu.vector_store %arg16[%parallel_loop3A_666, %parallel_loop3A_667], %parallel_loop3A_665 {strides = array<i32>} : memref<48x128xf32, #tpu.memory_space<vmem>>, vector<16xf32>,
        %parallel_loop3A_669 = arith.mulf %parallel_loop3A_259, %parallel_loop3A_329 : vector<16xf32>
        %parallel_loop3A_670 = arith.index_cast %parallel_loop3A_214 : i32 to index
        %parallel_loop3A_671 = arith.constant 48 : index
        %parallel_loop3A_672 = tpu.vector_load %arg16[%parallel_loop3A_670, %parallel_loop3A_671] {strides = array<i32>} : memref<48x128xf32, #tpu.memory_space<vmem>>, vector<16xf32>,
        tpu.vector_store %arg16[%parallel_loop3A_670, %parallel_loop3A_671], %parallel_loop3A_669 {strides = array<i32>} : memref<48x128xf32, #tpu.memory_space<vmem>>, vector<16xf32>,
        %parallel_loop3A_673 = arith.mulf %parallel_loop3A_271, %parallel_loop3A_329 : vector<16xf32>
        %parallel_loop3A_674 = arith.index_cast %parallel_loop3A_214 : i32 to index
        %parallel_loop3A_675 = arith.constant 64 : index
        %parallel_loop3A_676 = tpu.vector_load %arg16[%parallel_loop3A_674, %parallel_loop3A_675] {strides = array<i32>} : memref<48x128xf32, #tpu.memory_space<vmem>>, vector<16xf32>,
        tpu.vector_store %arg16[%parallel_loop3A_674, %parallel_loop3A_675], %parallel_loop3A_673 {strides = array<i32>} : memref<48x128xf32, #tpu.memory_space<vmem>>, vector<16xf32>,
        %parallel_loop3A_677 = arith.mulf %parallel_loop3A_283, %parallel_loop3A_329 : vector<16xf32>
        %parallel_loop3A_678 = arith.index_cast %parallel_loop3A_214 : i32 to index
        %parallel_loop3A_679 = arith.constant 80 : index
        %parallel_loop3A_680 = tpu.vector_load %arg16[%parallel_loop3A_678, %parallel_loop3A_679] {strides = array<i32>} : memref<48x128xf32, #tpu.memory_space<vmem>>, vector<16xf32>,
        tpu.vector_store %arg16[%parallel_loop3A_678, %parallel_loop3A_679], %parallel_loop3A_677 {strides = array<i32>} : memref<48x128xf32, #tpu.memory_space<vmem>>, vector<16xf32>,
        %parallel_loop3A_681 = arith.mulf %parallel_loop3A_295, %parallel_loop3A_329 : vector<16xf32>
        %parallel_loop3A_682 = arith.index_cast %parallel_loop3A_214 : i32 to index
        %parallel_loop3A_683 = arith.constant 96 : index
        %parallel_loop3A_684 = tpu.vector_load %arg16[%parallel_loop3A_682, %parallel_loop3A_683] {strides = array<i32>} : memref<48x128xf32, #tpu.memory_space<vmem>>, vector<16xf32>,
        tpu.vector_store %arg16[%parallel_loop3A_682, %parallel_loop3A_683], %parallel_loop3A_681 {strides = array<i32>} : memref<48x128xf32, #tpu.memory_space<vmem>>, vector<16xf32>,
        %parallel_loop3A_685 = arith.mulf %parallel_loop3A_307, %parallel_loop3A_329 : vector<16xf32>
        %parallel_loop3A_686 = arith.index_cast %parallel_loop3A_214 : i32 to index
        %parallel_loop3A_687 = arith.constant 112 : index
        %parallel_loop3A_688 = tpu.vector_load %arg16[%parallel_loop3A_686, %parallel_loop3A_687] {strides = array<i32>} : memref<48x128xf32, #tpu.memory_space<vmem>>, vector<16xf32>,
        tpu.vector_store %arg16[%parallel_loop3A_686, %parallel_loop3A_687], %parallel_loop3A_685 {strides = array<i32>} : memref<48x128xf32, #tpu.memory_space<vmem>>, vector<16xf32>,
        %parallel_loop3A_689 = vector.broadcast %parallel_loop3A_214 : i32 to vector<16xi32>
        tpu.vector_store_idx %arg22[%parallel_loop3A_689], %parallel_loop3A_329 masked %eq3A_5 : memref<48xf32, #tpu.memory_space<vmem>>[vector<16xi32>], vector<16xf32>, vector<16xi1>
        %parallel_loop3A_690 = arith.mulf %parallel_loop3A_332, %parallel_loop3A_438 : vector<16xf32>
        %parallel_loop3A_691 = arith.index_cast %parallel_loop3A_216 : i32 to index
        %parallel_loop3A_692 = arith.constant 0 : index
        %parallel_loop3A_693 = tpu.vector_load %arg16[%parallel_loop3A_691, %parallel_loop3A_692] {strides = array<i32>} : memref<48x128xf32, #tpu.memory_space<vmem>>, vector<16xf32>,
        tpu.vector_store %arg16[%parallel_loop3A_691, %parallel_loop3A_692], %parallel_loop3A_690 {strides = array<i32>} : memref<48x128xf32, #tpu.memory_space<vmem>>, vector<16xf32>,
        %parallel_loop3A_694 = arith.mulf %parallel_loop3A_344, %parallel_loop3A_438 : vector<16xf32>
        %parallel_loop3A_695 = arith.index_cast %parallel_loop3A_216 : i32 to index
        %parallel_loop3A_696 = arith.constant 16 : index
        %parallel_loop3A_697 = tpu.vector_load %arg16[%parallel_loop3A_695, %parallel_loop3A_696] {strides = array<i32>} : memref<48x128xf32, #tpu.memory_space<vmem>>, vector<16xf32>,
        tpu.vector_store %arg16[%parallel_loop3A_695, %parallel_loop3A_696], %parallel_loop3A_694 {strides = array<i32>} : memref<48x128xf32, #tpu.memory_space<vmem>>, vector<16xf32>,
        %parallel_loop3A_698 = arith.mulf %parallel_loop3A_356, %parallel_loop3A_438 : vector<16xf32>
        %parallel_loop3A_699 = arith.index_cast %parallel_loop3A_216 : i32 to index
        %parallel_loop3A_700 = arith.constant 32 : index
        %parallel_loop3A_701 = tpu.vector_load %arg16[%parallel_loop3A_699, %parallel_loop3A_700] {strides = array<i32>} : memref<48x128xf32, #tpu.memory_space<vmem>>, vector<16xf32>,
        tpu.vector_store %arg16[%parallel_loop3A_699, %parallel_loop3A_700], %parallel_loop3A_698 {strides = array<i32>} : memref<48x128xf32, #tpu.memory_space<vmem>>, vector<16xf32>,
        %parallel_loop3A_702 = arith.mulf %parallel_loop3A_368, %parallel_loop3A_438 : vector<16xf32>
        %parallel_loop3A_703 = arith.index_cast %parallel_loop3A_216 : i32 to index
        %parallel_loop3A_704 = arith.constant 48 : index
        %parallel_loop3A_705 = tpu.vector_load %arg16[%parallel_loop3A_703, %parallel_loop3A_704] {strides = array<i32>} : memref<48x128xf32, #tpu.memory_space<vmem>>, vector<16xf32>,
        tpu.vector_store %arg16[%parallel_loop3A_703, %parallel_loop3A_704], %parallel_loop3A_702 {strides = array<i32>} : memref<48x128xf32, #tpu.memory_space<vmem>>, vector<16xf32>,
        %parallel_loop3A_706 = arith.mulf %parallel_loop3A_380, %parallel_loop3A_438 : vector<16xf32>
        %parallel_loop3A_707 = arith.index_cast %parallel_loop3A_216 : i32 to index
        %parallel_loop3A_708 = arith.constant 64 : index
        %parallel_loop3A_709 = tpu.vector_load %arg16[%parallel_loop3A_707, %parallel_loop3A_708] {strides = array<i32>} : memref<48x128xf32, #tpu.memory_space<vmem>>, vector<16xf32>,
        tpu.vector_store %arg16[%parallel_loop3A_707, %parallel_loop3A_708], %parallel_loop3A_706 {strides = array<i32>} : memref<48x128xf32, #tpu.memory_space<vmem>>, vector<16xf32>,
        %parallel_loop3A_710 = arith.mulf %parallel_loop3A_392, %parallel_loop3A_438 : vector<16xf32>
        %parallel_loop3A_711 = arith.index_cast %parallel_loop3A_216 : i32 to index
        %parallel_loop3A_712 = arith.constant 80 : index
        %parallel_loop3A_713 = tpu.vector_load %arg16[%parallel_loop3A_711, %parallel_loop3A_712] {strides = array<i32>} : memref<48x128xf32, #tpu.memory_space<vmem>>, vector<16xf32>,
        tpu.vector_store %arg16[%parallel_loop3A_711, %parallel_loop3A_712], %parallel_loop3A_710 {strides = array<i32>} : memref<48x128xf32, #tpu.memory_space<vmem>>, vector<16xf32>,
        %parallel_loop3A_714 = arith.mulf %parallel_loop3A_404, %parallel_loop3A_438 : vector<16xf32>
        %parallel_loop3A_715 = arith.index_cast %parallel_loop3A_216 : i32 to index
        %parallel_loop3A_716 = arith.constant 96 : index
        %parallel_loop3A_717 = tpu.vector_load %arg16[%parallel_loop3A_715, %parallel_loop3A_716] {strides = array<i32>} : memref<48x128xf32, #tpu.memory_space<vmem>>, vector<16xf32>,
        tpu.vector_store %arg16[%parallel_loop3A_715, %parallel_loop3A_716], %parallel_loop3A_714 {strides = array<i32>} : memref<48x128xf32, #tpu.memory_space<vmem>>, vector<16xf32>,
        %parallel_loop3A_718 = arith.mulf %parallel_loop3A_416, %parallel_loop3A_438 : vector<16xf32>
        %parallel_loop3A_719 = arith.index_cast %parallel_loop3A_216 : i32 to index
        %parallel_loop3A_720 = arith.constant 112 : index
        %parallel_loop3A_721 = tpu.vector_load %arg16[%parallel_loop3A_719, %parallel_loop3A_720] {strides = array<i32>} : memref<48x128xf32, #tpu.memory_space<vmem>>, vector<16xf32>,
        tpu.vector_store %arg16[%parallel_loop3A_719, %parallel_loop3A_720], %parallel_loop3A_718 {strides = array<i32>} : memref<48x128xf32, #tpu.memory_space<vmem>>, vector<16xf32>,
        %parallel_loop3A_722 = vector.broadcast %parallel_loop3A_216 : i32 to vector<16xi32>
        tpu.vector_store_idx %arg22[%parallel_loop3A_722], %parallel_loop3A_438 masked %eq3A_5 : memref<48xf32, #tpu.memory_space<vmem>>[vector<16xi32>], vector<16xf32>, vector<16xi1>
        %parallel_loop3A_723 = arith.mulf %parallel_loop3A_441, %parallel_loop3A_547 : vector<16xf32>
        %parallel_loop3A_724 = arith.index_cast %parallel_loop3A_218 : i32 to index
        %parallel_loop3A_725 = arith.constant 0 : index
        %parallel_loop3A_726 = tpu.vector_load %arg16[%parallel_loop3A_724, %parallel_loop3A_725] {strides = array<i32>} : memref<48x128xf32, #tpu.memory_space<vmem>>, vector<16xf32>,
        tpu.vector_store %arg16[%parallel_loop3A_724, %parallel_loop3A_725], %parallel_loop3A_723 {strides = array<i32>} : memref<48x128xf32, #tpu.memory_space<vmem>>, vector<16xf32>,
        %parallel_loop3A_727 = arith.mulf %parallel_loop3A_453, %parallel_loop3A_547 : vector<16xf32>
        %parallel_loop3A_728 = arith.index_cast %parallel_loop3A_218 : i32 to index
        %parallel_loop3A_729 = arith.constant 16 : index
        %parallel_loop3A_730 = tpu.vector_load %arg16[%parallel_loop3A_728, %parallel_loop3A_729] {strides = array<i32>} : memref<48x128xf32, #tpu.memory_space<vmem>>, vector<16xf32>,
        tpu.vector_store %arg16[%parallel_loop3A_728, %parallel_loop3A_729], %parallel_loop3A_727 {strides = array<i32>} : memref<48x128xf32, #tpu.memory_space<vmem>>, vector<16xf32>,
        %parallel_loop3A_731 = arith.mulf %parallel_loop3A_465, %parallel_loop3A_547 : vector<16xf32>
        %parallel_loop3A_732 = arith.index_cast %parallel_loop3A_218 : i32 to index
        %parallel_loop3A_733 = arith.constant 32 : index
        %parallel_loop3A_734 = tpu.vector_load %arg16[%parallel_loop3A_732, %parallel_loop3A_733] {strides = array<i32>} : memref<48x128xf32, #tpu.memory_space<vmem>>, vector<16xf32>,
        tpu.vector_store %arg16[%parallel_loop3A_732, %parallel_loop3A_733], %parallel_loop3A_731 {strides = array<i32>} : memref<48x128xf32, #tpu.memory_space<vmem>>, vector<16xf32>,
        %parallel_loop3A_735 = arith.mulf %parallel_loop3A_477, %parallel_loop3A_547 : vector<16xf32>
        %parallel_loop3A_736 = arith.index_cast %parallel_loop3A_218 : i32 to index
        %parallel_loop3A_737 = arith.constant 48 : index
        %parallel_loop3A_738 = tpu.vector_load %arg16[%parallel_loop3A_736, %parallel_loop3A_737] {strides = array<i32>} : memref<48x128xf32, #tpu.memory_space<vmem>>, vector<16xf32>,
        tpu.vector_store %arg16[%parallel_loop3A_736, %parallel_loop3A_737], %parallel_loop3A_735 {strides = array<i32>} : memref<48x128xf32, #tpu.memory_space<vmem>>, vector<16xf32>,
        %parallel_loop3A_739 = arith.mulf %parallel_loop3A_489, %parallel_loop3A_547 : vector<16xf32>
        %parallel_loop3A_740 = arith.index_cast %parallel_loop3A_218 : i32 to index
        %parallel_loop3A_741 = arith.constant 64 : index
        %parallel_loop3A_742 = tpu.vector_load %arg16[%parallel_loop3A_740, %parallel_loop3A_741] {strides = array<i32>} : memref<48x128xf32, #tpu.memory_space<vmem>>, vector<16xf32>,
        tpu.vector_store %arg16[%parallel_loop3A_740, %parallel_loop3A_741], %parallel_loop3A_739 {strides = array<i32>} : memref<48x128xf32, #tpu.memory_space<vmem>>, vector<16xf32>,
        %parallel_loop3A_743 = arith.mulf %parallel_loop3A_501, %parallel_loop3A_547 : vector<16xf32>
        %parallel_loop3A_744 = arith.index_cast %parallel_loop3A_218 : i32 to index
        %parallel_loop3A_745 = arith.constant 80 : index
        %parallel_loop3A_746 = tpu.vector_load %arg16[%parallel_loop3A_744, %parallel_loop3A_745] {strides = array<i32>} : memref<48x128xf32, #tpu.memory_space<vmem>>, vector<16xf32>,
        tpu.vector_store %arg16[%parallel_loop3A_744, %parallel_loop3A_745], %parallel_loop3A_743 {strides = array<i32>} : memref<48x128xf32, #tpu.memory_space<vmem>>, vector<16xf32>,
        %parallel_loop3A_747 = arith.mulf %parallel_loop3A_513, %parallel_loop3A_547 : vector<16xf32>
        %parallel_loop3A_748 = arith.index_cast %parallel_loop3A_218 : i32 to index
        %parallel_loop3A_749 = arith.constant 96 : index
        %parallel_loop3A_750 = tpu.vector_load %arg16[%parallel_loop3A_748, %parallel_loop3A_749] {strides = array<i32>} : memref<48x128xf32, #tpu.memory_space<vmem>>, vector<16xf32>,
        tpu.vector_store %arg16[%parallel_loop3A_748, %parallel_loop3A_749], %parallel_loop3A_747 {strides = array<i32>} : memref<48x128xf32, #tpu.memory_space<vmem>>, vector<16xf32>,
        %parallel_loop3A_751 = arith.mulf %parallel_loop3A_525, %parallel_loop3A_547 : vector<16xf32>
        %parallel_loop3A_752 = arith.index_cast %parallel_loop3A_218 : i32 to index
        %parallel_loop3A_753 = arith.constant 112 : index
        %parallel_loop3A_754 = tpu.vector_load %arg16[%parallel_loop3A_752, %parallel_loop3A_753] {strides = array<i32>} : memref<48x128xf32, #tpu.memory_space<vmem>>, vector<16xf32>,
        tpu.vector_store %arg16[%parallel_loop3A_752, %parallel_loop3A_753], %parallel_loop3A_751 {strides = array<i32>} : memref<48x128xf32, #tpu.memory_space<vmem>>, vector<16xf32>,
        %parallel_loop3A_755 = vector.broadcast %parallel_loop3A_218 : i32 to vector<16xi32>
        tpu.vector_store_idx %arg22[%parallel_loop3A_755], %parallel_loop3A_547 masked %eq3A_5 : memref<48xf32, #tpu.memory_space<vmem>>[vector<16xi32>], vector<16xf32>, vector<16xi1>
        %parallel_loop3A_756 = arith.mulf %parallel_loop3A_550, %parallel_loop3A_656 : vector<16xf32>
        %parallel_loop3A_757 = arith.index_cast %parallel_loop3A_220 : i32 to index
        %parallel_loop3A_758 = arith.constant 0 : index
        %parallel_loop3A_759 = tpu.vector_load %arg16[%parallel_loop3A_757, %parallel_loop3A_758] {strides = array<i32>} : memref<48x128xf32, #tpu.memory_space<vmem>>, vector<16xf32>,
        tpu.vector_store %arg16[%parallel_loop3A_757, %parallel_loop3A_758], %parallel_loop3A_756 {strides = array<i32>} : memref<48x128xf32, #tpu.memory_space<vmem>>, vector<16xf32>,
        %parallel_loop3A_760 = arith.mulf %parallel_loop3A_562, %parallel_loop3A_656 : vector<16xf32>
        %parallel_loop3A_761 = arith.index_cast %parallel_loop3A_220 : i32 to index
        %parallel_loop3A_762 = arith.constant 16 : index
        %parallel_loop3A_763 = tpu.vector_load %arg16[%parallel_loop3A_761, %parallel_loop3A_762] {strides = array<i32>} : memref<48x128xf32, #tpu.memory_space<vmem>>, vector<16xf32>,
        tpu.vector_store %arg16[%parallel_loop3A_761, %parallel_loop3A_762], %parallel_loop3A_760 {strides = array<i32>} : memref<48x128xf32, #tpu.memory_space<vmem>>, vector<16xf32>,
        %parallel_loop3A_764 = arith.mulf %parallel_loop3A_574, %parallel_loop3A_656 : vector<16xf32>
        %parallel_loop3A_765 = arith.index_cast %parallel_loop3A_220 : i32 to index
        %parallel_loop3A_766 = arith.constant 32 : index
        %parallel_loop3A_767 = tpu.vector_load %arg16[%parallel_loop3A_765, %parallel_loop3A_766] {strides = array<i32>} : memref<48x128xf32, #tpu.memory_space<vmem>>, vector<16xf32>,
        tpu.vector_store %arg16[%parallel_loop3A_765, %parallel_loop3A_766], %parallel_loop3A_764 {strides = array<i32>} : memref<48x128xf32, #tpu.memory_space<vmem>>, vector<16xf32>,
        %parallel_loop3A_768 = arith.mulf %parallel_loop3A_586, %parallel_loop3A_656 : vector<16xf32>
        %parallel_loop3A_769 = arith.index_cast %parallel_loop3A_220 : i32 to index
        %parallel_loop3A_770 = arith.constant 48 : index
        %parallel_loop3A_771 = tpu.vector_load %arg16[%parallel_loop3A_769, %parallel_loop3A_770] {strides = array<i32>} : memref<48x128xf32, #tpu.memory_space<vmem>>, vector<16xf32>,
        tpu.vector_store %arg16[%parallel_loop3A_769, %parallel_loop3A_770], %parallel_loop3A_768 {strides = array<i32>} : memref<48x128xf32, #tpu.memory_space<vmem>>, vector<16xf32>,
        %parallel_loop3A_772 = arith.mulf %parallel_loop3A_598, %parallel_loop3A_656 : vector<16xf32>
        %parallel_loop3A_773 = arith.index_cast %parallel_loop3A_220 : i32 to index
        %parallel_loop3A_774 = arith.constant 64 : index
        %parallel_loop3A_775 = tpu.vector_load %arg16[%parallel_loop3A_773, %parallel_loop3A_774] {strides = array<i32>} : memref<48x128xf32, #tpu.memory_space<vmem>>, vector<16xf32>,
        tpu.vector_store %arg16[%parallel_loop3A_773, %parallel_loop3A_774], %parallel_loop3A_772 {strides = array<i32>} : memref<48x128xf32, #tpu.memory_space<vmem>>, vector<16xf32>,
        %parallel_loop3A_776 = arith.mulf %parallel_loop3A_610, %parallel_loop3A_656 : vector<16xf32>
        %parallel_loop3A_777 = arith.index_cast %parallel_loop3A_220 : i32 to index
        %parallel_loop3A_778 = arith.constant 80 : index
        %parallel_loop3A_779 = tpu.vector_load %arg16[%parallel_loop3A_777, %parallel_loop3A_778] {strides = array<i32>} : memref<48x128xf32, #tpu.memory_space<vmem>>, vector<16xf32>,
        tpu.vector_store %arg16[%parallel_loop3A_777, %parallel_loop3A_778], %parallel_loop3A_776 {strides = array<i32>} : memref<48x128xf32, #tpu.memory_space<vmem>>, vector<16xf32>,
        %parallel_loop3A_780 = arith.mulf %parallel_loop3A_622, %parallel_loop3A_656 : vector<16xf32>
        %parallel_loop3A_781 = arith.index_cast %parallel_loop3A_220 : i32 to index
        %parallel_loop3A_782 = arith.constant 96 : index
        %parallel_loop3A_783 = tpu.vector_load %arg16[%parallel_loop3A_781, %parallel_loop3A_782] {strides = array<i32>} : memref<48x128xf32, #tpu.memory_space<vmem>>, vector<16xf32>,
        tpu.vector_store %arg16[%parallel_loop3A_781, %parallel_loop3A_782], %parallel_loop3A_780 {strides = array<i32>} : memref<48x128xf32, #tpu.memory_space<vmem>>, vector<16xf32>,
        %parallel_loop3A_784 = arith.mulf %parallel_loop3A_634, %parallel_loop3A_656 : vector<16xf32>
        %parallel_loop3A_785 = arith.index_cast %parallel_loop3A_220 : i32 to index
        %parallel_loop3A_786 = arith.constant 112 : index
        %parallel_loop3A_787 = tpu.vector_load %arg16[%parallel_loop3A_785, %parallel_loop3A_786] {strides = array<i32>} : memref<48x128xf32, #tpu.memory_space<vmem>>, vector<16xf32>,
        tpu.vector_store %arg16[%parallel_loop3A_785, %parallel_loop3A_786], %parallel_loop3A_784 {strides = array<i32>} : memref<48x128xf32, #tpu.memory_space<vmem>>, vector<16xf32>,
        %parallel_loop3A_788 = vector.broadcast %parallel_loop3A_220 : i32 to vector<16xi32>
        tpu.vector_store_idx %arg22[%parallel_loop3A_788], %parallel_loop3A_656 masked %eq3A_5 : memref<48xf32, #tpu.memory_space<vmem>>[vector<16xi32>], vector<16xf32>, vector<16xi1>
      } {sc.loop_unroll_factor = 4 : i64, sc.parallel_access}
      %dma_start3A_164 = arith.constant 0 : i32
      %dma_start3A_165 = arith.constant 0 : i32
      %dma_start3A_166 = tpu.memref_slice %arg25[%dma_start3A_164, %dma_start3A_165] : memref<10112x128xf32, #tpu.memory_space<vmem_shared>> -> memref<10112x128xf32, #tpu.memory_space<vmem_shared>>
      tpu.enqueue_indirect_dma source(%arg16 : memref<48x128xf32, #tpu.memory_space<vmem>>) target(%dma_start3A_166 : memref<10112x128xf32, #tpu.memory_space<vmem_shared>>) offsets(%arg11 : memref<48xi32, #tpu.memory_space<vmem>>) semaphore(%arg31 : memref<!tpu.dma_semaphore, #tpu.memory_space<semaphore_mem>>) {add = true}
      %dma_start3A_167 = arith.constant 0 : i32
      %dma_start3A_168 = tpu.memref_slice %arg26[%dma_start3A_167] : memref<10112xf32, #tpu.memory_space<vmem_shared>> -> memref<10112xf32, #tpu.memory_space<vmem_shared>>
      tpu.enqueue_indirect_dma source(%arg22 : memref<48xf32, #tpu.memory_space<vmem>>) target(%dma_start3A_168 : memref<10112xf32, #tpu.memory_space<vmem_shared>>) offsets(%arg11 : memref<48xi32, #tpu.memory_space<vmem>>) semaphore(%arg31 : memref<!tpu.dma_semaphore, #tpu.memory_space<semaphore_mem>>) {add = true}
      %dma_wait3A_169 = arith.constant 0 : i32
      %dma_wait3A_170 = arith.constant 0 : i32
      %dma_wait3A_171 = tpu.memref_slice %arg25[%dma_wait3A_169, %dma_wait3A_170] : memref<10112x128xf32, #tpu.memory_space<vmem_shared>> -> memref<10112x128xf32, #tpu.memory_space<vmem_shared>>
      tpu.wait_indirect_dma semaphore(%arg30 : memref<!tpu.dma_semaphore, #tpu.memory_space<semaphore_mem>>) src(%arg14 : memref<48x128xf32, #tpu.memory_space<vmem>>) dst(%dma_wait3A_171 : memref<10112x128xf32, #tpu.memory_space<vmem_shared>>)
      %dma_wait3A_172 = arith.constant 0 : i32
      %dma_wait3A_173 = tpu.memref_slice %arg26[%dma_wait3A_172] : memref<10112xf32, #tpu.memory_space<vmem_shared>> -> memref<10112xf32, #tpu.memory_space<vmem_shared>>
      tpu.wait_indirect_dma semaphore(%arg30 : memref<!tpu.dma_semaphore, #tpu.memory_space<semaphore_mem>>) src(%arg21 : memref<48xf32, #tpu.memory_space<vmem>>) dst(%dma_wait3A_173 : memref<10112xf32, #tpu.memory_space<vmem_shared>>)
      %add3A_174 = arith.constant 2 : i32
      %add3A_175 = arith.addi %add3A_154, %add3A_174 : i32
      %lt3A_176 = arith.constant 216 : i32
      %lt3A_177 = arith.cmpi slt, %add3A_175, %lt3A_176 : i32
      %convert_element_type3A_178 = arith.extui %lt3A_177 : i1 to i32
      %cond3A_179 = arith.constant 0 : i32
      %cond3A_180 = arith.cmpi ne, %convert_element_type3A_178, %cond3A_179 : i32
      scf.if %cond3A_180 {
        %add3A_212 = arith.constant 2 : i32
        %add3A_213 = arith.addi %add3A_154, %add3A_212 : i32
        %mul3A_214 = arith.constant 48 : i32
        %mul3A_215 = arith.muli %add3A_213, %mul3A_214 : i32
        %add3A_216 = arith.addi %mul3A_89, %mul3A_215 : i32
        "tpu.region"() ({
          %run_scoped3A = tpu.sem_alloc : memref<!tpu.dma_semaphore, #tpu.memory_space<semaphore_mem>>
          %dma_start3A_225 = tpu.memref_slice %arg4[%add3A_216] : memref<663552xi32, #tpu.memory_space<hbm>> -> memref<48xi32, #tpu.memory_space<hbm>>
          %dma_start3A_226 = tpu.memref_slice %arg4[%add3A_216] : memref<663552xi32, #tpu.memory_space<hbm>> -> memref<48xi32, #tpu.memory_space<hbm>>
          tpu.enqueue_dma source(%dma_start3A_226 : memref<48xi32, #tpu.memory_space<hbm>>) target(%arg8 : memref<48xi32, #tpu.memory_space<vmem>>) target_semaphore(%run_scoped3A : memref<!tpu.dma_semaphore, #tpu.memory_space<semaphore_mem>>)
          %dma_wait3A_227 = tpu.memref_slice %arg4[%add3A_216] : memref<663552xi32, #tpu.memory_space<hbm>> -> memref<48xi32, #tpu.memory_space<hbm>>
          %dma_wait3A_228 = tpu.memref_slice %arg4[%add3A_216] : memref<663552xi32, #tpu.memory_space<hbm>> -> memref<48xi32, #tpu.memory_space<hbm>>
          tpu.wait_dma2 semaphore(%run_scoped3A : memref<!tpu.dma_semaphore, #tpu.memory_space<semaphore_mem>>) src(%dma_wait3A_228 : memref<48xi32, #tpu.memory_space<hbm>>) dst(%arg8 : memref<48xi32, #tpu.memory_space<vmem>>)
          tpu.yield
        }) : () -> ()
        %add3A_217 = arith.constant 331776 : i32
        %add3A_218 = arith.addi %add3A_217, %add3A_216 : i32
        "tpu.region"() ({
          %run_scoped3A = tpu.sem_alloc : memref<!tpu.dma_semaphore, #tpu.memory_space<semaphore_mem>>
          %dma_start3A_225 = tpu.memref_slice %arg4[%add3A_218] : memref<663552xi32, #tpu.memory_space<hbm>> -> memref<48xi32, #tpu.memory_space<hbm>>
          %dma_start3A_226 = tpu.memref_slice %arg4[%add3A_218] : memref<663552xi32, #tpu.memory_space<hbm>> -> memref<48xi32, #tpu.memory_space<hbm>>
          tpu.enqueue_dma source(%dma_start3A_226 : memref<48xi32, #tpu.memory_space<hbm>>) target(%arg9 : memref<48xi32, #tpu.memory_space<vmem>>) target_semaphore(%run_scoped3A : memref<!tpu.dma_semaphore, #tpu.memory_space<semaphore_mem>>)
          %dma_wait3A_227 = tpu.memref_slice %arg4[%add3A_218] : memref<663552xi32, #tpu.memory_space<hbm>> -> memref<48xi32, #tpu.memory_space<hbm>>
          %dma_wait3A_228 = tpu.memref_slice %arg4[%add3A_218] : memref<663552xi32, #tpu.memory_space<hbm>> -> memref<48xi32, #tpu.memory_space<hbm>>
          tpu.wait_dma2 semaphore(%run_scoped3A : memref<!tpu.dma_semaphore, #tpu.memory_space<semaphore_mem>>) src(%dma_wait3A_228 : memref<48xi32, #tpu.memory_space<hbm>>) dst(%arg9 : memref<48xi32, #tpu.memory_space<vmem>>)
          tpu.yield
        }) : () -> ()
        %dma_start3A_219 = arith.constant 0 : i32
        %dma_start3A_220 = arith.constant 0 : i32
        %dma_start3A_221 = tpu.memref_slice %arg2[%dma_start3A_219, %dma_start3A_220] : memref<10112x128xf32, #tpu.memory_space<hbm>> -> memref<10112x128xf32, #tpu.memory_space<hbm>>
        tpu.enqueue_indirect_dma source(%dma_start3A_221 : memref<10112x128xf32, #tpu.memory_space<hbm>>) target(%arg14 : memref<48x128xf32, #tpu.memory_space<vmem>>) offsets(%arg8 : memref<48xi32, #tpu.memory_space<vmem>>) semaphore(%arg27 : memref<!tpu.dma_semaphore, #tpu.memory_space<semaphore_mem>>)
        %dma_start3A_222 = arith.constant 0 : i32
        %dma_start3A_223 = arith.constant 0 : i32
        %dma_start3A_224 = tpu.memref_slice %arg3[%dma_start3A_222, %dma_start3A_223] : memref<10112x128xf32, #tpu.memory_space<hbm>> -> memref<10112x128xf32, #tpu.memory_space<hbm>>
        tpu.enqueue_indirect_dma source(%dma_start3A_224 : memref<10112x128xf32, #tpu.memory_space<hbm>>) target(%arg15 : memref<48x128xf32, #tpu.memory_space<vmem>>) offsets(%arg9 : memref<48xi32, #tpu.memory_space<vmem>>) semaphore(%arg27 : memref<!tpu.dma_semaphore, #tpu.memory_space<semaphore_mem>>)
      } else {
      }
      %mul3A_181 = arith.constant 3 : i32
      %mul3A_182 = arith.muli %mul3A_181, %scan3A_124 : i32
      %add3A_183 = arith.constant 2 : i32
      %add3A_184 = arith.addi %mul3A_182, %add3A_183 : i32
      %dma_wait3A_185 = arith.constant 0 : i32
      %dma_wait3A_186 = arith.constant 0 : i32
      %dma_wait3A_187 = tpu.memref_slice %arg2[%dma_wait3A_185, %dma_wait3A_186] : memref<10112x128xf32, #tpu.memory_space<hbm>> -> memref<10112x128xf32, #tpu.memory_space<hbm>>
      tpu.wait_indirect_dma semaphore(%arg29 : memref<!tpu.dma_semaphore, #tpu.memory_space<semaphore_mem>>) src(%dma_wait3A_187 : memref<10112x128xf32, #tpu.memory_space<hbm>>) dst(%arg18 : memref<48x128xf32, #tpu.memory_space<vmem>>)
      %dma_wait3A_188 = arith.constant 0 : i32
      %dma_wait3A_189 = arith.constant 0 : i32
      %dma_wait3A_190 = tpu.memref_slice %arg3[%dma_wait3A_188, %dma_wait3A_189] : memref<10112x128xf32, #tpu.memory_space<hbm>> -> memref<10112x128xf32, #tpu.memory_space<hbm>>
      tpu.wait_indirect_dma semaphore(%arg29 : memref<!tpu.dma_semaphore, #tpu.memory_space<semaphore_mem>>) src(%dma_wait3A_190 : memref<10112x128xf32, #tpu.memory_space<hbm>>) dst(%arg19 : memref<48x128xf32, #tpu.memory_space<vmem>>)
      %parallel_loop3A_191 = arith.constant 0 : i32
      %parallel_loop3A_192 = arith.constant 48 : i32
      %parallel_loop3A_193 = arith.constant 4 : i32
      scf.for %parallel_loop3A_212 = %parallel_loop3A_191 to %parallel_loop3A_192 step %parallel_loop3A_193  : i32 {
        %parallel_loop3A_213 = arith.constant 0 : i32
        %parallel_loop3A_214 = arith.addi %parallel_loop3A_212, %parallel_loop3A_213 : i32
        %parallel_loop3A_215 = arith.constant 1 : i32
        %parallel_loop3A_216 = arith.addi %parallel_loop3A_212, %parallel_loop3A_215 : i32
        %parallel_loop3A_217 = arith.constant 2 : i32
        %parallel_loop3A_218 = arith.addi %parallel_loop3A_212, %parallel_loop3A_217 : i32
        %parallel_loop3A_219 = arith.constant 3 : i32
        %parallel_loop3A_220 = arith.addi %parallel_loop3A_212, %parallel_loop3A_219 : i32
        %parallel_loop3A_221 = arith.index_cast %parallel_loop3A_214 : i32 to index
        %parallel_loop3A_222 = arith.constant 0 : index
        %parallel_loop3A_223 = tpu.vector_load %arg18[%parallel_loop3A_221, %parallel_loop3A_222] {strides = array<i32>} : memref<48x128xf32, #tpu.memory_space<vmem>>, vector<16xf32>,
        %parallel_loop3A_224 = arith.index_cast %parallel_loop3A_214 : i32 to index
        %parallel_loop3A_225 = arith.constant 0 : index
        %parallel_loop3A_226 = tpu.vector_load %arg19[%parallel_loop3A_224, %parallel_loop3A_225] {strides = array<i32>} : memref<48x128xf32, #tpu.memory_space<vmem>>, vector<16xf32>,
        %parallel_loop3A_227 = arith.addf %parallel_loop3A_223, %parallel_loop3A_226 : vector<16xf32>
        %parallel_loop3A_228 = arith.constant 2.000000e-01 : f32
        %parallel_loop3A_229 = vector.broadcast %parallel_loop3A_228 : f32 to vector<16xf32>
        %parallel_loop3A_230 = arith.mulf %parallel_loop3A_227, %parallel_loop3A_229 : vector<16xf32>
        %parallel_loop3A_231 = arith.maximumf %parallel_loop3A_227, %parallel_loop3A_230 : vector<16xf32>
        %parallel_loop3A_232 = arith.mulf %parallel_loop3A_231, %get3A_73 : vector<16xf32>
        %parallel_loop3A_233 = arith.index_cast %parallel_loop3A_214 : i32 to index
        %parallel_loop3A_234 = arith.constant 16 : index
        %parallel_loop3A_235 = tpu.vector_load %arg18[%parallel_loop3A_233, %parallel_loop3A_234] {strides = array<i32>} : memref<48x128xf32, #tpu.memory_space<vmem>>, vector<16xf32>,
        %parallel_loop3A_236 = arith.index_cast %parallel_loop3A_214 : i32 to index
        %parallel_loop3A_237 = arith.constant 16 : index
        %parallel_loop3A_238 = tpu.vector_load %arg19[%parallel_loop3A_236, %parallel_loop3A_237] {strides = array<i32>} : memref<48x128xf32, #tpu.memory_space<vmem>>, vector<16xf32>,
        %parallel_loop3A_239 = arith.addf %parallel_loop3A_235, %parallel_loop3A_238 : vector<16xf32>
        %parallel_loop3A_240 = arith.constant 2.000000e-01 : f32
        %parallel_loop3A_241 = vector.broadcast %parallel_loop3A_240 : f32 to vector<16xf32>
        %parallel_loop3A_242 = arith.mulf %parallel_loop3A_239, %parallel_loop3A_241 : vector<16xf32>
        %parallel_loop3A_243 = arith.maximumf %parallel_loop3A_239, %parallel_loop3A_242 : vector<16xf32>
        %parallel_loop3A_244 = arith.mulf %parallel_loop3A_243, %get3A_75 : vector<16xf32>
        %parallel_loop3A_245 = arith.index_cast %parallel_loop3A_214 : i32 to index
        %parallel_loop3A_246 = arith.constant 32 : index
        %parallel_loop3A_247 = tpu.vector_load %arg18[%parallel_loop3A_245, %parallel_loop3A_246] {strides = array<i32>} : memref<48x128xf32, #tpu.memory_space<vmem>>, vector<16xf32>,
        %parallel_loop3A_248 = arith.index_cast %parallel_loop3A_214 : i32 to index
        %parallel_loop3A_249 = arith.constant 32 : index
        %parallel_loop3A_250 = tpu.vector_load %arg19[%parallel_loop3A_248, %parallel_loop3A_249] {strides = array<i32>} : memref<48x128xf32, #tpu.memory_space<vmem>>, vector<16xf32>,
        %parallel_loop3A_251 = arith.addf %parallel_loop3A_247, %parallel_loop3A_250 : vector<16xf32>
        %parallel_loop3A_252 = arith.constant 2.000000e-01 : f32
        %parallel_loop3A_253 = vector.broadcast %parallel_loop3A_252 : f32 to vector<16xf32>
        %parallel_loop3A_254 = arith.mulf %parallel_loop3A_251, %parallel_loop3A_253 : vector<16xf32>
        %parallel_loop3A_255 = arith.maximumf %parallel_loop3A_251, %parallel_loop3A_254 : vector<16xf32>
        %parallel_loop3A_256 = arith.mulf %parallel_loop3A_255, %get3A_77 : vector<16xf32>
        %parallel_loop3A_257 = arith.index_cast %parallel_loop3A_214 : i32 to index
        %parallel_loop3A_258 = arith.constant 48 : index
        %parallel_loop3A_259 = tpu.vector_load %arg18[%parallel_loop3A_257, %parallel_loop3A_258] {strides = array<i32>} : memref<48x128xf32, #tpu.memory_space<vmem>>, vector<16xf32>,
        %parallel_loop3A_260 = arith.index_cast %parallel_loop3A_214 : i32 to index
        %parallel_loop3A_261 = arith.constant 48 : index
        %parallel_loop3A_262 = tpu.vector_load %arg19[%parallel_loop3A_260, %parallel_loop3A_261] {strides = array<i32>} : memref<48x128xf32, #tpu.memory_space<vmem>>, vector<16xf32>,
        %parallel_loop3A_263 = arith.addf %parallel_loop3A_259, %parallel_loop3A_262 : vector<16xf32>
        %parallel_loop3A_264 = arith.constant 2.000000e-01 : f32
        %parallel_loop3A_265 = vector.broadcast %parallel_loop3A_264 : f32 to vector<16xf32>
        %parallel_loop3A_266 = arith.mulf %parallel_loop3A_263, %parallel_loop3A_265 : vector<16xf32>
        %parallel_loop3A_267 = arith.maximumf %parallel_loop3A_263, %parallel_loop3A_266 : vector<16xf32>
        %parallel_loop3A_268 = arith.mulf %parallel_loop3A_267, %get3A_79 : vector<16xf32>
        %parallel_loop3A_269 = arith.index_cast %parallel_loop3A_214 : i32 to index
        %parallel_loop3A_270 = arith.constant 64 : index
        %parallel_loop3A_271 = tpu.vector_load %arg18[%parallel_loop3A_269, %parallel_loop3A_270] {strides = array<i32>} : memref<48x128xf32, #tpu.memory_space<vmem>>, vector<16xf32>,
        %parallel_loop3A_272 = arith.index_cast %parallel_loop3A_214 : i32 to index
        %parallel_loop3A_273 = arith.constant 64 : index
        %parallel_loop3A_274 = tpu.vector_load %arg19[%parallel_loop3A_272, %parallel_loop3A_273] {strides = array<i32>} : memref<48x128xf32, #tpu.memory_space<vmem>>, vector<16xf32>,
        %parallel_loop3A_275 = arith.addf %parallel_loop3A_271, %parallel_loop3A_274 : vector<16xf32>
        %parallel_loop3A_276 = arith.constant 2.000000e-01 : f32
        %parallel_loop3A_277 = vector.broadcast %parallel_loop3A_276 : f32 to vector<16xf32>
        %parallel_loop3A_278 = arith.mulf %parallel_loop3A_275, %parallel_loop3A_277 : vector<16xf32>
        %parallel_loop3A_279 = arith.maximumf %parallel_loop3A_275, %parallel_loop3A_278 : vector<16xf32>
        %parallel_loop3A_280 = arith.mulf %parallel_loop3A_279, %get3A_81 : vector<16xf32>
        %parallel_loop3A_281 = arith.index_cast %parallel_loop3A_214 : i32 to index
        %parallel_loop3A_282 = arith.constant 80 : index
        %parallel_loop3A_283 = tpu.vector_load %arg18[%parallel_loop3A_281, %parallel_loop3A_282] {strides = array<i32>} : memref<48x128xf32, #tpu.memory_space<vmem>>, vector<16xf32>,
        %parallel_loop3A_284 = arith.index_cast %parallel_loop3A_214 : i32 to index
        %parallel_loop3A_285 = arith.constant 80 : index
        %parallel_loop3A_286 = tpu.vector_load %arg19[%parallel_loop3A_284, %parallel_loop3A_285] {strides = array<i32>} : memref<48x128xf32, #tpu.memory_space<vmem>>, vector<16xf32>,
        %parallel_loop3A_287 = arith.addf %parallel_loop3A_283, %parallel_loop3A_286 : vector<16xf32>
        %parallel_loop3A_288 = arith.constant 2.000000e-01 : f32
        %parallel_loop3A_289 = vector.broadcast %parallel_loop3A_288 : f32 to vector<16xf32>
        %parallel_loop3A_290 = arith.mulf %parallel_loop3A_287, %parallel_loop3A_289 : vector<16xf32>
        %parallel_loop3A_291 = arith.maximumf %parallel_loop3A_287, %parallel_loop3A_290 : vector<16xf32>
        %parallel_loop3A_292 = arith.mulf %parallel_loop3A_291, %get3A_83 : vector<16xf32>
        %parallel_loop3A_293 = arith.index_cast %parallel_loop3A_214 : i32 to index
        %parallel_loop3A_294 = arith.constant 96 : index
        %parallel_loop3A_295 = tpu.vector_load %arg18[%parallel_loop3A_293, %parallel_loop3A_294] {strides = array<i32>} : memref<48x128xf32, #tpu.memory_space<vmem>>, vector<16xf32>,
        %parallel_loop3A_296 = arith.index_cast %parallel_loop3A_214 : i32 to index
        %parallel_loop3A_297 = arith.constant 96 : index
        %parallel_loop3A_298 = tpu.vector_load %arg19[%parallel_loop3A_296, %parallel_loop3A_297] {strides = array<i32>} : memref<48x128xf32, #tpu.memory_space<vmem>>, vector<16xf32>,
        %parallel_loop3A_299 = arith.addf %parallel_loop3A_295, %parallel_loop3A_298 : vector<16xf32>
        %parallel_loop3A_300 = arith.constant 2.000000e-01 : f32
        %parallel_loop3A_301 = vector.broadcast %parallel_loop3A_300 : f32 to vector<16xf32>
        %parallel_loop3A_302 = arith.mulf %parallel_loop3A_299, %parallel_loop3A_301 : vector<16xf32>
        %parallel_loop3A_303 = arith.maximumf %parallel_loop3A_299, %parallel_loop3A_302 : vector<16xf32>
        %parallel_loop3A_304 = arith.mulf %parallel_loop3A_303, %get3A_85 : vector<16xf32>
        %parallel_loop3A_305 = arith.index_cast %parallel_loop3A_214 : i32 to index
        %parallel_loop3A_306 = arith.constant 112 : index
        %parallel_loop3A_307 = tpu.vector_load %arg18[%parallel_loop3A_305, %parallel_loop3A_306] {strides = array<i32>} : memref<48x128xf32, #tpu.memory_space<vmem>>, vector<16xf32>,
        %parallel_loop3A_308 = arith.index_cast %parallel_loop3A_214 : i32 to index
        %parallel_loop3A_309 = arith.constant 112 : index
        %parallel_loop3A_310 = tpu.vector_load %arg19[%parallel_loop3A_308, %parallel_loop3A_309] {strides = array<i32>} : memref<48x128xf32, #tpu.memory_space<vmem>>, vector<16xf32>,
        %parallel_loop3A_311 = arith.addf %parallel_loop3A_307, %parallel_loop3A_310 : vector<16xf32>
        %parallel_loop3A_312 = arith.constant 2.000000e-01 : f32
        %parallel_loop3A_313 = vector.broadcast %parallel_loop3A_312 : f32 to vector<16xf32>
        %parallel_loop3A_314 = arith.mulf %parallel_loop3A_311, %parallel_loop3A_313 : vector<16xf32>
        %parallel_loop3A_315 = arith.maximumf %parallel_loop3A_311, %parallel_loop3A_314 : vector<16xf32>
        %parallel_loop3A_316 = arith.mulf %parallel_loop3A_315, %get3A_87 : vector<16xf32>
        %parallel_loop3A_317 = arith.addf %parallel_loop3A_232, %parallel_loop3A_244 : vector<16xf32>
        %parallel_loop3A_318 = arith.addf %parallel_loop3A_256, %parallel_loop3A_268 : vector<16xf32>
        %parallel_loop3A_319 = arith.addf %parallel_loop3A_317, %parallel_loop3A_318 : vector<16xf32>
        %parallel_loop3A_320 = arith.addf %parallel_loop3A_280, %parallel_loop3A_292 : vector<16xf32>
        %parallel_loop3A_321 = arith.addf %parallel_loop3A_304, %parallel_loop3A_316 : vector<16xf32>
        %parallel_loop3A_322 = arith.addf %parallel_loop3A_320, %parallel_loop3A_321 : vector<16xf32>
        %parallel_loop3A_323 = arith.addf %parallel_loop3A_319, %parallel_loop3A_322 : vector<16xf32>
        %parallel_loop3A_324 = arith.constant true
        %parallel_loop3A_325 = vector.broadcast %parallel_loop3A_324 : i1 to vector<16xi1>
        %parallel_loop3A_326 = tpu.scan <sum>, %parallel_loop3A_323 masked %parallel_loop3A_325 : vector<16xf32>, vector<16xi1> -> vector<16xf32>
        %parallel_loop3A_327 = vector.extract %parallel_loop3A_326[15] : f32 from vector<16xf32>
        %parallel_loop3A_328 = vector.broadcast %parallel_loop3A_327 : f32 to vector<16xf32>
        %parallel_loop3A_329 = math.exp %parallel_loop3A_328 : vector<16xf32>
        %parallel_loop3A_330 = arith.index_cast %parallel_loop3A_216 : i32 to index
        %parallel_loop3A_331 = arith.constant 0 : index
        %parallel_loop3A_332 = tpu.vector_load %arg18[%parallel_loop3A_330, %parallel_loop3A_331] {strides = array<i32>} : memref<48x128xf32, #tpu.memory_space<vmem>>, vector<16xf32>,
        %parallel_loop3A_333 = arith.index_cast %parallel_loop3A_216 : i32 to index
        %parallel_loop3A_334 = arith.constant 0 : index
        %parallel_loop3A_335 = tpu.vector_load %arg19[%parallel_loop3A_333, %parallel_loop3A_334] {strides = array<i32>} : memref<48x128xf32, #tpu.memory_space<vmem>>, vector<16xf32>,
        %parallel_loop3A_336 = arith.addf %parallel_loop3A_332, %parallel_loop3A_335 : vector<16xf32>
        %parallel_loop3A_337 = arith.constant 2.000000e-01 : f32
        %parallel_loop3A_338 = vector.broadcast %parallel_loop3A_337 : f32 to vector<16xf32>
        %parallel_loop3A_339 = arith.mulf %parallel_loop3A_336, %parallel_loop3A_338 : vector<16xf32>
        %parallel_loop3A_340 = arith.maximumf %parallel_loop3A_336, %parallel_loop3A_339 : vector<16xf32>
        %parallel_loop3A_341 = arith.mulf %parallel_loop3A_340, %get3A_73 : vector<16xf32>
        %parallel_loop3A_342 = arith.index_cast %parallel_loop3A_216 : i32 to index
        %parallel_loop3A_343 = arith.constant 16 : index
        %parallel_loop3A_344 = tpu.vector_load %arg18[%parallel_loop3A_342, %parallel_loop3A_343] {strides = array<i32>} : memref<48x128xf32, #tpu.memory_space<vmem>>, vector<16xf32>,
        %parallel_loop3A_345 = arith.index_cast %parallel_loop3A_216 : i32 to index
        %parallel_loop3A_346 = arith.constant 16 : index
        %parallel_loop3A_347 = tpu.vector_load %arg19[%parallel_loop3A_345, %parallel_loop3A_346] {strides = array<i32>} : memref<48x128xf32, #tpu.memory_space<vmem>>, vector<16xf32>,
        %parallel_loop3A_348 = arith.addf %parallel_loop3A_344, %parallel_loop3A_347 : vector<16xf32>
        %parallel_loop3A_349 = arith.constant 2.000000e-01 : f32
        %parallel_loop3A_350 = vector.broadcast %parallel_loop3A_349 : f32 to vector<16xf32>
        %parallel_loop3A_351 = arith.mulf %parallel_loop3A_348, %parallel_loop3A_350 : vector<16xf32>
        %parallel_loop3A_352 = arith.maximumf %parallel_loop3A_348, %parallel_loop3A_351 : vector<16xf32>
        %parallel_loop3A_353 = arith.mulf %parallel_loop3A_352, %get3A_75 : vector<16xf32>
        %parallel_loop3A_354 = arith.index_cast %parallel_loop3A_216 : i32 to index
        %parallel_loop3A_355 = arith.constant 32 : index
        %parallel_loop3A_356 = tpu.vector_load %arg18[%parallel_loop3A_354, %parallel_loop3A_355] {strides = array<i32>} : memref<48x128xf32, #tpu.memory_space<vmem>>, vector<16xf32>,
        %parallel_loop3A_357 = arith.index_cast %parallel_loop3A_216 : i32 to index
        %parallel_loop3A_358 = arith.constant 32 : index
        %parallel_loop3A_359 = tpu.vector_load %arg19[%parallel_loop3A_357, %parallel_loop3A_358] {strides = array<i32>} : memref<48x128xf32, #tpu.memory_space<vmem>>, vector<16xf32>,
        %parallel_loop3A_360 = arith.addf %parallel_loop3A_356, %parallel_loop3A_359 : vector<16xf32>
        %parallel_loop3A_361 = arith.constant 2.000000e-01 : f32
        %parallel_loop3A_362 = vector.broadcast %parallel_loop3A_361 : f32 to vector<16xf32>
        %parallel_loop3A_363 = arith.mulf %parallel_loop3A_360, %parallel_loop3A_362 : vector<16xf32>
        %parallel_loop3A_364 = arith.maximumf %parallel_loop3A_360, %parallel_loop3A_363 : vector<16xf32>
        %parallel_loop3A_365 = arith.mulf %parallel_loop3A_364, %get3A_77 : vector<16xf32>
        %parallel_loop3A_366 = arith.index_cast %parallel_loop3A_216 : i32 to index
        %parallel_loop3A_367 = arith.constant 48 : index
        %parallel_loop3A_368 = tpu.vector_load %arg18[%parallel_loop3A_366, %parallel_loop3A_367] {strides = array<i32>} : memref<48x128xf32, #tpu.memory_space<vmem>>, vector<16xf32>,
        %parallel_loop3A_369 = arith.index_cast %parallel_loop3A_216 : i32 to index
        %parallel_loop3A_370 = arith.constant 48 : index
        %parallel_loop3A_371 = tpu.vector_load %arg19[%parallel_loop3A_369, %parallel_loop3A_370] {strides = array<i32>} : memref<48x128xf32, #tpu.memory_space<vmem>>, vector<16xf32>,
        %parallel_loop3A_372 = arith.addf %parallel_loop3A_368, %parallel_loop3A_371 : vector<16xf32>
        %parallel_loop3A_373 = arith.constant 2.000000e-01 : f32
        %parallel_loop3A_374 = vector.broadcast %parallel_loop3A_373 : f32 to vector<16xf32>
        %parallel_loop3A_375 = arith.mulf %parallel_loop3A_372, %parallel_loop3A_374 : vector<16xf32>
        %parallel_loop3A_376 = arith.maximumf %parallel_loop3A_372, %parallel_loop3A_375 : vector<16xf32>
        %parallel_loop3A_377 = arith.mulf %parallel_loop3A_376, %get3A_79 : vector<16xf32>
        %parallel_loop3A_378 = arith.index_cast %parallel_loop3A_216 : i32 to index
        %parallel_loop3A_379 = arith.constant 64 : index
        %parallel_loop3A_380 = tpu.vector_load %arg18[%parallel_loop3A_378, %parallel_loop3A_379] {strides = array<i32>} : memref<48x128xf32, #tpu.memory_space<vmem>>, vector<16xf32>,
        %parallel_loop3A_381 = arith.index_cast %parallel_loop3A_216 : i32 to index
        %parallel_loop3A_382 = arith.constant 64 : index
        %parallel_loop3A_383 = tpu.vector_load %arg19[%parallel_loop3A_381, %parallel_loop3A_382] {strides = array<i32>} : memref<48x128xf32, #tpu.memory_space<vmem>>, vector<16xf32>,
        %parallel_loop3A_384 = arith.addf %parallel_loop3A_380, %parallel_loop3A_383 : vector<16xf32>
        %parallel_loop3A_385 = arith.constant 2.000000e-01 : f32
        %parallel_loop3A_386 = vector.broadcast %parallel_loop3A_385 : f32 to vector<16xf32>
        %parallel_loop3A_387 = arith.mulf %parallel_loop3A_384, %parallel_loop3A_386 : vector<16xf32>
        %parallel_loop3A_388 = arith.maximumf %parallel_loop3A_384, %parallel_loop3A_387 : vector<16xf32>
        %parallel_loop3A_389 = arith.mulf %parallel_loop3A_388, %get3A_81 : vector<16xf32>
        %parallel_loop3A_390 = arith.index_cast %parallel_loop3A_216 : i32 to index
        %parallel_loop3A_391 = arith.constant 80 : index
        %parallel_loop3A_392 = tpu.vector_load %arg18[%parallel_loop3A_390, %parallel_loop3A_391] {strides = array<i32>} : memref<48x128xf32, #tpu.memory_space<vmem>>, vector<16xf32>,
        %parallel_loop3A_393 = arith.index_cast %parallel_loop3A_216 : i32 to index
        %parallel_loop3A_394 = arith.constant 80 : index
        %parallel_loop3A_395 = tpu.vector_load %arg19[%parallel_loop3A_393, %parallel_loop3A_394] {strides = array<i32>} : memref<48x128xf32, #tpu.memory_space<vmem>>, vector<16xf32>,
        %parallel_loop3A_396 = arith.addf %parallel_loop3A_392, %parallel_loop3A_395 : vector<16xf32>
        %parallel_loop3A_397 = arith.constant 2.000000e-01 : f32
        %parallel_loop3A_398 = vector.broadcast %parallel_loop3A_397 : f32 to vector<16xf32>
        %parallel_loop3A_399 = arith.mulf %parallel_loop3A_396, %parallel_loop3A_398 : vector<16xf32>
        %parallel_loop3A_400 = arith.maximumf %parallel_loop3A_396, %parallel_loop3A_399 : vector<16xf32>
        %parallel_loop3A_401 = arith.mulf %parallel_loop3A_400, %get3A_83 : vector<16xf32>
        %parallel_loop3A_402 = arith.index_cast %parallel_loop3A_216 : i32 to index
        %parallel_loop3A_403 = arith.constant 96 : index
        %parallel_loop3A_404 = tpu.vector_load %arg18[%parallel_loop3A_402, %parallel_loop3A_403] {strides = array<i32>} : memref<48x128xf32, #tpu.memory_space<vmem>>, vector<16xf32>,
        %parallel_loop3A_405 = arith.index_cast %parallel_loop3A_216 : i32 to index
        %parallel_loop3A_406 = arith.constant 96 : index
        %parallel_loop3A_407 = tpu.vector_load %arg19[%parallel_loop3A_405, %parallel_loop3A_406] {strides = array<i32>} : memref<48x128xf32, #tpu.memory_space<vmem>>, vector<16xf32>,
        %parallel_loop3A_408 = arith.addf %parallel_loop3A_404, %parallel_loop3A_407 : vector<16xf32>
        %parallel_loop3A_409 = arith.constant 2.000000e-01 : f32
        %parallel_loop3A_410 = vector.broadcast %parallel_loop3A_409 : f32 to vector<16xf32>
        %parallel_loop3A_411 = arith.mulf %parallel_loop3A_408, %parallel_loop3A_410 : vector<16xf32>
        %parallel_loop3A_412 = arith.maximumf %parallel_loop3A_408, %parallel_loop3A_411 : vector<16xf32>
        %parallel_loop3A_413 = arith.mulf %parallel_loop3A_412, %get3A_85 : vector<16xf32>
        %parallel_loop3A_414 = arith.index_cast %parallel_loop3A_216 : i32 to index
        %parallel_loop3A_415 = arith.constant 112 : index
        %parallel_loop3A_416 = tpu.vector_load %arg18[%parallel_loop3A_414, %parallel_loop3A_415] {strides = array<i32>} : memref<48x128xf32, #tpu.memory_space<vmem>>, vector<16xf32>,
        %parallel_loop3A_417 = arith.index_cast %parallel_loop3A_216 : i32 to index
        %parallel_loop3A_418 = arith.constant 112 : index
        %parallel_loop3A_419 = tpu.vector_load %arg19[%parallel_loop3A_417, %parallel_loop3A_418] {strides = array<i32>} : memref<48x128xf32, #tpu.memory_space<vmem>>, vector<16xf32>,
        %parallel_loop3A_420 = arith.addf %parallel_loop3A_416, %parallel_loop3A_419 : vector<16xf32>
        %parallel_loop3A_421 = arith.constant 2.000000e-01 : f32
        %parallel_loop3A_422 = vector.broadcast %parallel_loop3A_421 : f32 to vector<16xf32>
        %parallel_loop3A_423 = arith.mulf %parallel_loop3A_420, %parallel_loop3A_422 : vector<16xf32>
        %parallel_loop3A_424 = arith.maximumf %parallel_loop3A_420, %parallel_loop3A_423 : vector<16xf32>
        %parallel_loop3A_425 = arith.mulf %parallel_loop3A_424, %get3A_87 : vector<16xf32>
        %parallel_loop3A_426 = arith.addf %parallel_loop3A_341, %parallel_loop3A_353 : vector<16xf32>
        %parallel_loop3A_427 = arith.addf %parallel_loop3A_365, %parallel_loop3A_377 : vector<16xf32>
        %parallel_loop3A_428 = arith.addf %parallel_loop3A_426, %parallel_loop3A_427 : vector<16xf32>
        %parallel_loop3A_429 = arith.addf %parallel_loop3A_389, %parallel_loop3A_401 : vector<16xf32>
        %parallel_loop3A_430 = arith.addf %parallel_loop3A_413, %parallel_loop3A_425 : vector<16xf32>
        %parallel_loop3A_431 = arith.addf %parallel_loop3A_429, %parallel_loop3A_430 : vector<16xf32>
        %parallel_loop3A_432 = arith.addf %parallel_loop3A_428, %parallel_loop3A_431 : vector<16xf32>
        %parallel_loop3A_433 = arith.constant true
        %parallel_loop3A_434 = vector.broadcast %parallel_loop3A_433 : i1 to vector<16xi1>
        %parallel_loop3A_435 = tpu.scan <sum>, %parallel_loop3A_432 masked %parallel_loop3A_434 : vector<16xf32>, vector<16xi1> -> vector<16xf32>
        %parallel_loop3A_436 = vector.extract %parallel_loop3A_435[15] : f32 from vector<16xf32>
        %parallel_loop3A_437 = vector.broadcast %parallel_loop3A_436 : f32 to vector<16xf32>
        %parallel_loop3A_438 = math.exp %parallel_loop3A_437 : vector<16xf32>
        %parallel_loop3A_439 = arith.index_cast %parallel_loop3A_218 : i32 to index
        %parallel_loop3A_440 = arith.constant 0 : index
        %parallel_loop3A_441 = tpu.vector_load %arg18[%parallel_loop3A_439, %parallel_loop3A_440] {strides = array<i32>} : memref<48x128xf32, #tpu.memory_space<vmem>>, vector<16xf32>,
        %parallel_loop3A_442 = arith.index_cast %parallel_loop3A_218 : i32 to index
        %parallel_loop3A_443 = arith.constant 0 : index
        %parallel_loop3A_444 = tpu.vector_load %arg19[%parallel_loop3A_442, %parallel_loop3A_443] {strides = array<i32>} : memref<48x128xf32, #tpu.memory_space<vmem>>, vector<16xf32>,
        %parallel_loop3A_445 = arith.addf %parallel_loop3A_441, %parallel_loop3A_444 : vector<16xf32>
        %parallel_loop3A_446 = arith.constant 2.000000e-01 : f32
        %parallel_loop3A_447 = vector.broadcast %parallel_loop3A_446 : f32 to vector<16xf32>
        %parallel_loop3A_448 = arith.mulf %parallel_loop3A_445, %parallel_loop3A_447 : vector<16xf32>
        %parallel_loop3A_449 = arith.maximumf %parallel_loop3A_445, %parallel_loop3A_448 : vector<16xf32>
        %parallel_loop3A_450 = arith.mulf %parallel_loop3A_449, %get3A_73 : vector<16xf32>
        %parallel_loop3A_451 = arith.index_cast %parallel_loop3A_218 : i32 to index
        %parallel_loop3A_452 = arith.constant 16 : index
        %parallel_loop3A_453 = tpu.vector_load %arg18[%parallel_loop3A_451, %parallel_loop3A_452] {strides = array<i32>} : memref<48x128xf32, #tpu.memory_space<vmem>>, vector<16xf32>,
        %parallel_loop3A_454 = arith.index_cast %parallel_loop3A_218 : i32 to index
        %parallel_loop3A_455 = arith.constant 16 : index
        %parallel_loop3A_456 = tpu.vector_load %arg19[%parallel_loop3A_454, %parallel_loop3A_455] {strides = array<i32>} : memref<48x128xf32, #tpu.memory_space<vmem>>, vector<16xf32>,
        %parallel_loop3A_457 = arith.addf %parallel_loop3A_453, %parallel_loop3A_456 : vector<16xf32>
        %parallel_loop3A_458 = arith.constant 2.000000e-01 : f32
        %parallel_loop3A_459 = vector.broadcast %parallel_loop3A_458 : f32 to vector<16xf32>
        %parallel_loop3A_460 = arith.mulf %parallel_loop3A_457, %parallel_loop3A_459 : vector<16xf32>
        %parallel_loop3A_461 = arith.maximumf %parallel_loop3A_457, %parallel_loop3A_460 : vector<16xf32>
        %parallel_loop3A_462 = arith.mulf %parallel_loop3A_461, %get3A_75 : vector<16xf32>
        %parallel_loop3A_463 = arith.index_cast %parallel_loop3A_218 : i32 to index
        %parallel_loop3A_464 = arith.constant 32 : index
        %parallel_loop3A_465 = tpu.vector_load %arg18[%parallel_loop3A_463, %parallel_loop3A_464] {strides = array<i32>} : memref<48x128xf32, #tpu.memory_space<vmem>>, vector<16xf32>,
        %parallel_loop3A_466 = arith.index_cast %parallel_loop3A_218 : i32 to index
        %parallel_loop3A_467 = arith.constant 32 : index
        %parallel_loop3A_468 = tpu.vector_load %arg19[%parallel_loop3A_466, %parallel_loop3A_467] {strides = array<i32>} : memref<48x128xf32, #tpu.memory_space<vmem>>, vector<16xf32>,
        %parallel_loop3A_469 = arith.addf %parallel_loop3A_465, %parallel_loop3A_468 : vector<16xf32>
        %parallel_loop3A_470 = arith.constant 2.000000e-01 : f32
        %parallel_loop3A_471 = vector.broadcast %parallel_loop3A_470 : f32 to vector<16xf32>
        %parallel_loop3A_472 = arith.mulf %parallel_loop3A_469, %parallel_loop3A_471 : vector<16xf32>
        %parallel_loop3A_473 = arith.maximumf %parallel_loop3A_469, %parallel_loop3A_472 : vector<16xf32>
        %parallel_loop3A_474 = arith.mulf %parallel_loop3A_473, %get3A_77 : vector<16xf32>
        %parallel_loop3A_475 = arith.index_cast %parallel_loop3A_218 : i32 to index
        %parallel_loop3A_476 = arith.constant 48 : index
        %parallel_loop3A_477 = tpu.vector_load %arg18[%parallel_loop3A_475, %parallel_loop3A_476] {strides = array<i32>} : memref<48x128xf32, #tpu.memory_space<vmem>>, vector<16xf32>,
        %parallel_loop3A_478 = arith.index_cast %parallel_loop3A_218 : i32 to index
        %parallel_loop3A_479 = arith.constant 48 : index
        %parallel_loop3A_480 = tpu.vector_load %arg19[%parallel_loop3A_478, %parallel_loop3A_479] {strides = array<i32>} : memref<48x128xf32, #tpu.memory_space<vmem>>, vector<16xf32>,
        %parallel_loop3A_481 = arith.addf %parallel_loop3A_477, %parallel_loop3A_480 : vector<16xf32>
        %parallel_loop3A_482 = arith.constant 2.000000e-01 : f32
        %parallel_loop3A_483 = vector.broadcast %parallel_loop3A_482 : f32 to vector<16xf32>
        %parallel_loop3A_484 = arith.mulf %parallel_loop3A_481, %parallel_loop3A_483 : vector<16xf32>
        %parallel_loop3A_485 = arith.maximumf %parallel_loop3A_481, %parallel_loop3A_484 : vector<16xf32>
        %parallel_loop3A_486 = arith.mulf %parallel_loop3A_485, %get3A_79 : vector<16xf32>
        %parallel_loop3A_487 = arith.index_cast %parallel_loop3A_218 : i32 to index
        %parallel_loop3A_488 = arith.constant 64 : index
        %parallel_loop3A_489 = tpu.vector_load %arg18[%parallel_loop3A_487, %parallel_loop3A_488] {strides = array<i32>} : memref<48x128xf32, #tpu.memory_space<vmem>>, vector<16xf32>,
        %parallel_loop3A_490 = arith.index_cast %parallel_loop3A_218 : i32 to index
        %parallel_loop3A_491 = arith.constant 64 : index
        %parallel_loop3A_492 = tpu.vector_load %arg19[%parallel_loop3A_490, %parallel_loop3A_491] {strides = array<i32>} : memref<48x128xf32, #tpu.memory_space<vmem>>, vector<16xf32>,
        %parallel_loop3A_493 = arith.addf %parallel_loop3A_489, %parallel_loop3A_492 : vector<16xf32>
        %parallel_loop3A_494 = arith.constant 2.000000e-01 : f32
        %parallel_loop3A_495 = vector.broadcast %parallel_loop3A_494 : f32 to vector<16xf32>
        %parallel_loop3A_496 = arith.mulf %parallel_loop3A_493, %parallel_loop3A_495 : vector<16xf32>
        %parallel_loop3A_497 = arith.maximumf %parallel_loop3A_493, %parallel_loop3A_496 : vector<16xf32>
        %parallel_loop3A_498 = arith.mulf %parallel_loop3A_497, %get3A_81 : vector<16xf32>
        %parallel_loop3A_499 = arith.index_cast %parallel_loop3A_218 : i32 to index
        %parallel_loop3A_500 = arith.constant 80 : index
        %parallel_loop3A_501 = tpu.vector_load %arg18[%parallel_loop3A_499, %parallel_loop3A_500] {strides = array<i32>} : memref<48x128xf32, #tpu.memory_space<vmem>>, vector<16xf32>,
        %parallel_loop3A_502 = arith.index_cast %parallel_loop3A_218 : i32 to index
        %parallel_loop3A_503 = arith.constant 80 : index
        %parallel_loop3A_504 = tpu.vector_load %arg19[%parallel_loop3A_502, %parallel_loop3A_503] {strides = array<i32>} : memref<48x128xf32, #tpu.memory_space<vmem>>, vector<16xf32>,
        %parallel_loop3A_505 = arith.addf %parallel_loop3A_501, %parallel_loop3A_504 : vector<16xf32>
        %parallel_loop3A_506 = arith.constant 2.000000e-01 : f32
        %parallel_loop3A_507 = vector.broadcast %parallel_loop3A_506 : f32 to vector<16xf32>
        %parallel_loop3A_508 = arith.mulf %parallel_loop3A_505, %parallel_loop3A_507 : vector<16xf32>
        %parallel_loop3A_509 = arith.maximumf %parallel_loop3A_505, %parallel_loop3A_508 : vector<16xf32>
        %parallel_loop3A_510 = arith.mulf %parallel_loop3A_509, %get3A_83 : vector<16xf32>
        %parallel_loop3A_511 = arith.index_cast %parallel_loop3A_218 : i32 to index
        %parallel_loop3A_512 = arith.constant 96 : index
        %parallel_loop3A_513 = tpu.vector_load %arg18[%parallel_loop3A_511, %parallel_loop3A_512] {strides = array<i32>} : memref<48x128xf32, #tpu.memory_space<vmem>>, vector<16xf32>,
        %parallel_loop3A_514 = arith.index_cast %parallel_loop3A_218 : i32 to index
        %parallel_loop3A_515 = arith.constant 96 : index
        %parallel_loop3A_516 = tpu.vector_load %arg19[%parallel_loop3A_514, %parallel_loop3A_515] {strides = array<i32>} : memref<48x128xf32, #tpu.memory_space<vmem>>, vector<16xf32>,
        %parallel_loop3A_517 = arith.addf %parallel_loop3A_513, %parallel_loop3A_516 : vector<16xf32>
        %parallel_loop3A_518 = arith.constant 2.000000e-01 : f32
        %parallel_loop3A_519 = vector.broadcast %parallel_loop3A_518 : f32 to vector<16xf32>
        %parallel_loop3A_520 = arith.mulf %parallel_loop3A_517, %parallel_loop3A_519 : vector<16xf32>
        %parallel_loop3A_521 = arith.maximumf %parallel_loop3A_517, %parallel_loop3A_520 : vector<16xf32>
        %parallel_loop3A_522 = arith.mulf %parallel_loop3A_521, %get3A_85 : vector<16xf32>
        %parallel_loop3A_523 = arith.index_cast %parallel_loop3A_218 : i32 to index
        %parallel_loop3A_524 = arith.constant 112 : index
        %parallel_loop3A_525 = tpu.vector_load %arg18[%parallel_loop3A_523, %parallel_loop3A_524] {strides = array<i32>} : memref<48x128xf32, #tpu.memory_space<vmem>>, vector<16xf32>,
        %parallel_loop3A_526 = arith.index_cast %parallel_loop3A_218 : i32 to index
        %parallel_loop3A_527 = arith.constant 112 : index
        %parallel_loop3A_528 = tpu.vector_load %arg19[%parallel_loop3A_526, %parallel_loop3A_527] {strides = array<i32>} : memref<48x128xf32, #tpu.memory_space<vmem>>, vector<16xf32>,
        %parallel_loop3A_529 = arith.addf %parallel_loop3A_525, %parallel_loop3A_528 : vector<16xf32>
        %parallel_loop3A_530 = arith.constant 2.000000e-01 : f32
        %parallel_loop3A_531 = vector.broadcast %parallel_loop3A_530 : f32 to vector<16xf32>
        %parallel_loop3A_532 = arith.mulf %parallel_loop3A_529, %parallel_loop3A_531 : vector<16xf32>
        %parallel_loop3A_533 = arith.maximumf %parallel_loop3A_529, %parallel_loop3A_532 : vector<16xf32>
        %parallel_loop3A_534 = arith.mulf %parallel_loop3A_533, %get3A_87 : vector<16xf32>
        %parallel_loop3A_535 = arith.addf %parallel_loop3A_450, %parallel_loop3A_462 : vector<16xf32>
        %parallel_loop3A_536 = arith.addf %parallel_loop3A_474, %parallel_loop3A_486 : vector<16xf32>
        %parallel_loop3A_537 = arith.addf %parallel_loop3A_535, %parallel_loop3A_536 : vector<16xf32>
        %parallel_loop3A_538 = arith.addf %parallel_loop3A_498, %parallel_loop3A_510 : vector<16xf32>
        %parallel_loop3A_539 = arith.addf %parallel_loop3A_522, %parallel_loop3A_534 : vector<16xf32>
        %parallel_loop3A_540 = arith.addf %parallel_loop3A_538, %parallel_loop3A_539 : vector<16xf32>
        %parallel_loop3A_541 = arith.addf %parallel_loop3A_537, %parallel_loop3A_540 : vector<16xf32>
        %parallel_loop3A_542 = arith.constant true
        %parallel_loop3A_543 = vector.broadcast %parallel_loop3A_542 : i1 to vector<16xi1>
        %parallel_loop3A_544 = tpu.scan <sum>, %parallel_loop3A_541 masked %parallel_loop3A_543 : vector<16xf32>, vector<16xi1> -> vector<16xf32>
        %parallel_loop3A_545 = vector.extract %parallel_loop3A_544[15] : f32 from vector<16xf32>
        %parallel_loop3A_546 = vector.broadcast %parallel_loop3A_545 : f32 to vector<16xf32>
        %parallel_loop3A_547 = math.exp %parallel_loop3A_546 : vector<16xf32>
        %parallel_loop3A_548 = arith.index_cast %parallel_loop3A_220 : i32 to index
        %parallel_loop3A_549 = arith.constant 0 : index
        %parallel_loop3A_550 = tpu.vector_load %arg18[%parallel_loop3A_548, %parallel_loop3A_549] {strides = array<i32>} : memref<48x128xf32, #tpu.memory_space<vmem>>, vector<16xf32>,
        %parallel_loop3A_551 = arith.index_cast %parallel_loop3A_220 : i32 to index
        %parallel_loop3A_552 = arith.constant 0 : index
        %parallel_loop3A_553 = tpu.vector_load %arg19[%parallel_loop3A_551, %parallel_loop3A_552] {strides = array<i32>} : memref<48x128xf32, #tpu.memory_space<vmem>>, vector<16xf32>,
        %parallel_loop3A_554 = arith.addf %parallel_loop3A_550, %parallel_loop3A_553 : vector<16xf32>
        %parallel_loop3A_555 = arith.constant 2.000000e-01 : f32
        %parallel_loop3A_556 = vector.broadcast %parallel_loop3A_555 : f32 to vector<16xf32>
        %parallel_loop3A_557 = arith.mulf %parallel_loop3A_554, %parallel_loop3A_556 : vector<16xf32>
        %parallel_loop3A_558 = arith.maximumf %parallel_loop3A_554, %parallel_loop3A_557 : vector<16xf32>
        %parallel_loop3A_559 = arith.mulf %parallel_loop3A_558, %get3A_73 : vector<16xf32>
        %parallel_loop3A_560 = arith.index_cast %parallel_loop3A_220 : i32 to index
        %parallel_loop3A_561 = arith.constant 16 : index
        %parallel_loop3A_562 = tpu.vector_load %arg18[%parallel_loop3A_560, %parallel_loop3A_561] {strides = array<i32>} : memref<48x128xf32, #tpu.memory_space<vmem>>, vector<16xf32>,
        %parallel_loop3A_563 = arith.index_cast %parallel_loop3A_220 : i32 to index
        %parallel_loop3A_564 = arith.constant 16 : index
        %parallel_loop3A_565 = tpu.vector_load %arg19[%parallel_loop3A_563, %parallel_loop3A_564] {strides = array<i32>} : memref<48x128xf32, #tpu.memory_space<vmem>>, vector<16xf32>,
        %parallel_loop3A_566 = arith.addf %parallel_loop3A_562, %parallel_loop3A_565 : vector<16xf32>
        %parallel_loop3A_567 = arith.constant 2.000000e-01 : f32
        %parallel_loop3A_568 = vector.broadcast %parallel_loop3A_567 : f32 to vector<16xf32>
        %parallel_loop3A_569 = arith.mulf %parallel_loop3A_566, %parallel_loop3A_568 : vector<16xf32>
        %parallel_loop3A_570 = arith.maximumf %parallel_loop3A_566, %parallel_loop3A_569 : vector<16xf32>
        %parallel_loop3A_571 = arith.mulf %parallel_loop3A_570, %get3A_75 : vector<16xf32>
        %parallel_loop3A_572 = arith.index_cast %parallel_loop3A_220 : i32 to index
        %parallel_loop3A_573 = arith.constant 32 : index
        %parallel_loop3A_574 = tpu.vector_load %arg18[%parallel_loop3A_572, %parallel_loop3A_573] {strides = array<i32>} : memref<48x128xf32, #tpu.memory_space<vmem>>, vector<16xf32>,
        %parallel_loop3A_575 = arith.index_cast %parallel_loop3A_220 : i32 to index
        %parallel_loop3A_576 = arith.constant 32 : index
        %parallel_loop3A_577 = tpu.vector_load %arg19[%parallel_loop3A_575, %parallel_loop3A_576] {strides = array<i32>} : memref<48x128xf32, #tpu.memory_space<vmem>>, vector<16xf32>,
        %parallel_loop3A_578 = arith.addf %parallel_loop3A_574, %parallel_loop3A_577 : vector<16xf32>
        %parallel_loop3A_579 = arith.constant 2.000000e-01 : f32
        %parallel_loop3A_580 = vector.broadcast %parallel_loop3A_579 : f32 to vector<16xf32>
        %parallel_loop3A_581 = arith.mulf %parallel_loop3A_578, %parallel_loop3A_580 : vector<16xf32>
        %parallel_loop3A_582 = arith.maximumf %parallel_loop3A_578, %parallel_loop3A_581 : vector<16xf32>
        %parallel_loop3A_583 = arith.mulf %parallel_loop3A_582, %get3A_77 : vector<16xf32>
        %parallel_loop3A_584 = arith.index_cast %parallel_loop3A_220 : i32 to index
        %parallel_loop3A_585 = arith.constant 48 : index
        %parallel_loop3A_586 = tpu.vector_load %arg18[%parallel_loop3A_584, %parallel_loop3A_585] {strides = array<i32>} : memref<48x128xf32, #tpu.memory_space<vmem>>, vector<16xf32>,
        %parallel_loop3A_587 = arith.index_cast %parallel_loop3A_220 : i32 to index
        %parallel_loop3A_588 = arith.constant 48 : index
        %parallel_loop3A_589 = tpu.vector_load %arg19[%parallel_loop3A_587, %parallel_loop3A_588] {strides = array<i32>} : memref<48x128xf32, #tpu.memory_space<vmem>>, vector<16xf32>,
        %parallel_loop3A_590 = arith.addf %parallel_loop3A_586, %parallel_loop3A_589 : vector<16xf32>
        %parallel_loop3A_591 = arith.constant 2.000000e-01 : f32
        %parallel_loop3A_592 = vector.broadcast %parallel_loop3A_591 : f32 to vector<16xf32>
        %parallel_loop3A_593 = arith.mulf %parallel_loop3A_590, %parallel_loop3A_592 : vector<16xf32>
        %parallel_loop3A_594 = arith.maximumf %parallel_loop3A_590, %parallel_loop3A_593 : vector<16xf32>
        %parallel_loop3A_595 = arith.mulf %parallel_loop3A_594, %get3A_79 : vector<16xf32>
        %parallel_loop3A_596 = arith.index_cast %parallel_loop3A_220 : i32 to index
        %parallel_loop3A_597 = arith.constant 64 : index
        %parallel_loop3A_598 = tpu.vector_load %arg18[%parallel_loop3A_596, %parallel_loop3A_597] {strides = array<i32>} : memref<48x128xf32, #tpu.memory_space<vmem>>, vector<16xf32>,
        %parallel_loop3A_599 = arith.index_cast %parallel_loop3A_220 : i32 to index
        %parallel_loop3A_600 = arith.constant 64 : index
        %parallel_loop3A_601 = tpu.vector_load %arg19[%parallel_loop3A_599, %parallel_loop3A_600] {strides = array<i32>} : memref<48x128xf32, #tpu.memory_space<vmem>>, vector<16xf32>,
        %parallel_loop3A_602 = arith.addf %parallel_loop3A_598, %parallel_loop3A_601 : vector<16xf32>
        %parallel_loop3A_603 = arith.constant 2.000000e-01 : f32
        %parallel_loop3A_604 = vector.broadcast %parallel_loop3A_603 : f32 to vector<16xf32>
        %parallel_loop3A_605 = arith.mulf %parallel_loop3A_602, %parallel_loop3A_604 : vector<16xf32>
        %parallel_loop3A_606 = arith.maximumf %parallel_loop3A_602, %parallel_loop3A_605 : vector<16xf32>
        %parallel_loop3A_607 = arith.mulf %parallel_loop3A_606, %get3A_81 : vector<16xf32>
        %parallel_loop3A_608 = arith.index_cast %parallel_loop3A_220 : i32 to index
        %parallel_loop3A_609 = arith.constant 80 : index
        %parallel_loop3A_610 = tpu.vector_load %arg18[%parallel_loop3A_608, %parallel_loop3A_609] {strides = array<i32>} : memref<48x128xf32, #tpu.memory_space<vmem>>, vector<16xf32>,
        %parallel_loop3A_611 = arith.index_cast %parallel_loop3A_220 : i32 to index
        %parallel_loop3A_612 = arith.constant 80 : index
        %parallel_loop3A_613 = tpu.vector_load %arg19[%parallel_loop3A_611, %parallel_loop3A_612] {strides = array<i32>} : memref<48x128xf32, #tpu.memory_space<vmem>>, vector<16xf32>,
        %parallel_loop3A_614 = arith.addf %parallel_loop3A_610, %parallel_loop3A_613 : vector<16xf32>
        %parallel_loop3A_615 = arith.constant 2.000000e-01 : f32
        %parallel_loop3A_616 = vector.broadcast %parallel_loop3A_615 : f32 to vector<16xf32>
        %parallel_loop3A_617 = arith.mulf %parallel_loop3A_614, %parallel_loop3A_616 : vector<16xf32>
        %parallel_loop3A_618 = arith.maximumf %parallel_loop3A_614, %parallel_loop3A_617 : vector<16xf32>
        %parallel_loop3A_619 = arith.mulf %parallel_loop3A_618, %get3A_83 : vector<16xf32>
        %parallel_loop3A_620 = arith.index_cast %parallel_loop3A_220 : i32 to index
        %parallel_loop3A_621 = arith.constant 96 : index
        %parallel_loop3A_622 = tpu.vector_load %arg18[%parallel_loop3A_620, %parallel_loop3A_621] {strides = array<i32>} : memref<48x128xf32, #tpu.memory_space<vmem>>, vector<16xf32>,
        %parallel_loop3A_623 = arith.index_cast %parallel_loop3A_220 : i32 to index
        %parallel_loop3A_624 = arith.constant 96 : index
        %parallel_loop3A_625 = tpu.vector_load %arg19[%parallel_loop3A_623, %parallel_loop3A_624] {strides = array<i32>} : memref<48x128xf32, #tpu.memory_space<vmem>>, vector<16xf32>,
        %parallel_loop3A_626 = arith.addf %parallel_loop3A_622, %parallel_loop3A_625 : vector<16xf32>
        %parallel_loop3A_627 = arith.constant 2.000000e-01 : f32
        %parallel_loop3A_628 = vector.broadcast %parallel_loop3A_627 : f32 to vector<16xf32>
        %parallel_loop3A_629 = arith.mulf %parallel_loop3A_626, %parallel_loop3A_628 : vector<16xf32>
        %parallel_loop3A_630 = arith.maximumf %parallel_loop3A_626, %parallel_loop3A_629 : vector<16xf32>
        %parallel_loop3A_631 = arith.mulf %parallel_loop3A_630, %get3A_85 : vector<16xf32>
        %parallel_loop3A_632 = arith.index_cast %parallel_loop3A_220 : i32 to index
        %parallel_loop3A_633 = arith.constant 112 : index
        %parallel_loop3A_634 = tpu.vector_load %arg18[%parallel_loop3A_632, %parallel_loop3A_633] {strides = array<i32>} : memref<48x128xf32, #tpu.memory_space<vmem>>, vector<16xf32>,
        %parallel_loop3A_635 = arith.index_cast %parallel_loop3A_220 : i32 to index
        %parallel_loop3A_636 = arith.constant 112 : index
        %parallel_loop3A_637 = tpu.vector_load %arg19[%parallel_loop3A_635, %parallel_loop3A_636] {strides = array<i32>} : memref<48x128xf32, #tpu.memory_space<vmem>>, vector<16xf32>,
        %parallel_loop3A_638 = arith.addf %parallel_loop3A_634, %parallel_loop3A_637 : vector<16xf32>
        %parallel_loop3A_639 = arith.constant 2.000000e-01 : f32
        %parallel_loop3A_640 = vector.broadcast %parallel_loop3A_639 : f32 to vector<16xf32>
        %parallel_loop3A_641 = arith.mulf %parallel_loop3A_638, %parallel_loop3A_640 : vector<16xf32>
        %parallel_loop3A_642 = arith.maximumf %parallel_loop3A_638, %parallel_loop3A_641 : vector<16xf32>
        %parallel_loop3A_643 = arith.mulf %parallel_loop3A_642, %get3A_87 : vector<16xf32>
        %parallel_loop3A_644 = arith.addf %parallel_loop3A_559, %parallel_loop3A_571 : vector<16xf32>
        %parallel_loop3A_645 = arith.addf %parallel_loop3A_583, %parallel_loop3A_595 : vector<16xf32>
        %parallel_loop3A_646 = arith.addf %parallel_loop3A_644, %parallel_loop3A_645 : vector<16xf32>
        %parallel_loop3A_647 = arith.addf %parallel_loop3A_607, %parallel_loop3A_619 : vector<16xf32>
        %parallel_loop3A_648 = arith.addf %parallel_loop3A_631, %parallel_loop3A_643 : vector<16xf32>
        %parallel_loop3A_649 = arith.addf %parallel_loop3A_647, %parallel_loop3A_648 : vector<16xf32>
        %parallel_loop3A_650 = arith.addf %parallel_loop3A_646, %parallel_loop3A_649 : vector<16xf32>
        %parallel_loop3A_651 = arith.constant true
        %parallel_loop3A_652 = vector.broadcast %parallel_loop3A_651 : i1 to vector<16xi1>
        %parallel_loop3A_653 = tpu.scan <sum>, %parallel_loop3A_650 masked %parallel_loop3A_652 : vector<16xf32>, vector<16xi1> -> vector<16xf32>
        %parallel_loop3A_654 = vector.extract %parallel_loop3A_653[15] : f32 from vector<16xf32>
        %parallel_loop3A_655 = vector.broadcast %parallel_loop3A_654 : f32 to vector<16xf32>
        %parallel_loop3A_656 = math.exp %parallel_loop3A_655 : vector<16xf32>
        %parallel_loop3A_657 = arith.mulf %parallel_loop3A_223, %parallel_loop3A_329 : vector<16xf32>
        %parallel_loop3A_658 = arith.index_cast %parallel_loop3A_214 : i32 to index
        %parallel_loop3A_659 = arith.constant 0 : index
        %parallel_loop3A_660 = tpu.vector_load %arg18[%parallel_loop3A_658, %parallel_loop3A_659] {strides = array<i32>} : memref<48x128xf32, #tpu.memory_space<vmem>>, vector<16xf32>,
        tpu.vector_store %arg18[%parallel_loop3A_658, %parallel_loop3A_659], %parallel_loop3A_657 {strides = array<i32>} : memref<48x128xf32, #tpu.memory_space<vmem>>, vector<16xf32>,
        %parallel_loop3A_661 = arith.mulf %parallel_loop3A_235, %parallel_loop3A_329 : vector<16xf32>
        %parallel_loop3A_662 = arith.index_cast %parallel_loop3A_214 : i32 to index
        %parallel_loop3A_663 = arith.constant 16 : index
        %parallel_loop3A_664 = tpu.vector_load %arg18[%parallel_loop3A_662, %parallel_loop3A_663] {strides = array<i32>} : memref<48x128xf32, #tpu.memory_space<vmem>>, vector<16xf32>,
        tpu.vector_store %arg18[%parallel_loop3A_662, %parallel_loop3A_663], %parallel_loop3A_661 {strides = array<i32>} : memref<48x128xf32, #tpu.memory_space<vmem>>, vector<16xf32>,
        %parallel_loop3A_665 = arith.mulf %parallel_loop3A_247, %parallel_loop3A_329 : vector<16xf32>
        %parallel_loop3A_666 = arith.index_cast %parallel_loop3A_214 : i32 to index
        %parallel_loop3A_667 = arith.constant 32 : index
        %parallel_loop3A_668 = tpu.vector_load %arg18[%parallel_loop3A_666, %parallel_loop3A_667] {strides = array<i32>} : memref<48x128xf32, #tpu.memory_space<vmem>>, vector<16xf32>,
        tpu.vector_store %arg18[%parallel_loop3A_666, %parallel_loop3A_667], %parallel_loop3A_665 {strides = array<i32>} : memref<48x128xf32, #tpu.memory_space<vmem>>, vector<16xf32>,
        %parallel_loop3A_669 = arith.mulf %parallel_loop3A_259, %parallel_loop3A_329 : vector<16xf32>
        %parallel_loop3A_670 = arith.index_cast %parallel_loop3A_214 : i32 to index
        %parallel_loop3A_671 = arith.constant 48 : index
        %parallel_loop3A_672 = tpu.vector_load %arg18[%parallel_loop3A_670, %parallel_loop3A_671] {strides = array<i32>} : memref<48x128xf32, #tpu.memory_space<vmem>>, vector<16xf32>,
        tpu.vector_store %arg18[%parallel_loop3A_670, %parallel_loop3A_671], %parallel_loop3A_669 {strides = array<i32>} : memref<48x128xf32, #tpu.memory_space<vmem>>, vector<16xf32>,
        %parallel_loop3A_673 = arith.mulf %parallel_loop3A_271, %parallel_loop3A_329 : vector<16xf32>
        %parallel_loop3A_674 = arith.index_cast %parallel_loop3A_214 : i32 to index
        %parallel_loop3A_675 = arith.constant 64 : index
        %parallel_loop3A_676 = tpu.vector_load %arg18[%parallel_loop3A_674, %parallel_loop3A_675] {strides = array<i32>} : memref<48x128xf32, #tpu.memory_space<vmem>>, vector<16xf32>,
        tpu.vector_store %arg18[%parallel_loop3A_674, %parallel_loop3A_675], %parallel_loop3A_673 {strides = array<i32>} : memref<48x128xf32, #tpu.memory_space<vmem>>, vector<16xf32>,
        %parallel_loop3A_677 = arith.mulf %parallel_loop3A_283, %parallel_loop3A_329 : vector<16xf32>
        %parallel_loop3A_678 = arith.index_cast %parallel_loop3A_214 : i32 to index
        %parallel_loop3A_679 = arith.constant 80 : index
        %parallel_loop3A_680 = tpu.vector_load %arg18[%parallel_loop3A_678, %parallel_loop3A_679] {strides = array<i32>} : memref<48x128xf32, #tpu.memory_space<vmem>>, vector<16xf32>,
        tpu.vector_store %arg18[%parallel_loop3A_678, %parallel_loop3A_679], %parallel_loop3A_677 {strides = array<i32>} : memref<48x128xf32, #tpu.memory_space<vmem>>, vector<16xf32>,
        %parallel_loop3A_681 = arith.mulf %parallel_loop3A_295, %parallel_loop3A_329 : vector<16xf32>
        %parallel_loop3A_682 = arith.index_cast %parallel_loop3A_214 : i32 to index
        %parallel_loop3A_683 = arith.constant 96 : index
        %parallel_loop3A_684 = tpu.vector_load %arg18[%parallel_loop3A_682, %parallel_loop3A_683] {strides = array<i32>} : memref<48x128xf32, #tpu.memory_space<vmem>>, vector<16xf32>,
        tpu.vector_store %arg18[%parallel_loop3A_682, %parallel_loop3A_683], %parallel_loop3A_681 {strides = array<i32>} : memref<48x128xf32, #tpu.memory_space<vmem>>, vector<16xf32>,
        %parallel_loop3A_685 = arith.mulf %parallel_loop3A_307, %parallel_loop3A_329 : vector<16xf32>
        %parallel_loop3A_686 = arith.index_cast %parallel_loop3A_214 : i32 to index
        %parallel_loop3A_687 = arith.constant 112 : index
        %parallel_loop3A_688 = tpu.vector_load %arg18[%parallel_loop3A_686, %parallel_loop3A_687] {strides = array<i32>} : memref<48x128xf32, #tpu.memory_space<vmem>>, vector<16xf32>,
        tpu.vector_store %arg18[%parallel_loop3A_686, %parallel_loop3A_687], %parallel_loop3A_685 {strides = array<i32>} : memref<48x128xf32, #tpu.memory_space<vmem>>, vector<16xf32>,
        %parallel_loop3A_689 = vector.broadcast %parallel_loop3A_214 : i32 to vector<16xi32>
        tpu.vector_store_idx %arg23[%parallel_loop3A_689], %parallel_loop3A_329 masked %eq3A_5 : memref<48xf32, #tpu.memory_space<vmem>>[vector<16xi32>], vector<16xf32>, vector<16xi1>
        %parallel_loop3A_690 = arith.mulf %parallel_loop3A_332, %parallel_loop3A_438 : vector<16xf32>
        %parallel_loop3A_691 = arith.index_cast %parallel_loop3A_216 : i32 to index
        %parallel_loop3A_692 = arith.constant 0 : index
        %parallel_loop3A_693 = tpu.vector_load %arg18[%parallel_loop3A_691, %parallel_loop3A_692] {strides = array<i32>} : memref<48x128xf32, #tpu.memory_space<vmem>>, vector<16xf32>,
        tpu.vector_store %arg18[%parallel_loop3A_691, %parallel_loop3A_692], %parallel_loop3A_690 {strides = array<i32>} : memref<48x128xf32, #tpu.memory_space<vmem>>, vector<16xf32>,
        %parallel_loop3A_694 = arith.mulf %parallel_loop3A_344, %parallel_loop3A_438 : vector<16xf32>
        %parallel_loop3A_695 = arith.index_cast %parallel_loop3A_216 : i32 to index
        %parallel_loop3A_696 = arith.constant 16 : index
        %parallel_loop3A_697 = tpu.vector_load %arg18[%parallel_loop3A_695, %parallel_loop3A_696] {strides = array<i32>} : memref<48x128xf32, #tpu.memory_space<vmem>>, vector<16xf32>,
        tpu.vector_store %arg18[%parallel_loop3A_695, %parallel_loop3A_696], %parallel_loop3A_694 {strides = array<i32>} : memref<48x128xf32, #tpu.memory_space<vmem>>, vector<16xf32>,
        %parallel_loop3A_698 = arith.mulf %parallel_loop3A_356, %parallel_loop3A_438 : vector<16xf32>
        %parallel_loop3A_699 = arith.index_cast %parallel_loop3A_216 : i32 to index
        %parallel_loop3A_700 = arith.constant 32 : index
        %parallel_loop3A_701 = tpu.vector_load %arg18[%parallel_loop3A_699, %parallel_loop3A_700] {strides = array<i32>} : memref<48x128xf32, #tpu.memory_space<vmem>>, vector<16xf32>,
        tpu.vector_store %arg18[%parallel_loop3A_699, %parallel_loop3A_700], %parallel_loop3A_698 {strides = array<i32>} : memref<48x128xf32, #tpu.memory_space<vmem>>, vector<16xf32>,
        %parallel_loop3A_702 = arith.mulf %parallel_loop3A_368, %parallel_loop3A_438 : vector<16xf32>
        %parallel_loop3A_703 = arith.index_cast %parallel_loop3A_216 : i32 to index
        %parallel_loop3A_704 = arith.constant 48 : index
        %parallel_loop3A_705 = tpu.vector_load %arg18[%parallel_loop3A_703, %parallel_loop3A_704] {strides = array<i32>} : memref<48x128xf32, #tpu.memory_space<vmem>>, vector<16xf32>,
        tpu.vector_store %arg18[%parallel_loop3A_703, %parallel_loop3A_704], %parallel_loop3A_702 {strides = array<i32>} : memref<48x128xf32, #tpu.memory_space<vmem>>, vector<16xf32>,
        %parallel_loop3A_706 = arith.mulf %parallel_loop3A_380, %parallel_loop3A_438 : vector<16xf32>
        %parallel_loop3A_707 = arith.index_cast %parallel_loop3A_216 : i32 to index
        %parallel_loop3A_708 = arith.constant 64 : index
        %parallel_loop3A_709 = tpu.vector_load %arg18[%parallel_loop3A_707, %parallel_loop3A_708] {strides = array<i32>} : memref<48x128xf32, #tpu.memory_space<vmem>>, vector<16xf32>,
        tpu.vector_store %arg18[%parallel_loop3A_707, %parallel_loop3A_708], %parallel_loop3A_706 {strides = array<i32>} : memref<48x128xf32, #tpu.memory_space<vmem>>, vector<16xf32>,
        %parallel_loop3A_710 = arith.mulf %parallel_loop3A_392, %parallel_loop3A_438 : vector<16xf32>
        %parallel_loop3A_711 = arith.index_cast %parallel_loop3A_216 : i32 to index
        %parallel_loop3A_712 = arith.constant 80 : index
        %parallel_loop3A_713 = tpu.vector_load %arg18[%parallel_loop3A_711, %parallel_loop3A_712] {strides = array<i32>} : memref<48x128xf32, #tpu.memory_space<vmem>>, vector<16xf32>,
        tpu.vector_store %arg18[%parallel_loop3A_711, %parallel_loop3A_712], %parallel_loop3A_710 {strides = array<i32>} : memref<48x128xf32, #tpu.memory_space<vmem>>, vector<16xf32>,
        %parallel_loop3A_714 = arith.mulf %parallel_loop3A_404, %parallel_loop3A_438 : vector<16xf32>
        %parallel_loop3A_715 = arith.index_cast %parallel_loop3A_216 : i32 to index
        %parallel_loop3A_716 = arith.constant 96 : index
        %parallel_loop3A_717 = tpu.vector_load %arg18[%parallel_loop3A_715, %parallel_loop3A_716] {strides = array<i32>} : memref<48x128xf32, #tpu.memory_space<vmem>>, vector<16xf32>,
        tpu.vector_store %arg18[%parallel_loop3A_715, %parallel_loop3A_716], %parallel_loop3A_714 {strides = array<i32>} : memref<48x128xf32, #tpu.memory_space<vmem>>, vector<16xf32>,
        %parallel_loop3A_718 = arith.mulf %parallel_loop3A_416, %parallel_loop3A_438 : vector<16xf32>
        %parallel_loop3A_719 = arith.index_cast %parallel_loop3A_216 : i32 to index
        %parallel_loop3A_720 = arith.constant 112 : index
        %parallel_loop3A_721 = tpu.vector_load %arg18[%parallel_loop3A_719, %parallel_loop3A_720] {strides = array<i32>} : memref<48x128xf32, #tpu.memory_space<vmem>>, vector<16xf32>,
        tpu.vector_store %arg18[%parallel_loop3A_719, %parallel_loop3A_720], %parallel_loop3A_718 {strides = array<i32>} : memref<48x128xf32, #tpu.memory_space<vmem>>, vector<16xf32>,
        %parallel_loop3A_722 = vector.broadcast %parallel_loop3A_216 : i32 to vector<16xi32>
        tpu.vector_store_idx %arg23[%parallel_loop3A_722], %parallel_loop3A_438 masked %eq3A_5 : memref<48xf32, #tpu.memory_space<vmem>>[vector<16xi32>], vector<16xf32>, vector<16xi1>
        %parallel_loop3A_723 = arith.mulf %parallel_loop3A_441, %parallel_loop3A_547 : vector<16xf32>
        %parallel_loop3A_724 = arith.index_cast %parallel_loop3A_218 : i32 to index
        %parallel_loop3A_725 = arith.constant 0 : index
        %parallel_loop3A_726 = tpu.vector_load %arg18[%parallel_loop3A_724, %parallel_loop3A_725] {strides = array<i32>} : memref<48x128xf32, #tpu.memory_space<vmem>>, vector<16xf32>,
        tpu.vector_store %arg18[%parallel_loop3A_724, %parallel_loop3A_725], %parallel_loop3A_723 {strides = array<i32>} : memref<48x128xf32, #tpu.memory_space<vmem>>, vector<16xf32>,
        %parallel_loop3A_727 = arith.mulf %parallel_loop3A_453, %parallel_loop3A_547 : vector<16xf32>
        %parallel_loop3A_728 = arith.index_cast %parallel_loop3A_218 : i32 to index
        %parallel_loop3A_729 = arith.constant 16 : index
        %parallel_loop3A_730 = tpu.vector_load %arg18[%parallel_loop3A_728, %parallel_loop3A_729] {strides = array<i32>} : memref<48x128xf32, #tpu.memory_space<vmem>>, vector<16xf32>,
        tpu.vector_store %arg18[%parallel_loop3A_728, %parallel_loop3A_729], %parallel_loop3A_727 {strides = array<i32>} : memref<48x128xf32, #tpu.memory_space<vmem>>, vector<16xf32>,
        %parallel_loop3A_731 = arith.mulf %parallel_loop3A_465, %parallel_loop3A_547 : vector<16xf32>
        %parallel_loop3A_732 = arith.index_cast %parallel_loop3A_218 : i32 to index
        %parallel_loop3A_733 = arith.constant 32 : index
        %parallel_loop3A_734 = tpu.vector_load %arg18[%parallel_loop3A_732, %parallel_loop3A_733] {strides = array<i32>} : memref<48x128xf32, #tpu.memory_space<vmem>>, vector<16xf32>,
        tpu.vector_store %arg18[%parallel_loop3A_732, %parallel_loop3A_733], %parallel_loop3A_731 {strides = array<i32>} : memref<48x128xf32, #tpu.memory_space<vmem>>, vector<16xf32>,
        %parallel_loop3A_735 = arith.mulf %parallel_loop3A_477, %parallel_loop3A_547 : vector<16xf32>
        %parallel_loop3A_736 = arith.index_cast %parallel_loop3A_218 : i32 to index
        %parallel_loop3A_737 = arith.constant 48 : index
        %parallel_loop3A_738 = tpu.vector_load %arg18[%parallel_loop3A_736, %parallel_loop3A_737] {strides = array<i32>} : memref<48x128xf32, #tpu.memory_space<vmem>>, vector<16xf32>,
        tpu.vector_store %arg18[%parallel_loop3A_736, %parallel_loop3A_737], %parallel_loop3A_735 {strides = array<i32>} : memref<48x128xf32, #tpu.memory_space<vmem>>, vector<16xf32>,
        %parallel_loop3A_739 = arith.mulf %parallel_loop3A_489, %parallel_loop3A_547 : vector<16xf32>
        %parallel_loop3A_740 = arith.index_cast %parallel_loop3A_218 : i32 to index
        %parallel_loop3A_741 = arith.constant 64 : index
        %parallel_loop3A_742 = tpu.vector_load %arg18[%parallel_loop3A_740, %parallel_loop3A_741] {strides = array<i32>} : memref<48x128xf32, #tpu.memory_space<vmem>>, vector<16xf32>,
        tpu.vector_store %arg18[%parallel_loop3A_740, %parallel_loop3A_741], %parallel_loop3A_739 {strides = array<i32>} : memref<48x128xf32, #tpu.memory_space<vmem>>, vector<16xf32>,
        %parallel_loop3A_743 = arith.mulf %parallel_loop3A_501, %parallel_loop3A_547 : vector<16xf32>
        %parallel_loop3A_744 = arith.index_cast %parallel_loop3A_218 : i32 to index
        %parallel_loop3A_745 = arith.constant 80 : index
        %parallel_loop3A_746 = tpu.vector_load %arg18[%parallel_loop3A_744, %parallel_loop3A_745] {strides = array<i32>} : memref<48x128xf32, #tpu.memory_space<vmem>>, vector<16xf32>,
        tpu.vector_store %arg18[%parallel_loop3A_744, %parallel_loop3A_745], %parallel_loop3A_743 {strides = array<i32>} : memref<48x128xf32, #tpu.memory_space<vmem>>, vector<16xf32>,
        %parallel_loop3A_747 = arith.mulf %parallel_loop3A_513, %parallel_loop3A_547 : vector<16xf32>
        %parallel_loop3A_748 = arith.index_cast %parallel_loop3A_218 : i32 to index
        %parallel_loop3A_749 = arith.constant 96 : index
        %parallel_loop3A_750 = tpu.vector_load %arg18[%parallel_loop3A_748, %parallel_loop3A_749] {strides = array<i32>} : memref<48x128xf32, #tpu.memory_space<vmem>>, vector<16xf32>,
        tpu.vector_store %arg18[%parallel_loop3A_748, %parallel_loop3A_749], %parallel_loop3A_747 {strides = array<i32>} : memref<48x128xf32, #tpu.memory_space<vmem>>, vector<16xf32>,
        %parallel_loop3A_751 = arith.mulf %parallel_loop3A_525, %parallel_loop3A_547 : vector<16xf32>
        %parallel_loop3A_752 = arith.index_cast %parallel_loop3A_218 : i32 to index
        %parallel_loop3A_753 = arith.constant 112 : index
        %parallel_loop3A_754 = tpu.vector_load %arg18[%parallel_loop3A_752, %parallel_loop3A_753] {strides = array<i32>} : memref<48x128xf32, #tpu.memory_space<vmem>>, vector<16xf32>,
        tpu.vector_store %arg18[%parallel_loop3A_752, %parallel_loop3A_753], %parallel_loop3A_751 {strides = array<i32>} : memref<48x128xf32, #tpu.memory_space<vmem>>, vector<16xf32>,
        %parallel_loop3A_755 = vector.broadcast %parallel_loop3A_218 : i32 to vector<16xi32>
        tpu.vector_store_idx %arg23[%parallel_loop3A_755], %parallel_loop3A_547 masked %eq3A_5 : memref<48xf32, #tpu.memory_space<vmem>>[vector<16xi32>], vector<16xf32>, vector<16xi1>
        %parallel_loop3A_756 = arith.mulf %parallel_loop3A_550, %parallel_loop3A_656 : vector<16xf32>
        %parallel_loop3A_757 = arith.index_cast %parallel_loop3A_220 : i32 to index
        %parallel_loop3A_758 = arith.constant 0 : index
        %parallel_loop3A_759 = tpu.vector_load %arg18[%parallel_loop3A_757, %parallel_loop3A_758] {strides = array<i32>} : memref<48x128xf32, #tpu.memory_space<vmem>>, vector<16xf32>,
        tpu.vector_store %arg18[%parallel_loop3A_757, %parallel_loop3A_758], %parallel_loop3A_756 {strides = array<i32>} : memref<48x128xf32, #tpu.memory_space<vmem>>, vector<16xf32>,
        %parallel_loop3A_760 = arith.mulf %parallel_loop3A_562, %parallel_loop3A_656 : vector<16xf32>
        %parallel_loop3A_761 = arith.index_cast %parallel_loop3A_220 : i32 to index
        %parallel_loop3A_762 = arith.constant 16 : index
        %parallel_loop3A_763 = tpu.vector_load %arg18[%parallel_loop3A_761, %parallel_loop3A_762] {strides = array<i32>} : memref<48x128xf32, #tpu.memory_space<vmem>>, vector<16xf32>,
        tpu.vector_store %arg18[%parallel_loop3A_761, %parallel_loop3A_762], %parallel_loop3A_760 {strides = array<i32>} : memref<48x128xf32, #tpu.memory_space<vmem>>, vector<16xf32>,
        %parallel_loop3A_764 = arith.mulf %parallel_loop3A_574, %parallel_loop3A_656 : vector<16xf32>
        %parallel_loop3A_765 = arith.index_cast %parallel_loop3A_220 : i32 to index
        %parallel_loop3A_766 = arith.constant 32 : index
        %parallel_loop3A_767 = tpu.vector_load %arg18[%parallel_loop3A_765, %parallel_loop3A_766] {strides = array<i32>} : memref<48x128xf32, #tpu.memory_space<vmem>>, vector<16xf32>,
        tpu.vector_store %arg18[%parallel_loop3A_765, %parallel_loop3A_766], %parallel_loop3A_764 {strides = array<i32>} : memref<48x128xf32, #tpu.memory_space<vmem>>, vector<16xf32>,
        %parallel_loop3A_768 = arith.mulf %parallel_loop3A_586, %parallel_loop3A_656 : vector<16xf32>
        %parallel_loop3A_769 = arith.index_cast %parallel_loop3A_220 : i32 to index
        %parallel_loop3A_770 = arith.constant 48 : index
        %parallel_loop3A_771 = tpu.vector_load %arg18[%parallel_loop3A_769, %parallel_loop3A_770] {strides = array<i32>} : memref<48x128xf32, #tpu.memory_space<vmem>>, vector<16xf32>,
        tpu.vector_store %arg18[%parallel_loop3A_769, %parallel_loop3A_770], %parallel_loop3A_768 {strides = array<i32>} : memref<48x128xf32, #tpu.memory_space<vmem>>, vector<16xf32>,
        %parallel_loop3A_772 = arith.mulf %parallel_loop3A_598, %parallel_loop3A_656 : vector<16xf32>
        %parallel_loop3A_773 = arith.index_cast %parallel_loop3A_220 : i32 to index
        %parallel_loop3A_774 = arith.constant 64 : index
        %parallel_loop3A_775 = tpu.vector_load %arg18[%parallel_loop3A_773, %parallel_loop3A_774] {strides = array<i32>} : memref<48x128xf32, #tpu.memory_space<vmem>>, vector<16xf32>,
        tpu.vector_store %arg18[%parallel_loop3A_773, %parallel_loop3A_774], %parallel_loop3A_772 {strides = array<i32>} : memref<48x128xf32, #tpu.memory_space<vmem>>, vector<16xf32>,
        %parallel_loop3A_776 = arith.mulf %parallel_loop3A_610, %parallel_loop3A_656 : vector<16xf32>
        %parallel_loop3A_777 = arith.index_cast %parallel_loop3A_220 : i32 to index
        %parallel_loop3A_778 = arith.constant 80 : index
        %parallel_loop3A_779 = tpu.vector_load %arg18[%parallel_loop3A_777, %parallel_loop3A_778] {strides = array<i32>} : memref<48x128xf32, #tpu.memory_space<vmem>>, vector<16xf32>,
        tpu.vector_store %arg18[%parallel_loop3A_777, %parallel_loop3A_778], %parallel_loop3A_776 {strides = array<i32>} : memref<48x128xf32, #tpu.memory_space<vmem>>, vector<16xf32>,
        %parallel_loop3A_780 = arith.mulf %parallel_loop3A_622, %parallel_loop3A_656 : vector<16xf32>
        %parallel_loop3A_781 = arith.index_cast %parallel_loop3A_220 : i32 to index
        %parallel_loop3A_782 = arith.constant 96 : index
        %parallel_loop3A_783 = tpu.vector_load %arg18[%parallel_loop3A_781, %parallel_loop3A_782] {strides = array<i32>} : memref<48x128xf32, #tpu.memory_space<vmem>>, vector<16xf32>,
        tpu.vector_store %arg18[%parallel_loop3A_781, %parallel_loop3A_782], %parallel_loop3A_780 {strides = array<i32>} : memref<48x128xf32, #tpu.memory_space<vmem>>, vector<16xf32>,
        %parallel_loop3A_784 = arith.mulf %parallel_loop3A_634, %parallel_loop3A_656 : vector<16xf32>
        %parallel_loop3A_785 = arith.index_cast %parallel_loop3A_220 : i32 to index
        %parallel_loop3A_786 = arith.constant 112 : index
        %parallel_loop3A_787 = tpu.vector_load %arg18[%parallel_loop3A_785, %parallel_loop3A_786] {strides = array<i32>} : memref<48x128xf32, #tpu.memory_space<vmem>>, vector<16xf32>,
        tpu.vector_store %arg18[%parallel_loop3A_785, %parallel_loop3A_786], %parallel_loop3A_784 {strides = array<i32>} : memref<48x128xf32, #tpu.memory_space<vmem>>, vector<16xf32>,
        %parallel_loop3A_788 = vector.broadcast %parallel_loop3A_220 : i32 to vector<16xi32>
        tpu.vector_store_idx %arg23[%parallel_loop3A_788], %parallel_loop3A_656 masked %eq3A_5 : memref<48xf32, #tpu.memory_space<vmem>>[vector<16xi32>], vector<16xf32>, vector<16xi1>
      } {sc.loop_unroll_factor = 4 : i64, sc.parallel_access}
      %dma_start3A_194 = arith.constant 0 : i32
      %dma_start3A_195 = arith.constant 0 : i32
      %dma_start3A_196 = tpu.memref_slice %arg25[%dma_start3A_194, %dma_start3A_195] : memref<10112x128xf32, #tpu.memory_space<vmem_shared>> -> memref<10112x128xf32, #tpu.memory_space<vmem_shared>>
      tpu.enqueue_indirect_dma source(%arg18 : memref<48x128xf32, #tpu.memory_space<vmem>>) target(%dma_start3A_196 : memref<10112x128xf32, #tpu.memory_space<vmem_shared>>) offsets(%arg13 : memref<48xi32, #tpu.memory_space<vmem>>) semaphore(%arg32 : memref<!tpu.dma_semaphore, #tpu.memory_space<semaphore_mem>>) {add = true}
      %dma_start3A_197 = arith.constant 0 : i32
      %dma_start3A_198 = tpu.memref_slice %arg26[%dma_start3A_197] : memref<10112xf32, #tpu.memory_space<vmem_shared>> -> memref<10112xf32, #tpu.memory_space<vmem_shared>>
      tpu.enqueue_indirect_dma source(%arg23 : memref<48xf32, #tpu.memory_space<vmem>>) target(%dma_start3A_198 : memref<10112xf32, #tpu.memory_space<vmem_shared>>) offsets(%arg13 : memref<48xi32, #tpu.memory_space<vmem>>) semaphore(%arg32 : memref<!tpu.dma_semaphore, #tpu.memory_space<semaphore_mem>>) {add = true}
      %dma_wait3A_199 = arith.constant 0 : i32
      %dma_wait3A_200 = arith.constant 0 : i32
      %dma_wait3A_201 = tpu.memref_slice %arg25[%dma_wait3A_199, %dma_wait3A_200] : memref<10112x128xf32, #tpu.memory_space<vmem_shared>> -> memref<10112x128xf32, #tpu.memory_space<vmem_shared>>
      tpu.wait_indirect_dma semaphore(%arg31 : memref<!tpu.dma_semaphore, #tpu.memory_space<semaphore_mem>>) src(%arg16 : memref<48x128xf32, #tpu.memory_space<vmem>>) dst(%dma_wait3A_201 : memref<10112x128xf32, #tpu.memory_space<vmem_shared>>)
      %dma_wait3A_202 = arith.constant 0 : i32
      %dma_wait3A_203 = tpu.memref_slice %arg26[%dma_wait3A_202] : memref<10112xf32, #tpu.memory_space<vmem_shared>> -> memref<10112xf32, #tpu.memory_space<vmem_shared>>
      tpu.wait_indirect_dma semaphore(%arg31 : memref<!tpu.dma_semaphore, #tpu.memory_space<semaphore_mem>>) src(%arg22 : memref<48xf32, #tpu.memory_space<vmem>>) dst(%dma_wait3A_203 : memref<10112xf32, #tpu.memory_space<vmem_shared>>)
      %add3A_204 = arith.constant 2 : i32
      %add3A_205 = arith.addi %add3A_184, %add3A_204 : i32
      %lt3A_206 = arith.constant 216 : i32
      %lt3A_207 = arith.cmpi slt, %add3A_205, %lt3A_206 : i32
      %convert_element_type3A_208 = arith.extui %lt3A_207 : i1 to i32
      %cond3A_209 = arith.constant 0 : i32
      %cond3A_210 = arith.cmpi ne, %convert_element_type3A_208, %cond3A_209 : i32
      scf.if %cond3A_210 {
        %add3A_212 = arith.constant 2 : i32
        %add3A_213 = arith.addi %add3A_184, %add3A_212 : i32
        %mul3A_214 = arith.constant 48 : i32
        %mul3A_215 = arith.muli %add3A_213, %mul3A_214 : i32
        %add3A_216 = arith.addi %mul3A_89, %mul3A_215 : i32
        "tpu.region"() ({
          %run_scoped3A = tpu.sem_alloc : memref<!tpu.dma_semaphore, #tpu.memory_space<semaphore_mem>>
          %dma_start3A_225 = tpu.memref_slice %arg4[%add3A_216] : memref<663552xi32, #tpu.memory_space<hbm>> -> memref<48xi32, #tpu.memory_space<hbm>>
          %dma_start3A_226 = tpu.memref_slice %arg4[%add3A_216] : memref<663552xi32, #tpu.memory_space<hbm>> -> memref<48xi32, #tpu.memory_space<hbm>>
          tpu.enqueue_dma source(%dma_start3A_226 : memref<48xi32, #tpu.memory_space<hbm>>) target(%arg10 : memref<48xi32, #tpu.memory_space<vmem>>) target_semaphore(%run_scoped3A : memref<!tpu.dma_semaphore, #tpu.memory_space<semaphore_mem>>)
          %dma_wait3A_227 = tpu.memref_slice %arg4[%add3A_216] : memref<663552xi32, #tpu.memory_space<hbm>> -> memref<48xi32, #tpu.memory_space<hbm>>
          %dma_wait3A_228 = tpu.memref_slice %arg4[%add3A_216] : memref<663552xi32, #tpu.memory_space<hbm>> -> memref<48xi32, #tpu.memory_space<hbm>>
          tpu.wait_dma2 semaphore(%run_scoped3A : memref<!tpu.dma_semaphore, #tpu.memory_space<semaphore_mem>>) src(%dma_wait3A_228 : memref<48xi32, #tpu.memory_space<hbm>>) dst(%arg10 : memref<48xi32, #tpu.memory_space<vmem>>)
          tpu.yield
        }) : () -> ()
        %add3A_217 = arith.constant 331776 : i32
        %add3A_218 = arith.addi %add3A_217, %add3A_216 : i32
        "tpu.region"() ({
          %run_scoped3A = tpu.sem_alloc : memref<!tpu.dma_semaphore, #tpu.memory_space<semaphore_mem>>
          %dma_start3A_225 = tpu.memref_slice %arg4[%add3A_218] : memref<663552xi32, #tpu.memory_space<hbm>> -> memref<48xi32, #tpu.memory_space<hbm>>
          %dma_start3A_226 = tpu.memref_slice %arg4[%add3A_218] : memref<663552xi32, #tpu.memory_space<hbm>> -> memref<48xi32, #tpu.memory_space<hbm>>
          tpu.enqueue_dma source(%dma_start3A_226 : memref<48xi32, #tpu.memory_space<hbm>>) target(%arg11 : memref<48xi32, #tpu.memory_space<vmem>>) target_semaphore(%run_scoped3A : memref<!tpu.dma_semaphore, #tpu.memory_space<semaphore_mem>>)
          %dma_wait3A_227 = tpu.memref_slice %arg4[%add3A_218] : memref<663552xi32, #tpu.memory_space<hbm>> -> memref<48xi32, #tpu.memory_space<hbm>>
          %dma_wait3A_228 = tpu.memref_slice %arg4[%add3A_218] : memref<663552xi32, #tpu.memory_space<hbm>> -> memref<48xi32, #tpu.memory_space<hbm>>
          tpu.wait_dma2 semaphore(%run_scoped3A : memref<!tpu.dma_semaphore, #tpu.memory_space<semaphore_mem>>) src(%dma_wait3A_228 : memref<48xi32, #tpu.memory_space<hbm>>) dst(%arg11 : memref<48xi32, #tpu.memory_space<vmem>>)
          tpu.yield
        }) : () -> ()
        %dma_start3A_219 = arith.constant 0 : i32
        %dma_start3A_220 = arith.constant 0 : i32
        %dma_start3A_221 = tpu.memref_slice %arg2[%dma_start3A_219, %dma_start3A_220] : memref<10112x128xf32, #tpu.memory_space<hbm>> -> memref<10112x128xf32, #tpu.memory_space<hbm>>
        tpu.enqueue_indirect_dma source(%dma_start3A_221 : memref<10112x128xf32, #tpu.memory_space<hbm>>) target(%arg16 : memref<48x128xf32, #tpu.memory_space<vmem>>) offsets(%arg10 : memref<48xi32, #tpu.memory_space<vmem>>) semaphore(%arg28 : memref<!tpu.dma_semaphore, #tpu.memory_space<semaphore_mem>>)
        %dma_start3A_222 = arith.constant 0 : i32
        %dma_start3A_223 = arith.constant 0 : i32
        %dma_start3A_224 = tpu.memref_slice %arg3[%dma_start3A_222, %dma_start3A_223] : memref<10112x128xf32, #tpu.memory_space<hbm>> -> memref<10112x128xf32, #tpu.memory_space<hbm>>
        tpu.enqueue_indirect_dma source(%dma_start3A_224 : memref<10112x128xf32, #tpu.memory_space<hbm>>) target(%arg17 : memref<48x128xf32, #tpu.memory_space<vmem>>) offsets(%arg11 : memref<48xi32, #tpu.memory_space<vmem>>) semaphore(%arg28 : memref<!tpu.dma_semaphore, #tpu.memory_space<semaphore_mem>>)
      } else {
      }
      %scan3A_211 = arith.constant 0 : i32
      scf.yield %scan3A_211 : i32
    }
    %scan3A_115 = arith.constant 72 : i32
    %dma_wait3A = arith.constant 0 : i32
    %dma_wait3A_116 = arith.constant 0 : i32
    %dma_wait3A_117 = tpu.memref_slice %arg25[%dma_wait3A, %dma_wait3A_116] : memref<10112x128xf32, #tpu.memory_space<vmem_shared>> -> memref<10112x128xf32, #tpu.memory_space<vmem_shared>>
    tpu.wait_indirect_dma semaphore(%arg32 : memref<!tpu.dma_semaphore, #tpu.memory_space<semaphore_mem>>) src(%arg18 : memref<48x128xf32, #tpu.memory_space<vmem>>) dst(%dma_wait3A_117 : memref<10112x128xf32, #tpu.memory_space<vmem_shared>>)
    %dma_wait3A_118 = arith.constant 0 : i32
    %dma_wait3A_119 = tpu.memref_slice %arg26[%dma_wait3A_118] : memref<10112xf32, #tpu.memory_space<vmem_shared>> -> memref<10112xf32, #tpu.memory_space<vmem_shared>>
    tpu.wait_indirect_dma semaphore(%arg32 : memref<!tpu.dma_semaphore, #tpu.memory_space<semaphore_mem>>) src(%arg23 : memref<48xf32, #tpu.memory_space<vmem>>) dst(%dma_wait3A_119 : memref<10112xf32, #tpu.memory_space<vmem_shared>>)
    %barrier3A_120 = arith.constant 0 : index
    tpu.barrier barrier_id(%barrier3A_120)
    "tpu.region"() ({
      %run_scoped3A = tpu.sem_alloc : memref<!tpu.dma_semaphore, #tpu.memory_space<semaphore_mem>>
      %dma_start3A_124 = arith.constant 0 : i32
      %dma_start3A_125 = tpu.memref_slice %arg6[%arg0, %mul3A_2, %dma_start3A_124] : memref<2x10112x128xf32, #tpu.memory_space<hbm>> -> memref<1x632x128xf32, #tpu.memory_space<hbm>>
      %dma_start3A_126 = tpu.memref_squeeze %dma_start3A_125 : memref<1x632x128xf32, #tpu.memory_space<hbm>> -> memref<632x128xf32, #tpu.memory_space<hbm>>
      %dma_start3A_127 = arith.constant 0 : i32
      %dma_start3A_128 = tpu.memref_slice %arg25[%mul3A_2, %dma_start3A_127] : memref<10112x128xf32, #tpu.memory_space<vmem_shared>> -> memref<632x128xf32, #tpu.memory_space<vmem_shared>>
      tpu.enqueue_dma source(%dma_start3A_128 : memref<632x128xf32, #tpu.memory_space<vmem_shared>>) target(%dma_start3A_126 : memref<632x128xf32, #tpu.memory_space<hbm>>) target_semaphore(%run_scoped3A : memref<!tpu.dma_semaphore, #tpu.memory_space<semaphore_mem>>)
      %dma_wait3A_129 = arith.constant 0 : i32
      %dma_wait3A_130 = tpu.memref_slice %arg6[%arg0, %mul3A_2, %dma_wait3A_129] : memref<2x10112x128xf32, #tpu.memory_space<hbm>> -> memref<1x632x128xf32, #tpu.memory_space<hbm>>
      %dma_wait3A_131 = tpu.memref_squeeze %dma_wait3A_130 : memref<1x632x128xf32, #tpu.memory_space<hbm>> -> memref<632x128xf32, #tpu.memory_space<hbm>>
      %dma_wait3A_132 = arith.constant 0 : i32
      %dma_wait3A_133 = tpu.memref_slice %arg25[%mul3A_2, %dma_wait3A_132] : memref<10112x128xf32, #tpu.memory_space<vmem_shared>> -> memref<632x128xf32, #tpu.memory_space<vmem_shared>>
      tpu.wait_dma2 semaphore(%run_scoped3A : memref<!tpu.dma_semaphore, #tpu.memory_space<semaphore_mem>>) src(%dma_wait3A_133 : memref<632x128xf32, #tpu.memory_space<vmem_shared>>) dst(%dma_wait3A_131 : memref<632x128xf32, #tpu.memory_space<hbm>>)
      tpu.yield
    }) : () -> ()
    "tpu.region"() ({
      %run_scoped3A = tpu.sem_alloc : memref<!tpu.dma_semaphore, #tpu.memory_space<semaphore_mem>>
      %dma_start3A_124 = tpu.memref_slice %arg26[%mul3A_2] : memref<10112xf32, #tpu.memory_space<vmem_shared>> -> memref<632xf32, #tpu.memory_space<vmem_shared>>
      %dma_start3A_125 = tpu.memref_slice %arg26[%mul3A_2] : memref<10112xf32, #tpu.memory_space<vmem_shared>> -> memref<632xf32, #tpu.memory_space<vmem_shared>>
      tpu.enqueue_dma source(%dma_start3A_125 : memref<632xf32, #tpu.memory_space<vmem_shared>>) target(%arg24 : memref<632xf32, #tpu.memory_space<vmem>>) target_semaphore(%run_scoped3A : memref<!tpu.dma_semaphore, #tpu.memory_space<semaphore_mem>>)
      %dma_wait3A_126 = tpu.memref_slice %arg26[%mul3A_2] : memref<10112xf32, #tpu.memory_space<vmem_shared>> -> memref<632xf32, #tpu.memory_space<vmem_shared>>
      %dma_wait3A_127 = tpu.memref_slice %arg26[%mul3A_2] : memref<10112xf32, #tpu.memory_space<vmem_shared>> -> memref<632xf32, #tpu.memory_space<vmem_shared>>
      tpu.wait_dma2 semaphore(%run_scoped3A : memref<!tpu.dma_semaphore, #tpu.memory_space<semaphore_mem>>) src(%dma_wait3A_127 : memref<632xf32, #tpu.memory_space<vmem_shared>>) dst(%arg24 : memref<632xf32, #tpu.memory_space<vmem>>)
      tpu.yield
    }) : () -> ()
    %mul3A_121 = arith.constant 10112 : i32
    %mul3A_122 = arith.muli %arg0, %mul3A_121 : i32
    %add3A_123 = arith.addi %mul3A_122, %mul3A_2 : i32
    "tpu.region"() ({
      %run_scoped3A = tpu.sem_alloc : memref<!tpu.dma_semaphore, #tpu.memory_space<semaphore_mem>>
      %dma_start3A_124 = tpu.memref_slice %arg7[%add3A_123] : memref<20224xf32, #tpu.memory_space<hbm>> -> memref<632xf32, #tpu.memory_space<hbm>>
      %dma_start3A_125 = tpu.memref_slice %arg7[%add3A_123] : memref<20224xf32, #tpu.memory_space<hbm>> -> memref<632xf32, #tpu.memory_space<hbm>>
      tpu.enqueue_dma source(%arg24 : memref<632xf32, #tpu.memory_space<vmem>>) target(%dma_start3A_125 : memref<632xf32, #tpu.memory_space<hbm>>) target_semaphore(%run_scoped3A : memref<!tpu.dma_semaphore, #tpu.memory_space<semaphore_mem>>)
      %dma_wait3A_126 = tpu.memref_slice %arg7[%add3A_123] : memref<20224xf32, #tpu.memory_space<hbm>> -> memref<632xf32, #tpu.memory_space<hbm>>
      %dma_wait3A_127 = tpu.memref_slice %arg7[%add3A_123] : memref<20224xf32, #tpu.memory_space<hbm>> -> memref<632xf32, #tpu.memory_space<hbm>>
      tpu.wait_dma2 semaphore(%run_scoped3A : memref<!tpu.dma_semaphore, #tpu.memory_space<semaphore_mem>>) src(%arg24 : memref<632xf32, #tpu.memory_space<vmem>>) dst(%dma_wait3A_127 : memref<632xf32, #tpu.memory_space<hbm>>)
      tpu.yield
    }) : () -> ()
    return
  }
}

module attributes {stable_mosaic.version = 14 : i64} {
  func.func @_mm_body(%arg0: i32, %arg1: memref<1264x128xf32, #tpu.memory_space<vmem>>, %arg2: memref<128x128xf32, #tpu.memory_space<vmem>>, %arg3: memref<128x128xf32, #tpu.memory_space<vmem>>, %arg4: memref<1264x128xf32, #tpu.memory_space<vmem>>, %arg5: memref<1264x128xf32, #tpu.memory_space<vmem>>) attributes {dimension_semantics = [#tpu.dimension_semantics<arbitrary>], iteration_bounds = array<i64: 8>, scalar_prefetch = 0 : i64, scratch_operands = 0 : i64, tpu.core_type = #tpu.core_type<tc>, window_params = [{transform_indices = @transform_0, window_bounds = array<i64: 1264, 128>}, {pipeline_mode = #tpu.pipeline_mode<synchronous>, transform_indices = @transform_1, window_bounds = array<i64: 128, 128>}, {pipeline_mode = #tpu.pipeline_mode<synchronous>, transform_indices = @transform_2, window_bounds = array<i64: 128, 128>}, {transform_indices = @transform_3, window_bounds = array<i64: 1264, 128>}, {transform_indices = @transform_4, window_bounds = array<i64: 1264, 128>}]} {
    %get3A = arith.constant 0 : index
    %get3A_0 = arith.constant 0 : index
    %get3A_1 = vector.load %arg1[%get3A, %get3A_0] : memref<1264x128xf32, #tpu.memory_space<vmem>>, vector<1264x128xf32>
    %get3A_2 = arith.constant 0 : index
    %get3A_3 = arith.constant 0 : index
    %get3A_4 = vector.load %arg2[%get3A_2, %get3A_3] : memref<128x128xf32, #tpu.memory_space<vmem>>, vector<128x128xf32>
    %dot_general3A = arith.constant dense<0.000000e+00> : vector<1264x128xf32>
    %dot_general3A_5 = tpu.matmul %get3A_1, %get3A_4, %dot_general3A {dimension_numbers = #tpu.dot_dimension_numbers<[1], [0], [0], [1], [0, 0, 1, 1], [], []>, transpose_lhs_hint = false} : vector<1264x128xf32>, vector<128x128xf32>, vector<1264x128xf32> -> vector<1264x128xf32>
    %swap3A = arith.constant 0 : index
    %swap3A_6 = arith.constant 0 : index
    %swap3A_7 = vector.load %arg4[%swap3A, %swap3A_6] : memref<1264x128xf32, #tpu.memory_space<vmem>>, vector<1264x128xf32>
    tpu.vector_store %arg4[%swap3A, %swap3A_6], %dot_general3A_5 {strides = array<i32>} : memref<1264x128xf32, #tpu.memory_space<vmem>>, vector<1264x128xf32>,
    %get3A_8 = arith.constant 0 : index
    %get3A_9 = arith.constant 0 : index
    %get3A_10 = vector.load %arg3[%get3A_8, %get3A_9] : memref<128x128xf32, #tpu.memory_space<vmem>>, vector<128x128xf32>
    %dot_general3A_11 = arith.constant dense<0.000000e+00> : vector<1264x128xf32>
    %dot_general3A_12 = tpu.matmul %get3A_1, %get3A_10, %dot_general3A_11 {dimension_numbers = #tpu.dot_dimension_numbers<[1], [0], [0], [1], [0, 0, 1, 1], [], []>, transpose_lhs_hint = false} : vector<1264x128xf32>, vector<128x128xf32>, vector<1264x128xf32> -> vector<1264x128xf32>
    %swap3A_13 = arith.constant 0 : index
    %swap3A_14 = arith.constant 0 : index
    %swap3A_15 = vector.load %arg5[%swap3A_13, %swap3A_14] : memref<1264x128xf32, #tpu.memory_space<vmem>>, vector<1264x128xf32>
    tpu.vector_store %arg5[%swap3A_13, %swap3A_14], %dot_general3A_12 {strides = array<i32>} : memref<1264x128xf32, #tpu.memory_space<vmem>>, vector<1264x128xf32>,
    return
  }
  func.func @transform_0(%arg0: i32) -> (i32, i32) {
    %c0_i32 = arith.constant 0 : i32
    %c0_i32_0 = arith.constant 0 : i32
    return %arg0, %c0_i32 : i32, i32
  }
  func.func @transform_1(%arg0: i32) -> (i32, i32) {
    %c0_i32 = arith.constant 0 : i32
    %c0_i32_0 = arith.constant 0 : i32
    %c0_i32_1 = arith.constant 0 : i32
    return %c0_i32, %c0_i32_0 : i32, i32
  }
  func.func @transform_2(%arg0: i32) -> (i32, i32) {
    %c0_i32 = arith.constant 0 : i32
    %c0_i32_0 = arith.constant 0 : i32
    %c0_i32_1 = arith.constant 0 : i32
    return %c0_i32, %c0_i32_0 : i32, i32
  }
  func.func @transform_3(%arg0: i32) -> (i32, i32) {
    %c0_i32 = arith.constant 0 : i32
    %c0_i32_0 = arith.constant 0 : i32
    return %arg0, %c0_i32 : i32, i32
  }
  func.func @transform_4(%arg0: i32) -> (i32, i32) {
    %c0_i32 = arith.constant 0 : i32
    %c0_i32_0 = arith.constant 0 : i32
    return %arg0, %c0_i32 : i32, i32
  }
}

module attributes {stable_mosaic.version = 14 : i64} {
  func.func @_finish_body(%arg0: i32, %arg1: memref<1x1264x128xf32, #tpu.memory_space<vmem>>, %arg2: memref<1x1264x128xf32, #tpu.memory_space<vmem>>, %arg3: memref<1264x2xf32, #tpu.memory_space<vmem>>, %arg4: memref<1x1x1264xi32, #tpu.memory_space<vmem>>, %arg5: memref<1x128xf32, #tpu.memory_space<vmem>>, %arg6: memref<64x128xf32, #tpu.memory_space<vmem>>, %arg7: memref<64x128xf32, #tpu.memory_space<vmem>>, %arg8: memref<64x1xf32, #tpu.memory_space<vmem>>) attributes {dimension_semantics = [#tpu.dimension_semantics<arbitrary>], iteration_bounds = array<i64: 8>, scalar_prefetch = 0 : i64, scratch_operands = 2 : i64, tpu.core_type = #tpu.core_type<tc>, window_params = [{transform_indices = @transform_0, window_bounds = array<i64: 1, 1264, 128>}, {transform_indices = @transform_1, window_bounds = array<i64: 1, 1264, 128>}, {transform_indices = @transform_2, window_bounds = array<i64: 1264, 2>}, {transform_indices = @transform_3, window_bounds = array<i64: 1, 1, 1264>}, {pipeline_mode = #tpu.pipeline_mode<synchronous>, transform_indices = @transform_4, window_bounds = array<i64: 1, 128>}, {pipeline_mode = #tpu.pipeline_mode<synchronous>, transform_indices = @transform_5, window_bounds = array<i64: 64, 128>}]} {
    %eq3A = arith.constant 0 : i32
    %eq3A_0 = arith.cmpi eq, %arg0, %eq3A : i32
    %convert_element_type3A = arith.extui %eq3A_0 : i1 to i32
    %cond3A = arith.constant 0 : i32
    %cond3A_1 = arith.cmpi ne, %convert_element_type3A, %cond3A : i32
    scf.if %cond3A_1 {
      %broadcast_in_dim3A_61 = arith.constant 0.000000e+00 : f32
      %broadcast_in_dim3A_62 = vector.broadcast %broadcast_in_dim3A_61 : f32 to vector<64x128xf32>
      %swap3A_63 = arith.constant 0 : index
      %swap3A_64 = arith.constant 0 : index
      %swap3A_65 = vector.load %arg7[%swap3A_63, %swap3A_64] : memref<64x128xf32, #tpu.memory_space<vmem>>, vector<64x128xf32>
      tpu.vector_store %arg7[%swap3A_63, %swap3A_64], %broadcast_in_dim3A_62 {strides = array<i32>} : memref<64x128xf32, #tpu.memory_space<vmem>>, vector<64x128xf32>,
      %broadcast_in_dim3A_66 = arith.constant 0.000000e+00 : f32
      %broadcast_in_dim3A_67 = vector.broadcast %broadcast_in_dim3A_66 : f32 to vector<64x1xf32>
      %swap3A_68 = arith.constant 0 : index
      %swap3A_69 = arith.constant 0 : index
      %swap3A_70 = vector.load %arg8[%swap3A_68, %swap3A_69] : memref<64x1xf32, #tpu.memory_space<vmem>>, vector<64x1xf32>
      tpu.vector_store %arg8[%swap3A_68, %swap3A_69], %broadcast_in_dim3A_67 {strides = array<i32>} : memref<64x1xf32, #tpu.memory_space<vmem>>, vector<64x1xf32>,
    } else {
    }
    %get3A = arith.constant 0 : index
    %get3A_2 = arith.constant 0 : index
    %get3A_3 = arith.constant 0 : index
    %get3A_4 = vector.load %arg1[%get3A, %get3A_2, %get3A_3] : memref<1x1264x128xf32, #tpu.memory_space<vmem>>, vector<1x1264x128xf32>
    %get3A_5 = vector.shape_cast %get3A_4 : vector<1x1264x128xf32> to vector<1264x128xf32>
    %get3A_6 = arith.constant 0 : index
    %get3A_7 = arith.constant 0 : index
    %get3A_8 = arith.constant 0 : index
    %get3A_9 = vector.load %arg2[%get3A_6, %get3A_7, %get3A_8] : memref<1x1264x128xf32, #tpu.memory_space<vmem>>, vector<1x1264x128xf32>
    %get3A_10 = vector.shape_cast %get3A_9 : vector<1x1264x128xf32> to vector<1264x128xf32>
    %add3A = arith.addf %get3A_5, %get3A_10 : vector<1264x128xf32>
    %get3A_11 = arith.constant 0 : index
    %get3A_12 = arith.constant 0 : index
    %get3A_13 = vector.load %arg3[%get3A_11, %get3A_12] : memref<1264x2xf32, #tpu.memory_space<vmem>>, vector<1264x2xf32>
    %reduce_sum3A = arith.constant dense<0.000000e+00> : vector<1264xf32>
    %reduce_sum3A_14 = vector.multi_reduction <add>, %get3A_13, %reduce_sum3A [1] : vector<1264x2xf32> to vector<1264xf32>
    %broadcast_in_dim3A = vector.shape_cast %reduce_sum3A_14 : vector<1264xf32> to vector<1264x1xf32>
    %add3A_15 = arith.constant 1.000000e-16 : f32
    %add3A_16 = vector.broadcast %add3A_15 : f32 to vector<1264x1xf32>
    %add3A_17 = arith.addf %broadcast_in_dim3A, %add3A_16 : vector<1264x1xf32>
    %div3A = vector.broadcast %add3A_17 : vector<1264x1xf32> to vector<1264x128xf32>
    %div3A_18 = arith.divf %add3A, %div3A : vector<1264x128xf32>
    %get3A_19 = arith.constant 0 : index
    %get3A_20 = arith.constant 0 : index
    %get3A_21 = vector.load %arg5[%get3A_19, %get3A_20] : memref<1x128xf32, #tpu.memory_space<vmem>>, vector<1x128xf32>
    %add3A_22 = vector.broadcast %get3A_21 : vector<1x128xf32> to vector<1264x128xf32>
    %add3A_23 = arith.addf %div3A_18, %add3A_22 : vector<1264x128xf32>
    %gt3A = arith.constant 0.000000e+00 : f32
    %gt3A_24 = vector.broadcast %gt3A : f32 to vector<1264x128xf32>
    %gt3A_25 = arith.cmpf ogt, %add3A_23, %gt3A_24 : vector<1264x128xf32>
    %min3A = arith.constant 0.000000e+00 : f32
    %min3A_26 = vector.broadcast %min3A : f32 to vector<1264x128xf32>
    %min3A_27 = arith.minimumf %add3A_23, %min3A_26 : vector<1264x128xf32>
    %exp3A = math.exp %min3A_27 : vector<1264x128xf32>
    %sub3A = arith.constant 1.000000e+00 : f32
    %sub3A_28 = vector.broadcast %sub3A : f32 to vector<1264x128xf32>
    %sub3A_29 = arith.subf %exp3A, %sub3A_28 : vector<1264x128xf32>
    %select_n3A = arith.select %gt3A_25, %add3A_23, %sub3A_29 : vector<1264x128xi1>, vector<1264x128xf32>
    %get3A_30 = arith.constant 0 : index
    %get3A_31 = arith.constant 0 : index
    %get3A_32 = arith.constant 0 : index
    %get3A_33 = vector.load %arg4[%get3A_30, %get3A_31, %get3A_32] : memref<1x1x1264xi32, #tpu.memory_space<vmem>>, vector<1x1x1264xi32>
    %get3A_34 = vector.shape_cast %get3A_33 : vector<1x1x1264xi32> to vector<1x1264xi32>
    %iota3A = tpu.iota {dimensions = array<i32: 0>} : vector<64x1264xi32>
    %eq3A_35 = vector.broadcast %get3A_34 : vector<1x1264xi32> to vector<64x1264xi32>
    %eq3A_36 = arith.cmpi eq, %iota3A, %eq3A_35 : vector<64x1264xi32>
    %convert_element_type3A_37 = arith.extui %eq3A_36 : vector<64x1264xi1> to vector<64x1264xi32>
    %convert_element_type3A_38 = arith.sitofp %convert_element_type3A_37 : vector<64x1264xi32> to vector<64x1264xf32>
    %get3A_39 = arith.constant 0 : index
    %get3A_40 = arith.constant 0 : index
    %get3A_41 = vector.load %arg7[%get3A_39, %get3A_40] : memref<64x128xf32, #tpu.memory_space<vmem>>, vector<64x128xf32>
    %dot_general3A = arith.constant dense<0.000000e+00> : vector<64x128xf32>
    %dot_general3A_42 = tpu.matmul %convert_element_type3A_38, %select_n3A, %dot_general3A {dimension_numbers = #tpu.dot_dimension_numbers<[1], [0], [0], [1], [0, 0, 1, 1], [], []>, transpose_lhs_hint = false} : vector<64x1264xf32>, vector<1264x128xf32>, vector<64x128xf32> -> vector<64x128xf32>
    %add3A_43 = arith.addf %get3A_41, %dot_general3A_42 : vector<64x128xf32>
    %swap3A = arith.constant 0 : index
    %swap3A_44 = arith.constant 0 : index
    %swap3A_45 = vector.load %arg7[%swap3A, %swap3A_44] : memref<64x128xf32, #tpu.memory_space<vmem>>, vector<64x128xf32>
    tpu.vector_store %arg7[%swap3A, %swap3A_44], %add3A_43 {strides = array<i32>} : memref<64x128xf32, #tpu.memory_space<vmem>>, vector<64x128xf32>,
    %get3A_46 = arith.constant 0 : index
    %get3A_47 = arith.constant 0 : index
    %get3A_48 = vector.load %arg8[%get3A_46, %get3A_47] : memref<64x1xf32, #tpu.memory_space<vmem>>, vector<64x1xf32>
    %reduce_sum3A_49 = arith.constant dense<0.000000e+00> : vector<64xf32>
    %reduce_sum3A_50 = vector.multi_reduction <add>, %convert_element_type3A_38, %reduce_sum3A_49 [1] : vector<64x1264xf32> to vector<64xf32>
    %broadcast_in_dim3A_51 = vector.shape_cast %reduce_sum3A_50 : vector<64xf32> to vector<64x1xf32>
    %add3A_52 = arith.addf %get3A_48, %broadcast_in_dim3A_51 : vector<64x1xf32>
    %swap3A_53 = arith.constant 0 : index
    %swap3A_54 = arith.constant 0 : index
    %swap3A_55 = vector.load %arg8[%swap3A_53, %swap3A_54] : memref<64x1xf32, #tpu.memory_space<vmem>>, vector<64x1xf32>
    tpu.vector_store %arg8[%swap3A_53, %swap3A_54], %add3A_52 {strides = array<i32>} : memref<64x1xf32, #tpu.memory_space<vmem>>, vector<64x1xf32>,
    %eq3A_56 = arith.constant 7 : i32
    %eq3A_57 = arith.cmpi eq, %arg0, %eq3A_56 : i32
    %convert_element_type3A_58 = arith.extui %eq3A_57 : i1 to i32
    %cond3A_59 = arith.constant 0 : i32
    %cond3A_60 = arith.cmpi ne, %convert_element_type3A_58, %cond3A_59 : i32
    scf.if %cond3A_60 {
      %get3A_61 = arith.constant 0 : index
      %get3A_62 = arith.constant 0 : index
      %get3A_63 = vector.load %arg7[%get3A_61, %get3A_62] : memref<64x128xf32, #tpu.memory_space<vmem>>, vector<64x128xf32>
      %get3A_64 = arith.constant 0 : index
      %get3A_65 = arith.constant 0 : index
      %get3A_66 = vector.load %arg8[%get3A_64, %get3A_65] : memref<64x1xf32, #tpu.memory_space<vmem>>, vector<64x1xf32>
      %max3A = arith.constant 1.000000e+00 : f32
      %max3A_67 = vector.broadcast %max3A : f32 to vector<64x1xf32>
      %max3A_68 = arith.maximumf %get3A_66, %max3A_67 : vector<64x1xf32>
      %div3A_69 = vector.broadcast %max3A_68 : vector<64x1xf32> to vector<64x128xf32>
      %div3A_70 = arith.divf %get3A_63, %div3A_69 : vector<64x128xf32>
      %swap3A_71 = arith.constant 0 : index
      %swap3A_72 = arith.constant 0 : index
      %swap3A_73 = vector.load %arg6[%swap3A_71, %swap3A_72] : memref<64x128xf32, #tpu.memory_space<vmem>>, vector<64x128xf32>
      tpu.vector_store %arg6[%swap3A_71, %swap3A_72], %div3A_70 {strides = array<i32>} : memref<64x128xf32, #tpu.memory_space<vmem>>, vector<64x128xf32>,
    } else {
    }
    return
  }
  func.func @transform_0(%arg0: i32) -> (i32, i32, i32) {
    %c0_i32 = arith.constant 0 : i32
    %c0_i32_0 = arith.constant 0 : i32
    %c0_i32_1 = arith.constant 0 : i32
    return %c0_i32, %arg0, %c0_i32_0 : i32, i32, i32
  }
  func.func @transform_1(%arg0: i32) -> (i32, i32, i32) {
    %c1_i32 = arith.constant 1 : i32
    %c0_i32 = arith.constant 0 : i32
    %c0_i32_0 = arith.constant 0 : i32
    return %c1_i32, %arg0, %c0_i32 : i32, i32, i32
  }
  func.func @transform_2(%arg0: i32) -> (i32, i32) {
    %c0_i32 = arith.constant 0 : i32
    %c0_i32_0 = arith.constant 0 : i32
    return %arg0, %c0_i32 : i32, i32
  }
  func.func @transform_3(%arg0: i32) -> (i32, i32, i32) {
    %c0_i32 = arith.constant 0 : i32
    %c0_i32_0 = arith.constant 0 : i32
    %c0_i32_1 = arith.constant 0 : i32
    return %arg0, %c0_i32, %c0_i32_0 : i32, i32, i32
  }
  func.func @transform_4(%arg0: i32) -> (i32, i32) {
    %c0_i32 = arith.constant 0 : i32
    %c0_i32_0 = arith.constant 0 : i32
    %c0_i32_1 = arith.constant 0 : i32
    return %c0_i32, %c0_i32_0 : i32, i32
  }
  func.func @transform_5(%arg0: i32) -> (i32, i32) {
    %c0_i32 = arith.constant 0 : i32
    %c0_i32_0 = arith.constant 0 : i32
    %c0_i32_1 = arith.constant 0 : i32
    return %c0_i32, %c0_i32_0 : i32, i32
  }
}

</mosaic_0001>

<sc_bundles>
// kernel: kernel.5.cloned.1.call-start
scs
__scs_entry_jumppad:
0x0: {  	(pc) =	sbr.rel $0x88, $3  }
0x1: {  	(tag) =	ssettag $0x0;
	lr =	simm.s32 $0x1  }
0x2: {  	[smem:$0x3F9A] =	sst lr;
	_ =	strace $0xD0000000  }
0x3: {  	_ = 	snop  }
0x4: {  	_ = 	snop  }
0x5: {  	_ = 	snop  }
0x6: {  	_ = 	snop  }
0x7: {  	_ = 	snop  }
__scs_overlays_trampoline_lowered:
0x8: {  	[smem:$0x3FA9] =	sst s0  }
0x9: {  	[smem:$0x3FAA] =	sst s1  }
0xa: {  	[smem:$0x3FAB] =	sst s2  }
0xb: {  	[smem:$0x3FAC] =	sst s3  }
0xc: {  	[smem:$0x3FAD] =	sst s4  }
0xd: {  	[smem:$0x3FAE] =	sst s5  }
0xe: {  	[smem:$0x3FAF] =	sst s6  }
0xf: {  	[smem:$0x3FB0] =	sst s7  }
0x10: {  	[smem:$0x3FB1] =	sst s8  }
0x11: {  	[smem:$0x3FB2] =	sst s9;
	s0 =	simm.s32 @!p0 $0x0  }
0x12: {  	s1 =	sld [smem:$0x3F98];
	s0 =	simm.s32 @p0 $0x1  }
0x13: {  	[smem:$0x3FB3] =	sst s0;
	s0 =	simm.s32 @!p1 $0x0  }
0x14: {  	s2 =	sld [smem:$0x3F97];
	s0 =	simm.s32 @p1 $0x1  }
0x15: {  	[smem:$0x3FB4] =	sst s0;
	s0 =	simm.s32 @!p2 $0x0  }
0x16: {  	s3 =	sld [smem:$0x3FDB];
	s0 =	simm.s32 @p2 $0x1  }
0x17: {  	s4 =	simm.s32 $0x1BF5;
	[smem:$0x3FB6] =	sst s0  }
0x18: {  	s0 =	sld [smem:$0x3F99];
	_ =	swait.ge [sflag:s4], $0x0  }
0x19: {  	s7 =	sld [smem:$0x3F9A]  }
0x1a: {  	s8 =	sadd.s32 $0xFFFFE003, lr  }
0x1b: {  	s9 =	sadd.s32 $0xFFFFFEF7, lr;
	s5 =	simm.s32 $0xFFFFFFFF;
	p2 =	slt.u32 s8, $0xFFFFF086  }
0x1c: {  	p1 =	slt.u32 s9, $0xF7A;
	s5 =	simm.s32 @!p2 $0x0  }
0x1d: {  	s5 =	simm.s32 @p1 $0x1;
	p0 =	seq.s32 s7, s2  }
0x1e: {  	s7 =	smul.u32 @!p0 $0xF7A, s2;
	p2 =	seq.s32 @!p0 s5, $0x0  }
0x1f: {  	s9 =	smul.u32 $0xF7A, s1;
	s8 =	simm.s32 @!p0 $0x1BF5;
	p2 =	por !p2, p0  }
0x20: {  	[sflag:s8] =	ssyncset.s32 @!p0 $0xFFFFF086;
	s6 =	sadd.s32 @!p0 s3, s7;
	s7 =	simm.s32 @!p0 $0x108  }
0x21: {  	s3 =	sadd.s32 s3, s9;
	s6 =	sadd.s32 @!p0 $0x88, s6;
	s7 =	simm.s32 @p2 $0x1082  }
0x22: {  	[simem:s7], [sflag:s8] =	dma.local @!p0 [hbm:s6], $0xF7A  }
0x23: {  	s9 =	sor.u32 $0xD0000000, s2;
	s6 =	simm.s32 $0x108;
	_ =	swait.ge @!p0 [sflag:s8], $0x0  }
0x24: {  	s3 =	sadd.s32 $0x88, s3;
	s6 =	simm.s32 @!p1 $0x1082;
	[sflag:s4] =	ssyncset.s32 $0xFFFFF086  }
0x25: {  	[simem:s6], [sflag:s4] =	dma.local [hbm:s3], $0xF7A  }
0x26: {  	[smem:$0x3F9A] =	sst s1;
	(tag) =	ssettag s2;
	_ =	strace s9  }
0x27: {  	s1 =	sld [smem:$0x3FAA]  }
0x28: {  	s2 =	sld [smem:$0x3FAB]  }
0x29: {  	s4 =	sld [smem:$0x3FAD]  }
0x2a: {  	p0 =	seq.s32 s5, $0x0;
	s5 =	sld [smem:$0x3FAE]  }
0x2b: {  	s6 =	sld [smem:$0x3FAF]  }
0x2c: {  	s7 =	sld [smem:$0x3FB0]  }
0x2d: {  	s3 =	simm.s32 $0x108;
	s8 =	sld [smem:$0x3FB1]  }
0x2e: {  	s3 =	simm.s32 @!p0 $0x1082;
	s9 =	sld [smem:$0x3FB2]  }
0x2f: {  	lr =	sadd.s32 s0, s3;
	s0 =	sld [smem:$0x3FA9]  }
0x30: {  	s3 =	sld [smem:$0x3FAC]  }
0x31: {  	[smem:$0x3FB5] =	sst s10  }
0x32: {  	s10 =	sld [smem:$0x3FB3];
	_ =	sdelay $0x3  }
0x33: {  	p0 =	seq.s32 s10, $0x1;
	s10 =	sld [smem:$0x3FB5];
	_ =	sdelay $0x3  }
0x34: {  	[smem:$0x3FB5] =	sst s10  }
0x35: {  	s10 =	sld [smem:$0x3FB4];
	_ =	sdelay $0x3  }
0x36: {  	p1 =	seq.s32 s10, $0x1;
	s10 =	sld [smem:$0x3FB5];
	_ =	sdelay $0x3  }
0x37: {  	[smem:$0x3FB5] =	sst s10  }
0x38: {  	s10 =	sld [smem:$0x3FB6]  }
0x39: {  	_ = 	snop;
	(pc) =	sbr.ind lr, $3  }
0x3a: {  	_ = 	snop  }
0x3b: {  	_ = 	snop  }
0x3c: {  	p2 =	seq.s32 s10, $0x1;
	s10 =	sld [smem:$0x3FB5]  }
0x3d: {  	_ =	shalt  }
0x3e: {  	_ =	shalt  }
0x3f: {  	_ =	shalt  }
0x40: {  	_ =	shalt  }
0x41: {  	_ =	shalt  }
0x42: {  	_ =	shalt  }
0x43: {  	_ =	shalt  }
0x44: {  	_ =	shalt  }
0x45: {  	_ =	shalt  }
0x46: {  	_ =	shalt  }
0x47: {  	_ =	shalt  }
0x48: {  	_ =	shalt  }
0x49: {  	_ =	shalt  }
0x4a: {  	_ =	shalt  }
0x4b: {  	_ =	shalt  }
0x4c: {  	_ =	shalt  }
0x4d: {  	_ =	shalt  }
0x4e: {  	_ =	shalt  }
0x4f: {  	_ =	shalt  }
0x50: {  	_ =	shalt  }
0x51: {  	_ =	shalt  }
0x52: {  	_ =	shalt  }
0x53: {  	_ =	shalt  }
0x54: {  	_ =	shalt  }
0x55: {  	_ =	shalt  }
0x56: {  	_ =	shalt  }
0x57: {  	_ =	shalt  }
0x58: {  	_ =	shalt  }
0x59: {  	_ =	shalt  }
0x5a: {  	_ =	shalt  }
0x5b: {  	_ =	shalt  }
0x5c: {  	_ =	shalt  }
0x5d: {  	_ =	shalt  }
0x5e: {  	_ =	shalt  }
0x5f: {  	_ =	shalt  }
0x60: {  	_ =	shalt  }
0x61: {  	_ =	shalt  }
0x62: {  	_ =	shalt  }
0x63: {  	_ =	shalt  }
0x64: {  	_ =	shalt  }
0x65: {  	_ =	shalt  }
0x66: {  	_ =	shalt  }
0x67: {  	_ =	shalt  }
0x68: {  	_ =	shalt  }
0x69: {  	_ =	shalt  }
0x6a: {  	_ =	shalt  }
0x6b: {  	_ =	shalt  }
0x6c: {  	_ =	shalt  }
0x6d: {  	_ =	shalt  }
0x6e: {  	_ =	shalt  }
0x6f: {  	_ =	shalt  }
0x70: {  	_ =	shalt  }
0x71: {  	_ =	shalt  }
0x72: {  	_ =	shalt  }
0x73: {  	_ =	shalt  }
0x74: {  	_ =	shalt  }
0x75: {  	_ =	shalt  }
0x76: {  	_ =	shalt  }
0x77: {  	_ =	shalt  }
0x78: {  	_ =	shalt  }
0x79: {  	_ =	shalt  }
0x7a: {  	_ =	shalt  }
0x7b: {  	_ =	shalt  }
0x7c: {  	_ =	shalt  }
0x7d: {  	_ =	shalt  }
0x7e: {  	_ =	shalt  }
0x7f: {  	_ =	shalt  }
0x80: {  	_ =	shalt  }
0x81: {  	_ =	shalt  }
0x82: {  	_ =	shalt  }
0x83: {  	_ =	shalt  }
0x84: {  	_ =	shalt  }
0x85: {  	_ =	shalt  }
0x86: {  	_ =	shalt  }
0x87: {  	_ =	shalt  }
.Lfunc_end0:
.L_simem_size_0:
called_computation_lowered:
.L_overlay_start_0:
0x88: {  	s2 =	sld [smem:$0x3FD9]  }
0x89: {  	s3 =	sld [smem:$0x3FFE];
	_ =	sdelay $0x1  }
0x8a: {  	s1 =	srdreg.scid  }
0x8b: {  	s0 =	sand.u32 $0x1, s1  }
0x8c: {  	s17 =	sshll.u32 s0, $0xA;
	s2 =	sadd.s32 s3, s2  }
0x8d: {  	s2 =	sadd.s32 s2, s17  }
0x8e: {  	[smem:$0x3FC1] =	sst s2  }
0x8f: {  	_ = 	snop  }
0x90: {  	s2 =	sld [smem:$0x3FC4];
	(tm) =	ssettm $0x1  }
0x91: {  	s18 =	sld [smem:$0x3FFB];
	_ =	sdelay $0x3  }
0x92: {  	_ =	strace s18  }
0x93: {  	s3 =	sld [smem:$0x3FFC];
	_ =	sdelay $0x3  }
0x94: {  	_ =	strace s3  }
0x95: {  	s3 =	sld [smem:$0x3FFD];
	_ =	sdelay $0x3  }
0x96: {  	_ =	strace s3  }
0x97: {  	_ =	strace $0x8FFFFFFF  }
0x98: {  	s19 =	sld [smem:$0x3FDB];
	_ =	sdelay $0x1  }
0x99: {  	s4 =	simm.s32 $_scs_section_size  }
0x9a: {  	s5 =	simm.s32 $_size__tile_overlayer_lowered;
	s6 =	simm.s32 $_tile_overlayer_lowered  }
0x9b: {  	s22 =	simm.s32 $0x1BFF;
	s21 =	sshll.u32 s6, $0x1;
	s3 =	sadd.s32 s4, s19  }
0x9c: {  	s7 =	simm.s32 $0x0;
	s20 =	sshll.u32 s5, $0x1;
	s5 =	sadd.s32 s21, s3  }
0x9d: {  	[timem:s7], [sflag:s22] =	dma.local [hbm:s5], s20  }
0x9e: {  	_ =	swait.ge [sflag:s22], s20  }
0x9f: {  	s4 =	ssub.s32 $0x0, s20;
	[sflag:s22] =	ssyncset.done $0x0  }
0xa0: {  	[sflag:s22] =	ssyncadd.s32 s4;
	_ =	sdelay $0x1  }
0xa1: {  	s23 =	simm.s32 $0x1B8B  }
0xa2: {  	_ =	swait.ge [sflag:s23], $0x1  }
0xa3: {  	[sflag:s23] =	ssyncset.done $0x0  }
0xa4: {  	s25 =	simm.s32 $0x1B8E;
	s24 =	sld [smem:$0x3FFE];
	[sflag:s23] =	ssyncadd.s32 $0xFFFFFFFF  }
0xa5: {  	s26 =	simm.s32 $execute0_lowered;
	[smem:$0x3FD2] =	sst s25  }
0xa6: {  	s5 =	sshll.u32 s26, $0x1;
	_ =	strace $0x80000046;
	[dreg:$0x1] =	wrdreg $0xFFFFFFFF  }
0xa7: {  	s28 =	simm.s32 $_size_execute0_lowered;
	s3 =	sadd.s32 s3, s5;
	[dreg:$0x0] =	wrdreg $0x0  }
0xa8: {  	s5 =	sshll.u32 s28, $0x1;
	[dreg:$0x2] =	wrdreg s3  }
0xa9: {  	[dreg:$0x3] =	wrdreg s5  }
0xaa: {  	[dreg:$0x4] =	wrdreg $0xC0  }
0xab: {  	_ =	task [dreg:s7], $0x5FFFF  }
0xac: {  	[dreg:$0x1] =	wrdreg $0xFFFFFFFF  }
0xad: {  	[dreg:$0x0] =	wrdreg $0x60  }
0xae: {  	[dreg:$0x2] =	wrdreg s24  }
0xaf: {  	[dreg:$0x3] =	wrdreg s2  }
0xb0: {  	[dreg:$0x4] =	wrdreg $0x97800  }
0xb1: {  	[dreg:$0x5] =	wrdreg $0x1D3800  }
0xb2: {  	[dreg:$0x6] =	wrdreg $0x9  }
0xb3: {  	_ =	task.clear_ibuf [dreg:s7], $0x7FFFF;
	_ =	strace $0x90000046  }
0xb4: {  	s29 =	simm.s32 $0x9;
	_ =	strace $0x80000048  }
0xb5: {  	_ =	swait.ge [sflag:s29], $0x1  }
0xb6: {  	[sflag:s29] =	ssyncadd.s32 $0xFFFFFFFF  }
0xb7: {  	_ =	strace $0x90000048  }
0xb8: {  	_ =	sfence  }
0xb9: {  	s30 =	sld [smem:$0x0];
	_ =	sdelay $0x2  }
0xba: {  	s31 =	sshll.u32 s1, $0xD;
	s1 =	sshrl.u32 s1, $0x2  }
0xbb: {  	s3 =	sand.u32 $0x4000, s31;
	s1 =	sadd.s32 s1, s30  }
0xbc: {  	s0 =	sor.u32 s3, s0;
	s1 =	sshll.u32 s1, $0x11  }
0xbd: {  	s0 =	sor.u32 s1, s0  }
0xbe: {  	s0 =	sadd.s32 $0x8F2B, s0  }
0xbf: {  	[sflag:s0] =	ssyncadd.remote.s32 $0x1  }
0xc0: {  	_ =	sfence.sel $0xFFFF  }
0xc1: {  	[dreg:$0x0] =	wrdreg $0xFFFFFFFF;
	(pc) =	sbr.abs _section_cstart, $3  }
0xc2: {  	[dreg:$0x1] =	wrdreg $0xFFFFFFFF  }
0xc3: {  	_ =	task.clear_ibuf [dreg:s7], $0x2FFFF;
	_ =	strace $0x9FFFFFFF  }
0xc4: {  	(tm) =	ssettm $0x7FFFFFFF  }
0xc5: {  	_ =	shalt  }
tec
execute0_lowered:
.L_overlay_start_1:
0x0: {  	(tag) =	ssettag $0x1  }
0x1: {  	s1 =	rddreg [dreg:$0x0]  }
0x2: {  	s21 =	rddreg [dreg:$0x2]  }
0x3: {  	s22 =	rddreg [dreg:$0x3]  }
0x4: {  	s0 =	srdreg.scid;
	s2 =	simm.s32 $0x0;
	s8 =	stileid.u32  }
0x5: {  	s3 =	sand.u32 $0x1, s0;
	[smem:$0x7FF] =	sst s2;
	s7 =	smul.u32 $0x13C00, s8  }
0x6: {  	s4 =	smul.u32 $0x278, s8;
	s5 =	sadd.s32 $0x28A00, s1;
	s10 =	sadd.s32 $0x1200, s1  }
0x7: {  	s0 =	smul.u32 $0x13C000, s3;
	_ =	strace $0x80000047;
	[dreg:$0x5] =	wrdreg s5  }
0x8: {  	s23 =	sadd.s32 $0x50200, s1;
	s9 =	smul.u32 $0x2780, s3;
	[dreg:$0x6] =	wrdreg s10  }
0x9: {  	s11 =	ssub.s32 $0x2, s3;
	s3 =	sshll.u32 s3, $0x4;
	[dreg:$0x7] =	wrdreg s23  }
0xa: {  	s6 =	sshrl.u32 s11, $0x1;
	s5 =	sadd.s32 $0x30, s4;
	s3 =	sor.u32 s8, s3  }
0xb: {  	s0 =	sadd.s32 s7, s0;
	s2 =	sadd.s32 s4, s9;
	s7 =	smul.u32 $0x4F000, s8  }
0xc: {  	s13 =	sshll.u32 s5, $0x7;
	s8 =	sadd.s32 $0xC0, s4;
	s5 =	sadd.s32 s5, s22  }
0xd: {  	s0 =	sshrl.u32 s0, $0x3;
	s2 =	sshrl.u32 s2, $0x3;
	s14 =	sadd.s32 s13, s21  }
0xe: {  	[dreg:$0x17] =	wrdreg s5;
	s0 =	sadd.s32 s0, s1;
	s1 =	sadd.s32 s2, s1  }
0xf: {  	s2 =	ssub.s32 s11, s6;
	s12 =	sshrl.u32 s7, $0x2;
	[dreg:$0x9] =	wrdreg s14  }
0x10: {  	s6 =	sadd.s32 $0x60, s4;
	s11 =	sshll.u32 s8, $0x7;
	s8 =	sadd.s32 s8, s22  }
0x11: {  	s7 =	sadd.s32 $0x90, s4;
	s16 =	sadd.s32 s11, s21;
	[dreg:$0x1a] =	wrdreg s8  }
0x12: {  	s9 =	sshll.u32 s6, $0x7;
	s6 =	sadd.s32 s6, s22;
	[dreg:$0xc] =	wrdreg s16  }
0x13: {  	s10 =	sshll.u32 s7, $0x7;
	s7 =	sadd.s32 s7, s22;
	[dreg:$0x18] =	wrdreg s6  }
0x14: {  	s0 =	sadd.s32 $0x65000, s0;
	[dreg:$0x19] =	wrdreg s7  }
0x15: {  	s25 =	sadd.s32 $0x210, s4;
	s24 =	sadd.s32 s12, s21;
	[smem:$0x7F7] =	sst s0  }
0x16: {  	s11 =	sadd.s32 $0x150, s4;
	s9 =	sadd.s32 s9, s21;
	[dreg:$0x8] =	wrdreg s24  }
0x17: {  	s15 =	sadd.s32 s10, s21;
	s10 =	sadd.s32 $0x120, s4;
	[dreg:$0xa] =	wrdreg s9  }
0x18: {  	s14 =	sshll.u32 s11, $0x7;
	s11 =	sadd.s32 s11, s22;
	[dreg:$0xb] =	wrdreg s15  }
0x19: {  	s9 =	sadd.s32 $0xF0, s4;
	s18 =	sadd.s32 s14, s21;
	[dreg:$0x1d] =	wrdreg s11  }
0x1a: {  	s13 =	sshll.u32 s10, $0x7;
	s10 =	sadd.s32 s10, s22;
	[dreg:$0xf] =	wrdreg s18  }
0x1b: {  	s14 =	sadd.s32 $0x1E0, s4;
	s17 =	sadd.s32 s13, s21;
	[dreg:$0x1c] =	wrdreg s10  }
0x1c: {  	s12 =	sshll.u32 s9, $0x7;
	s9 =	sadd.s32 s9, s22;
	[dreg:$0xe] =	wrdreg s17  }
0x1d: {  	s18 =	sshll.u32 s25, $0x7;
	s12 =	sadd.s32 s12, s21;
	[dreg:$0x1b] =	wrdreg s9  }
0x1e: {  	s13 =	sadd.s32 $0x1B0, s4;
	s18 =	sadd.s32 s18, s21;
	[dreg:$0xd] =	wrdreg s12  }
0x1f: {  	s16 =	sshll.u32 s13, $0x7;
	s13 =	sadd.s32 s13, s22;
	[dreg:$0x13] =	wrdreg s18  }
0x20: {  	s17 =	sshll.u32 s14, $0x7;
	s14 =	sadd.s32 s14, s22;
	[dreg:$0x1f] =	wrdreg s13  }
0x21: {  	s26 =	sadd.s32 $0x240, s4;
	s19 =	sadd.s32 s16, s21;
	[smem:$0x7F0] =	sst s14  }
0x22: {  	s28 =	sadd.s32 $0x270, s4;
	s20 =	sadd.s32 s17, s21;
	[dreg:$0x11] =	wrdreg s19  }
0x23: {  	s12 =	sadd.s32 $0x180, s4;
	s18 =	sadd.s32 s4, s22;
	[dreg:$0x12] =	wrdreg s20  }
0x24: {  	s15 =	sshll.u32 s12, $0x7;
	s12 =	sadd.s32 s12, s22;
	[dreg:$0x16] =	wrdreg s18  }
0x25: {  	s19 =	sshll.u32 s26, $0x7;
	s15 =	sadd.s32 s15, s21;
	[dreg:$0x1e] =	wrdreg s12  }
0x26: {  	s20 =	sshll.u32 s28, $0x7;
	s30 =	sadd.s32 s19, s21;
	[dreg:$0x10] =	wrdreg s15  }
0x27: {  	s31 =	sadd.s32 s20, s21;
	[dreg:$0x14] =	wrdreg s30  }
0x28: {  	s19 =	sadd.s32 s26, s22;
	[dreg:$0x15] =	wrdreg s31  }
0x29: {  	s21 =	sadd.s32 s28, s22;
	[smem:$0x7F2] =	sst s19  }
0x2a: {  	s3 =	smul.u32 $0x2880, s3;
	s26 =	smax.u32 s2, $0x1;
	[smem:$0x7F3] =	sst s21  }
0x2b: {  	s15 =	sadd.s32 s25, s22;
	[smem:$0x7F9] =	sst s26  }
0x2c: {  	s20 =	sshrl.u32 s3, $0x3;
	s22 =	sor.u32 $0x60, s3;
	[smem:$0x7F1] =	sst s15  }
0x2d: {  	s4 =	sadd.s32 s23, s20;
	s23 =	sadd.s32 $0x90, s3;
	[smem:$0x7F4] =	sst s22  }
0x2e: {  	s3 =	sadd.s32 $0xC0, s3;
	[smem:$0x7F5] =	sst s23  }
0x2f: {  	s25 =	sadd.s32 $0x64600, s1;
	[smem:$0x7F6] =	sst s3  }
.Ltmp0:
0x30: {  	s29 =	simm.s32 $0x30;
	[smem:$0x7F8] =	sst s25;
	(pc) =	sbr.rel .LBB2_1-.Ltmp0, $4  }
0x31: {  	s26 =	simm.s32 $0x9380;
	s28 =	sadd.s32 $0xA200, s4;
	[smem:$0x7FC] =	sst s4  }
0x32: {  	s19 =	simm.s32 $0x9400;
	s30 =	sadd.s32 $0x6, s4;
	[smem:$0x7FA] =	sst s28  }
0x33: {  	s1 =	simm.s32 $0x0;
	s31 =	sadd.s32 $0xA206, s4;
	[smem:$0x7FB] =	sst s30  }
0x34: {  	v0 =	vimm.f32 $0.0e+00;
	s25 =	simm.s32 $0x7;
	s22 =	simm.s32 $0x9480;
	[smem:$0x7FD] =	sst s31  }
.LBB2_12:
0x35: {  	s0 =	simm.s32 $0x6  }
0x36: {  	_ =	swait.ge [sflag:s0], $0x1800  }
0x37: {  	[sflag:s0] =	ssyncset.done $0x0  }
0x38: {  	[sflag:s0] =	ssyncadd.s32 $0xFFFFE800  }
0x39: {  	_ =	swait.ge [sflag:s0], $0x30  }
0x3a: {  	[sflag:s0] =	ssyncset.done $0x0  }
0x3b: {  	[sflag:s0] =	ssyncadd.s32 $0xFFFFFFD0  }
0x3c: {  	[bflag:$0x0] =	sbarrier.arrive $0xFFFF  }
0x3d: {  	s20 =	stileid.u32;
	s2 =	sld [smem:$0x7F7]  }
0x3e: {  	s0 =	sshll.u32 s20, $0x6;
	s24 =	rddreg [dreg:$0x8]  }
0x3f: {  	s0 =	sor.u32 $0x1C07, s0;
	s1 =	sshrl.u32 s24, $0x3  }
0x40: {  	[hbm:s2], [sflag:s0] =	dma.local [spmem:s1], $0x2780  }
0x41: {  	_ =	swait.ge [sflag:s25], $0x2780  }
0x42: {  	[sflag:s25] =	ssyncset.done $0x0  }
0x43: {  	s21 =	simm.s32 $0x9500;
	s18 =	rddreg [dreg:$0x16];
	[sflag:s25] =	ssyncadd.s32 $0xFFFFD880  }
0x44: {  	[tilespmem:s21], [sflag:$0x7] =	stream.linear.gather [spmem:s18], $0x278, $0x38;
	[tilespmem:$0x1D5F8] =	vst v63  }
0x45: {  	_ =	swait.ge [sflag:s25], $0x278  }
0x46: {  	s28 =	sld [smem:$0x7F8]  }
0x47: {  	[sflag:s25] =	ssyncset.done $0x0  }
0x48: {  	s23 =	simm.s32 $0x0;
	[sflag:s25] =	ssyncadd.s32 $0xFFFFFD88  }
0x49: {  	[hbm4b:s28+s23] =	stream.linear.scatter [tilespmem:s21], [sflag:$0x7], $0x278, $0x38;
	[tilespmem:$0x1D5F8] =	vst v63  }
0x4a: {  	_ =	swait.ge [sflag:s25], $0x278  }
0x4b: {  	s30 =	sld [smem:$0x7EF]  }
0x4c: {  	s31 =	sld [smem:$0x7F9];
	_ =	sdelay $0x1  }
0x4d: {  	s1 =	sadd.s32 $0x1, s30  }
0x4e: {  	p0 =	sne.s32 s1, s31  }
.Ltmp1:
0x4f: {  	_ = 	snop;
	(pc) =	sbr.rel @!p0 .LBB2_13-.Ltmp1, $3  }
0x50: {  	_ =	sdelay $0x1  }
0x51: {  	[sflag:s25] =	ssyncset.done $0x0  }
0x52: {  	v0 =	vimm.f32 $0.0e+00;
	[sflag:s25] =	ssyncadd.s32 $0xFFFFFD88  }
.LBB2_1:
0x53: {  	[smem:$0x7EF] =	sst s1;
	s0 =	simm.s32 $0x0;
	s1 =	simm.s32 $0x200  }
.LBB2_2:
0x54: {  	p0 =	sne.s32 s1, $0x5E00;
	[tilespmem:s0+$0x370] =	vst v0  }
0x55: {  	[tilespmem:s0+$0x300] =	vst v0  }
0x56: {  	[tilespmem:s0+$0x310] =	vst v0  }
.Ltmp2:
0x57: {  	[tilespmem:s0+$0x320] =	vst v0;
	(pc) =	sbr.rel @p0 .LBB2_2-.Ltmp2, $4  }
0x58: {  	[tilespmem:s0+$0x330] =	vst v0  }
0x59: {  	[tilespmem:s0+$0x340] =	vst v0  }
0x5a: {  	[tilespmem:s0+$0x350] =	vst v0  }
0x5b: {  	[tilespmem:s0+$0x360] =	vst v0;
	s0 =	sshra.s32 s1, $0x2;
	s1 =	sadd.s32 $0x200, s1  }
0x5c: {  	[tilespmem:s0+$0x370] =	vst v0  }
0x5d: {  	[tilespmem:s0+$0x300] =	vst v0  }
0x5e: {  	[tilespmem:s0+$0x310] =	vst v0  }
0x5f: {  	[tilespmem:s0+$0x320] =	vst v0  }
0x60: {  	[tilespmem:s0+$0x330] =	vst v0  }
0x61: {  	[tilespmem:s0+$0x340] =	vst v0  }
0x62: {  	[tilespmem:s0+$0x350] =	vst v0  }
0x63: {  	[tilespmem:s0+$0x360] =	vst v0  }
0x64: {  	[tilespmem:$0x9380] =	vst v0  }
0x65: {  	[tilespmem:$0x9390] =	vst v0  }
0x66: {  	s1 =	simm.s32 $0x300;
	[tilespmem:$0x93A0] =	vst v0  }
0x67: {  	[spmem:s24] =	stream.linear.scatter [tilespmem:s1], [sflag:$0x7], $0x1800, $0x38;
	[tilespmem:$0x1D5F8] =	vst v63  }
0x68: {  	_ =	swait.ge [sflag:s25], $0x1800  }
0x69: {  	[sflag:s25] =	ssyncset.done $0x0  }
0x6a: {  	s12 =	rddreg [dreg:$0x9];
	[sflag:s25] =	ssyncadd.s32 $0xFFFFE800  }
0x6b: {  	[spmem:s12] =	stream.linear.scatter [tilespmem:s1], [sflag:$0x7], $0x1800, $0x38;
	[tilespmem:$0x1D5F8] =	vst v63  }
0x6c: {  	_ =	swait.ge [sflag:s25], $0x1800  }
0x6d: {  	[sflag:s25] =	ssyncset.done $0x0  }
0x6e: {  	s13 =	rddreg [dreg:$0xa];
	[sflag:s25] =	ssyncadd.s32 $0xFFFFE800  }
0x6f: {  	[spmem:s13] =	stream.linear.scatter [tilespmem:s1], [sflag:$0x7], $0x1800, $0x38;
	[tilespmem:$0x1D5F8] =	vst v63  }
0x70: {  	_ =	swait.ge [sflag:s25], $0x1800  }
0x71: {  	[sflag:s25] =	ssyncset.done $0x0  }
0x72: {  	s14 =	rddreg [dreg:$0xb];
	[sflag:s25] =	ssyncadd.s32 $0xFFFFE800  }
0x73: {  	[spmem:s14] =	stream.linear.scatter [tilespmem:s1], [sflag:$0x7], $0x1800, $0x38;
	[tilespmem:$0x1D5F8] =	vst v63  }
0x74: {  	_ =	swait.ge [sflag:s25], $0x1800  }
0x75: {  	[sflag:s25] =	ssyncset.done $0x0  }
0x76: {  	s15 =	rddreg [dreg:$0xc];
	[sflag:s25] =	ssyncadd.s32 $0xFFFFE800  }
0x77: {  	[spmem:s15] =	stream.linear.scatter [tilespmem:s1], [sflag:$0x7], $0x1800, $0x38;
	[tilespmem:$0x1D5F8] =	vst v63  }
0x78: {  	_ =	swait.ge [sflag:s25], $0x1800  }
0x79: {  	[sflag:s25] =	ssyncset.done $0x0  }
0x7a: {  	s16 =	rddreg [dreg:$0xd];
	[sflag:s25] =	ssyncadd.s32 $0xFFFFE800  }
0x7b: {  	[spmem:s16] =	stream.linear.scatter [tilespmem:s1], [sflag:$0x7], $0x1800, $0x38;
	[tilespmem:$0x1D5F8] =	vst v63  }
0x7c: {  	_ =	swait.ge [sflag:s25], $0x1800  }
0x7d: {  	[sflag:s25] =	ssyncset.done $0x0  }
0x7e: {  	s17 =	rddreg [dreg:$0xe];
	[sflag:s25] =	ssyncadd.s32 $0xFFFFE800  }
0x7f: {  	[spmem:s17] =	stream.linear.scatter [tilespmem:s1], [sflag:$0x7], $0x1800, $0x38;
	[tilespmem:$0x1D5F8] =	vst v63  }
0x80: {  	_ =	swait.ge [sflag:s25], $0x1800  }
0x81: {  	[sflag:s25] =	ssyncset.done $0x0  }
0x82: {  	s20 =	rddreg [dreg:$0xf];
	[sflag:s25] =	ssyncadd.s32 $0xFFFFE800  }
0x83: {  	[spmem:s20] =	stream.linear.scatter [tilespmem:s1], [sflag:$0x7], $0x1800, $0x38;
	[tilespmem:$0x1D5F8] =	vst v63  }
0x84: {  	_ =	swait.ge [sflag:s25], $0x1800  }
0x85: {  	[sflag:s25] =	ssyncset.done $0x0  }
0x86: {  	s21 =	rddreg [dreg:$0x10];
	[sflag:s25] =	ssyncadd.s32 $0xFFFFE800  }
0x87: {  	[spmem:s21] =	stream.linear.scatter [tilespmem:s1], [sflag:$0x7], $0x1800, $0x38;
	[tilespmem:$0x1D5F8] =	vst v63  }
0x88: {  	_ =	swait.ge [sflag:s25], $0x1800  }
0x89: {  	[sflag:s25] =	ssyncset.done $0x0  }
0x8a: {  	s23 =	rddreg [dreg:$0x11];
	[sflag:s25] =	ssyncadd.s32 $0xFFFFE800  }
0x8b: {  	[spmem:s23] =	stream.linear.scatter [tilespmem:s1], [sflag:$0x7], $0x1800, $0x38;
	[tilespmem:$0x1D5F8] =	vst v63  }
0x8c: {  	_ =	swait.ge [sflag:s25], $0x1800  }
0x8d: {  	[sflag:s25] =	ssyncset.done $0x0  }
0x8e: {  	s24 =	rddreg [dreg:$0x12];
	[sflag:s25] =	ssyncadd.s32 $0xFFFFE800  }
0x8f: {  	[spmem:s24] =	stream.linear.scatter [tilespmem:s1], [sflag:$0x7], $0x1800, $0x38;
	[tilespmem:$0x1D5F8] =	vst v63  }
0x90: {  	_ =	swait.ge [sflag:s25], $0x1800  }
0x91: {  	[sflag:s25] =	ssyncset.done $0x0  }
0x92: {  	s28 =	rddreg [dreg:$0x13];
	[sflag:s25] =	ssyncadd.s32 $0xFFFFE800  }
0x93: {  	[spmem:s28] =	stream.linear.scatter [tilespmem:s1], [sflag:$0x7], $0x1800, $0x38;
	[tilespmem:$0x1D5F8] =	vst v63  }
0x94: {  	_ =	swait.ge [sflag:s25], $0x1800  }
0x95: {  	[sflag:s25] =	ssyncset.done $0x0  }
0x96: {  	s30 =	rddreg [dreg:$0x14];
	[sflag:s25] =	ssyncadd.s32 $0xFFFFE800  }
0x97: {  	[spmem:s30] =	stream.linear.scatter [tilespmem:s1], [sflag:$0x7], $0x1800, $0x38;
	[tilespmem:$0x1D5F8] =	vst v63  }
0x98: {  	_ =	swait.ge [sflag:s25], $0x1800  }
0x99: {  	[sflag:s25] =	ssyncset.done $0x0  }
0x9a: {  	s31 =	rddreg [dreg:$0x15];
	[sflag:s25] =	ssyncadd.s32 $0xFFFFE800  }
0x9b: {  	[spmem:s31] =	stream.linear.scatter [tilespmem:s1], [sflag:$0x7], $0x400, $0x38;
	[tilespmem:$0x1D5F8] =	vst v63  }
0x9c: {  	_ =	swait.ge [sflag:s25], $0x400  }
0x9d: {  	[sflag:s25] =	ssyncset.done $0x0  }
0x9e: {  	[sflag:s25] =	ssyncadd.s32 $0xFFFFFC00  }
0x9f: {  	[spmem:s18] =	stream.linear.scatter [tilespmem:s26], [sflag:$0x7], $0x30, $0x38;
	[tilespmem:$0x1D5F8] =	vst v63  }
0xa0: {  	_ =	swait.ge [sflag:s25], $0x30  }
0xa1: {  	[sflag:s25] =	ssyncset.done $0x0  }
0xa2: {  	s2 =	rddreg [dreg:$0x17];
	[sflag:s25] =	ssyncadd.s32 $0xFFFFFFD0  }
0xa3: {  	[spmem:s2] =	stream.linear.scatter [tilespmem:s26], [sflag:$0x7], $0x30, $0x38;
	[tilespmem:$0x1D5F8] =	vst v63  }
0xa4: {  	_ =	swait.ge [sflag:s25], $0x30  }
0xa5: {  	[sflag:s25] =	ssyncset.done $0x0  }
0xa6: {  	s3 =	rddreg [dreg:$0x18];
	[sflag:s25] =	ssyncadd.s32 $0xFFFFFFD0  }
0xa7: {  	[spmem:s3] =	stream.linear.scatter [tilespmem:s26], [sflag:$0x7], $0x30, $0x38;
	[tilespmem:$0x1D5F8] =	vst v63  }
0xa8: {  	_ =	swait.ge [sflag:s25], $0x30  }
0xa9: {  	[sflag:s25] =	ssyncset.done $0x0  }
0xaa: {  	s4 =	rddreg [dreg:$0x19];
	[sflag:s25] =	ssyncadd.s32 $0xFFFFFFD0  }
0xab: {  	[spmem:s4] =	stream.linear.scatter [tilespmem:s26], [sflag:$0x7], $0x30, $0x38;
	[tilespmem:$0x1D5F8] =	vst v63  }
0xac: {  	_ =	swait.ge [sflag:s25], $0x30  }
0xad: {  	[sflag:s25] =	ssyncset.done $0x0  }
0xae: {  	s5 =	rddreg [dreg:$0x1a];
	[sflag:s25] =	ssyncadd.s32 $0xFFFFFFD0  }
0xaf: {  	[spmem:s5] =	stream.linear.scatter [tilespmem:s26], [sflag:$0x7], $0x30, $0x38;
	[tilespmem:$0x1D5F8] =	vst v63  }
0xb0: {  	_ =	swait.ge [sflag:s25], $0x30  }
0xb1: {  	[sflag:s25] =	ssyncset.done $0x0  }
0xb2: {  	s6 =	rddreg [dreg:$0x1b];
	[sflag:s25] =	ssyncadd.s32 $0xFFFFFFD0  }
0xb3: {  	[spmem:s6] =	stream.linear.scatter [tilespmem:s26], [sflag:$0x7], $0x30, $0x38;
	[tilespmem:$0x1D5F8] =	vst v63  }
0xb4: {  	_ =	swait.ge [sflag:s25], $0x30  }
0xb5: {  	[sflag:s25] =	ssyncset.done $0x0  }
0xb6: {  	s7 =	rddreg [dreg:$0x1c];
	[sflag:s25] =	ssyncadd.s32 $0xFFFFFFD0  }
0xb7: {  	[spmem:s7] =	stream.linear.scatter [tilespmem:s26], [sflag:$0x7], $0x30, $0x38;
	[tilespmem:$0x1D5F8] =	vst v63  }
0xb8: {  	_ =	swait.ge [sflag:s25], $0x30  }
0xb9: {  	[sflag:s25] =	ssyncset.done $0x0  }
0xba: {  	s8 =	rddreg [dreg:$0x1d];
	[sflag:s25] =	ssyncadd.s32 $0xFFFFFFD0  }
0xbb: {  	[spmem:s8] =	stream.linear.scatter [tilespmem:s26], [sflag:$0x7], $0x30, $0x38;
	[tilespmem:$0x1D5F8] =	vst v63  }
0xbc: {  	_ =	swait.ge [sflag:s25], $0x30  }
0xbd: {  	[sflag:s25] =	ssyncset.done $0x0  }
0xbe: {  	s9 =	rddreg [dreg:$0x1e];
	[sflag:s25] =	ssyncadd.s32 $0xFFFFFFD0  }
0xbf: {  	[spmem:s9] =	stream.linear.scatter [tilespmem:s26], [sflag:$0x7], $0x30, $0x38;
	[tilespmem:$0x1D5F8] =	vst v63  }
0xc0: {  	_ =	swait.ge [sflag:s25], $0x30  }
0xc1: {  	[sflag:s25] =	ssyncset.done $0x0  }
0xc2: {  	s10 =	rddreg [dreg:$0x1f];
	[sflag:s25] =	ssyncadd.s32 $0xFFFFFFD0  }
0xc3: {  	[spmem:s10] =	stream.linear.scatter [tilespmem:s26], [sflag:$0x7], $0x30, $0x38;
	[tilespmem:$0x1D5F8] =	vst v63  }
0xc4: {  	_ =	swait.ge [sflag:s25], $0x30  }
0xc5: {  	s11 =	sld [smem:$0x7F0]  }
0xc6: {  	[sflag:s25] =	ssyncset.done $0x0  }
0xc7: {  	[sflag:s25] =	ssyncadd.s32 $0xFFFFFFD0  }
0xc8: {  	[spmem:s11] =	stream.linear.scatter [tilespmem:s26], [sflag:$0x7], $0x30, $0x38;
	[tilespmem:$0x1D5F8] =	vst v63  }
0xc9: {  	_ =	swait.ge [sflag:s25], $0x30  }
0xca: {  	s12 =	sld [smem:$0x7F1]  }
0xcb: {  	[sflag:s25] =	ssyncset.done $0x0  }
0xcc: {  	[sflag:s25] =	ssyncadd.s32 $0xFFFFFFD0  }
0xcd: {  	[spmem:s12] =	stream.linear.scatter [tilespmem:s26], [sflag:$0x7], $0x30, $0x38;
	[tilespmem:$0x1D5F8] =	vst v63  }
0xce: {  	_ =	swait.ge [sflag:s25], $0x30  }
0xcf: {  	s13 =	sld [smem:$0x7F2]  }
0xd0: {  	[sflag:s25] =	ssyncset.done $0x0  }
0xd1: {  	[sflag:s25] =	ssyncadd.s32 $0xFFFFFFD0  }
0xd2: {  	[spmem:s13] =	stream.linear.scatter [tilespmem:s26], [sflag:$0x7], $0x30, $0x38;
	[tilespmem:$0x1D5F8] =	vst v63  }
0xd3: {  	_ =	swait.ge [sflag:s25], $0x30  }
0xd4: {  	s14 =	sld [smem:$0x7F3]  }
0xd5: {  	[sflag:s25] =	ssyncset.done $0x0  }
0xd6: {  	[sflag:s25] =	ssyncadd.s32 $0xFFFFFFD0  }
0xd7: {  	[spmem:s14] =	stream.linear.scatter [tilespmem:s26], [sflag:$0x7], $0x8, $0x38;
	[tilespmem:$0x1D5F8] =	vst v63  }
0xd8: {  	_ =	swait.ge [sflag:s25], $0x8  }
0xd9: {  	[sflag:s25] =	ssyncset.done $0x0  }
0xda: {  	[sflag:s25] =	ssyncadd.s32 $0xFFFFFFF8  }
0xdb: {  	s2 =	simm.s32 $0x9300;
	s9 =	simm.s32 $0x0;
	s15 =	rddreg [dreg:$0x1]  }
0xdc: {  	[tilespmem:s2], [sflag:$0x7] =	stream.linear.gather [hbm4b:s15+s9], $0x80, $0x38;
	[tilespmem:$0x1D5F8] =	vst v63  }
0xdd: {  	_ =	swait.ge [sflag:s25], $0x80  }
0xde: {  	[sflag:s25] =	ssyncset.done $0x0  }
0xdf: {  	[sflag:s25] =	ssyncadd.s32 $0xFFFFFF80  }
0xe0: {  	[bflag:$0x0] =	sbarrier.arrive $0xFFFF  }
0xe1: {  	v52 =	vld [tilespmem:$0x9300]  }
0xe2: {  	v53 =	vld [tilespmem:$0x9310]  }
0xe3: {  	v61 =	vld [tilespmem:$0x9320]  }
0xe4: {  	v62 =	vld [tilespmem:$0x9330]  }
0xe5: {  	v35 =	vld [tilespmem:$0x9340];
	s16 =	sld [smem:$0x7FC]  }
0xe6: {  	v36 =	vld [tilespmem:$0x9350]  }
0xe7: {  	v37 =	vld [tilespmem:$0x9360]  }
0xe8: {  	v44 =	vld [tilespmem:$0x9370];
	[tilespmem:s9], [sflag:$0x7] =	stream.linear.gather [hbm4b:s16+s9], $0x30, $0x38  }
0xe9: {  	_ =	swait.ge [sflag:s25], $0x30  }
0xea: {  	s17 =	sld [smem:$0x7FA]  }
0xeb: {  	[sflag:s25] =	ssyncset.done $0x0  }
0xec: {  	s18 =	simm.s32 $0x80;
	[sflag:s25] =	ssyncadd.s32 $0xFFFFFFD0  }
0xed: {  	[tilespmem:s18], [sflag:$0x7] =	stream.linear.gather [hbm4b:s17+s9], $0x30, $0x38;
	[tilespmem:$0x1D5F8] =	vst v63  }
0xee: {  	_ =	swait.ge [sflag:s25], $0x30  }
0xef: {  	[sflag:s25] =	ssyncset.done $0x0;
	s20 =	rddreg [dreg:$0x5]  }
0xf0: {  	s21 =	rddreg [dreg:$0x6];
	[sflag:s25] =	ssyncadd.s32 $0xFFFFFFD0  }
0xf1: {  	[tilespmem:s1], [sflag:$0x1] =	stream.indirect.gather [hbm4b:s20+s29], $0x80, s9, s29, $0xb8;
	[tilespmem:$0x1D5F8] =	vst v63  }
0xf2: {  	s3 =	simm.s32 $0x1B00;
	s23 =	sld [smem:$0x7FB]  }
0xf3: {  	[tilespmem:s3], [sflag:$0x1] =	stream.indirect.gather [hbm4b:s21+s29], $0x80, s18, s29, $0xb8;
	[tilespmem:$0x1D5F8] =	vst v63  }
0xf4: {  	s24 =	simm.s32 $0x100  }
0xf5: {  	[tilespmem:s24], [sflag:$0x7] =	stream.linear.gather [hbm4b:s23+s9], $0x30, $0x38;
	[tilespmem:$0x1D5F8] =	vst v63  }
0xf6: {  	_ =	swait.ge [sflag:s25], $0x30  }
0xf7: {  	s28 =	sld [smem:$0x7FD]  }
0xf8: {  	[sflag:s25] =	ssyncset.done $0x0  }
0xf9: {  	s4 =	simm.s32 $0x180;
	[sflag:s25] =	ssyncadd.s32 $0xFFFFFFD0  }
0xfa: {  	[tilespmem:s4], [sflag:$0x7] =	stream.linear.gather [hbm4b:s28+s9], $0x30, $0x38;
	[tilespmem:$0x1D5F8] =	vst v63  }
0xfb: {  	_ =	swait.ge [sflag:s25], $0x30  }
0xfc: {  	[tilespmem:$0x1FF90] =	vst v53  }
0xfd: {  	[tilespmem:$0x1FFA0] =	vst v61  }
0xfe: {  	[tilespmem:$0x1FFB0] =	vst v62  }
0xff: {  	[tilespmem:$0x1FFC0] =	vst v35  }
0x100: {  	[sflag:s25] =	ssyncset.done $0x0;
	[tilespmem:$0x1FFD0] =	vst v36  }
0x101: {  	s30 =	simm.s32 $0x3300;
	[tilespmem:$0x1FFE0] =	vst v37;
	[sflag:s25] =	ssyncadd.s32 $0xFFFFFFD0  }
0x102: {  	[tilespmem:s30], [sflag:$0x2] =	stream.indirect.gather [hbm4b:s20+s29], $0x80, s24, s29, $0xb8;
	[tilespmem:$0x1D5F8] =	vst v63  }
0x103: {  	s31 =	simm.s32 $0x4B00;
	[tilespmem:$0x1FFF0] =	vst v44  }
0x104: {  	[tilespmem:s31], [sflag:$0x2] =	stream.indirect.gather [hbm4b:s21+s29], $0x80, s4, s29, $0xb8;
	[tilespmem:$0x1D5F8] =	vst v63  }
.LBB2_4:
0x105: {  	s0 =	simm.s32 $0x1  }
0x106: {  	_ =	swait.ge [sflag:s0], $0x1800  }
0x107: {  	[sflag:s0] =	ssyncset.done $0x0  }
0x108: {  	[sflag:s0] =	ssyncadd.s32 $0xFFFFE800  }
0x109: {  	_ =	swait.ge [sflag:s0], $0x1800  }
0x10a: {  	[sflag:s0] =	ssyncset.done $0x0  }
0x10b: {  	s1 =	simm.s32 $0x0;
	[sflag:s0] =	ssyncadd.s32 $0xFFFFE800  }
.LBB2_5:
0x10c: {  	s30 =	sshll.u32 s1, $0x7  }
0x10d: {  	v38 =	vld [tilespmem:s30+$0x300]  }
0x10e: {  	v0 =	vld [tilespmem:s30+$0x1B00]  }
0x10f: {  	v45 =	vld [tilespmem:s30+$0x310]  }
0x110: {  	v9 =	vld [tilespmem:s30+$0x1B10]  }
0x111: {  	v48 =	vld [tilespmem:s30+$0x320]  }
0x112: {  	v10 =	vld [tilespmem:s30+$0x1B20]  }
0x113: {  	v46 =	vld [tilespmem:s30+$0x330]  }
0x114: {  	v11 =	vld [tilespmem:s30+$0x1B30]  }
0x115: {  	v47 =	vld [tilespmem:s30+$0x340]  }
0x116: {  	v12 =	vld [tilespmem:s30+$0x1B40]  }
0x117: {  	v43 =	vld [tilespmem:s30+$0x350]  }
0x118: {  	v13 =	vld [tilespmem:s30+$0x1B50]  }
0x119: {  	v3 =	vld [tilespmem:s30+$0x360]  }
0x11a: {  	v14 =	vld [tilespmem:s30+$0x1B60]  }
0x11b: {  	s10 =	sor.u32 $0x1, s1;
	v42 =	vld [tilespmem:s30+$0x370]  }
0x11c: {  	v15 =	vld [tilespmem:s30+$0x1B70];
	s14 =	sshll.u32 s10, $0x7  }
0x11d: {  	v59 =	vld [tilespmem:s14+$0x300]  }
0x11e: {  	v16 =	vld [tilespmem:s14+$0x1B00]  }
0x11f: {  	v57 =	vld [tilespmem:s14+$0x310]  }
0x120: {  	v17 =	vld [tilespmem:s14+$0x1B10]  }
0x121: {  	v60 =	vld [tilespmem:s14+$0x320]  }
0x122: {  	v18 =	vld [tilespmem:s14+$0x1B20]  }
0x123: {  	v1 =	vld [tilespmem:s14+$0x330]  }
0x124: {  	v19 =	vld [tilespmem:s14+$0x1B30]  }
0x125: {  	v5 =	vld [tilespmem:s14+$0x340]  }
0x126: {  	v20 =	vld [tilespmem:s14+$0x1B40]  }
0x127: {  	v58 =	vld [tilespmem:s14+$0x350]  }
0x128: {  	v21 =	vld [tilespmem:s14+$0x1B50]  }
0x129: {  	v2 =	vld [tilespmem:s14+$0x360]  }
0x12a: {  	v22 =	vld [tilespmem:s14+$0x1B60]  }
0x12b: {  	s15 =	sor.u32 $0x2, s1;
	v54 =	vld [tilespmem:s14+$0x370]  }
0x12c: {  	s16 =	sshll.u32 s15, $0x7;
	v23 =	vld [tilespmem:s14+$0x1B70]  }
0x12d: {  	v41 =	vld [tilespmem:s16+$0x300]  }
0x12e: {  	v24 =	vld [tilespmem:s16+$0x1B00]  }
0x12f: {  	v50 =	vld [tilespmem:s16+$0x310]  }
0x130: {  	v27 =	vld [tilespmem:s16+$0x1B10]  }
0x131: {  	v51 =	vld [tilespmem:s16+$0x320]  }
0x132: {  	v8 =	vld [tilespmem:s16+$0x330]  }
0x133: {  	v28 =	vld [tilespmem:s16+$0x1B30];
	v0 =	vadd.f32 v0, v38;
	v9 =	vadd.f32 v9, v45  }
0x134: {  	v33 =	vld [tilespmem:s16+$0x340];
	v10 =	vadd.f32 v10, v48;
	v11 =	vadd.f32 v11, v46  }
0x135: {  	v31 =	vld [tilespmem:s16+$0x1B40];
	v12 =	vadd.f32 v12, v47;
	v13 =	vadd.f32 v13, v43  }
0x136: {  	v34 =	vld [tilespmem:s16+$0x350];
	v14 =	vadd.f32 v14, v3;
	v15 =	vadd.f32 v15, v42  }
0x137: {  	v39 =	vld [tilespmem:s16+$0x360];
	v32 =	vadd.f32 v16, v59;
	v49 =	vadd.f32 v17, v57  }
0x138: {  	s17 =	sor.u32 $0x3, s1;
	v40 =	vld [tilespmem:s16+$0x370];
	[tilespmem:$0x1FC60] =	vst v1;
	v18 =	vadd.f32 v18, v60;
	v1 =	vadd.f32 v19, v1  }
0x139: {  	s23 =	sshll.u32 s17, $0x7;
	[tilespmem:$0x1FC50] =	vst v3;
	v16 =	vld [tilespmem:s16+$0x1B60];
	v3 =	vadd.f32 v20, v5;
	v25 =	vmul.f32 $2.000000030e-01, v0;
	v26 =	vmul.f32 $2.000000030e-01, v9  }
0x13a: {  	v19 =	vld [tilespmem:s23+$0x1B10];
	v22 =	vadd.f32 v22, v2;
	v4 =	vmul.f32 $2.000000030e-01, v10;
	v6 =	vmul.f32 $2.000000030e-01, v11  }
0x13b: {  	[tilespmem:$0x1FC80] =	vst v2;
	v23 =	vadd.f32 v23, v54;
	v2 =	vld [tilespmem:s23+$0x350];
	v29 =	vmul.f32 $2.000000030e-01, v12;
	v7 =	vmul.f32 $2.000000030e-01, v13  }
0x13c: {  	v30 =	vmul.f32 $2.000000030e-01, v14;
	v56 =	vmul.f32 $2.000000030e-01, v32;
	v9 =	vmax.f32 v9, v26;
	v26 =	vld [tilespmem:s16+$0x1B20]  }
0x13d: {  	v17 =	vmul.f32 $2.000000030e-01, v49;
	v63 =	vmul.f32 $2.000000030e-01, v18;
	v0 =	vmax.f32 v0, v25;
	v25 =	vld [tilespmem:s16+$0x1B50]  }
0x13e: {  	[tilespmem:$0x1FC70] =	vst v5;
	v5 =	vmul.f32 $2.000000030e-01, v23;
	v10 =	vmax.f32 v10, v4;
	v11 =	vmax.f32 v11, v6;
	v4 =	vld [tilespmem:s23+$0x300]  }
0x13f: {  	v12 =	vmax.f32 v12, v29;
	v29 =	vmul.f32 $2.000000030e-01, v15;
	v6 =	vld [tilespmem:s23+$0x310];
	v0 =	vmul.f32 v0, v52  }
0x140: {  	v13 =	vmax.f32 v13, v7;
	v7 =	vld [tilespmem:s23+$0x320];
	v9 =	vmul.f32 v9, v53;
	v10 =	vmul.f32 v10, v61  }
0x141: {  	v14 =	vmax.f32 v14, v30;
	v30 =	vld [tilespmem:s23+$0x1B30];
	v11 =	vmul.f32 v11, v62;
	v12 =	vmul.f32 v12, v35  }
0x142: {  	v13 =	vmul.f32 v13, v36;
	v14 =	vmul.f32 v14, v37;
	v20 =	vmax.f32 v23, v5;
	v5 =	vld [tilespmem:s23+$0x370]  }
0x143: {  	s28 =	sor.u32 $0x4, s1;
	v23 =	vld [tilespmem:s23+$0x1B70];
	v15 =	vmax.f32 v15, v29;
	v20 =	vmul.f32 v20, v44;
	v16 =	vadd.f32 v16, v39  }
0x144: {  	s0 =	sshll.u32 s28, $0x7;
	v29 =	vld [tilespmem:s23+$0x1B20];
	v15 =	vmul.f32 v15, v44;
	v0 =	vadd.f32 v9, v0;
	v10 =	vadd.f32 v11, v10  }
0x145: {  	[tilespmem:$0x1FCC0] =	vst v39;
	v39 =	vld [tilespmem:s0+$0x340];
	v12 =	vadd.f32 v13, v12;
	v9 =	vmax.f32 v32, v56;
	v32 =	vmul.f32 $2.000000030e-01, v1  }
0x146: {  	v11 =	vmax.f32 v49, v17;
	v13 =	vmax.f32 v18, v63;
	v55 =	vadd.f32 v15, v14;
	v15 =	vld [tilespmem:s16+$0x1B70]  }
0x147: {  	v63 =	vmul.f32 $2.000000030e-01, v22;
	v9 =	vmul.f32 v9, v52;
	v14 =	vmax.f32 v1, v32;
	v32 =	vld [tilespmem:s23+$0x330]  }
0x148: {  	v49 =	vadd.f32 v21, v58;
	v11 =	vmul.f32 v11, v53;
	v13 =	vmul.f32 v13, v61;
	v1 =	vld [tilespmem:s23+$0x340]  }
0x149: {  	v0 =	vadd.f32 v10, v0;
	v21 =	vmax.f32 v22, v63;
	v63 =	vadd.f32 v27, v50;
	v27 =	vld [tilespmem:s0+$0x1B00]  }
0x14a: {  	[tilespmem:$0x1FCB0] =	vst v34;
	v56 =	vmul.f32 $2.000000030e-01, v49;
	v25 =	vadd.f32 v25, v34;
	v34 =	vld [tilespmem:s0+$0x330];
	v19 =	vadd.f32 v19, v6  }
0x14b: {  	s3 =	sor.u32 $0x5, s1;
	[tilespmem:$0x1FE40] =	vst v6;
	v6 =	vld [tilespmem:s0+$0x360];
	v14 =	vmul.f32 v14, v62;
	v9 =	vadd.f32 v11, v9;
	v23 =	vadd.f32 v23, v5  }
0x14c: {  	s12 =	sshll.u32 s3, $0x7;
	v11 =	vld [tilespmem:s23+$0x1B40];
	v10 =	vadd.f32 v55, v12;
	v55 =	vmul.f32 $2.000000030e-01, v3;
	v18 =	vmax.f32 v49, v56  }
0x14d: {  	[tilespmem:$0x1FEA0] =	vst v5;
	v5 =	vld [tilespmem:s12+$0x330];
	v49 =	vadd.f32 v24, v41;
	v24 =	vmul.f32 $2.000000030e-01, v63;
	v18 =	vmul.f32 v18, v36  }
0x14e: {  	v12 =	vld [tilespmem:s23+$0x1B00];
	v13 =	vadd.f32 v14, v13;
	v17 =	vmax.f32 v3, v55;
	v0 =	vadd.f32 v10, v0  }
0x14f: {  	v55 =	vmul.f32 v21, v37;
	v21 =	vld [tilespmem:s23+$0x1B50];
	v56 =	vmul.f32 $2.000000030e-01, v49;
	v14 =	vmax.f32 v63, v24  }
0x150: {  	[tilespmem:$0x1FC90] =	vst v8;
	v3 =	vld [tilespmem:s23+$0x360];
	v63 =	vadd.f32 v31, v33;
	v17 =	vmul.f32 v17, v35;
	v9 =	vadd.f32 v13, v9  }
0x151: {  	[tilespmem:$0x1FCA0] =	vst v33;
	v31 =	vld [tilespmem:s0+$0x310];
	v15 =	vadd.f32 v15, v40;
	v13 =	vmax.f32 v49, v56;
	v49 =	vadd.f32 v26, v51  }
0x152: {  	[tilespmem:$0x1FCD0] =	vst v40;
	v24 =	vld [tilespmem:s0+$0x1B60];
	v14 =	vmul.f32 v14, v53;
	v10 =	vadd.f32 v20, v55;
	v55 =	vadd.f32 v28, v8  }
0x153: {  	[tilespmem:$0x1FE80] =	vst v2;
	v40 =	vadd.f32 v30, v32;
	v30 =	vld [tilespmem:s12+$0x1B00];
	v17 =	vadd.f32 v18, v17;
	v56 =	vmul.f32 $2.000000030e-01, v49  }
0x154: {  	[tilespmem:$0x1FE30] =	vst v4;
	v8 =	vld [tilespmem:s0+$0x300];
	v11 =	vadd.f32 v11, v1;
	v13 =	vmul.f32 v13, v52;
	v33 =	vmul.f32 $2.000000030e-01, v55  }
0x155: {  	[tilespmem:$0x1FE50] =	vst v7;
	v18 =	vld [tilespmem:s23+$0x1B60];
	v12 =	vadd.f32 v12, v4;
	v10 =	vadd.f32 v10, v17;
	v20 =	vmax.f32 v49, v56  }
0x156: {  	[tilespmem:$0x1FD20] =	vst v39;
	v28 =	vld [tilespmem:s0+$0x1B10];
	v49 =	vmul.f32 $2.000000030e-01, v63;
	v17 =	vmax.f32 v55, v33;
	v55 =	vmul.f32 $2.000000030e-01, v25  }
0x157: {  	[tilespmem:$0x1FE60] =	vst v32;
	v26 =	vld [tilespmem:s0+$0x1B20];
	v13 =	vadd.f32 v14, v13;
	v56 =	vmul.f32 $2.000000030e-01, v16;
	v20 =	vmul.f32 v20, v61  }
0x158: {  	[tilespmem:$0x1FE70] =	vst v1;
	v1 =	vld [tilespmem:s12+$0x300];
	v17 =	vmul.f32 v17, v62;
	v22 =	vmax.f32 v63, v49;
	v25 =	vmax.f32 v25, v55  }
0x159: {  	[tilespmem:$0x1FD10] =	vst v34;
	v33 =	vld [tilespmem:s0+$0x320];
	v16 =	vmax.f32 v16, v56;
	v63 =	vmul.f32 $2.000000030e-01, v15;
	v49 =	vmul.f32 $2.000000030e-01, v12  }
0x15a: {  	[tilespmem:$0x1FE90] =	vst v3;
	v56 =	vmul.f32 $2.000000030e-01, v19;
	v18 =	vadd.f32 v18, v3;
	v3 =	vld [tilespmem:s12+$0x320];
	v22 =	vmul.f32 v22, v35  }
0x15b: {  	[tilespmem:$0x1FD40] =	vst v6;
	v9 =	vadd.f32 v10, v9;
	v4 =	vmul.f32 v25, v36;
	v16 =	vmul.f32 v16, v37;
	v25 =	vld [tilespmem:s0+$0x1B30]  }
0x15c: {  	[tilespmem:$0x1FD90] =	vst v5;
	v55 =	vadd.f32 v17, v20;
	v17 =	vld [tilespmem:s0+$0x1B40];
	v15 =	vmax.f32 v15, v63;
	v63 =	vadd.f32 v29, v7  }
0x15d: {  	(xrf2) =	vadd.scan.msk.f32 $0xffff, v0;
	v12 =	vmax.f32 v12, v49;
	v15 =	vmul.f32 v15, v44;
	v10 =	vadd.f32 v4, v22;
	v4 =	vld [tilespmem:s0+$0x350]  }
0x15e: {  	[tilespmem:$0x1FCF0] =	vst v31;
	v19 =	vmax.f32 v19, v56;
	v56 =	vadd.f32 v21, v2;
	v22 =	vld [tilespmem:s0+$0x1B50];
	v49 =	vmul.f32 $2.000000030e-01, v63  }
0x15f: {  	[tilespmem:$0x1FCE0] =	vst v8;
	v29 =	vmul.f32 $2.000000030e-01, v11;
	v7 =	vld [tilespmem:s0+$0x370];
	v13 =	vadd.f32 v55, v13;
	v15 =	vadd.f32 v15, v16  }
0x160: {  	[tilespmem:$0x1FD60] =	vst v1;
	v21 =	vld [tilespmem:s0+$0x1B70];
	v55 =	vmul.f32 $2.000000030e-01, v40;
	v16 =	vmax.f32 v63, v49;
	v63 =	vmul.f32 $2.000000030e-01, v56  }
0x161: {  	(xrf2) =	vadd.scan.msk.f32 $0xffff, v9;
	v2 =	vld [tilespmem:s12+$0x310];
	v12 =	vmul.f32 v12, v52;
	v14 =	vmul.f32 v19, v53;
	v10 =	vadd.f32 v15, v10  }
0x162: {  	[tilespmem:$0x1FD00] =	vst v33;
	v15 =	vmax.f32 v40, v55;
	v40 =	vmax.f32 v56, v63;
	v63 =	vadd.f32 v27, v8;
	v8 =	vld [tilespmem:s12+$0x340]  }
0x163: {  	v11 =	vmax.f32 v11, v29;
	v29 =	vmul.f32 $2.000000030e-01, v18;
	[tilespmem:$0x1FD30] =	vst v4;
	v22 =	vadd.f32 v22, v4;
	v4 =	vld [tilespmem:s12+$0x350]  }
0x164: {  	v20 =	vld [tilespmem:s12+$0x1B10];
	v11 =	vmul.f32 v11, v35;
	v12 =	vadd.f32 v14, v12;
	[tilespmem:$0x1FD80] =	vst v3;
	v49 =	vmul.f32 $2.000000030e-01, v23  }
0x165: {  	v19 =	vld [tilespmem:s12+$0x1B20];
	v18 =	vmax.f32 v18, v29;
	v17 =	vadd.f32 v17, v39;
	[tilespmem:$0x1FD50] =	vst v7;
	v16 =	vmul.f32 v16, v61  }
0x166: {  	[tilespmem:$0x1FD70] =	vst v2;
	v39 =	vadd.f32 v21, v7;
	v32 =	vmul.f32 v15, v62;
	v56 =	vmax.f32 v23, v49;
	v23 =	vld [tilespmem:s12+$0x1B30]  }
0x167: {  	v49 =	vadd.f32 v26, v33;
	v26 =	vld [tilespmem:s12+$0x1B50];
	v10 =	vadd.f32 v10, v13;
	v15 =	vmul.f32 v40, v36;
	[tilespmem:$0x1FDA0] =	vst v8  }
0x168: {  	v13 =	vadd.f32 v32, v16;
	v16 =	vmul.f32 v56, v44;
	v56 =	vadd.f32 v25, v34;
	v25 =	vld [tilespmem:s12+$0x1B40];
	[tilespmem:$0x1FDB0] =	vst v4  }
0x169: {  	v55 =	vmul.f32 v18, v37;
	v33 =	vadd.f32 v24, v6;
	v32 =	vadd.f32 v28, v31;
	v6 =	vld [tilespmem:s12+$0x360]  }
0x16a: {  	v40 =	vmul.f32 $2.000000030e-01, v63;
	v34 =	vmul.f32 $2.000000030e-01, v17;
	v0 =	vadd.f32 v15, v11;
	v27 =	vld [tilespmem:s12+$0x1B60]  }
0x16b: {  	s31 =	sor.u32 $0x6, s1;
	v12 =	vadd.f32 v13, v12;
	v9 =	vadd.f32 v16, v55;
	v55 =	vmul.f32 $2.000000030e-01, v32;
	v7 =	vld [tilespmem:s12+$0x370]  }
0x16c: {  	s2 =	sshll.u32 s31, $0x7;
	v11 =	vmax.f32 v63, v40;
	v63 =	vmul.f32 $2.000000030e-01, v49;
	v40 =	vmul.f32 $2.000000030e-01, v22;
	v24 =	vld [tilespmem:s12+$0x1B70]  }
0x16d: {  	v17 =	vmax.f32 v17, v34;
	v11 =	vmul.f32 v11, v52;
	v13 =	vmax.f32 v32, v55;
	v29 =	vld [tilespmem:s2+$0x300]  }
0x16e: {  	v32 =	vmul.f32 $2.000000030e-01, v56;
	v15 =	vmax.f32 v49, v63;
	v49 =	vmul.f32 $2.000000030e-01, v33;
	v31 =	vld [tilespmem:s2+$0x310]  }
0x16f: {  	v28 =	vmovc v52;
	v17 =	vmul.f32 v17, v35;
	v21 =	vmax.f32 v22, v40;
	v52 =	vld [tilespmem:s2+$0x360];
	v13 =	vmul.f32 v13, v53  }
0x170: {  	v53 =	vmul.f32 $2.000000030e-01, v39;
	v14 =	vmax.f32 v56, v32;
	v18 =	vmax.f32 v33, v49;
	v32 =	vld [tilespmem:s2+$0x320]  }
0x171: {  	v21 =	vmul.f32 v21, v36;
	v55 =	vmul.f32 v18, v37;
	v18 =	vld [tilespmem:s2+$0x1B00]  }
0x172: {  	s5 =	sor.u32 $0x7, s1;
	v16 =	vmax.f32 v39, v53;
	v53 =	vadd.f32 v30, v1;
	v30 =	vld [tilespmem:s2+$0x330]  }
0x173: {  	s24 =	sshll.u32 s5, $0x7;
	v39 =	vadd.f32 v21, v17;
	v21 =	vld [tilespmem:s2+$0x1B40]  }
0x174: {  	v15 =	vmul.f32 v15, v61;
	v14 =	vmul.f32 v14, v62;
	v1 =	vld [tilespmem:s24+$0x360]  }
0x175: {  	v63, _, _ =	vpop (xrf2);
	v56 =	vmul.f32 v16, v44;
	v16 =	vld [tilespmem:s2+$0x1B70]  }
0x176: {  	v33 =	vmul.f32 $1.442695020e+00, v63;
	v22 =	vadd.f32 v14, v15;
	v15 =	vld [tilespmem:s2+$0x1B10]  }
0x177: {  	v34, _, _ =	vpop (xrf2);
	v14 =	vld [tilespmem:s2+$0x1B20]  }
0x178: {  	(xrf2) =	vadd.scan.msk.f32 $0xffff, v10;
	v0 =	vadd.f32 v9, v0;
	v40 =	vmul.f32 $1.442695020e+00, v34;
	v49 =	vbroadcast v33, $0xF;
	v33 =	vld [tilespmem:s2+$0x340]  }
0x179: {  	v9 =	vadd.f32 v56, v55;
	v56 =	vadd.f32 v19, v3;
	v19 =	vld [tilespmem:s2+$0x1B30]  }
0x17a: {  	v11 =	vadd.f32 v13, v11;
	v10 =	vbroadcast v40, $0xF;
	v40 =	vadd.f32 v25, v8;
	v25 =	vld [tilespmem:$0x1FF90]  }
0x17b: {  	v0 =	vadd.f32 v0, v12;
	v63 =	vmul.f32 $2.000000030e-01, v53;
	v24 =	vadd.f32 v24, v7;
	v3 =	vld [tilespmem:s24+$0x300]  }
0x17c: {  	s18 =	sor.u32 $0x8, s1;
	v55 =	vadd.f32 v20, v2;
	v2 =	vld [tilespmem:s24+$0x330];
	v11 =	vadd.f32 v22, v11;
	(erf) = vpow2.f32 v49  }
0x17d: {  	s6 =	sshll.u32 s18, $0x7;
	v13 =	vmax.f32 v53, v63;
	v53 =	vld [tilespmem:s2+$0x350];
	v63 =	vadd.f32 v27, v6;
	v34 =	vmul.f32 $2.000000030e-01, v24  }
0x17e: {  	v27 =	vld [tilespmem:s6+$0x310];
	v9 =	vadd.f32 v9, v39;
	(erf) = vpow2.f32 v10;
	v39 =	vmul.f32 $2.000000030e-01, v56  }
0x17f: {  	(xrf2) =	vadd.scan.msk.f32 $0xffff, v0;
	v10 =	vadd.f32 v23, v5;
	v5 =	vmul.f32 $2.000000030e-01, v55;
	v23 =	vld [tilespmem:s2+$0x1B50];
	v13 =	vmul.f32 v13, v28  }
0x180: {  	[tilespmem:$0x1FDD0] =	vst v7;
	v0 =	vadd.f32 v9, v11;
	v11 =	vmax.f32 v56, v39;
	v56 =	vadd.f32 v26, v4;
	v26 =	vld [tilespmem:s2+$0x1B60]  }
0x181: {  	[tilespmem:$0x1FE00] =	vst v32;
	v7 =	vmul.f32 $2.000000030e-01, v63;
	v49 =	vmul.f32 $2.000000030e-01, v10;
	v32 =	vadd.f32 v14, v32;
	v14 =	vld [tilespmem:s24+$0x1B20]  }
0x182: {  	[tilespmem:$0x1FDF0] =	vst v31;
	v9 =	vmax.f32 v55, v5;
	v4, _, _ =	vpop (xrf2);
	v5 =	vmul.f32 $2.000000030e-01, v40;
	v15 =	vadd.f32 v15, v31;
	v31 =	vld [tilespmem:s6+$0x1B40]  }
0x183: {  	v20 =	vmul.f32 $1.442695020e+00, v4;
	v9 =	vmul.f32 v9, v25;
	v39 =	vmax.f32 v63, v7;
	v4 =	vld [tilespmem:s24+$0x310]  }
0x184: {  	[tilespmem:$0x1FDC0] =	vst v6;
	v11 =	vmul.f32 v11, v61;
	v63 =	vadd.f32 v18, v29;
	v7 =	vld [tilespmem:s24+$0x340];
	v10 =	vmax.f32 v10, v49  }
0x185: {  	v6 =	vmul.f32 $2.000000030e-01, v56;
	v17 =	vmax.f32 v40, v5;
	v49 =	vld [tilespmem:s2+$0x370];
	(xrf2) =	vadd.scan.msk.f32 $0xffff, v0;
	v0 =	vmul.f32 v39, v37  }
0x186: {  	v40 =	vmax.f32 v24, v34;
	v24 =	vld [tilespmem:s24+$0x1B00];
	v39 =	vmul.f32 $2.000000030e-01, v15;
	v10 =	vmul.f32 v10, v62  }
0x187: {  	v5 =	vld [tilespmem:s24+$0x320];
	v17 =	vmul.f32 v17, v35;
	v22 =	vmul.f32 v40, v44  }
0x188: {  	v9 =	vadd.f32 v9, v13;
	v55 =	vbroadcast v20, $0xF;
	v34 =	vmul.f32 $2.000000030e-01, v63;
	v20 =	vld [tilespmem:s24+$0x1B30]  }
0x189: {  	v40 =	vadd.f32 v19, v30;
	v19 =	vld [tilespmem:s24+$0x1B40];
	v12 =	vmax.f32 v56, v6;
	v6 =	vadd.f32 v21, v33  }
0x18a: {  	[tilespmem:$0x1FE10] =	vst v30;
	v30 =	vld [tilespmem:s24+$0x350];
	v56, _, _ =	vpop (xrf2);
	v12 =	vmul.f32 v12, v36;
	v10 =	vadd.f32 v10, v11;
	v0 =	vadd.f32 v22, v0  }
0x18b: {  	v13 =	vmul.f32 $1.442695020e+00, v56;
	v56 =	vmax.f32 v63, v34;
	v63 =	vmax.f32 v15, v39;
	v39 =	vld [tilespmem:$0x1FF90]  }
0x18c: {  	[tilespmem:$0x1FE20] =	vst v33;
	(erf) = vpow2.f32 v55;
	v33 =	vmul.f32 $2.000000030e-01, v40;
	v34 =	vadd.f32 v23, v53;
	v23 =	vld [tilespmem:s24+$0x1B50]  }
0x18d: {  	v55 =	vmul.f32 $2.000000030e-01, v32;
	v22 =	vld [tilespmem:s6+$0x330];
	v12 =	vadd.f32 v12, v17;
	v9 =	vadd.f32 v10, v9  }
0x18e: {  	v25 =	vbroadcast v13, $0xF;
	v10 =	vmax.f32 v40, v33;
	v40 =	vmul.f32 $2.000000030e-01, v6;
	v13 =	vld [tilespmem:s24+$0x1B60]  }
0x18f: {  	v17 =	vld [tilespmem:s24+$0x1B10];
	v16 =	vadd.f32 v16, v49;
	v0 =	vadd.f32 v0, v12;
	v12 =	vmax.f32 v32, v55  }
0x190: {  	v10 =	vmul.f32 v10, v62;
	v55 =	vadd.f32 v26, v52;
	v26 =	vld [tilespmem:s24+$0x1B70];
	v12 =	vmul.f32 v12, v61  }
0x191: {  	s7 =	sor.u32 $0xA, s1;
	(erf) = vpow2.f32 v25;
	v25 =	vld [tilespmem:s6+$0x320];
	v11 =	vmul.f32 v63, v39;
	v63 =	vmax.f32 v6, v40  }
0x192: {  	s11 =	sshll.u32 s7, $0x7;
	v39 =	vmul.f32 $2.000000030e-01, v16;
	v0 =	vadd.f32 v0, v9;
	v10 =	vadd.f32 v10, v12;
	v12 =	vld [tilespmem:s6+$0x1B00]  }
0x193: {  	[tilespmem:$0x1FF10] =	vst v1;
	v9 =	vmul.f32 v56, v28;
	v56 =	vmul.f32 $2.000000030e-01, v34;
	v32, _, _ =	vpop (xrf2);
	v13 =	vadd.f32 v13, v1;
	v1 =	vld [tilespmem:s11+$0x1B00]  }
0x194: {  	v8 =	vmul.f32 $2.000000030e-01, v55;
	v16 =	vmax.f32 v16, v39;
	v15 =	vmul.f32 $1.442695020e+00, v32;
	v32 =	vld [tilespmem:s24+$0x370]  }
0x195: {  	(xrf2) =	vadd.scan.msk.f32 $0xffff, v0;
	v6 =	vmax.f32 v34, v56;
	v0 =	vmul.f32 v63, v35;
	v56 =	vadd.f32 v24, v3;
	v24 =	vld [tilespmem:s6+$0x1B20]  }
0x196: {  	v21 =	vmax.f32 v55, v8;
	v16 =	vmul.f32 v16, v44;
	v63 =	vadd.f32 v17, v4;
	v17 =	vld [tilespmem:s6+$0x360]  }
0x197: {  	v18 =	vmul.f32 v6, v36;
	v6 =	vld [tilespmem:s6+$0x300];
	v55 =	vmul.f32 v21, v37  }
0x198: {  	v21 =	vld [tilespmem:s6+$0x1B10]  }
0x199: {  	v40 =	vbroadcast v15, $0xF;
	v15 =	vadd.f32 v16, v55;
	v55 =	vadd.f32 v19, v7;
	v19 =	vld [tilespmem:s6+$0x340]  }
0x19a: {  	[tilespmem:$0x1FEF0] =	vst v7;
	v14 =	vadd.f32 v14, v5;
	v8 =	vmul.f32 $2.000000030e-01, v13;
	v7 =	vld [tilespmem:$0x1FF90]  }
0x19b: {  	[tilespmem:$0x1FED0] =	vst v5;
	v9 =	vadd.f32 v11, v9;
	v5 =	vmul.f32 $2.000000030e-01, v63;
	v0 =	vadd.f32 v18, v0;
	v18 =	vld [tilespmem:s6+$0x350]  }
0x19c: {  	v33 =	vmul.f32 $2.000000030e-01, v14;
	v13 =	vmax.f32 v13, v8;
	v8 =	vld [tilespmem:s11+$0x300]  }
0x19d: {  	[tilespmem:$0x1FEC0] =	vst v4;
	v4 =	vmul.f32 $2.000000030e-01, v56;
	v9 =	vadd.f32 v10, v9;
	v10 =	vmax.f32 v63, v5;
	v63 =	vld [tilespmem:s6+$0x1B30]  }
0x19e: {  	s20 =	sor.u32 $0x9, s1;
	v16 =	vadd.f32 v20, v2;
	(erf) = vpow2.f32 v40;
	v40 =	vmax.f32 v14, v33;
	v33 =	vld [tilespmem:s6+$0x1B50]  }
0x19f: {  	s4 =	sshll.u32 s20, $0x7;
	v34 =	vmax.f32 v56, v4;
	v4 =	vadd.f32 v23, v30;
	v13 =	vmul.f32 v13, v37;
	v23 =	vld [tilespmem:s6+$0x1B70]  }
0x1a0: {  	v37 =	vld [tilespmem:s4+$0x1B10];
	v39 =	vmul.f32 $2.000000030e-01, v16;
	v5 =	vmul.f32 $2.000000030e-01, v55;
	v26 =	vadd.f32 v26, v32  }
0x1a1: {  	[tilespmem:$0x1FF00] =	vst v30;
	v0 =	vadd.f32 v15, v0;
	v15 =	vmul.f32 v34, v28;
	v34 =	vld [tilespmem:s6+$0x1B60];
	v30 =	vmul.f32 $2.000000030e-01, v4  }
0x1a2: {  	[tilespmem:$0x1FF20] =	vst v32;
	v14 =	vmax.f32 v55, v5;
	v32 =	vmul.f32 $2.000000030e-01, v26;
	v55 =	vadd.f32 v24, v25;
	v24 =	vld [tilespmem:s4+$0x330]  }
0x1a3: {  	v11 =	vmul.f32 v40, v61;
	v16 =	vmax.f32 v16, v39;
	v14 =	vmul.f32 v14, v35;
	v35 =	vld [tilespmem:s4+$0x1B00]  }
0x1a4: {  	v10 =	vmul.f32 v10, v7;
	v30 =	vmax.f32 v4, v30;
	v26 =	vmax.f32 v26, v32;
	v32 =	vld [tilespmem:s4+$0x300]  }
0x1a5: {  	v12 =	vadd.f32 v12, v6;
	v16 =	vmul.f32 v16, v62;
	v39 =	vmul.f32 v30, v36;
	v30 =	vld [tilespmem:s4+$0x310]  }
0x1a6: {  	v21 =	vadd.f32 v21, v27;
	v4 =	vmul.f32 $2.000000030e-01, v55;
	v10 =	vadd.f32 v10, v15;
	v15 =	vld [tilespmem:s6+$0x370]  }
0x1a7: {  	v0 =	vadd.f32 v0, v9;
	v11 =	vadd.f32 v16, v11;
	v16 =	vld [tilespmem:s4+$0x1B20]  }
0x1a8: {  	v20 =	vadd.f32 v63, v22;
	v56, _, _ =	vpop (xrf2);
	v26 =	vmul.f32 v26, v44;
	v9 =	vmax.f32 v55, v4;
	v55 =	vld [tilespmem:$0x1FF90]  }
0x1a9: {  	[tilespmem:$0x1FDE0] =	vst v29;
	v29 =	vmul.f32 $1.442695020e+00, v56;
	v9 =	vmul.f32 v9, v61;
	v61 =	vadd.f32 v34, v17;
	v34 =	vld [tilespmem:s4+$0x1B30]  }
0x1aa: {  	v63 =	vmul.f32 $2.000000030e-01, v21;
	v56 =	vmul.f32 $2.000000030e-01, v12;
	v13 =	vadd.f32 v26, v13;
	v26 =	vld [tilespmem:s4+$0x350]  }
0x1ab: {  	v14 =	vadd.f32 v39, v14;
	v5 =	vmul.f32 $2.000000030e-01, v20;
	v40 =	vbroadcast v29, $0xF;
	v29 =	vld [tilespmem:s4+$0x320]  }
0x1ac: {  	v12 =	vmax.f32 v12, v56;
	v56 =	vadd.f32 v31, v19;
	v31 =	vadd.f32 v33, v18;
	v33 =	vld [tilespmem:$0x1FFC0]  }
0x1ad: {  	v39 =	vmax.f32 v21, v63;
	(erf) = vpow2.f32 v40;
	v40 =	vmax.f32 v20, v5;
	v20 =	vld [tilespmem:s4+$0x340]  }
0x1ae: {  	v7 =	vadd.f32 v13, v14;
	v13 =	vmul.f32 v39, v55;
	v39 =	vld [tilespmem:s4+$0x1B40]  }
0x1af: {  	v10 =	vadd.f32 v11, v10;
	v4 =	vmul.f32 $2.000000030e-01, v31;
	v14 =	vmul.f32 v40, v62;
	v40 =	vld [tilespmem:$0x1FFD0]  }
0x1b0: {  	v5 =	vmul.f32 $2.000000030e-01, v61;
	v55 =	vld [tilespmem:$0x1FFE0]  }
0x1b1: {  	(xrf2) =	vadd.scan.msk.f32 $0xffff, v0;
	v63 =	vadd.f32 v7, v10;
	v10 =	vmax.f32 v31, v4;
	v31 =	vld [tilespmem:s4+$0x1B50]  }
0x1b2: {  	v23 =	vadd.f32 v23, v15;
	v62 =	vmul.f32 $2.000000030e-01, v56;
	v11 =	vmax.f32 v61, v5;
	v61 =	vld [tilespmem:s4+$0x1B60]  }
0x1b3: {  	v12 =	vmul.f32 v12, v28;
	(xrf2) =	vadd.scan.msk.f32 $0xffff, v63;
	v63 =	vadd.f32 v34, v24;
	v34 =	vld [tilespmem:s4+$0x1B70]  }
0x1b4: {  	v7 =	vmul.f32 $2.000000030e-01, v23;
	v21 =	vmax.f32 v56, v62;
	v56 =	vadd.f32 v35, v32;
	v35 =	vld [tilespmem:$0x1FFD0]  }
0x1b5: {  	v12 =	vadd.f32 v13, v12;
	v62 =	vadd.f32 v37, v30;
	v37 =	vld [tilespmem:s11+$0x340]  }
0x1b6: {  	v9 =	vadd.f32 v14, v9;
	v16 =	vadd.f32 v16, v29;
	v13 =	vmax.f32 v23, v7;
	v23 =	vld [tilespmem:s4+$0x360]  }
0x1b7: {  	[tilespmem:$0x1FEB0] =	vst v3;
	v36 =	vmul.f32 v21, v33;
	v21 =	vld [tilespmem:s4+$0x370];
	v3 =	vmul.f32 $2.000000030e-01, v56  }
0x1b8: {  	v7 =	vld [tilespmem:$0x1FFC0];
	v9 =	vadd.f32 v9, v12;
	v13 =	vmul.f32 v13, v44;
	v5 =	vmul.f32 $2.000000030e-01, v16  }
0x1b9: {  	v4 =	vmul.f32 $2.000000030e-01, v62;
	v11 =	vmul.f32 v11, v55;
	v12 =	vmax.f32 v56, v3;
	v3 =	vld [tilespmem:s11+$0x310]  }
0x1ba: {  	v10 =	vmul.f32 v10, v40;
	v16 =	vmax.f32 v16, v5;
	v5 =	vld [tilespmem:$0x1FFB0]  }
0x1bb: {  	v40 =	vadd.f32 v39, v20;
	v56, _, _ =	vpop (xrf2);
	v11 =	vadd.f32 v13, v11;
	v13 =	vmax.f32 v62, v4;
	v4 =	vld [tilespmem:s11+$0x320]  }
0x1bc: {  	v55 =	vmul.f32 $2.000000030e-01, v63;
	v31 =	vadd.f32 v31, v26;
	v62 =	vmul.f32 $1.442695020e+00, v56;
	v56 =	vld [tilespmem:s11+$0x1B20]  }
0x1bd: {  	[tilespmem:$0x1FEE0] =	vst v2;
	v0 =	vadd.f32 v10, v36;
	v2 =	vmul.f32 $2.000000030e-01, v40;
	v36 =	vld [tilespmem:$0x1FFE0];
	v33 =	vadd.f32 v61, v23  }
0x1be: {  	v10 =	vmax.f32 v63, v55;
	v61 =	vld [tilespmem:s11+$0x1B10];
	v39 =	vmul.f32 $2.000000030e-01, v31  }
0x1bf: {  	v34 =	vadd.f32 v34, v21;
	v14 =	vmax.f32 v40, v2;
	v40 =	vld [tilespmem:$0x1FF90];
	v63 =	vmul.f32 $2.000000030e-01, v33  }
0x1c0: {  	v31 =	vmax.f32 v31, v39;
	v39 =	vld [tilespmem:s11+$0x330]  }
0x1c1: {  	v55 =	vmul.f32 $2.000000030e-01, v34;
	v33 =	vmax.f32 v33, v63;
	v63 =	vld [tilespmem:$0x1FFA0]  }
0x1c2: {  	v1 =	vadd.f32 v1, v8;
	v14 =	vmul.f32 v14, v7;
	v7 =	vld [tilespmem:s11+$0x350]  }
0x1c3: {  	v12 =	vmul.f32 v12, v28;
	v31 =	vmul.f32 v31, v35;
	v35 =	vld [tilespmem:s11+$0x1B50];
	v34 =	vmax.f32 v34, v55  }
0x1c4: {  	v0 =	vadd.f32 v11, v0;
	v55 =	vld [tilespmem:s11+$0x1B40];
	v44 =	vmul.f32 v34, v44;
	v34 =	vbroadcast v62, $0xF  }
0x1c5: {  	v14 =	vadd.f32 v31, v14;
	v31 =	vld [tilespmem:s11+$0x370];
	v13 =	vmul.f32 v13, v40;
	v40 =	vmul.f32 v33, v36  }
0x1c6: {  	[tilespmem:$0x1FF30] =	vst v3;
	v10 =	vmul.f32 v10, v5;
	v2, _, _ =	vpop (xrf2);
	v3 =	vadd.f32 v61, v3;
	v16 =	vmul.f32 v16, v63;
	v63 =	vld [tilespmem:s11+$0x1B30]  }
0x1c7: {  	s21 =	sor.u32 $0xB, s1;
	v5 =	vmul.f32 $1.442695020e+00, v2;
	(erf) = vpow2.f32 v34;
	v34 =	vld [tilespmem:s11+$0x1B70];
	v11 =	vadd.f32 v44, v40  }
0x1c8: {  	s8 =	sshll.u32 s21, $0x7;
	v61 =	vmul.f32 $2.000000030e-01, v3;
	v12 =	vadd.f32 v13, v12;
	v10 =	vadd.f32 v10, v16  }
0x1c9: {  	v2 =	vld [tilespmem:s8+$0x300];
	[tilespmem:$0x1FF50] =	vst v7;
	v44 =	vbroadcast v5, $0xF;
	v7 =	vadd.f32 v35, v7;
	v11 =	vadd.f32 v11, v14  }
0x1ca: {  	v62 =	vld [tilespmem:$0x1FC50];
	v5 =	vmul.f32 $2.000000030e-01, v1;
	v16 =	vadd.f32 v55, v37;
	v40 =	vadd.f32 v10, v12  }
0x1cb: {  	v36 =	vld [tilespmem:s11+$0x360];
	(erf) = vpow2.f32 v44;
	v12 =	vadd.f32 v56, v4;
	v14 =	vadd.f32 v63, v39  }
0x1cc: {  	v13 =	vld [tilespmem:s11+$0x1B60];
	v55 =	vmax.f32 v1, v5;
	v5 =	vadd.f32 v34, v31;
	v44 =	vmul.f32 $2.000000030e-01, v16  }
0x1cd: {  	v0 =	vadd.f32 v0, v9;
	v34 =	vld [tilespmem:$0x1FFC0];
	v33 =	vmul.f32 $2.000000030e-01, v12;
	v35 =	vmul.f32 $2.000000030e-01, v14  }
0x1ce: {  	[tilespmem:$0x1FF40] =	vst v4;
	v10 =	vmax.f32 v3, v61;
	v4 =	vmul.f32 $2.000000030e-01, v7;
	v61 =	vld [tilespmem:s8+$0x1B00];
	v3 =	vmul.f32 $2.000000030e-01, v5  }
0x1cf: {  	v56 =	vld [tilespmem:s8+$0x1B20];
	v9 =	vadd.f32 v11, v40;
	v12 =	vmax.f32 v12, v33;
	v40 =	vpop (erf);
	v11 =	vmax.f32 v14, v35  }
0x1d0: {  	v33 =	vld [tilespmem:$0x1FFB0];
	v14 =	vmax.f32 v16, v44;
	v38 =	vmul.f32 v40, v38;
	v35 =	vmov s1  }
0x1d1: {  	v16 =	vmax.f32 v7, v4;
	v7 =	vmul.f32 v40, v46;
	v46 =	vand.u32 $0xFFFFFFF0, v35;
	v35 =	vld [tilespmem:s8+$0x310]  }
0x1d2: {  	[tilespmem:s30+$0x300] =	vst v38;
	v38 =	vmul.f32 v40, v47;
	v47 =	vmax.f32 v5, v3;
	v5 =	vld [tilespmem:$0x1FF90]  }
0x1d3: {  	v45 =	vmul.f32 v40, v45;
	[tilespmem:s30+$0x330] =	vst v7;
	v7 =	vld [tilespmem:$0x1FFA0]  }
0x1d4: {  	[tilespmem:s30+$0x340] =	vst v38;
	v38 =	vld [tilespmem:$0x1FFD0]  }
0x1d5: {  	(xrf2) =	vadd.scan.msk.f32 $0xffff, v0;
	v48 =	vmul.f32 v40, v48;
	[tilespmem:s30+$0x310] =	vst v45;
	v45 =	vld [tilespmem:s8+$0x1B10]  }
0x1d6: {  	v63 =	vbroadcast v46, $0x0;
	v46 =	vld [tilespmem:s8+$0x320];
	v11 =	vmul.f32 v11, v33  }
0x1d7: {  	v4 =	vmul.f32 v55, v28;
	v33 =	vmul.f32 v40, v42;
	v42 =	vld [tilespmem:s8+$0x1B40]  }
0x1d8: {  	v10 =	vmul.f32 v10, v5;
	v12 =	vmul.f32 v12, v7;
	v7 =	vld [tilespmem:s8+$0x1B30]  }
0x1d9: {  	v43 =	vmul.f32 v40, v43;
	v55 =	vadd.f32 v61, v2;
	v44 =	vmul.f32 v16, v38;
	v16 =	vld [tilespmem:s8+$0x330]  }
0x1da: {  	v0 =	vmul.f32 v40, v62;
	[tilespmem:s30+$0x320] =	vst v48;
	v5 =	vadd.f32 v10, v4;
	v61 =	vadd.f32 v11, v12;
	v11 =	vpop (erf);
	v10 =	vld [tilespmem:s8+$0x350]  }
0x1db: {  	v14 =	vmul.f32 v14, v34;
	[tilespmem:s30+$0x350] =	vst v43;
	v34 =	vmul.f32 v11, v59;
	v59 =	vld [tilespmem:$0x1FC60]  }
0x1dc: {  	[tilespmem:s30+$0x360] =	vst v0;
	v4 =	vmul.f32 $2.000000030e-01, v55;
	v43 =	vmul.f32 v11, v60;
	v60 =	vld [tilespmem:$0x1FC70]  }
0x1dd: {  	[tilespmem:s30+$0x370] =	vst v33;
	v38 =	vmul.f32 v11, v54;
	v54 =	vld [tilespmem:s8+$0x1B60];
	v62 =	vadd.f32 v44, v14;
	v14 =	vmul.f32 v11, v58  }
0x1de: {  	(xrf2) =	vadd.scan.msk.f32 $0xffff, v9;
	[tilespmem:v63+s26+$0x0] =	vst.idx.msk $0x1, v40;
	v9 =	vmax.f32 v55, v4;
	v4 =	vadd.f32 v45, v35;
	v45 =	vld [tilespmem:s8+$0x340]  }
0x1df: {  	v12 =	vmul.f32 v11, v57;
	v44, _, _ =	vpop (xrf2);
	[tilespmem:s14+$0x350] =	vst v14;
	v14 =	vld [tilespmem:$0x1FCC0]  }
0x1e0: {  	[tilespmem:$0x1FF60] =	vst v2;
	v33 =	vmul.f32 $2.000000030e-01, v4;
	v2 =	vmul.f32 $1.442695020e+00, v44;
	v44 =	vld [tilespmem:$0x1FFE0]  }
0x1e1: {  	v3 =	vadd.f32 v7, v16;
	v7 =	vmov s10;
	v55 =	vmul.f32 v11, v60;
	v60 =	vld [tilespmem:$0x1FC80]  }
0x1e2: {  	v13 =	vadd.f32 v13, v36;
	[tilespmem:s14+$0x300] =	vst v34;
	v0 =	vmul.f32 v11, v59;
	v63 =	vand.u32 $0xFFFFFFF1, v7;
	v59 =	vld [tilespmem:s8+$0x1B50]  }
0x1e3: {  	[tilespmem:s14+$0x310] =	vst v12;
	v12 =	vmax.f32 v4, v33;
	v33 =	vld [tilespmem:$0x1FCB0];
	v58 =	vbroadcast v63, $0x0  }
0x1e4: {  	v1 =	vmul.f32 $2.000000030e-01, v13;
	[tilespmem:s14+$0x320] =	vst v43;
	v7 =	vld [tilespmem:s8+$0x360];
	v48 =	vmul.f32 $2.000000030e-01, v3  }
0x1e5: {  	[tilespmem:s14+$0x370] =	vst v38;
	v4 =	vld [tilespmem:$0x1FCA0]  }
0x1e6: {  	v13 =	vmax.f32 v13, v1;
	[tilespmem:s14+$0x330] =	vst v0;
	v0 =	vmax.f32 v3, v48;
	v3 =	vld [tilespmem:s8+$0x1B70];
	v1 =	vmul.f32 v11, v60  }
0x1e7: {  	s13 =	sor.u32 $0xC, s1;
	v42 =	vadd.f32 v42, v45;
	[tilespmem:s14+$0x340] =	vst v55;
	v63 =	vpop (erf);
	v60 =	vld [tilespmem:$0x1FC90]  }
0x1e8: {  	v57 =	vmul.f32 v63, v41;
	v41 =	vmul.f32 v63, v33;
	v33 =	vld [tilespmem:$0x1FCD0];
	[tilespmem:s14+$0x360] =	vst v1;
	s14 =	sshll.u32 s13, $0x7  }
0x1e9: {  	v48 =	vmul.f32 $2.000000030e-01, v42;
	[tilespmem:v58+s26+$0x0] =	vst.idx.msk $0x1, v11;
	v11 =	vmul.f32 v13, v44;
	v13 =	vadd.f32 v54, v7;
	v54 =	vld [tilespmem:s14+$0x300]  }
0x1ea: {  	v56 =	vadd.f32 v56, v46;
	v58 =	vld [tilespmem:$0x1FFF0]  }
0x1eb: {  	v55 =	vmul.f32 v63, v4;
	v42 =	vmax.f32 v42, v48;
	v48 =	vld [tilespmem:s14+$0x310]  }
0x1ec: {  	v34 =	vmul.f32 $2.000000030e-01, v56;
	v59 =	vadd.f32 v59, v10;
	v44 =	vld [tilespmem:s14+$0x320]  }
0x1ed: {  	v43 =	vmul.f32 v63, v50;
	v40 =	vmul.f32 v63, v51;
	[tilespmem:s16+$0x340] =	vst v55;
	v55 =	vld [tilespmem:s14+$0x1B20]  }
0x1ee: {  	[tilespmem:$0x1FF80] =	vst v7;
	v7 =	vmul.f32 $2.000000030e-01, v59;
	v50 =	vmul.f32 v63, v60;
	v60 =	vld [tilespmem:s8+$0x370]  }
0x1ef: {  	[tilespmem:$0x1FF70] =	vst v10;
	v56 =	vmax.f32 v56, v34;
	v34 =	vmov s15;
	v1 =	vmul.f32 v63, v33;
	v33 =	vld [tilespmem:$0x1FF90]  }
0x1f0: {  	v51 =	vand.u32 $0xFFFFFFF2, v34;
	[tilespmem:s16+$0x320] =	vst v40;
	v10 =	vmul.f32 $2.000000030e-01, v13;
	v40 =	vmax.f32 v59, v7;
	v59 =	vld [tilespmem:s14+$0x1B10]  }
0x1f1: {  	v51 =	vbroadcast v51, $0x0;
	[tilespmem:s16+$0x330] =	vst v50;
	v50 =	vld [tilespmem:$0x1FFA0]  }
0x1f2: {  	[tilespmem:s16+$0x310] =	vst v43;
	v43 =	vmax.f32 v13, v10;
	v10 =	vld [tilespmem:$0x1FFB0]  }
0x1f3: {  	v14 =	vmul.f32 v63, v14;
	[tilespmem:s16+$0x300] =	vst v57;
	v13 =	vld [tilespmem:$0x1FFC0]  }
0x1f4: {  	[tilespmem:s16+$0x350] =	vst v41;
	v47 =	vmul.f32 v47, v58;
	v58 =	vld [tilespmem:s14+$0x1B00];
	v3 =	vadd.f32 v3, v60  }
0x1f5: {  	v38 =	vbroadcast v2, $0xF;
	v34, _, _ =	vpop (xrf2);
	[tilespmem:s16+$0x360] =	vst v14;
	v57 =	vmul.f32 v12, v33;
	v33 =	vld [tilespmem:$0x1FFD0]  }
0x1f6: {  	v4 =	vmul.f32 $1.442695020e+00, v34;
	[tilespmem:s16+$0x370] =	vst v1;
	v41 =	vadd.f32 v47, v11;
	v47 =	vld [tilespmem:$0x1FFF0];
	v34 =	vmul.f32 $2.000000030e-01, v3  }
0x1f7: {  	v9 =	vmul.f32 v9, v28;
	(erf) = vpow2.f32 v38;
	[tilespmem:v51+s26+$0x0] =	vst.idx.msk $0x1, v63;
	v51 =	vld [tilespmem:$0x1FCF0]  }
0x1f8: {  	v7 =	vmul.f32 v56, v50;
	v0 =	vmul.f32 v0, v10;
	v3 =	vmax.f32 v3, v34;
	v34 =	vld [tilespmem:$0x1FFE0]  }
0x1f9: {  	v4 =	vbroadcast v4, $0xF;
	v63 =	vadd.f32 v61, v5;
	v12 =	vld [tilespmem:s14+$0x360];
	v38 =	vadd.f32 v58, v54  }
0x1fa: {  	v42 =	vmul.f32 v42, v13;
	v13 =	vld [tilespmem:s14+$0x350];
	v56 =	vadd.f32 v0, v7;
	v7 =	vadd.f32 v41, v62  }
0x1fb: {  	v40 =	vmul.f32 v40, v33;
	v3 =	vmul.f32 v3, v47;
	v47 =	vld [tilespmem:$0x1FCE0]  }
0x1fc: {  	(erf) = vpow2.f32 v4;
	v62 =	vmul.f32 $2.000000030e-01, v38;
	v4 =	vadd.f32 v7, v63;
	v63 =	vld [tilespmem:$0x1FD20]  }
0x1fd: {  	v9 =	vadd.f32 v57, v9;
	v57 =	vadd.f32 v40, v42;
	v42 =	vld [tilespmem:s14+$0x1B50];
	v11 =	vmul.f32 v43, v34  }
0x1fe: {  	v10 =	vpop (erf);
	v14 =	vmax.f32 v38, v62;
	v62 =	vld [tilespmem:$0x1FD30]  }
0x1ff: {  	v34 =	vld [tilespmem:s14+$0x330];
	v40 =	vpop (erf);
	v3 =	vadd.f32 v3, v11  }
0x200: {  	v50 =	vmul.f32 v40, v47;
	v47 =	vadd.f32 v59, v48;
	v59 =	vld [tilespmem:$0x1FD10]  }
0x201: {  	v1 =	vadd.f32 v3, v57;
	v57 =	vld [tilespmem:$0x1FD00]  }
0x202: {  	v43 =	vld [tilespmem:s14+$0x1B30]  }
0x203: {  	v11 =	vld [tilespmem:s14+$0x370];
	v7 =	vmul.f32 $2.000000030e-01, v47  }
0x204: {  	v2 =	vmul.f32 v40, v63;
	v63 =	vmul.f32 v40, v62;
	v62 =	vld [tilespmem:$0x1FD50]  }
0x205: {  	[tilespmem:s0+$0x300] =	vst v50;
	v50 =	vadd.f32 v55, v44;
	v47 =	vmax.f32 v47, v7;
	v7 =	vld [tilespmem:$0x1FD40];
	v61 =	vmul.f32 v40, v59  }
0x206: {  	v9 =	vadd.f32 v56, v9;
	v58 =	vmul.f32 v40, v57;
	v57 =	vld [tilespmem:s14+$0x1B70]  }
0x207: {  	v41 =	vld [tilespmem:s14+$0x1B40];
	v43 =	vadd.f32 v43, v34;
	[tilespmem:s0+$0x330] =	vst v61;
	v61 =	vmul.f32 $2.000000030e-01, v50  }
0x208: {  	v5 =	vmov s28;
	v33 =	vld [tilespmem:s14+$0x340];
	v56 =	vmul.f32 v40, v51;
	v3 =	vadd.f32 v1, v9  }
0x209: {  	(xrf2) =	vadd.scan.msk.f32 $0xffff, v4;
	v55 =	vld [tilespmem:s14+$0x1B60];
	v9 =	vand.u32 $0xFFFFFFF4, v5;
	v4 =	vmax.f32 v50, v61;
	v61 =	vmul.f32 $2.000000030e-01, v43  }
0x20a: {  	v42 =	vadd.f32 v42, v13;
	[tilespmem:s0+$0x350] =	vst v63;
	v38 =	vbroadcast v9, $0x0;
	v63 =	vmul.f32 v40, v62  }
0x20b: {  	v51 =	vld [tilespmem:$0x1FFF0];
	(xrf2) =	vadd.scan.msk.f32 $0xffff, v3;
	v9 =	vmul.f32 v40, v7;
	v3 =	vmax.f32 v43, v61;
	v43 =	vadd.f32 v57, v11  }
0x20c: {  	v5 =	vld [tilespmem:$0x1FFB0];
	[tilespmem:s0+$0x370] =	vst v63  }
0x20d: {  	v41 =	vadd.f32 v41, v33;
	v63 =	vld [tilespmem:$0x1FFA0];
	[tilespmem:s0+$0x360] =	vst v9;
	v9 =	vmul.f32 $2.000000030e-01, v42;
	v61 =	vmul.f32 $2.000000030e-01, v43  }
0x20e: {  	v55 =	vadd.f32 v55, v12;
	[tilespmem:s0+$0x320] =	vst v58;
	v58 =	vld [tilespmem:$0x1FF90]  }
0x20f: {  	v7 =	vmul.f32 $2.000000030e-01, v41;
	v57 =	vmax.f32 v42, v9;
	v42 =	vmax.f32 v43, v61;
	v43 =	vld [tilespmem:$0x1FFE0]  }
0x210: {  	[tilespmem:s0+$0x310] =	vst v56;
	v56 =	vmul.f32 $2.000000030e-01, v55;
	v9 =	vld [tilespmem:$0x1FFD0]  }
0x211: {  	v41 =	vmax.f32 v41, v7;
	v7 =	vld [tilespmem:$0x1FFC0]  }
0x212: {  	v62 =	vmax.f32 v55, v56;
	v55 =	vld [tilespmem:$0x1FD60];
	v3 =	vmul.f32 v3, v5;
	v4 =	vmul.f32 v4, v63  }
0x213: {  	v14 =	vmul.f32 v14, v28;
	v5 =	vld [tilespmem:$0x1FD90];
	v59 =	vmul.f32 v47, v58  }
0x214: {  	[tilespmem:s0+$0x340] =	vst v2;
	v3 =	vadd.f32 v3, v4;
	v50 =	vmul.f32 v62, v43;
	v62 =	vld [tilespmem:$0x1FD80]  }
0x215: {  	[tilespmem:v38+s26+$0x0] =	vst.idx.msk $0x1, v40;
	v14 =	vadd.f32 v59, v14;
	v59 =	vmov s3;
	v38 =	vmul.f32 v57, v9;
	v57 =	vld [tilespmem:$0x1FD70]  }
0x216: {  	s0 =	sor.u32 $0xD, s1;
	v41 =	vmul.f32 v41, v7;
	v42 =	vmul.f32 v42, v51;
	v51 =	vand.u32 $0xFFFFFFF5, v59;
	v59 =	vld [tilespmem:$0x1FDC0]  }
0x217: {  	s15 =	sshll.u32 s0, $0x7;
	v3 =	vadd.f32 v3, v14;
	v14 =	vbroadcast v51, $0x0;
	v51 =	vld [tilespmem:$0x1FDB0]  }
0x218: {  	v4 =	vadd.f32 v38, v41;
	v38 =	vld [tilespmem:s15+$0x310];
	v43 =	vpop (erf)  }
0x219: {  	v63, _, _ =	vpop (xrf2);
	v47 =	vmul.f32 v43, v62;
	v62 =	vld [tilespmem:$0x1FDA0]  }
0x21a: {  	v61, _, _ =	vpop (xrf2);
	v56 =	vmul.f32 v43, v55;
	v7 =	vmul.f32 v43, v5;
	v5 =	vld [tilespmem:$0x1FE20]  }
0x21b: {  	v55 =	vmul.f32 $1.442695020e+00, v61;
	v61 =	vmul.f32 v43, v59;
	v59 =	vld [tilespmem:s15+$0x1B40]  }
0x21c: {  	v40 =	vadd.f32 v42, v50;
	v42 =	vld [tilespmem:s15+$0x300]  }
0x21d: {  	v58 =	vmul.f32 v43, v57;
	v57 =	vmul.f32 v43, v51;
	v51 =	vld [tilespmem:s15+$0x1B10]  }
0x21e: {  	v9 =	vmul.f32 $1.442695020e+00, v63;
	[tilespmem:s12+$0x300] =	vst v56;
	v63 =	vmul.f32 v43, v62;
	v62 =	vld [tilespmem:$0x1FDD0]  }
0x21f: {  	[tilespmem:s12+$0x360] =	vst v61;
	v61 =	vld [tilespmem:$0x1FDF0]  }
0x220: {  	[tilespmem:s12+$0x310] =	vst v58;
	v56 =	vld [tilespmem:s15+$0x1B00]  }
0x221: {  	[tilespmem:s12+$0x330] =	vst v7;
	v7 =	vld [tilespmem:$0x1FDE0];
	v4 =	vadd.f32 v40, v4  }
0x222: {  	v9 =	vbroadcast v9, $0xF;
	[tilespmem:s12+$0x350] =	vst v57;
	v50 =	vpop (erf);
	v57 =	vld [tilespmem:s15+$0x1B20]  }
0x223: {  	v41 =	vmul.f32 v50, v49;
	v49 =	vpop (erf);
	v3 =	vadd.f32 v4, v3;
	v4 =	vld [tilespmem:$0x1FE10];
	[tilespmem:s12+$0x340] =	vst v63;
	v63 =	vmul.f32 v43, v62  }
0x224: {  	v58 =	vbroadcast v55, $0xF;
	[tilespmem:s12+$0x320] =	vst v47;
	v47 =	vld [tilespmem:s15+$0x320];
	v62 =	vmul.f32 v50, v61;
	v61 =	vpop (erf)  }
0x225: {  	(erf) = vpow2.f32 v9;
	v27 =	vmul.f32 v61, v27;
	[tilespmem:s12+$0x370] =	vst v63;
	v63 =	vld [tilespmem:$0x1FE00]  }
0x226: {  	v55 =	vld [tilespmem:s15+$0x330];
	(erf) = vpow2.f32 v58;
	v18 =	vmul.f32 v61, v18;
	[tilespmem:v14+s26+$0x0] =	vst.idx.msk $0x1, v43  }
0x227: {  	v58 =	vld [tilespmem:s15+$0x1B30];
	v53 =	vmul.f32 v50, v53;
	v9 =	vmul.f32 v50, v7;
	[tilespmem:s6+$0x310] =	vst v27  }
0x228: {  	v40 =	vld [tilespmem:s15+$0x350];
	v52 =	vmul.f32 v50, v52;
	v51 =	vadd.f32 v51, v38;
	(xrf2) =	vadd.scan.msk.f32 $0xffff, v3;
	[tilespmem:s6+$0x350] =	vst v18  }
0x229: {  	v56 =	vadd.f32 v56, v42;
	v4 =	vmul.f32 v50, v4;
	v57 =	vadd.f32 v57, v47;
	v43 =	vld [tilespmem:s15+$0x340];
	[tilespmem:s2+$0x300] =	vst v9  }
0x22a: {  	v7 =	vmov s31;
	v1 =	vmul.f32 $2.000000030e-01, v51;
	[tilespmem:s2+$0x310] =	vst v62;
	v62 =	vld [tilespmem:s15+$0x1B60];
	v3 =	vmul.f32 v50, v63  }
0x22b: {  	v0 =	vmul.f32 $2.000000030e-01, v56;
	v2 =	vmul.f32 $2.000000030e-01, v57;
	v9 =	vand.u32 $0xFFFFFFF6, v7;
	[tilespmem:s2+$0x330] =	vst v4;
	v63 =	vld [tilespmem:s15+$0x1B50]  }
0x22c: {  	v58 =	vadd.f32 v58, v55;
	v22 =	vmul.f32 v61, v22;
	[tilespmem:s2+$0x320] =	vst v3;
	v3 =	vbroadcast v9, $0x0;
	v9 =	vld [tilespmem:s15+$0x360]  }
0x22d: {  	v14 =	vmul.f32 v50, v5;
	v5 =	vmax.f32 v51, v1;
	v51 =	vmul.f32 v61, v25;
	v25 =	vld [tilespmem:s15+$0x370];
	[tilespmem:s2+$0x350] =	vst v53  }
0x22e: {  	v18 =	vld [tilespmem:$0x1FFF0];
	v4 =	vmul.f32 v61, v6;
	v7 =	vmul.f32 $2.000000030e-01, v58;
	[tilespmem:s2+$0x360] =	vst v52  }
0x22f: {  	s16 =	sor.u32 $0xE, s1;
	v52 =	vmax.f32 v57, v2;
	v53 =	vmul.f32 v61, v17;
	v17 =	vld [tilespmem:$0x1FFA0];
	[tilespmem:s2+$0x340] =	vst v14;
	v14 =	vmax.f32 v56, v0  }
0x230: {  	s28 =	sor.u32 $0xF, s1;
	[tilespmem:s2+$0x370] =	vst v41;
	v56 =	vld [tilespmem:s15+$0x1B70];
	v41 =	vmax.f32 v58, v7;
	v58 =	vmov s18;
	s18 =	sshll.u32 s16, $0x7;
	v2 =	vadd.f32 v63, v40  }
0x231: {  	s30 =	sshll.u32 s28, $0x7;
	v19 =	vmul.f32 v61, v19;
	[tilespmem:s6+$0x330] =	vst v22;
	v0 =	vand.u32 $0xFFFFFFF8, v58;
	v58 =	vld [tilespmem:s18+$0x1B00];
	v27 =	vadd.f32 v62, v9  }
0x232: {  	[tilespmem:s6+$0x300] =	vst v4;
	v4 =	vbroadcast v0, $0x0;
	v0 =	vld [tilespmem:s30+$0x1B60];
	v7 =	vmul.f32 $2.000000030e-01, v2  }
0x233: {  	v63 =	vld [tilespmem:$0x1FF90];
	[tilespmem:v3+s26+$0x0] =	vst.idx.msk $0x1, v50;
	v3 =	vmul.f32 v61, v15;
	v15 =	vadd.f32 v59, v43;
	v59, _, _ =	vpop (xrf2);
	v57 =	vmul.f32 $2.000000030e-01, v27  }
0x234: {  	[tilespmem:s6+$0x340] =	vst v19;
	v1 =	vmul.f32 $1.442695020e+00, v59;
	v59 =	vld [tilespmem:$0x1FFD0]  }
0x235: {  	[tilespmem:s6+$0x320] =	vst v51;
	v62 =	vmax.f32 v2, v7;
	v7 =	vmax.f32 v27, v57;
	v27 =	vmul.f32 v52, v17;
	v52 =	vld [tilespmem:$0x1FFB0]  }
0x236: {  	[tilespmem:s6+$0x360] =	vst v53;
	v17 =	vld [tilespmem:s18+$0x310]  }
0x237: {  	[tilespmem:s6+$0x370] =	vst v3;
	v57 =	vld [tilespmem:$0x1FFC0]  }
0x238: {  	v56 =	vadd.f32 v56, v25;
	v6 =	vmul.f32 $2.000000030e-01, v15;
	[tilespmem:v4+s26+$0x0] =	vst.idx.msk $0x1, v61;
	v61 =	vld [tilespmem:$0x1FE50]  }
0x239: {  	v51 =	vbroadcast v1, $0xF;
	v1 =	vld [tilespmem:s30+$0x1B50]  }
0x23a: {  	v22 =	vmax.f32 v15, v6;
	v15 =	vld [tilespmem:s18+$0x300];
	v6 =	vmul.f32 $2.000000030e-01, v56  }
0x23b: {  	(erf) = vpow2.f32 v51;
	v51 =	vld [tilespmem:s18+$0x1B60]  }
0x23c: {  	v50 =	vmax.f32 v56, v6;
	v56 =	vld [tilespmem:s18+$0x1B10]  }
0x23d: {  	v19 =	vmul.f32 v62, v59;
	v62 =	vld [tilespmem:$0x1FFE0]  }
0x23e: {  	v14 =	vmul.f32 v14, v28;
	v59 =	vld [tilespmem:$0x1FE40]  }
0x23f: {  	v5 =	vmul.f32 v5, v63;
	v50 =	vmul.f32 v50, v18;
	v18 =	vld [tilespmem:s18+$0x320]  }
0x240: {  	v22 =	vmul.f32 v22, v57;
	v57 =	vld [tilespmem:$0x1FE30]  }
0x241: {  	v41 =	vmul.f32 v41, v52;
	v52 =	vadd.f32 v5, v14;
	v14 =	vld [tilespmem:s18+$0x1B20]  }
0x242: {  	v6 =	vadd.f32 v58, v15;
	v58 =	vld [tilespmem:s18+$0x1B50];
	v63 =	vmul.f32 v7, v62  }
0x243: {  	v22 =	vadd.f32 v19, v22;
	v19 =	vld [tilespmem:s18+$0x330]  }
0x244: {  	v5 =	vmul.f32 v10, v61;
	v3 =	vadd.f32 v50, v63;
	v50 =	vld [tilespmem:s18+$0x1B30]  }
0x245: {  	v53 =	vadd.f32 v41, v27;
	v4 =	vmul.f32 v10, v59;
	v41 =	vpop (erf);
	v27 =	vmul.f32 v10, v57;
	v57 =	vld [tilespmem:s18+$0x1B40]  }
0x246: {  	v61 =	vmov s20;
	v62 =	vmul.f32 v41, v32;
	v7 =	vmul.f32 v41, v20;
	v20 =	vld [tilespmem:s18+$0x350]  }
0x247: {  	v30 =	vmul.f32 v41, v30;
	v63 =	vmul.f32 v41, v24;
	v24 =	vand.u32 $0xFFFFFFF9, v61;
	v61 =	vld [tilespmem:$0x1FE60];
	[tilespmem:s23+$0x310] =	vst v4  }
0x248: {  	v14 =	vadd.f32 v14, v18;
	v32 =	vld [tilespmem:s18+$0x1B70];
	[tilespmem:s4+$0x300] =	vst v62  }
0x249: {  	v56 =	vadd.f32 v56, v17;
	v29 =	vmul.f32 v41, v29;
	v4 =	vld [tilespmem:$0x1FEB0];
	[tilespmem:s4+$0x310] =	vst v30;
	v30 =	vmul.f32 $2.000000030e-01, v6  }
0x24a: {  	v52 =	vadd.f32 v53, v52;
	v53 =	vadd.f32 v3, v22;
	v22 =	vld [tilespmem:s18+$0x340];
	[tilespmem:s4+$0x330] =	vst v63;
	v63 =	vmul.f32 $2.000000030e-01, v14  }
0x24b: {  	[tilespmem:s4+$0x320] =	vst v29;
	v29 =	vbroadcast v24, $0x0;
	v24 =	vld [tilespmem:s18+$0x360];
	v30 =	vmax.f32 v6, v30;
	v6 =	vmul.f32 v41, v23  }
0x24c: {  	v26 =	vmul.f32 v41, v26;
	[tilespmem:s4+$0x340] =	vst v7;
	v14 =	vmax.f32 v14, v63;
	v63 =	vld [tilespmem:$0x1FE80]  }
0x24d: {  	v21 =	vmul.f32 v41, v21;
	v62 =	vmul.f32 $2.000000030e-01, v56;
	[tilespmem:s4+$0x360] =	vst v6;
	v6 =	vld [tilespmem:$0x1FE90]  }
0x24e: {  	[tilespmem:s4+$0x350] =	vst v26;
	v23 =	vld [tilespmem:s18+$0x370];
	v50 =	vadd.f32 v50, v19;
	v26 =	vmul.f32 v10, v61  }
0x24f: {  	[tilespmem:s4+$0x370] =	vst v21;
	v3 =	vmax.f32 v56, v62;
	v62 =	vld [tilespmem:$0x1FE70];
	v21 =	vadd.f32 v57, v22  }
0x250: {  	v7 =	vmul.f32 $2.000000030e-01, v50;
	[tilespmem:s23+$0x330] =	vst v26;
	v26 =	vld [tilespmem:$0x1FFA0]  }
0x251: {  	[tilespmem:v29+s26+$0x0] =	vst.idx.msk $0x1, v41;
	v41 =	vld [tilespmem:$0x1FEA0];
	v59 =	vmul.f32 v10, v63;
	v63 =	vmul.f32 $2.000000030e-01, v21  }
0x252: {  	[tilespmem:s23+$0x300] =	vst v27;
	v27 =	vadd.f32 v51, v24;
	v61 =	vmul.f32 v10, v6;
	v6 =	vld [tilespmem:$0x1FEC0]  }
0x253: {  	[tilespmem:s23+$0x320] =	vst v5;
	v50 =	vmax.f32 v50, v7;
	v7 =	vmov s17;
	v5 =	vmax.f32 v21, v63;
	v63 =	vld [tilespmem:$0x1FED0]  }
0x254: {  	v56 =	vmul.f32 v10, v62;
	v62 =	vand.u32 $0xFFFFFFF3, v7;
	v7 =	vmul.f32 $2.000000030e-01, v27;
	v21 =	vld [tilespmem:s30+$0x300]  }
0x255: {  	v32 =	vadd.f32 v32, v23;
	[tilespmem:s23+$0x350] =	vst v59;
	v59 =	vld [tilespmem:$0x1FEE0]  }
0x256: {  	[tilespmem:s23+$0x340] =	vst v56;
	v56 =	vmax.f32 v27, v7;
	v7 =	vld [tilespmem:$0x1FF90];
	v14 =	vmul.f32 v14, v26  }
0x257: {  	v26 =	vld [tilespmem:s30+$0x310];
	v51 =	vmul.f32 v49, v6;
	v6 =	vmul.f32 $2.000000030e-01, v32  }
0x258: {  	v57 =	vadd.f32 v58, v20;
	v29 =	vmul.f32 v10, v41;
	v41 =	vbroadcast v62, $0x0;
	v62 =	vld [tilespmem:s30+$0x1B00]  }
0x259: {  	v27 =	vmul.f32 v30, v28;
	v30 =	vmax.f32 v32, v6;
	v32 =	vld [tilespmem:$0x1FFB0]  }
0x25a: {  	v58 =	vmul.f32 $2.000000030e-01, v57;
	[tilespmem:s23+$0x360] =	vst v61;
	v61 =	vld [tilespmem:$0x1FEF0]  }
0x25b: {  	[tilespmem:s23+$0x370] =	vst v29;
	v29 =	vld [tilespmem:s30+$0x330]  }
0x25c: {  	v57 =	vmax.f32 v57, v58;
	v58 =	vmul.f32 v49, v63;
	v63 =	vld [tilespmem:$0x1FF00]  }
0x25d: {  	v3 =	vmul.f32 v3, v7;
	v7 =	vld [tilespmem:$0x1FFC0]  }
0x25e: {  	v6 =	vld [tilespmem:$0x1FF10];
	v32 =	vmul.f32 v50, v32  }
0x25f: {  	[tilespmem:s24+$0x310] =	vst v51;
	v51 =	vld [tilespmem:$0x1FF20]  }
0x260: {  	v14 =	vadd.f32 v32, v14;
	v32 =	vld [tilespmem:$0x1FFD0]  }
0x261: {  	[tilespmem:s24+$0x320] =	vst v58;
	v58 =	vld [tilespmem:$0x1FFF0]  }
0x262: {  	v3 =	vadd.f32 v3, v27;
	v27 =	vld [tilespmem:s30+$0x320];
	v5 =	vmul.f32 v5, v7  }
0x263: {  	v7 =	vld [tilespmem:$0x1FFE0];
	v50 =	vmul.f32 v49, v59;
	v59 =	vmul.f32 v49, v61  }
0x264: {  	v4 =	vmul.f32 v49, v4;
	v61 =	vld [tilespmem:s30+$0x1B10]  }
0x265: {  	[tilespmem:s24+$0x340] =	vst v59;
	v59 =	vld [tilespmem:$0x1FF30];
	v32 =	vmul.f32 v57, v32  }
0x266: {  	[tilespmem:s24+$0x300] =	vst v4;
	v4 =	vmov s5;
	v6 =	vmul.f32 v49, v6;
	v58 =	vmul.f32 v30, v58;
	v30 =	vld [tilespmem:s30+$0x340]  }
0x267: {  	v4 =	vand.u32 $0xFFFFFFF7, v4;
	v5 =	vadd.f32 v32, v5;
	v32 =	vld [tilespmem:$0x1FF40]  }
0x268: {  	v4 =	vbroadcast v4, $0x0;
	v51 =	vmul.f32 v49, v51;
	[tilespmem:s24+$0x360] =	vst v6;
	v6 =	vld [tilespmem:$0x1FF50];
	v3 =	vadd.f32 v14, v3;
	v14 =	vpop (erf)  }
0x269: {  	[tilespmem:s24+$0x330] =	vst v50;
	v50 =	vmov s7;
	v56 =	vmul.f32 v56, v7;
	v57 =	vld [tilespmem:s30+$0x1B20];
	v8 =	vmul.f32 v14, v8  }
0x26a: {  	v63 =	vmul.f32 v49, v63;
	[tilespmem:s24+$0x370] =	vst v51;
	v50 =	vand.u32 $0xFFFFFFFA, v50;
	v7 =	vld [tilespmem:s30+$0x1B30];
	v59 =	vmul.f32 v14, v59  }
0x26b: {  	v50 =	vbroadcast v50, $0x0;
	v56 =	vadd.f32 v58, v56;
	v58 =	vld [tilespmem:s30+$0x1B40];
	v39 =	vmul.f32 v14, v39;
	[tilespmem:s11+$0x300] =	vst v8  }
0x26c: {  	v2 =	vmul.f32 v14, v37;
	v37 =	vld [tilespmem:s30+$0x350];
	v51 =	vpop (erf);
	[tilespmem:s11+$0x310] =	vst v59;
	v32 =	vmul.f32 v14, v32  }
0x26d: {  	v61 =	vadd.f32 v61, v26;
	v59 =	vmul.f32 v51, v16;
	v16 =	vld [tilespmem:s30+$0x370];
	[tilespmem:s11+$0x330] =	vst v39;
	v5 =	vadd.f32 v56, v5  }
0x26e: {  	v56 =	vmul.f32 v14, v31;
	[tilespmem:s11+$0x320] =	vst v32;
	v32 =	vadd.f32 v53, v52;
	v53 =	vadd.f32 v57, v27;
	v57 =	vld [tilespmem:s30+$0x1B70]  }
0x26f: {  	v62 =	vadd.f32 v62, v21;
	v6 =	vmul.f32 v14, v6;
	v36 =	vmul.f32 v14, v36;
	v8 =	vld [tilespmem:$0x1FF60];
	[tilespmem:s11+$0x340] =	vst v2  }
0x270: {  	v7 =	vadd.f32 v7, v29;
	v3 =	vadd.f32 v5, v3;
	v5 =	vmul.f32 $2.000000030e-01, v61;
	[tilespmem:s11+$0x370] =	vst v56;
	v56 =	vld [tilespmem:$0x1FF70]  }
0x271: {  	v35 =	vmul.f32 v51, v35;
	[tilespmem:s11+$0x350] =	vst v6;
	v31 =	vld [tilespmem:s30+$0x360];
	v52 =	vmul.f32 $2.000000030e-01, v62  }
0x272: {  	[tilespmem:s11+$0x360] =	vst v36;
	v1 =	vadd.f32 v1, v37;
	v2 =	vmax.f32 v61, v5;
	v61 =	vld [tilespmem:$0x1FFA0];
	v5 =	vmul.f32 $2.000000030e-01, v7  }
0x273: {  	[tilespmem:v50+s26+$0x0] =	vst.idx.msk $0x1, v14;
	(xrf2) =	vadd.scan.msk.f32 $0xffff, v32;
	v32 =	vmax.f32 v62, v52;
	v62 =	vld [tilespmem:$0x1FFB0];
	v36 =	vadd.f32 v57, v16  }
0x274: {  	v5 =	vmax.f32 v7, v5;
	v7 =	vmul.f32 $2.000000030e-01, v1;
	v39 =	vmul.f32 $2.000000030e-01, v53;
	[tilespmem:s8+$0x310] =	vst v35;
	v35 =	vld [tilespmem:$0x1FFC0]  }
0x275: {  	v52 =	vadd.f32 v58, v30;
	v14 =	vmul.f32 v51, v56;
	v56 =	vld [tilespmem:$0x1FFE0];
	v57 =	vmul.f32 $2.000000030e-01, v36  }
0x276: {  	[tilespmem:v41+s26+$0x0] =	vst.idx.msk $0x1, v10;
	v0 =	vadd.f32 v0, v31;
	v6 =	vmax.f32 v53, v39;
	v53 =	vld [tilespmem:$0x1FF90]  }
0x277: {  	[tilespmem:s24+$0x350] =	vst v63;
	v41 =	vpop (erf);
	v1 =	vmax.f32 v1, v7;
	v58 =	vmul.f32 $2.000000030e-01, v52;
	v7 =	vmax.f32 v36, v57;
	v36 =	vld [tilespmem:$0x1FFD0]  }
0x278: {  	[tilespmem:v4+s26+$0x0] =	vst.idx.msk $0x1, v49;
	v49 =	vmul.f32 v41, v48;
	v57 =	vld [tilespmem:$0x1FFF0]  }
0x279: {  	v8 =	vmul.f32 v51, v8;
	v39 =	vmax.f32 v52, v58;
	v58 =	vmul.f32 $2.000000030e-01, v0  }
0x27a: {  	v63 =	vmov s21;
	v6 =	vmul.f32 v6, v61;
	v5 =	vmul.f32 v5, v62  }
0x27b: {  	[tilespmem:s8+$0x330] =	vst v59;
	v50 =	vmul.f32 v39, v35;
	v0 =	vmax.f32 v0, v58;
	v58 =	vmul.f32 v32, v28  }
0x27c: {  	v59 =	vand.u32 $0xFFFFFFFB, v63;
	(xrf2) =	vadd.scan.msk.f32 $0xffff, v3;
	v2 =	vmul.f32 v2, v53;
	v0 =	vmul.f32 v0, v56  }
0x27d: {  	v5 =	vadd.f32 v5, v6;
	v63, _, _ =	vpop (xrf2);
	v1 =	vmul.f32 v1, v36;
	v6 =	vmul.f32 v7, v57  }
0x27e: {  	v46 =	vmul.f32 v51, v46;
	[tilespmem:s14+$0x310] =	vst v49;
	v2 =	vadd.f32 v2, v58;
	v3 =	vmul.f32 $1.442695020e+00, v63  }
0x27f: {  	v45 =	vmul.f32 v51, v45;
	[tilespmem:s8+$0x300] =	vst v8;
	v1 =	vadd.f32 v1, v50;
	v0 =	vadd.f32 v6, v0  }
0x280: {  	[tilespmem:s8+$0x320] =	vst v46;
	v3 =	vbroadcast v3, $0xF  }
0x281: {  	[tilespmem:s8+$0x340] =	vst v45;
	v46 =	vmul.f32 v41, v54;
	v2 =	vadd.f32 v5, v2;
	v0 =	vadd.f32 v0, v1  }
0x282: {  	[tilespmem:s8+$0x350] =	vst v14;
	v39 =	vmul.f32 v51, v60;
	v58 =	vld [tilespmem:$0x1FF80];
	(erf) = vpow2.f32 v3  }
0x283: {  	[tilespmem:s14+$0x300] =	vst v46;
	v60 =	vmul.f32 v41, v11;
	v0 =	vadd.f32 v0, v2  }
0x284: {  	v54 =	vmov s13;
	v32 =	vbroadcast v59, $0x0;
	v59 =	vmul.f32 v41, v12;
	[tilespmem:s8+$0x370] =	vst v39  }
0x285: {  	v4 =	vand.u32 $0xFFFFFFFC, v54;
	v56 =	vmul.f32 v41, v34;
	[tilespmem:s14+$0x370] =	vst v60;
	(xrf2) =	vadd.scan.msk.f32 $0xffff, v0  }
0x286: {  	v4 =	vbroadcast v4, $0x0;
	[tilespmem:s14+$0x360] =	vst v59;
	v57 =	vmul.f32 v41, v33;
	v50, _, _ =	vpop (xrf2)  }
0x287: {  	[tilespmem:s14+$0x330] =	vst v56;
	v7 =	vmul.f32 v51, v58;
	v3 =	vmul.f32 $1.442695020e+00, v50  }
0x288: {  	[tilespmem:s14+$0x340] =	vst v57  }
0x289: {  	v58 =	vmul.f32 v41, v13;
	[tilespmem:s8+$0x360] =	vst v7;
	v3 =	vbroadcast v3, $0xF  }
0x28a: {  	[tilespmem:v32+s26+$0x0] =	vst.idx.msk $0x1, v51;
	v51 =	vmul.f32 v41, v44  }
0x28b: {  	[tilespmem:s14+$0x350] =	vst v58;
	v63 =	vpop (erf);
	(erf) = vpow2.f32 v3  }
0x28c: {  	[tilespmem:s14+$0x320] =	vst v51;
	v8 =	vmul.f32 v63, v42  }
0x28d: {  	[tilespmem:v4+s26+$0x0] =	vst.idx.msk $0x1, v41;
	v10 =	vmul.f32 v63, v38  }
0x28e: {  	v13 =	vmov s0;
	v12 =	vmul.f32 v63, v47;
	[tilespmem:s15+$0x300] =	vst v8  }
0x28f: {  	v3 =	vand.u32 $0xFFFFFFFD, v13;
	v14 =	vmul.f32 v63, v55;
	v32 =	vmul.f32 v63, v43;
	[tilespmem:s15+$0x310] =	vst v10;
	v11, _, _ =	vpop (xrf2)  }
0x290: {  	v3 =	vbroadcast v3, $0x0;
	[tilespmem:s15+$0x320] =	vst v12;
	v2 =	vmul.f32 $1.442695020e+00, v11  }
0x291: {  	v33 =	vmul.f32 v63, v40;
	[tilespmem:s15+$0x330] =	vst v14  }
0x292: {  	v34 =	vmul.f32 v63, v9;
	[tilespmem:s15+$0x340] =	vst v32;
	v2 =	vbroadcast v2, $0xF  }
0x293: {  	v38 =	vmul.f32 v63, v25;
	[tilespmem:s15+$0x350] =	vst v33  }
0x294: {  	[tilespmem:s15+$0x360] =	vst v34;
	v39 =	vpop (erf);
	(erf) = vpow2.f32 v2  }
0x295: {  	[tilespmem:s15+$0x370] =	vst v38;
	v40 =	vmul.f32 v39, v15  }
0x296: {  	[tilespmem:v3+s26+$0x0] =	vst.idx.msk $0x1, v63;
	v41 =	vmul.f32 v39, v17  }
0x297: {  	v43 =	vmov s16;
	v42 =	vmul.f32 v39, v18;
	[tilespmem:s18+$0x300] =	vst v40  }
0x298: {  	v45 =	vmul.f32 v39, v19;
	v2 =	vand.u32 $0xFFFFFFFE, v43;
	[tilespmem:s18+$0x310] =	vst v41  }
0x299: {  	v46 =	vmul.f32 v39, v22;
	[tilespmem:s18+$0x320] =	vst v42;
	v2 =	vbroadcast v2, $0x0  }
0x29a: {  	v47 =	vmul.f32 v39, v20;
	[tilespmem:s18+$0x330] =	vst v45  }
0x29b: {  	v48 =	vmul.f32 v39, v24;
	[tilespmem:s18+$0x340] =	vst v46  }
0x29c: {  	v49 =	vmul.f32 v39, v23;
	[tilespmem:s18+$0x350] =	vst v47  }
0x29d: {  	[tilespmem:s18+$0x360] =	vst v48;
	v50 =	vpop (erf)  }
0x29e: {  	[tilespmem:s18+$0x370] =	vst v49;
	v51 =	vmul.f32 v50, v21  }
0x29f: {  	[tilespmem:v2+s26+$0x0] =	vst.idx.msk $0x1, v39;
	v54 =	vmul.f32 v50, v26  }
0x2a0: {  	v55 =	vmul.f32 v50, v27;
	[tilespmem:s30+$0x300] =	vst v51  }
0x2a1: {  	v56 =	vmul.f32 v50, v29;
	[tilespmem:s30+$0x310] =	vst v54  }
0x2a2: {  	v57 =	vmul.f32 v50, v30;
	[tilespmem:s30+$0x320] =	vst v55  }
0x2a3: {  	p0 =	slt.u32 s1, $0x20;
	v59 =	vmov s28;
	v58 =	vmul.f32 v50, v37;
	[tilespmem:s30+$0x330] =	vst v56  }
.Ltmp3:
0x2a4: {  	v60 =	vmul.f32 v50, v31;
	[tilespmem:s30+$0x340] =	vst v57;
	(pc) =	sbr.rel @p0 .LBB2_5-.Ltmp3, $4  }
0x2a5: {  	v63 =	vmul.f32 v50, v16;
	[tilespmem:s30+$0x350] =	vst v58  }
0x2a6: {  	[tilespmem:s30+$0x360] =	vst v60  }
0x2a7: {  	s31 =	sadd.s32 $0x10, s1;
	v44 =	vld [tilespmem:$0x1FFF0];
	[tilespmem:s30+$0x370] =	vst v63  }
0x2a8: {  	s1 =	smov.u32 s31;
	v52 =	vmov v28;
	v37 =	vld [tilespmem:$0x1FFE0];
	[tilespmem:v59+s26+$0x0] =	vst.idx.msk $0x1, v50  }
0x2a9: {  	s0 =	rddreg [dreg:$0x2]  }
0x2aa: {  	s1 =	simm.s32 $0x300;
	s2 =	simm.s32 $0x80;
	p0 =	seq.s32 s9, $0x0  }
0x2ab: {  	[spmem:s0] =	stream.indirect.scatter.add.f32 [tilespmem:s1], [sflag:$0x4], $0x80, s2, s29, $0xb8;
	[tilespmem:$0x1D5F8] =	vst v63  }
0x2ac: {  	s17 =	rddreg [dreg:$0x3];
	s0 =	simm.s32 @!p0 $0x6  }
0x2ad: {  	[spmem:s17] =	stream.indirect.scatter.add.f32 [tilespmem:s26], [sflag:$0x4], $0x1, s2, s29, $0xb8;
	[tilespmem:$0x1D5F8] =	vst v63  }
0x2ae: {  	_ =	swait.ge @!p0 [sflag:s0], $0x1800  }
0x2af: {  	[sflag:s0] =	ssyncset.done @!p0 $0x0  }
0x2b0: {  	[sflag:s0] =	ssyncadd.s32 @!p0 $0xFFFFE800  }
0x2b1: {  	_ =	swait.ge @!p0 [sflag:s0], $0x30  }
0x2b2: {  	s18 =	sld [smem:$0x7F4]  }
0x2b3: {  	s23 =	smul.u32 $0x90, s9;
	_ =	sdelay $0x1  }
0x2b4: {  	s21 =	simm.s32 $0x200;
	s1 =	sadd.s32 s23, s18  }
0x2b5: {  	[sflag:s0] =	ssyncset.done @!p0 $0x0;
	s20 =	rddreg [dreg:$0x7];
	s1 =	sshrl.u32 s1, $0x3  }
0x2b6: {  	[sflag:s0] =	ssyncadd.s32 @!p0 $0xFFFFFFD0;
	s0 =	sadd.s32 s20, s1;
	s1 =	simm.s32 $0x0  }
0x2b7: {  	[tilespmem:s21], [sflag:$0x7] =	stream.linear.gather [hbm4b:s0+s1], $0x30, $0x38;
	[tilespmem:$0x1D5F8] =	vst v63  }
0x2b8: {  	_ =	swait.ge [sflag:s25], $0x30  }
0x2b9: {  	[sflag:s25] =	ssyncset.done $0x0  }
0x2ba: {  	s3 =	simm.s32 $0x280;
	s0 =	sadd.s32 $0xA200, s0;
	[sflag:s25] =	ssyncadd.s32 $0xFFFFFFD0  }
0x2bb: {  	[tilespmem:s3], [sflag:$0x7] =	stream.linear.gather [hbm4b:s0+s1], $0x30, $0x38;
	[tilespmem:$0x1D5F8] =	vst v63  }
0x2bc: {  	_ =	swait.ge [sflag:s25], $0x30  }
0x2bd: {  	[sflag:s25] =	ssyncset.done $0x0  }
0x2be: {  	s4 =	simm.s32 $0x6300;
	s24 =	rddreg [dreg:$0x5];
	[sflag:s25] =	ssyncadd.s32 $0xFFFFFFD0  }
0x2bf: {  	[tilespmem:s4], [sflag:$0x3] =	stream.indirect.gather [hbm4b:s24+s29], $0x80, s21, s29, $0xb8;
	[tilespmem:$0x1D5F8] =	vst v63  }
0x2c0: {  	s30 =	simm.s32 $0x7B00;
	s31 =	simm.s32 $0x2;
	s28 =	rddreg [dreg:$0x6]  }
0x2c1: {  	[tilespmem:s30], [sflag:$0x3] =	stream.indirect.gather [hbm4b:s28+s29], $0x80, s3, s29, $0xb8;
	[tilespmem:$0x1D5F8] =	vst v63  }
0x2c2: {  	_ =	swait.ge [sflag:s31], $0x1800  }
0x2c3: {  	[sflag:s31] =	ssyncset.done $0x0  }
0x2c4: {  	[sflag:s31] =	ssyncadd.s32 $0xFFFFE800  }
0x2c5: {  	_ =	swait.ge [sflag:s31], $0x1800  }
0x2c6: {  	[sflag:s31] =	ssyncset.done $0x0  }
0x2c7: {  	[sflag:s31] =	ssyncadd.s32 $0xFFFFE800  }
.LBB2_7:
0x2c8: {  	s0 =	sshll.u32 s1, $0x7  }
0x2c9: {  	v0 =	vld [tilespmem:s0+$0x3300]  }
0x2ca: {  	v1 =	vld [tilespmem:s0+$0x4B00]  }
0x2cb: {  	v45 =	vld [tilespmem:s0+$0x3310]  }
0x2cc: {  	v2 =	vld [tilespmem:s0+$0x4B10]  }
0x2cd: {  	v48 =	vld [tilespmem:s0+$0x3320]  }
0x2ce: {  	v3 =	vld [tilespmem:s0+$0x4B20]  }
0x2cf: {  	v46 =	vld [tilespmem:s0+$0x3330]  }
0x2d0: {  	v4 =	vld [tilespmem:s0+$0x4B30]  }
0x2d1: {  	v9 =	vld [tilespmem:s0+$0x3340]  }
0x2d2: {  	v5 =	vld [tilespmem:s0+$0x4B40]  }
0x2d3: {  	v43 =	vld [tilespmem:s0+$0x3350]  }
0x2d4: {  	v6 =	vld [tilespmem:s0+$0x4B50]  }
0x2d5: {  	v22 =	vld [tilespmem:s0+$0x3360]  }
0x2d6: {  	v7 =	vld [tilespmem:s0+$0x4B60]  }
0x2d7: {  	s12 =	sor.u32 $0x1, s1;
	v24 =	vld [tilespmem:s0+$0x3370]  }
0x2d8: {  	v8 =	vld [tilespmem:s0+$0x4B70];
	s15 =	sshll.u32 s12, $0x7  }
0x2d9: {  	v31 =	vld [tilespmem:s15+$0x3300]  }
0x2da: {  	v10 =	vld [tilespmem:s15+$0x4B00]  }
0x2db: {  	v27 =	vld [tilespmem:s15+$0x3310]  }
0x2dc: {  	v11 =	vld [tilespmem:s15+$0x4B10]  }
0x2dd: {  	v33 =	vld [tilespmem:s15+$0x3320]  }
0x2de: {  	v12 =	vld [tilespmem:s15+$0x4B20]  }
0x2df: {  	v40 =	vld [tilespmem:s15+$0x3330]  }
0x2e0: {  	v13 =	vld [tilespmem:s15+$0x4B30]  }
0x2e1: {  	v38 =	vld [tilespmem:s15+$0x3340]  }
0x2e2: {  	v14 =	vld [tilespmem:s15+$0x4B40]  }
0x2e3: {  	v34 =	vld [tilespmem:s15+$0x3350]  }
0x2e4: {  	v15 =	vld [tilespmem:s15+$0x4B50]  }
0x2e5: {  	v41 =	vld [tilespmem:s15+$0x3360]  }
0x2e6: {  	v16 =	vld [tilespmem:s15+$0x4B60]  }
0x2e7: {  	s30 =	sor.u32 $0x2, s1;
	v26 =	vld [tilespmem:s15+$0x3370]  }
0x2e8: {  	s14 =	sshll.u32 s30, $0x7;
	v17 =	vld [tilespmem:s15+$0x4B70]  }
0x2e9: {  	v29 =	vld [tilespmem:s14+$0x3300]  }
0x2ea: {  	v18 =	vld [tilespmem:s14+$0x4B00]  }
0x2eb: {  	v30 =	vld [tilespmem:s14+$0x3310]  }
0x2ec: {  	v21 =	vld [tilespmem:s14+$0x4B10]  }
0x2ed: {  	v32 =	vld [tilespmem:s14+$0x3320]  }
0x2ee: {  	v39 =	vld [tilespmem:s14+$0x3330]  }
0x2ef: {  	v42 =	vld [tilespmem:s14+$0x3340]  }
0x2f0: {  	v25 =	vld [tilespmem:s14+$0x4B40];
	v1 =	vadd.f32 v1, v0;
	v2 =	vadd.f32 v2, v45  }
0x2f1: {  	v47 =	vld [tilespmem:s14+$0x3350];
	v3 =	vadd.f32 v3, v48;
	v4 =	vadd.f32 v4, v46  }
0x2f2: {  	v49 =	vld [tilespmem:s14+$0x3360];
	v5 =	vadd.f32 v5, v9;
	v6 =	vadd.f32 v6, v43  }
0x2f3: {  	s24 =	sor.u32 $0x3, s1;
	v50 =	vld [tilespmem:s14+$0x3370];
	v7 =	vadd.f32 v7, v22;
	v8 =	vadd.f32 v8, v24  }
0x2f4: {  	s17 =	sshll.u32 s24, $0x7;
	[tilespmem:$0x1F8A0] =	vst v22;
	v22 =	vld [tilespmem:s14+$0x4B30];
	v60 =	vadd.f32 v10, v31;
	v19 =	vmul.f32 $2.000000030e-01, v1;
	v20 =	vmul.f32 $2.000000030e-01, v2  }
0x2f5: {  	[tilespmem:$0x1F8C0] =	vst v31;
	v63 =	vadd.f32 v11, v27;
	v31 =	vld [tilespmem:s17+$0x3300];
	v55 =	vmul.f32 $2.000000030e-01, v3;
	v56 =	vmul.f32 $2.000000030e-01, v4  }
0x2f6: {  	[tilespmem:$0x1F8E0] =	vst v33;
	v12 =	vadd.f32 v12, v33;
	v33 =	vld [tilespmem:s17+$0x3310];
	v23 =	vmul.f32 $2.000000030e-01, v5;
	v57 =	vmul.f32 $2.000000030e-01, v6  }
0x2f7: {  	[tilespmem:$0x1F8D0] =	vst v27;
	v17 =	vadd.f32 v17, v26;
	v10 =	vld [tilespmem:s17+$0x3330];
	v58 =	vmul.f32 $2.000000030e-01, v7;
	v59 =	vmul.f32 $2.000000030e-01, v8  }
0x2f8: {  	[tilespmem:$0x1F920] =	vst v26;
	v16 =	vadd.f32 v16, v41;
	v26 =	vld [tilespmem:s17+$0x4B30];
	v51 =	vmul.f32 $2.000000030e-01, v60;
	v11 =	vmul.f32 $2.000000030e-01, v63  }
0x2f9: {  	[tilespmem:$0x1F910] =	vst v41;
	v27 =	vld [tilespmem:s17+$0x3340];
	v41 =	vmul.f32 $2.000000030e-01, v17;
	v1 =	vmax.f32 v1, v19;
	v2 =	vmax.f32 v2, v20  }
0x2fa: {  	v20 =	vld [tilespmem:s14+$0x4B20];
	v3 =	vmax.f32 v3, v55;
	v4 =	vmax.f32 v4, v56;
	v5 =	vmax.f32 v5, v23  }
0x2fb: {  	v6 =	vmax.f32 v6, v57;
	v7 =	vmax.f32 v7, v58;
	v19 =	vld [tilespmem:s14+$0x4B50];
	v8 =	vmax.f32 v8, v59  }
0x2fc: {  	[tilespmem:$0x1F8F0] =	vst v40;
	v23 =	vld [tilespmem:s14+$0x4B60];
	v55 =	vmul.f32 $2.000000030e-01, v12;
	v56 =	vadd.f32 v13, v40;
	v40 =	vmul.f32 $2.000000030e-01, v16  }
0x2fd: {  	v57 =	vadd.f32 v14, v38;
	v13 =	vld [tilespmem:s17+$0x4B10];
	v1 =	vmul.f32 v1, v52;
	v2 =	vmul.f32 v2, v53  }
0x2fe: {  	s2 =	sor.u32 $0x4, s1;
	[tilespmem:$0x1F900] =	vst v34;
	v59 =	vadd.f32 v15, v34;
	v34 =	vld [tilespmem:s17+$0x3320];
	v3 =	vmul.f32 v3, v61;
	v4 =	vmul.f32 v4, v62  }
0x2ff: {  	s10 =	sshll.u32 s2, $0x7;
	v5 =	vmul.f32 v5, v35;
	v6 =	vmul.f32 v6, v36;
	v14 =	vmax.f32 v17, v41;
	v17 =	vld [tilespmem:s17+$0x4B70]  }
0x300: {  	v7 =	vmul.f32 v7, v37;
	v8 =	vmul.f32 v8, v44;
	v41 =	vld [tilespmem:s10+$0x3320]  }
0x301: {  	v58 =	vmul.f32 $2.000000030e-01, v56;
	v15 =	vmax.f32 v16, v40;
	v40 =	vld [tilespmem:s10+$0x3310];
	v1 =	vadd.f32 v2, v1  }
0x302: {  	[tilespmem:$0x1F8B0] =	vst v24;
	v14 =	vmul.f32 v14, v44;
	v3 =	vadd.f32 v4, v3;
	v24 =	vadd.f32 v8, v7;
	v8 =	vld [tilespmem:s14+$0x4B70]  }
0x303: {  	[tilespmem:$0x1F930] =	vst v29;
	v5 =	vadd.f32 v6, v5;
	v2 =	vmax.f32 v60, v51;
	v51 =	vadd.f32 v18, v29;
	v29 =	vld [tilespmem:s17+$0x3350]  }
0x304: {  	[tilespmem:$0x1F940] =	vst v30;
	v4 =	vmax.f32 v63, v11;
	v7 =	vmax.f32 v56, v58;
	v56 =	vadd.f32 v21, v30;
	v30 =	vld [tilespmem:s17+$0x3360]  }
0x305: {  	v6 =	vmax.f32 v12, v55;
	v60 =	vmul.f32 $2.000000030e-01, v57;
	v63 =	vmul.f32 $2.000000030e-01, v59;
	v21 =	vld [tilespmem:s10+$0x4B00]  }
0x306: {  	v2 =	vmul.f32 v2, v52;
	v4 =	vmul.f32 v4, v53;
	v54 =	vadd.f32 v24, v5;
	v5 =	vld [tilespmem:s17+$0x4B00]  }
0x307: {  	v6 =	vmul.f32 v6, v61;
	v1 =	vadd.f32 v3, v1;
	v24 =	vld [tilespmem:s17+$0x4B20];
	v7 =	vmul.f32 v7, v62  }
0x308: {  	[tilespmem:$0x1F950] =	vst v32;
	v11 =	vmax.f32 v57, v60;
	v12 =	vmax.f32 v59, v63;
	v58 =	vadd.f32 v20, v32;
	v32 =	vld [tilespmem:s17+$0x3370]  }
0x309: {  	[tilespmem:$0x1F960] =	vst v39;
	v55 =	vmul.f32 $2.000000030e-01, v51;
	v59 =	vadd.f32 v22, v39;
	v63 =	vadd.f32 v25, v42;
	v39 =	vld [tilespmem:s10+$0x3300]  }
0x30a: {  	v19 =	vadd.f32 v19, v47;
	v20 =	vld [tilespmem:s10+$0x4B20];
	v13 =	vadd.f32 v13, v33;
	v11 =	vmul.f32 v11, v35  }
0x30b: {  	[tilespmem:$0x1F970] =	vst v42;
	v42 =	vld [tilespmem:s10+$0x3340];
	v12 =	vmul.f32 v12, v36;
	v2 =	vadd.f32 v4, v2;
	v57 =	vmul.f32 $2.000000030e-01, v56  }
0x30c: {  	[tilespmem:$0x1F980] =	vst v47;
	v22 =	vld [tilespmem:s10+$0x4B60];
	v3 =	vadd.f32 v54, v1;
	v54 =	vmul.f32 v15, v37;
	v60 =	vmul.f32 $2.000000030e-01, v58  }
0x30d: {  	[tilespmem:$0x1FAD0] =	vst v33;
	v33 =	vld [tilespmem:s10+$0x3370];
	v6 =	vadd.f32 v7, v6;
	v25 =	vmul.f32 $2.000000030e-01, v59;
	v47 =	vmul.f32 $2.000000030e-01, v63  }
0x30e: {  	v4 =	vld [tilespmem:s17+$0x4B40];
	v11 =	vadd.f32 v12, v11;
	v7 =	vmax.f32 v56, v57;
	v8 =	vadd.f32 v8, v50  }
0x30f: {  	v15 =	vld [tilespmem:s17+$0x4B50];
	v2 =	vadd.f32 v6, v2;
	v1 =	vadd.f32 v14, v54;
	v6 =	vmax.f32 v51, v55  }
0x310: {  	v12 =	vld [tilespmem:s17+$0x4B60];
	v7 =	vmul.f32 v7, v53;
	v14 =	vmax.f32 v58, v60;
	v51 =	vadd.f32 v23, v49  }
0x311: {  	s31 =	sor.u32 $0x5, s1;
	[tilespmem:$0x1F990] =	vst v49;
	v54 =	vmul.f32 $2.000000030e-01, v19;
	v23 =	vld [tilespmem:s10+$0x4B10];
	v16 =	vmax.f32 v63, v47;
	v60 =	vmul.f32 $2.000000030e-01, v13  }
0x312: {  	s28 =	sshll.u32 s31, $0x7;
	[tilespmem:$0x1F9A0] =	vst v50;
	v47 =	vld [tilespmem:s10+$0x3330];
	v49 =	vadd.f32 v26, v10;
	v6 =	vmul.f32 v6, v52;
	v14 =	vmul.f32 v14, v61  }
0x313: {  	[tilespmem:$0x1FAF0] =	vst v10;
	v26 =	vld [tilespmem:s28+$0x4B00];
	v16 =	vmul.f32 v16, v35;
	v5 =	vadd.f32 v5, v31;
	v63 =	vadd.f32 v24, v34  }
0x314: {  	v10 =	vld [tilespmem:s28+$0x3310];
	[tilespmem:$0x1F9B0] =	vst v39;
	v56 =	vmul.f32 $2.000000030e-01, v8;
	v17 =	vadd.f32 v17, v32;
	v39 =	vadd.f32 v21, v39  }
0x315: {  	[tilespmem:$0x1FAC0] =	vst v31;
	v31 =	vld [tilespmem:s10+$0x3350];
	v1 =	vadd.f32 v1, v11;
	v11 =	vmax.f32 v59, v25;
	v55 =	vmul.f32 $2.000000030e-01, v51  }
0x316: {  	[tilespmem:$0x1FB00] =	vst v27;
	v24 =	vld [tilespmem:s28+$0x4B10];
	v19 =	vmax.f32 v19, v54;
	v13 =	vmax.f32 v13, v60;
	v54 =	vmul.f32 $2.000000030e-01, v49  }
0x317: {  	[tilespmem:$0x1FAE0] =	vst v34;
	v21 =	vld [tilespmem:s28+$0x4B50];
	v4 =	vadd.f32 v4, v27;
	v11 =	vmul.f32 v11, v62;
	v57 =	vmul.f32 v19, v36  }
0x318: {  	[tilespmem:$0x1F9D0] =	vst v41;
	v27 =	vld [tilespmem:s10+$0x3360];
	v8 =	vmax.f32 v8, v56;
	v58 =	vmul.f32 $2.000000030e-01, v5;
	v6 =	vadd.f32 v7, v6  }
0x319: {  	[tilespmem:$0x1F9C0] =	vst v40;
	v25 =	vld [tilespmem:s28+$0x3320];
	v50 =	vmul.f32 v13, v53;
	v15 =	vadd.f32 v15, v29;
	v60 =	vmul.f32 $2.000000030e-01, v17  }
0x31a: {  	[tilespmem:$0x1FB10] =	vst v29;
	v19 =	vld [tilespmem:s10+$0x4B30];
	v18 =	vmax.f32 v51, v55;
	v8 =	vmul.f32 v8, v44;
	v51 =	vmul.f32 $2.000000030e-01, v63  }
0x31b: {  	[tilespmem:$0x1FB20] =	vst v30;
	v29 =	vld [tilespmem:s28+$0x3350];
	v2 =	vadd.f32 v1, v2;
	v55 =	vmul.f32 $2.000000030e-01, v4;
	v18 =	vmul.f32 v18, v37  }
0x31c: {  	(xrf2) =	vadd.scan.msk.f32 $0xffff, v3;
	v59 =	vadd.f32 v11, v14;
	v11 =	vld [tilespmem:s10+$0x4B40];
	v1 =	vadd.f32 v57, v16;
	v5 =	vmax.f32 v5, v58  }
0x31d: {  	[tilespmem:$0x1FB30] =	vst v32;
	v16 =	vld [tilespmem:s10+$0x4B70];
	v14 =	vmax.f32 v49, v54;
	v5 =	vmul.f32 v5, v52;
	v13 =	vmax.f32 v63, v51  }
0x31e: {  	[tilespmem:$0x1FA10] =	vst v33;
	v40 =	vadd.f32 v23, v40;
	v23 =	vld [tilespmem:s28+$0x3330];
	v58 =	vmul.f32 v14, v62;
	v13 =	vmul.f32 v13, v61  }
0x31f: {  	v12 =	vadd.f32 v12, v30;
	[tilespmem:$0x1F9E0] =	vst v47;
	v34 =	vmax.f32 v17, v60;
	v17 =	vld [tilespmem:s28+$0x4B30];
	v8 =	vadd.f32 v8, v18  }
0x320: {  	v56 =	vmul.f32 $2.000000030e-01, v15;
	[tilespmem:$0x1FA30] =	vst v10;
	v18 =	vld [tilespmem:s10+$0x4B50];
	v5 =	vadd.f32 v50, v5;
	v63 =	vadd.f32 v58, v13  }
0x321: {  	v49 =	vmul.f32 $2.000000030e-01, v39;
	[tilespmem:$0x1F9F0] =	vst v31;
	v4 =	vmax.f32 v4, v55;
	v8 =	vadd.f32 v8, v1;
	v1 =	vld [tilespmem:s28+$0x3300]  }
0x322: {  	v57 =	vmul.f32 $2.000000030e-01, v12;
	[tilespmem:$0x1FA00] =	vst v27;
	v5 =	vadd.f32 v63, v5;
	v63 =	vadd.f32 v22, v27;
	v27 =	vld [tilespmem:s28+$0x3370]  }
0x323: {  	(xrf2) =	vadd.scan.msk.f32 $0xffff, v2;
	v6 =	vadd.f32 v59, v6;
	v59 =	vmax.f32 v15, v56;
	[tilespmem:$0x1FA40] =	vst v25;
	v15 =	vld [tilespmem:s28+$0x4B20]  }
0x324: {  	v4 =	vmul.f32 v4, v35;
	v54 =	vmul.f32 $2.000000030e-01, v40;
	v12 =	vmax.f32 v12, v57;
	v57 =	vld [tilespmem:s28+$0x3340];
	[tilespmem:$0x1FA60] =	vst v29  }
0x325: {  	v14 =	vmul.f32 v59, v36;
	v50 =	vadd.f32 v20, v41;
	v55 =	vadd.f32 v19, v47;
	v19 =	vld [tilespmem:s28+$0x4B40];
	[tilespmem:$0x1FA50] =	vst v23  }
0x326: {  	v32 =	vmul.f32 v12, v37;
	v12 =	vmul.f32 v34, v44;
	v7 =	vmax.f32 v40, v54;
	v58 =	vld [tilespmem:s28+$0x3360];
	[tilespmem:$0x1FA20] =	vst v1  }
0x327: {  	s11 =	sor.u32 $0x6, s1;
	v3 =	vadd.f32 v14, v4;
	v34 =	vadd.f32 v16, v33;
	v22 =	vld [tilespmem:s28+$0x4B60];
	v40 =	vmul.f32 $2.000000030e-01, v63;
	[tilespmem:$0x1FA70] =	vst v27  }
0x328: {  	s3 =	sshll.u32 s11, $0x7;
	v4 =	vmax.f32 v39, v49;
	v59 =	vmul.f32 $2.000000030e-01, v50;
	v60 =	vmul.f32 $2.000000030e-01, v55;
	v20 =	vld [tilespmem:s28+$0x4B70]  }
0x329: {  	v6 =	vadd.f32 v8, v6;
	v41 =	vmul.f32 $2.000000030e-01, v34;
	v14 =	vmax.f32 v63, v40;
	v30 =	vld [tilespmem:s3+$0x3300]  }
0x32a: {  	v51 =	vadd.f32 v12, v32;
	v13 =	vmax.f32 v50, v59;
	v47 =	vmul.f32 v14, v37;
	v14 =	vld [tilespmem:s3+$0x4B00]  }
0x32b: {  	v8 =	vmax.f32 v55, v60;
	v13 =	vmul.f32 v13, v61;
	v12 =	vmax.f32 v34, v41;
	v56 =	vld [tilespmem:s3+$0x3310]  }
0x32c: {  	v18 =	vadd.f32 v18, v31;
	v8 =	vmul.f32 v8, v62;
	v49 =	vmul.f32 v12, v44;
	v12 =	vld [tilespmem:s3+$0x4B10]  }
0x32d: {  	v31 =	vld [tilespmem:s3+$0x3320]  }
0x32e: {  	v2 =	vadd.f32 v51, v3;
	v39 =	vmul.f32 $2.000000030e-01, v18;
	v51 =	vadd.f32 v8, v13;
	v8 =	vld [tilespmem:s3+$0x4B20]  }
0x32f: {  	v33 =	vadd.f32 v26, v1;
	v26 =	vld [tilespmem:s3+$0x3330]  }
0x330: {  	v11 =	vadd.f32 v11, v42;
	v16 =	vmax.f32 v18, v39;
	v39 =	vadd.f32 v15, v25;
	v15 =	vld [tilespmem:s3+$0x4B30]  }
0x331: {  	v40 =	vadd.f32 v17, v23;
	v23 =	vld [tilespmem:s3+$0x3340]  }
0x332: {  	v32 =	vmul.f32 $2.000000030e-01, v11;
	v17 =	vld [tilespmem:s3+$0x4B40]  }
0x333: {  	s16 =	sor.u32 $0x7, s1;
	v7 =	vmul.f32 v7, v53;
	v4 =	vmul.f32 v4, v52;
	v34 =	vadd.f32 v24, v10;
	v54 =	vld [tilespmem:s3+$0x3350]  }
0x334: {  	s5 =	sshll.u32 s16, $0x7;
	v11 =	vmax.f32 v11, v32;
	v24 =	vadd.f32 v21, v29;
	v25 =	vadd.f32 v22, v58;
	v22 =	vld [tilespmem:s3+$0x4B60]  }
0x335: {  	v4 =	vadd.f32 v7, v4;
	v11 =	vmul.f32 v11, v35;
	v41 =	vmul.f32 $2.000000030e-01, v33;
	v1 =	vld [tilespmem:s5+$0x3330]  }
0x336: {  	v2 =	vadd.f32 v2, v5;
	v59 =	vmul.f32 $2.000000030e-01, v34;
	v21 =	vmul.f32 $2.000000030e-01, v24;
	v29 =	vld [tilespmem:s5+$0x3370]  }
0x337: {  	v16 =	vmul.f32 v16, v36;
	v50, _, _ =	vpop (xrf2);
	v4 =	vadd.f32 v51, v4;
	v3 =	vadd.f32 v49, v47;
	v49 =	vld [tilespmem:s3+$0x3360]  }
0x338: {  	v10 =	vmul.f32 $2.000000030e-01, v40;
	v60 =	vmul.f32 $1.442695020e+00, v50;
	v63, _, _ =	vpop (xrf2);
	v7 =	vmax.f32 v33, v41;
	v50 =	vld [tilespmem:s3+$0x3370]  }
0x339: {  	v5 =	vmax.f32 v24, v21;
	v24 =	vld [tilespmem:s5+$0x3310];
	v11 =	vadd.f32 v16, v11;
	v16 =	vmul.f32 $1.442695020e+00, v63  }
0x33a: {  	v63 =	vadd.f32 v19, v57;
	v19 =	vld [tilespmem:s3+$0x4B50];
	v7 =	vmul.f32 v7, v52;
	v18 =	vbroadcast v60, $0xF  }
0x33b: {  	s20 =	sor.u32 $0x8, s1;
	(xrf2) =	vadd.scan.msk.f32 $0xffff, v6;
	v5 =	vmul.f32 v5, v36;
	v3 =	vadd.f32 v3, v11;
	v6 =	vbroadcast v16, $0xF;
	v11 =	vld [tilespmem:s3+$0x4B70]  }
0x33c: {  	s7 =	sshll.u32 s20, $0x7;
	v60 =	vmul.f32 $2.000000030e-01, v39;
	(erf) = vpow2.f32 v18;
	v20 =	vadd.f32 v20, v27;
	v27 =	vld [tilespmem:s5+$0x3350]  }
0x33d: {  	v33 =	vmul.f32 $2.000000030e-01, v63;
	[tilespmem:$0x1FA80] =	vst v30;
	v55 =	vadd.f32 v14, v30;
	v30 =	vld [tilespmem:s7+$0x3350];
	(erf) = vpow2.f32 v6  }
0x33e: {  	(xrf2) =	vadd.scan.msk.f32 $0xffff, v2;
	v47 =	vadd.f32 v3, v4;
	v3 =	vmax.f32 v34, v59;
	v6 =	vmax.f32 v40, v10;
	v10 =	vld [tilespmem:s5+$0x3300]  }
0x33f: {  	v4 =	vmax.f32 v39, v60;
	v34 =	vmul.f32 $2.000000030e-01, v25;
	v60 =	vadd.f32 v8, v31;
	v8 =	vld [tilespmem:s5+$0x4B20]  }
0x340: {  	[tilespmem:$0x1FA90] =	vst v31;
	v12 =	vadd.f32 v12, v56;
	v13 =	vmax.f32 v63, v33;
	v31 =	vld [tilespmem:s7+$0x4B50];
	v39 =	vmul.f32 $2.000000030e-01, v20  }
0x341: {  	v3 =	vmul.f32 v3, v53;
	v13 =	vmul.f32 v13, v35;
	v40 =	vmax.f32 v25, v34;
	v25 =	vld [tilespmem:s5+$0x3320]  }
0x342: {  	v4 =	vmul.f32 v4, v61;
	v21 =	vmul.f32 $2.000000030e-01, v12;
	v41 =	vmax.f32 v20, v39;
	v20 =	vld [tilespmem:s5+$0x4B00]  }
0x343: {  	v63 =	vmul.f32 $2.000000030e-01, v55;
	v33 =	vmul.f32 $2.000000030e-01, v60;
	v5 =	vadd.f32 v5, v13;
	v13 =	vld [tilespmem:s5+$0x4B10]  }
0x344: {  	v6 =	vmul.f32 v6, v62;
	v2 =	vmul.f32 v40, v37;
	v39 =	vmax.f32 v12, v21;
	v21 =	vld [tilespmem:s7+$0x4B40]  }
0x345: {  	v34 =	vmax.f32 v55, v63;
	v40 =	vmax.f32 v60, v33;
	v60 =	vadd.f32 v22, v49;
	v22 =	vld [tilespmem:s5+$0x3360]  }
0x346: {  	[tilespmem:$0x1FAB0] =	vst v23;
	v55 =	vadd.f32 v19, v54;
	v32, _, _ =	vpop (xrf2);
	v18 =	vmul.f32 v41, v44;
	v41 =	vadd.f32 v17, v23;
	v23 =	vld [tilespmem:s5+$0x4B70]  }
0x347: {  	[tilespmem:$0x1FAA0] =	vst v26;
	v16 =	vmul.f32 $1.442695020e+00, v32;
	v32 =	vadd.f32 v15, v26;
	v26 =	vld [tilespmem:s5+$0x3340]  }
0x348: {  	v3 =	vadd.f32 v3, v7;
	v4 =	vadd.f32 v6, v4;
	v51, _, _ =	vpop (xrf2);
	v15 =	vld [tilespmem:s5+$0x4B40];
	v63 =	vmul.f32 $2.000000030e-01, v55  }
0x349: {  	(xrf2) =	vadd.scan.msk.f32 $0xffff, v47;
	v6 =	vmul.f32 v40, v61;
	v2 =	vadd.f32 v18, v2;
	v7 =	vmul.f32 $1.442695020e+00, v51;
	v18 =	vld [tilespmem:s5+$0x4B50]  }
0x34a: {  	v11 =	vadd.f32 v11, v50;
	v47 =	vbroadcast v16, $0xF;
	v16 =	vld [tilespmem:s5+$0x4B30];
	v51 =	vmul.f32 $2.000000030e-01, v32  }
0x34b: {  	[tilespmem:$0x1FB60] =	vst v25;
	v33 =	vmax.f32 v55, v63;
	v8 =	vadd.f32 v8, v25;
	v25 =	vld [tilespmem:s7+$0x3320];
	v59 =	vbroadcast v7, $0xF  }
0x34c: {  	v2 =	vadd.f32 v2, v5;
	v5 =	vmul.f32 v39, v53;
	v7 =	vld [tilespmem:s5+$0x4B60];
	v39 =	vmul.f32 $2.000000030e-01, v11  }
0x34d: {  	v3 =	vadd.f32 v4, v3;
	v14 =	vmul.f32 v33, v36;
	v53 =	vld [tilespmem:s7+$0x3300];
	(erf) = vpow2.f32 v47  }
0x34e: {  	v36 =	vld [tilespmem:s7+$0x3330];
	v4 =	vmax.f32 v32, v51;
	v51 =	vadd.f32 v13, v24;
	v63 =	vmul.f32 $2.000000030e-01, v8  }
0x34f: {  	v33 =	vld [tilespmem:s7+$0x4B60];
	(erf) = vpow2.f32 v59;
	v2 =	vadd.f32 v2, v3;
	v3 =	vmul.f32 v34, v52  }
0x350: {  	v13 =	vld [tilespmem:s7+$0x4B10];
	v59 =	vmul.f32 $2.000000030e-01, v41;
	v34 =	vmul.f32 $2.000000030e-01, v60;
	v11 =	vmax.f32 v11, v39  }
0x351: {  	[tilespmem:$0x1FBB0] =	vst v29;
	v23 =	vadd.f32 v23, v29;
	v29 =	vld [tilespmem:s7+$0x3360];
	v4 =	vmul.f32 v4, v62;
	v11 =	vmul.f32 v11, v44  }
0x352: {  	v52 =	vld [tilespmem:s7+$0x3310];
	v32 =	vmax.f32 v41, v59;
	v17 =	vmax.f32 v60, v34;
	v3 =	vadd.f32 v5, v3  }
0x353: {  	v47, _, _ =	vpop (xrf2);
	v4 =	vadd.f32 v4, v6;
	v6 =	vld [tilespmem:s7+$0x4B00];
	v55 =	vadd.f32 v16, v1;
	v60 =	vmul.f32 $2.000000030e-01, v51  }
0x354: {  	(xrf2) =	vadd.scan.msk.f32 $0xffff, v2;
	v12 =	vmul.f32 $1.442695020e+00, v47;
	v2 =	vmul.f32 v32, v35;
	v47 =	vadd.f32 v20, v10;
	v20 =	vld [tilespmem:s7+$0x4B20]  }
0x355: {  	s21 =	sor.u32 $0x9, s1;
	v41 =	vmul.f32 v17, v37;
	v32 =	vld [tilespmem:s7+$0x3340];
	v7 =	vadd.f32 v7, v22;
	v17 =	vmul.f32 $2.000000030e-01, v23  }
0x356: {  	s18 =	sshll.u32 s21, $0x7;
	v3 =	vadd.f32 v4, v3;
	v34 =	vmul.f32 $2.000000030e-01, v55;
	v4 =	vmax.f32 v51, v60;
	v51 =	vld [tilespmem:s7+$0x4B30]  }
0x357: {  	v2 =	vadd.f32 v14, v2;
	v40 =	vbroadcast v12, $0xF;
	v14 =	vadd.f32 v31, v30;
	v31 =	vld [tilespmem:s18+$0x4B30]  }
0x358: {  	v11 =	vadd.f32 v11, v41;
	v59 =	vmul.f32 $2.000000030e-01, v47;
	v12 =	vmax.f32 v55, v34;
	v34 =	vld [tilespmem:s18+$0x4B00]  }
0x359: {  	[tilespmem:$0x1FB50] =	vst v24;
	v41 =	vadd.f32 v15, v26;
	(erf) = vpow2.f32 v40;
	v40 =	vmax.f32 v8, v63;
	v63 =	vld [tilespmem:$0x1FF90]  }
0x35a: {  	s4 =	sor.u32 $0xA, s1;
	[tilespmem:$0x1FB40] =	vst v10;
	v10 =	vmul.f32 $2.000000030e-01, v7;
	v24 =	vmax.f32 v47, v59;
	v59 =	vadd.f32 v18, v27;
	v18 =	vld [tilespmem:$0x1FFD0]  }
0x35b: {  	s8 =	sshll.u32 s4, $0x7;
	[tilespmem:$0x1FB90] =	vst v27;
	v27 =	vld [tilespmem:s7+$0x3370]  }
0x35c: {  	v23 =	vmax.f32 v23, v17;
	v60 =	vmul.f32 $2.000000030e-01, v41;
	v7 =	vmax.f32 v7, v10;
	v10 =	vld [tilespmem:s8+$0x3300]  }
0x35d: {  	v13 =	vadd.f32 v13, v52;
	v2 =	vadd.f32 v11, v2;
	v11 =	vmul.f32 v24, v28;
	v24 =	vld [tilespmem:s7+$0x4B70]  }
0x35e: {  	[tilespmem:$0x1FB80] =	vst v26;
	v26 =	vmul.f32 v23, v44;
	v7 =	vmul.f32 v7, v37;
	v8 =	vmax.f32 v41, v60;
	v60 =	vld [tilespmem:s18+$0x3300]  }
0x35f: {  	[tilespmem:$0x1FB70] =	vst v1;
	v1 =	vmul.f32 $2.000000030e-01, v59;
	v8 =	vmul.f32 v8, v35;
	v35 =	vld [tilespmem:s18+$0x4B10]  }
0x360: {  	v41 =	vmul.f32 $2.000000030e-01, v13;
	v7 =	vadd.f32 v26, v7;
	v26 =	vld [tilespmem:s18+$0x3340]  }
0x361: {  	v15 =	vmax.f32 v59, v1;
	v59 =	vld [tilespmem:s18+$0x3310]  }
0x362: {  	v12 =	vmul.f32 v12, v62;
	v5 =	vmul.f32 v40, v61;
	v39 =	vmax.f32 v13, v41;
	v41 =	vld [tilespmem:$0x1FF90]  }
0x363: {  	v1 =	vld [tilespmem:s18+$0x4B70];
	v4 =	vmul.f32 v4, v63  }
0x364: {  	v5 =	vadd.f32 v12, v5;
	v19 =	vmul.f32 v15, v18;
	v12 =	vadd.f32 v24, v27;
	v24 =	vld [tilespmem:s18+$0x4B60]  }
0x365: {  	v37 =	vadd.f32 v20, v25;
	v47, _, _ =	vpop (xrf2);
	v4 =	vadd.f32 v4, v11;
	v11 =	vld [tilespmem:s18+$0x4B20]  }
0x366: {  	v6 =	vadd.f32 v6, v53;
	v55 =	vmul.f32 $1.442695020e+00, v47;
	v8 =	vadd.f32 v19, v8;
	v19 =	vld [tilespmem:$0x1FFC0]  }
0x367: {  	v13 =	vadd.f32 v21, v32;
	v47 =	vmul.f32 $2.000000030e-01, v37;
	v23 =	vadd.f32 v34, v60;
	v34 =	vld [tilespmem:$0x1FF90]  }
0x368: {  	[tilespmem:$0x1FBA0] =	vst v22;
	v16 =	vadd.f32 v51, v36;
	v40 =	vmul.f32 $2.000000030e-01, v6;
	v22 =	vbroadcast v55, $0xF;
	v55 =	vld [tilespmem:s18+$0x3320]  }
0x369: {  	v2 =	vadd.f32 v2, v3;
	v21 =	vmul.f32 $2.000000030e-01, v13;
	v3 =	vmax.f32 v37, v47;
	v37 =	vld [tilespmem:s18+$0x3330]  }
0x36a: {  	v51 =	vmul.f32 $2.000000030e-01, v16;
	v47 =	vadd.f32 v33, v29;
	v33 =	vld [tilespmem:s18+$0x4B40]  }
0x36b: {  	v6 =	vmax.f32 v6, v40;
	v18 =	vmax.f32 v13, v21;
	v13 =	vld [tilespmem:s18+$0x4B50]  }
0x36c: {  	(xrf2) =	vadd.scan.msk.f32 $0xffff, v2;
	v6 =	vmul.f32 v6, v28;
	v40 =	vmax.f32 v16, v51;
	v21 =	vld [tilespmem:$0x1FFD0]  }
0x36d: {  	v17 =	vmul.f32 $2.000000030e-01, v12;
	v63 =	vadd.f32 v7, v8;
	v7 =	vmul.f32 v39, v41;
	v41 =	vld [tilespmem:s18+$0x3350]  }
0x36e: {  	v4 =	vadd.f32 v5, v4;
	v3 =	vmul.f32 v3, v61;
	v8 =	vmul.f32 v40, v62;
	v39 =	vld [tilespmem:s18+$0x3360]  }
0x36f: {  	v40 =	vld [tilespmem:s8+$0x4B00];
	(erf) = vpow2.f32 v22;
	v15 =	vmul.f32 $2.000000030e-01, v47  }
0x370: {  	v22 =	vld [tilespmem:$0x1FFE0];
	v51 =	vadd.f32 v63, v4;
	v63 =	vmul.f32 $2.000000030e-01, v14;
	v6 =	vadd.f32 v7, v6  }
0x371: {  	v3 =	vadd.f32 v8, v3;
	v7 =	vmax.f32 v12, v17;
	v17 =	vld [tilespmem:s8+$0x3320];
	v5 =	vmax.f32 v47, v15  }
0x372: {  	v20 =	vmul.f32 v18, v19;
	v7 =	vmul.f32 v7, v44;
	v47 =	vadd.f32 v35, v59;
	v35 =	vld [tilespmem:s18+$0x3370]  }
0x373: {  	v15 =	vld [tilespmem:s8+$0x3310];
	v4 =	vmax.f32 v14, v63;
	v3 =	vadd.f32 v3, v6;
	v11 =	vadd.f32 v11, v55  }
0x374: {  	v44 =	vld [tilespmem:s8+$0x4B10];
	(xrf2) =	vadd.scan.msk.f32 $0xffff, v51;
	v51 =	vadd.f32 v31, v37;
	v63 =	vmul.f32 $2.000000030e-01, v23;
	v4 =	vmul.f32 v4, v21  }
0x375: {  	v18 =	vld [tilespmem:s8+$0x3330];
	v21 =	vadd.f32 v33, v26;
	v12 =	vadd.f32 v24, v39;
	v5 =	vmul.f32 v5, v22  }
0x376: {  	v19 =	vld [tilespmem:$0x1FFD0];
	v31 =	vmul.f32 $2.000000030e-01, v11;
	v6 =	vmax.f32 v23, v63;
	v22 =	vmul.f32 $2.000000030e-01, v51;
	v23, _, _ =	vpop (xrf2)  }
0x377: {  	v63 =	vld [tilespmem:$0x1FFC0];
	v2 =	vadd.f32 v4, v20;
	v20 =	vmul.f32 $2.000000030e-01, v47;
	v14 =	vmul.f32 $1.442695020e+00, v23  }
0x378: {  	v6 =	vmul.f32 v6, v28;
	v5 =	vadd.f32 v7, v5;
	v4 =	vmax.f32 v51, v22;
	v22 =	vld [tilespmem:$0x1FFF0]  }
0x379: {  	v11 =	vmax.f32 v11, v31;
	v31 =	vmul.f32 $2.000000030e-01, v21;
	v7 =	vmax.f32 v47, v20;
	v47 =	vld [tilespmem:s8+$0x4B20]  }
0x37a: {  	v16 =	vadd.f32 v1, v35;
	v11 =	vmul.f32 v11, v61;
	v4 =	vmul.f32 v4, v62;
	v20 =	vld [tilespmem:$0x1FFE0]  }
0x37b: {  	v62 =	vbroadcast v14, $0xF;
	v8 =	vmax.f32 v21, v31;
	v7 =	vmul.f32 v7, v34;
	v34 =	vld [tilespmem:s8+$0x3350]  }
0x37c: {  	v31 =	vmul.f32 $2.000000030e-01, v12;
	v8 =	vmul.f32 v8, v63;
	v63 =	vld [tilespmem:s8+$0x3340]  }
0x37d: {  	v51 =	vmul.f32 $2.000000030e-01, v16;
	(erf) = vpow2.f32 v62;
	v62 =	vld [tilespmem:s8+$0x3360]  }
0x37e: {  	v13 =	vadd.f32 v13, v41;
	v2 =	vadd.f32 v5, v2;
	v12 =	vmax.f32 v12, v31;
	v31 =	vld [tilespmem:s8+$0x4B30]  }
0x37f: {  	s13 =	sor.u32 $0xB, s1;
	v4 =	vadd.f32 v4, v11;
	v16 =	vmax.f32 v16, v51;
	v51 =	vld [tilespmem:s8+$0x4B40];
	v6 =	vadd.f32 v7, v6  }
0x380: {  	s6 =	sshll.u32 s13, $0x7;
	v24 =	vmul.f32 $2.000000030e-01, v13;
	v2 =	vadd.f32 v2, v3;
	v23 =	vmul.f32 v16, v22;
	v16 =	vld [tilespmem:s8+$0x4B50]  }
0x381: {  	[tilespmem:$0x1FBC0] =	vst v10;
	v3 =	vadd.f32 v4, v6;
	v6 =	vadd.f32 v40, v10;
	v10 =	vld [tilespmem:s6+$0x3300]  }
0x382: {  	[tilespmem:$0x1FBE0] =	vst v17;
	v7 =	vadd.f32 v47, v17;
	v17 =	vld [tilespmem:s6+$0x3310]  }
0x383: {  	v13 =	vmax.f32 v13, v24;
	v47 =	vld [tilespmem:$0x1FFD0]  }
0x384: {  	[tilespmem:$0x1FBD0] =	vst v15;
	v13 =	vmul.f32 v13, v19;
	v21 =	vmul.f32 v12, v20;
	v24, _, _ =	vpop (xrf2);
	v20 =	vadd.f32 v44, v15;
	v15 =	vld [tilespmem:$0x1F8A0]  }
0x385: {  	(xrf2) =	vadd.scan.msk.f32 $0xffff, v2;
	v2 =	vld [tilespmem:s6+$0x4B70];
	v33 =	vmul.f32 $1.442695020e+00, v24  }
0x386: {  	v8 =	vadd.f32 v13, v8;
	v5 =	vadd.f32 v23, v21;
	v21 =	vld [tilespmem:s8+$0x4B60]  }
0x387: {  	v19 =	vbroadcast v33, $0xF;
	v22 =	vadd.f32 v31, v18;
	v31 =	vld [tilespmem:s8+$0x3370];
	v33 =	vmul.f32 $2.000000030e-01, v20  }
0x388: {  	v13 =	vpop (erf);
	v23 =	vadd.f32 v51, v63;
	v51 =	vld [tilespmem:s8+$0x4B70];
	v12 =	vadd.f32 v16, v34  }
0x389: {  	[tilespmem:$0x1FC00] =	vst v34;
	v34 =	vmul.f32 $2.000000030e-01, v7;
	v4 =	vmax.f32 v20, v33;
	v33 =	vmul.f32 v13, v48;
	v48 =	vld [tilespmem:s6+$0x4B20]  }
0x38a: {  	(erf) = vpow2.f32 v19;
	v16 =	vmul.f32 v13, v15;
	v15 =	vld [tilespmem:$0x1F8E0]  }
0x38b: {  	v19 =	vmul.f32 $2.000000030e-01, v23;
	v7 =	vmax.f32 v7, v34;
	v34 =	vmul.f32 v13, v46;
	v46 =	vld [tilespmem:s6+$0x3320]  }
0x38c: {  	v5 =	vadd.f32 v5, v8;
	v8 =	vadd.f32 v21, v62;
	v21 =	vmul.f32 v13, v45;
	v45 =	vld [tilespmem:s6+$0x4B00]  }
0x38d: {  	[tilespmem:$0x1FBF0] =	vst v18;
	v11 =	vmax.f32 v23, v19;
	v19 =	vmul.f32 v13, v43;
	v43 =	vld [tilespmem:s6+$0x4B10]  }
0x38e: {  	v24 =	vmul.f32 $2.000000030e-01, v6;
	v18 =	vmul.f32 $2.000000030e-01, v22;
	[tilespmem:s0+$0x3320] =	vst v33;
	v33 =	vld [tilespmem:$0x1FF90]  }
0x38f: {  	v3 =	vadd.f32 v5, v3;
	[tilespmem:s0+$0x3360] =	vst v16;
	v16 =	vld [tilespmem:$0x1F8F0]  }
0x390: {  	v6 =	vmax.f32 v6, v24;
	v5 =	vmax.f32 v22, v18;
	v22 =	vmov s1;
	[tilespmem:s0+$0x3330] =	vst v34;
	v34 =	vld [tilespmem:$0x1FFB0]  }
0x391: {  	v24 =	vmul.f32 v13, v9;
	v20 =	vmul.f32 $2.000000030e-01, v12;
	v40 =	vand.u32 $0xFFFFFFF0, v22;
	(xrf2) =	vadd.scan.msk.f32 $0xffff, v3;
	v3 =	vld [tilespmem:s6+$0x4B60]  }
0x392: {  	v23 =	vmul.f32 $2.000000030e-01, v8;
	v9 =	vbroadcast v40, $0x0;
	v40 =	vadd.f32 v45, v10;
	v45 =	vld [tilespmem:$0x1FFC0]  }
0x393: {  	[tilespmem:s0+$0x3350] =	vst v19;
	v19 =	vld [tilespmem:$0x1F900]  }
0x394: {  	v0 =	vmul.f32 v13, v0;
	v12 =	vmax.f32 v12, v20;
	[tilespmem:s0+$0x3310] =	vst v21;
	v21 =	vmax.f32 v8, v23;
	v8 =	vld [tilespmem:$0x1F8B0]  }
0x395: {  	v7 =	vmul.f32 v7, v61;
	v61 =	vmul.f32 v12, v47;
	v47 =	vld [tilespmem:$0x1F920]  }
0x396: {  	[tilespmem:$0x1FC10] =	vst v10;
	v4 =	vmul.f32 v4, v33;
	v10 =	vld [tilespmem:$0x1F8C0];
	v33 =	vmul.f32 $2.000000030e-01, v40  }
0x397: {  	[tilespmem:s0+$0x3300] =	vst v0;
	v44 =	vadd.f32 v51, v31;
	v5 =	vmul.f32 v5, v34;
	v34 =	vld [tilespmem:s6+$0x4B30];
	v0 =	vmul.f32 v11, v45  }
0x398: {  	v18 =	vadd.f32 v43, v17;
	v20 =	vmax.f32 v40, v33;
	v33 =	vld [tilespmem:$0x1F910]  }
0x399: {  	[tilespmem:$0x1FC20] =	vst v17;
	v1 =	vmul.f32 $2.000000030e-01, v44;
	v45 =	vld [tilespmem:s6+$0x3330];
	v22 =	vadd.f32 v61, v0;
	v0 =	vmul.f32 v13, v8  }
0x39a: {  	[tilespmem:s0+$0x3340] =	vst v24;
	v23 =	vadd.f32 v5, v7;
	v7 =	vpop (erf);
	v40 =	vmul.f32 $2.000000030e-01, v18;
	v11 =	vld [tilespmem:$0x1F8D0]  }
0x39b: {  	v6 =	vmul.f32 v6, v28;
	v51 =	vmax.f32 v44, v1;
	v14 =	vmul.f32 v7, v10;
	v10 =	vld [tilespmem:s6+$0x4B40];
	[tilespmem:s0+$0x3370] =	vst v0  }
0x39c: {  	v44 =	vmul.f32 v7, v15;
	v18 =	vmax.f32 v18, v40;
	v40 =	vld [tilespmem:$0x1F930];
	[tilespmem:v9+s19+$0x0] =	vst.idx.msk $0x1, v13  }
0x39d: {  	v24 =	vadd.f32 v4, v6;
	v5 =	vmul.f32 v7, v16;
	v61 =	vld [tilespmem:s6+$0x3340];
	[tilespmem:s15+$0x3300] =	vst v14  }
0x39e: {  	v15 =	vmul.f32 v7, v38;
	v8 =	vld [tilespmem:s6+$0x4B50];
	v9 =	vadd.f32 v34, v45;
	v34 =	vmov s12;
	[tilespmem:s15+$0x3320] =	vst v44  }
0x39f: {  	v6 =	vmul.f32 v7, v19;
	v0 =	vadd.f32 v48, v46;
	v48 =	vld [tilespmem:s6+$0x3350];
	v12 =	vand.u32 $0xFFFFFFF1, v34;
	[tilespmem:s15+$0x3330] =	vst v5  }
0x3a0: {  	v43 =	vmul.f32 v7, v33;
	v33 =	vld [tilespmem:s6+$0x3360];
	[tilespmem:s15+$0x3340] =	vst v15;
	v12 =	vbroadcast v12, $0x0  }
0x3a1: {  	v11 =	vmul.f32 v7, v11;
	v44 =	vld [tilespmem:$0x1F940];
	[tilespmem:s15+$0x3350] =	vst v6  }
0x3a2: {  	v14 =	vmul.f32 v7, v47;
	v47 =	vld [tilespmem:$0x1F950];
	[tilespmem:s15+$0x3360] =	vst v43  }
0x3a3: {  	v4 =	vmul.f32 $2.000000030e-01, v0;
	v5 =	vld [tilespmem:$0x1F960];
	[tilespmem:s15+$0x3310] =	vst v11  }
0x3a4: {  	v13 =	vpop (erf);
	v38 =	vmul.f32 $2.000000030e-01, v9;
	v11 =	vld [tilespmem:$0x1F970];
	[tilespmem:s15+$0x3370] =	vst v14  }
0x3a5: {  	v15 =	vld [tilespmem:$0x1F980];
	v17 =	vmax.f32 v0, v4;
	v4 =	vmul.f32 v13, v40;
	[tilespmem:$0x1FC30] =	vst v33  }
0x3a6: {  	v19 =	vmov s30;
	v43 =	vld [tilespmem:$0x1F9A0];
	v44 =	vmul.f32 v13, v44;
	[tilespmem:v12+s19+$0x0] =	vst.idx.msk $0x1, v7  }
0x3a7: {  	v40 =	vld [tilespmem:$0x1F990];
	v0 =	vand.u32 $0xFFFFFFF2, v19;
	v16 =	vmax.f32 v9, v38;
	v9 =	vmul.f32 v13, v47;
	[tilespmem:s14+$0x3300] =	vst v4  }
0x3a8: {  	s12 =	sor.u32 $0xC, s1;
	v34 =	vld [tilespmem:s6+$0x3370];
	v19 =	vbroadcast v0, $0x0;
	v5 =	vmul.f32 v13, v5;
	v38, _, _ =	vpop (xrf2);
	[tilespmem:s14+$0x3310] =	vst v44  }
0x3a9: {  	s0 =	sshll.u32 s12, $0x7;
	v11 =	vmul.f32 v13, v11;
	v1 =	vmul.f32 $1.442695020e+00, v38;
	v47, _, _ =	vpop (xrf2);
	v38 =	vld [tilespmem:$0x1FFE0];
	[tilespmem:s14+$0x3320] =	vst v9  }
0x3aa: {  	v10 =	vadd.f32 v10, v61;
	v15 =	vmul.f32 v13, v15;
	v0 =	vmul.f32 $1.442695020e+00, v47;
	v47 =	vld [tilespmem:s0+$0x3300];
	[tilespmem:s14+$0x3330] =	vst v5  }
0x3ab: {  	v43 =	vmul.f32 v13, v43;
	v12 =	vadd.f32 v3, v33;
	v33 =	vld [tilespmem:$0x1FFF0];
	[tilespmem:s14+$0x3340] =	vst v11  }
0x3ac: {  	v6 =	vmul.f32 v13, v40;
	v40 =	vmul.f32 $2.000000030e-01, v10;
	v44 =	vld [tilespmem:$0x1FFA0];
	[tilespmem:s14+$0x3350] =	vst v15  }
0x3ad: {  	v15 =	vld [tilespmem:$0x1FFE0];
	[tilespmem:s14+$0x3370] =	vst v43  }
0x3ae: {  	v10 =	vmax.f32 v10, v40;
	v40 =	vld [tilespmem:s0+$0x3310];
	[tilespmem:s14+$0x3360] =	vst v6  }
0x3af: {  	v14 =	vmul.f32 $2.000000030e-01, v12;
	[tilespmem:v19+s19+$0x0] =	vst.idx.msk $0x1, v13;
	v19 =	vld [tilespmem:s0+$0x4B50]  }
0x3b0: {  	v8 =	vadd.f32 v8, v48;
	v7 =	vmul.f32 v21, v38;
	v21 =	vadd.f32 v2, v34;
	v2 =	vld [tilespmem:s0+$0x4B10]  }
0x3b1: {  	v12 =	vmax.f32 v12, v14;
	v14 =	vld [tilespmem:$0x1FFB0]  }
0x3b2: {  	v38 =	vmul.f32 $2.000000030e-01, v8;
	v4 =	vmul.f32 v51, v33;
	v33 =	vld [tilespmem:$0x1FF90]  }
0x3b3: {  	v51 =	vld [tilespmem:s0+$0x4B00]  }
0x3b4: {  	v8 =	vmax.f32 v8, v38;
	v38 =	vld [tilespmem:s0+$0x3320]  }
0x3b5: {  	[tilespmem:$0x1FC40] =	vst v34;
	v34 =	vmul.f32 $2.000000030e-01, v21;
	v17 =	vmul.f32 v17, v44;
	v44 =	vld [tilespmem:$0x1FFC0]  }
0x3b6: {  	v7 =	vadd.f32 v4, v7;
	v16 =	vmul.f32 v16, v14;
	v14 =	vld [tilespmem:$0x1FFD0]  }
0x3b7: {  	v9 =	vmul.f32 v18, v33;
	v33 =	vmax.f32 v21, v34;
	v34 =	vld [tilespmem:$0x1FFF0]  }
0x3b8: {  	v7 =	vadd.f32 v7, v22;
	v22 =	vld [tilespmem:$0x1F9B0]  }
0x3b9: {  	v20 =	vmul.f32 v20, v28;
	v18 =	vld [tilespmem:s0+$0x4B20]  }
0x3ba: {  	v21 =	vmul.f32 v12, v15;
	v15 =	vld [tilespmem:s0+$0x4B30]  }
0x3bb: {  	v12 =	vld [tilespmem:s0+$0x3360];
	v10 =	vmul.f32 v10, v44;
	v6 =	vadd.f32 v9, v20  }
0x3bc: {  	v9 =	vadd.f32 v16, v17;
	v16 =	vld [tilespmem:s0+$0x4B40];
	v8 =	vmul.f32 v8, v14;
	v11 =	vmul.f32 v33, v34  }
0x3bd: {  	v5 =	vpop (erf);
	v14 =	vld [tilespmem:s0+$0x3350]  }
0x3be: {  	v1 =	vbroadcast v1, $0xF;
	v13 =	vpop (erf);
	v33 =	vld [tilespmem:s0+$0x3340];
	v44 =	vadd.f32 v8, v10;
	v20 =	vadd.f32 v11, v21  }
0x3bf: {  	v2 =	vadd.f32 v2, v40;
	v21 =	vadd.f32 v23, v24;
	v23 =	vmul.f32 v13, v22;
	v24 =	vld [tilespmem:$0x1F9C0]  }
0x3c0: {  	v0 =	vbroadcast v0, $0xF;
	(erf) = vpow2.f32 v1;
	v1 =	vadd.f32 v20, v44;
	v44 =	vld [tilespmem:$0x1F9D0]  }
0x3c1: {  	v6 =	vadd.f32 v9, v6;
	v9 =	vmul.f32 $2.000000030e-01, v2;
	v8 =	vadd.f32 v18, v38;
	[tilespmem:s10+$0x3300] =	vst v23;
	v23 =	vld [tilespmem:$0x1F9E0]  }
0x3c2: {  	v3 =	vmov s2;
	(erf) = vpow2.f32 v0;
	v17 =	vadd.f32 v51, v47;
	v22 =	vld [tilespmem:$0x1F9F0]  }
0x3c3: {  	v34 =	vld [tilespmem:s0+$0x3330];
	v10 =	vand.u32 $0xFFFFFFF4, v3;
	v2 =	vmax.f32 v2, v9;
	v11 =	vmul.f32 $2.000000030e-01, v8  }
0x3c4: {  	v9 =	vld [tilespmem:$0x1FFA0];
	v0 =	vadd.f32 v7, v21;
	v1 =	vadd.f32 v1, v6;
	v6 =	vbroadcast v10, $0x0  }
0x3c5: {  	v20 =	vld [tilespmem:s0+$0x4B60];
	v16 =	vadd.f32 v16, v33;
	v43 =	vmul.f32 v13, v24;
	v51 =	vmul.f32 v13, v44  }
0x3c6: {  	v21 =	vld [tilespmem:s0+$0x4B70];
	(xrf2) =	vadd.scan.msk.f32 $0xffff, v0;
	v24 =	vmul.f32 $2.000000030e-01, v17;
	v7 =	vmul.f32 v13, v23  }
0x3c7: {  	v0 =	vmax.f32 v8, v11;
	v10 =	vld [tilespmem:$0x1FFB0];
	v11 =	vmul.f32 $2.000000030e-01, v16;
	v23 =	vmul.f32 v13, v22;
	[tilespmem:s10+$0x3320] =	vst v51  }
0x3c8: {  	[tilespmem:s10+$0x3330] =	vst v7;
	v7 =	vmax.f32 v17, v24;
	v24 =	vld [tilespmem:$0x1FA00]  }
0x3c9: {  	v51 =	vmul.f32 v13, v42;
	[tilespmem:s10+$0x3350] =	vst v23;
	v23 =	vmax.f32 v16, v11;
	v11 =	vld [tilespmem:$0x1FFC0]  }
0x3ca: {  	v42 =	vld [tilespmem:s0+$0x3370]  }
0x3cb: {  	v15 =	vadd.f32 v15, v34;
	[tilespmem:s10+$0x3340] =	vst v51;
	v51 =	vld [tilespmem:$0x1FA10]  }
0x3cc: {  	s2 =	sor.u32 $0xD, s1;
	[tilespmem:s10+$0x3310] =	vst v43;
	v43 =	vadd.f32 v19, v14;
	v19 =	vadd.f32 v20, v12;
	v20 =	vld [tilespmem:$0x1FA20]  }
0x3cd: {  	s14 =	sshll.u32 s2, $0x7;
	(xrf2) =	vadd.scan.msk.f32 $0xffff, v1;
	v44 =	vmul.f32 $2.000000030e-01, v15;
	v17 =	vld [tilespmem:$0x1FFE0];
	v1 =	vmul.f32 v13, v24  }
0x3ce: {  	v8 =	vmul.f32 v23, v11;
	v11 =	vld [tilespmem:s14+$0x3300]  }
0x3cf: {  	v21 =	vadd.f32 v21, v42;
	v24 =	vmul.f32 $2.000000030e-01, v19;
	[tilespmem:s10+$0x3360] =	vst v1;
	v1 =	vmax.f32 v15, v44;
	v44 =	vld [tilespmem:$0x1FF90]  }
0x3d0: {  	v4 =	vmul.f32 v13, v51;
	v15 =	vld [tilespmem:$0x1FFD0]  }
0x3d1: {  	v51 =	vmul.f32 $2.000000030e-01, v21;
	v16 =	vmax.f32 v19, v24;
	v19 =	vld [tilespmem:$0x1FFF0]  }
0x3d2: {  	v22 =	vmul.f32 $2.000000030e-01, v43;
	v18 =	vmul.f32 v16, v17;
	v17 =	vld [tilespmem:s14+$0x4B10];
	[tilespmem:s10+$0x3370] =	vst v4  }
0x3d3: {  	v0 =	vmul.f32 v0, v9;
	[tilespmem:v6+s19+$0x0] =	vst.idx.msk $0x1, v13;
	v13 =	vmax.f32 v21, v51;
	v21 =	vld [tilespmem:$0x1FA30]  }
0x3d4: {  	v7 =	vmul.f32 v7, v28;
	v43 =	vmax.f32 v43, v22;
	v1 =	vmul.f32 v1, v10;
	v51 =	vld [tilespmem:$0x1FA50]  }
0x3d5: {  	v2 =	vmul.f32 v2, v44;
	v6 =	vmul.f32 v43, v15;
	v43 =	vld [tilespmem:$0x1FA40]  }
0x3d6: {  	v23 =	vmov s31;
	v10 =	vld [tilespmem:s14+$0x3360];
	v13 =	vmul.f32 v13, v19;
	v15 =	vpop (erf)  }
0x3d7: {  	v0 =	vadd.f32 v1, v0;
	v1 =	vmul.f32 v15, v20;
	v20 =	vld [tilespmem:s14+$0x4B00];
	v2 =	vadd.f32 v2, v7  }
0x3d8: {  	v7 =	vadd.f32 v13, v18;
	v18 =	vand.u32 $0xFFFFFFF5, v23;
	v23 =	vld [tilespmem:$0x1FA70];
	v22 =	vmul.f32 v15, v21  }
0x3d9: {  	[tilespmem:s28+$0x3300] =	vst v1;
	v4 =	vmul.f32 v15, v51;
	v51 =	vld [tilespmem:$0x1FA60]  }
0x3da: {  	v0 =	vadd.f32 v0, v2;
	v2 =	vbroadcast v18, $0x0;
	v18 =	vld [tilespmem:s14+$0x4B30];
	v13 =	vmul.f32 v15, v43;
	[tilespmem:s28+$0x3310] =	vst v22  }
0x3db: {  	v44, _, _ =	vpop (xrf2);
	v43 =	vmul.f32 v15, v57;
	[tilespmem:s28+$0x3330] =	vst v4;
	v22 =	vmul.f32 v15, v58;
	v58 =	vld [tilespmem:s14+$0x3320]  }
0x3dc: {  	v16 =	vmul.f32 $1.442695020e+00, v44;
	v24, _, _ =	vpop (xrf2);
	v6 =	vadd.f32 v6, v8;
	[tilespmem:s28+$0x3320] =	vst v13;
	v13 =	vld [tilespmem:s14+$0x4B20]  }
0x3dd: {  	v19 =	vmul.f32 $1.442695020e+00, v24;
	[tilespmem:s28+$0x3340] =	vst v43;
	v24 =	vmul.f32 v15, v23;
	v43 =	vld [tilespmem:$0x1FA80]  }
0x3de: {  	v6 =	vadd.f32 v7, v6;
	v7 =	vpop (erf);
	[tilespmem:s28+$0x3360] =	vst v22;
	v22 =	vld [tilespmem:$0x1FA90];
	v3 =	vmul.f32 v15, v51  }
0x3df: {  	v44 =	vbroadcast v16, $0xF;
	v51 =	vmul.f32 v7, v56;
	v56 =	vld [tilespmem:s14+$0x3330];
	[tilespmem:s28+$0x3370] =	vst v24  }
0x3e0: {  	v21 =	vbroadcast v19, $0xF;
	v24 =	vld [tilespmem:$0x1FAB0];
	[tilespmem:s28+$0x3350] =	vst v3  }
0x3e1: {  	(erf) = vpow2.f32 v44;
	v0 =	vadd.f32 v6, v0;
	v23 =	vld [tilespmem:$0x1FAA0];
	v8 =	vmul.f32 v7, v49;
	[tilespmem:v2+s19+$0x0] =	vst.idx.msk $0x1, v15  }
0x3e2: {  	v1 =	vmov s11;
	v57 =	vld [tilespmem:s14+$0x3310];
	(erf) = vpow2.f32 v21;
	v44 =	vmul.f32 v7, v43;
	[tilespmem:s3+$0x3310] =	vst v51  }
0x3e3: {  	v21 =	vld [tilespmem:s14+$0x4B40];
	v16 =	vmul.f32 v7, v50;
	(xrf2) =	vadd.scan.msk.f32 $0xffff, v0;
	v0 =	vmul.f32 v7, v22;
	[tilespmem:s3+$0x3360] =	vst v8  }
0x3e4: {  	v50 =	vld [tilespmem:s14+$0x3350];
	v13 =	vadd.f32 v13, v58;
	[tilespmem:s3+$0x3300] =	vst v44;
	v44 =	vadd.f32 v20, v11;
	v20 =	vand.u32 $0xFFFFFFF6, v1  }
0x3e5: {  	v15 =	vmul.f32 v7, v54;
	v54 =	vld [tilespmem:s14+$0x3340];
	[tilespmem:s3+$0x3370] =	vst v16;
	v18 =	vadd.f32 v18, v56;
	v43 =	vmul.f32 v7, v24  }
0x3e6: {  	v49 =	vpop (erf);
	v6 =	vmul.f32 v7, v23;
	v23 =	vld [tilespmem:s14+$0x4B50];
	[tilespmem:s3+$0x3320] =	vst v0;
	v9 =	vmul.f32 $2.000000030e-01, v13  }
0x3e7: {  	v0 =	vbroadcast v20, $0x0;
	v51 =	vmul.f32 $2.000000030e-01, v18;
	[tilespmem:s3+$0x3340] =	vst v43;
	v43 =	vld [tilespmem:s14+$0x4B60];
	v20 =	vpop (erf)  }
0x3e8: {  	[tilespmem:s3+$0x3350] =	vst v15;
	v8 =	vmax.f32 v13, v9;
	v9 =	vmov s20;
	v15 =	vmul.f32 v20, v25;
	v25 =	vld [tilespmem:s14+$0x3370]  }
0x3e9: {  	s15 =	sor.u32 $0xE, s1;
	[tilespmem:s3+$0x3330] =	vst v6;
	v16 =	vmax.f32 v18, v51;
	v6 =	vmul.f32 v20, v53;
	v19 =	vmul.f32 v20, v52;
	v53 =	vld [tilespmem:s14+$0x4B70]  }
0x3ea: {  	s20 =	sshll.u32 s15, $0x7;
	v52 =	vmul.f32 v20, v36;
	v18 =	vmul.f32 v20, v30;
	v36 =	vand.u32 $0xFFFFFFF8, v9;
	v9 =	vld [tilespmem:$0x1FF90]  }
0x3eb: {  	[tilespmem:s7+$0x3320] =	vst v15;
	v15 =	vld [tilespmem:s20+$0x3300]  }
0x3ec: {  	v17 =	vadd.f32 v17, v57;
	[tilespmem:s7+$0x3350] =	vst v18;
	v18 =	vld [tilespmem:$0x1FFA0]  }
0x3ed: {  	v23 =	vadd.f32 v23, v50;
	v24 =	vmul.f32 v20, v29;
	[tilespmem:s7+$0x3310] =	vst v19;
	v19 =	vld [tilespmem:$0x1FFB0]  }
0x3ee: {  	v4 =	vmul.f32 $2.000000030e-01, v17;
	[tilespmem:s7+$0x3300] =	vst v6;
	v6 =	vbroadcast v36, $0x0;
	v36 =	vld [tilespmem:$0x1FFC0]  }
0x3ef: {  	v30 =	vmul.f32 $2.000000030e-01, v23;
	[tilespmem:s7+$0x3360] =	vst v24;
	v24 =	vld [tilespmem:s20+$0x4B10];
	v51 =	vadd.f32 v43, v10  }
0x3f0: {  	v17 =	vmax.f32 v17, v4;
	v3 =	vmul.f32 $2.000000030e-01, v44;
	v43 =	vld [tilespmem:$0x1FFD0]  }
0x3f1: {  	[tilespmem:s7+$0x3330] =	vst v52;
	v29 =	vadd.f32 v53, v25;
	v52 =	vmul.f32 $2.000000030e-01, v51;
	v53 =	vmax.f32 v23, v30;
	v30 =	vld [tilespmem:s20+$0x4B00]  }
0x3f2: {  	v2 =	vmax.f32 v44, v3;
	v3 =	vadd.f32 v21, v54;
	v23 =	vmul.f32 v17, v9;
	v17 =	vld [tilespmem:s20+$0x3310]  }
0x3f3: {  	[tilespmem:v0+s19+$0x0] =	vst.idx.msk $0x1, v7;
	v0 =	vmul.f32 v20, v27;
	v27, _, _ =	vpop (xrf2);
	v13 =	vmax.f32 v51, v52;
	v51 =	vld [tilespmem:$0x1FFE0]  }
0x3f4: {  	v2 =	vmul.f32 v2, v28;
	v44 =	vmul.f32 $1.442695020e+00, v27;
	v52 =	vld [tilespmem:$0x1FFF0]  }
0x3f5: {  	v27 =	vmul.f32 $2.000000030e-01, v3;
	v8 =	vmul.f32 v8, v18;
	v18 =	vld [tilespmem:s20+$0x3320]  }
0x3f6: {  	v22 =	vmul.f32 v20, v32;
	v2 =	vadd.f32 v23, v2;
	v23 =	vld [tilespmem:$0x1FAC0]  }
0x3f7: {  	v21 =	vbroadcast v44, $0xF;
	v7 =	vmax.f32 v3, v27;
	v16 =	vmul.f32 v16, v19;
	v19 =	vld [tilespmem:s20+$0x3330]  }
0x3f8: {  	[tilespmem:s7+$0x3340] =	vst v22;
	v7 =	vmul.f32 v7, v36;
	v36 =	vld [tilespmem:$0x1FAE0]  }
0x3f9: {  	[tilespmem:s7+$0x3370] =	vst v0;
	(erf) = vpow2.f32 v21;
	v21 =	vld [tilespmem:s20+$0x4B30]  }
0x3fa: {  	v27 =	vmul.f32 $2.000000030e-01, v29;
	[tilespmem:v6+s19+$0x0] =	vst.idx.msk $0x1, v20;
	v20 =	vld [tilespmem:s20+$0x3350]  }
0x3fb: {  	v22 =	vadd.f32 v16, v8;
	v8 =	vld [tilespmem:s20+$0x4B20]  }
0x3fc: {  	v32 =	vmax.f32 v29, v27;
	v29 =	vadd.f32 v30, v15;
	v30 =	vld [tilespmem:s20+$0x4B40]  }
0x3fd: {  	v44 =	vmul.f32 v53, v43;
	v53 =	vmul.f32 v32, v52;
	v32 =	vld [tilespmem:$0x1FAD0]  }
0x3fe: {  	v52 =	vadd.f32 v22, v2;
	v22 =	vld [tilespmem:s20+$0x3340]  }
0x3ff: {  	v7 =	vadd.f32 v44, v7;
	v16 =	vpop (erf);
	v6 =	vmul.f32 v5, v36;
	v36 =	vld [tilespmem:s20+$0x4B50]  }
0x400: {  	v0 =	vmul.f32 v13, v51;
	v44 =	vmul.f32 v16, v59;
	v59 =	vadd.f32 v24, v17;
	v24 =	vld [tilespmem:s20+$0x3360]  }
0x401: {  	v13 =	vmul.f32 v5, v23;
	v27 =	vmul.f32 v16, v37;
	v37 =	vld [tilespmem:s20+$0x4B60]  }
0x402: {  	v43 =	vmul.f32 v16, v60;
	v51 =	vmul.f32 v16, v55;
	v60 =	vmov s21;
	v23 =	vld [tilespmem:s20+$0x3370]  }
0x403: {  	v55 =	vmul.f32 v16, v26;
	v1 =	vand.u32 $0xFFFFFFF9, v60;
	v60 =	vld [tilespmem:$0x1FB10]  }
0x404: {  	v3 =	vmul.f32 $2.000000030e-01, v29;
	[tilespmem:s18+$0x3320] =	vst v51;
	v51 =	vld [tilespmem:$0x1FAF0]  }
0x405: {  	v0 =	vadd.f32 v53, v0;
	v4 =	vmul.f32 $2.000000030e-01, v59;
	[tilespmem:s18+$0x3340] =	vst v55;
	v55 =	vmul.f32 v16, v35;
	v35 =	vld [tilespmem:s20+$0x4B70]  }
0x406: {  	v21 =	vadd.f32 v21, v19;
	[tilespmem:s18+$0x3330] =	vst v27;
	v27 =	vmax.f32 v29, v3;
	v29 =	vmul.f32 v16, v41;
	v41 =	vld [tilespmem:$0x1FB30]  }
0x407: {  	s28 =	sor.u32 $0xF, s1;
	[tilespmem:s18+$0x3300] =	vst v43;
	v53 =	vadd.f32 v0, v7;
	v0 =	vmax.f32 v59, v4;
	v59 =	vld [tilespmem:$0x1FB00]  }
0x408: {  	s30 =	sshll.u32 s28, $0x7;
	[tilespmem:s18+$0x3310] =	vst v44;
	v8 =	vadd.f32 v8, v18;
	v43 =	vmul.f32 v16, v39;
	v44 =	vmul.f32 $2.000000030e-01, v21;
	v4 =	vld [tilespmem:$0x1FB20]  }
0x409: {  	v7 =	vbroadcast v1, $0x0;
	v1 =	vld [tilespmem:s30+$0x4B50]  }
0x40a: {  	v9 =	vmul.f32 $2.000000030e-01, v8;
	[tilespmem:s18+$0x3360] =	vst v43;
	v26 =	vmax.f32 v21, v44;
	v21 =	vld [tilespmem:s30+$0x3300];
	v43 =	vmul.f32 v5, v60  }
0x40b: {  	v2 =	vmul.f32 v5, v32;
	v60 =	vld [tilespmem:$0x1FB50]  }
0x40c: {  	v8 =	vmax.f32 v8, v9;
	v9 =	vadd.f32 v30, v22;
	v30 =	vmov s24;
	[tilespmem:s17+$0x3350] =	vst v43;
	v43 =	vld [tilespmem:$0x1FFA0]  }
0x40d: {  	[tilespmem:s18+$0x3350] =	vst v29;
	v29 =	vmul.f32 v5, v51;
	v44 =	vand.u32 $0xFFFFFFF3, v30;
	v39 =	vmul.f32 v5, v59;
	v59 =	vld [tilespmem:$0x1FB40]  }
0x40e: {  	[tilespmem:s18+$0x3370] =	vst v55;
	v51 =	vadd.f32 v37, v24;
	v55 =	vmul.f32 $2.000000030e-01, v9;
	v32 =	vmul.f32 v5, v4;
	v4 =	vld [tilespmem:$0x1FB60]  }
0x40f: {  	[tilespmem:v7+s19+$0x0] =	vst.idx.msk $0x1, v16;
	v7 =	vmul.f32 v5, v41;
	v41 =	vbroadcast v44, $0x0;
	v44 =	vld [tilespmem:$0x1FFB0]  }
0x410: {  	[tilespmem:s17+$0x3320] =	vst v6;
	v30 =	vadd.f32 v36, v20;
	v37 =	vmul.f32 $2.000000030e-01, v51;
	v6 =	vmax.f32 v9, v55;
	v55 =	vld [tilespmem:$0x1FB70]  }
0x411: {  	[tilespmem:s17+$0x3340] =	vst v39;
	v39 =	vld [tilespmem:$0x1FF90]  }
0x412: {  	[tilespmem:s17+$0x3300] =	vst v13;
	v36 =	vmul.f32 $2.000000030e-01, v30;
	v13 =	vmax.f32 v51, v37;
	v37 =	vld [tilespmem:s30+$0x4B00]  }
0x413: {  	v16 =	vmul.f32 v49, v60;
	v60 =	vld [tilespmem:$0x1FB90]  }
0x414: {  	[tilespmem:s17+$0x3330] =	vst v29;
	v29 =	vmax.f32 v30, v36;
	v36 =	vld [tilespmem:$0x1FFC0]  }
0x415: {  	v35 =	vadd.f32 v35, v23;
	v8 =	vmul.f32 v8, v43;
	v43 =	vld [tilespmem:s30+$0x4B10]  }
0x416: {  	[tilespmem:s17+$0x3310] =	vst v2;
	v2 =	vmul.f32 v49, v59;
	v59 =	vld [tilespmem:$0x1FB80]  }
0x417: {  	v9 =	vmul.f32 $2.000000030e-01, v35;
	v30 =	vmul.f32 v49, v4;
	v4 =	vld [tilespmem:$0x1FBA0]  }
0x418: {  	v51 =	vmul.f32 v26, v44;
	v26 =	vld [tilespmem:s30+$0x3310]  }
0x419: {  	v35 =	vmax.f32 v35, v9;
	[tilespmem:s17+$0x3370] =	vst v7;
	v9 =	vmov s16;
	v7 =	vmul.f32 v49, v60;
	v60 =	vld [tilespmem:$0x1FFE0]  }
0x41a: {  	[tilespmem:s5+$0x3300] =	vst v2;
	v2 =	vand.u32 $0xFFFFFFF7, v9;
	v9 =	vld [tilespmem:$0x1FFF0]  }
0x41b: {  	[tilespmem:s17+$0x3360] =	vst v32;
	v6 =	vmul.f32 v6, v36;
	v36 =	vld [tilespmem:s30+$0x4B30]  }
0x41c: {  	v32 =	vmul.f32 v49, v55;
	[tilespmem:s5+$0x3320] =	vst v30;
	v30 =	vld [tilespmem:s30+$0x3340]  }
0x41d: {  	v27 =	vmul.f32 v27, v28;
	v0 =	vmul.f32 v0, v39;
	v8 =	vadd.f32 v51, v8;
	v51 =	vld [tilespmem:$0x1FFD0]  }
0x41e: {  	[tilespmem:s5+$0x3330] =	vst v32;
	v32 =	vld [tilespmem:$0x1FBC0]  }
0x41f: {  	v0 =	vadd.f32 v0, v27;
	v27 =	vld [tilespmem:s30+$0x3320]  }
0x420: {  	v39 =	vmul.f32 v49, v59;
	v59 =	vld [tilespmem:$0x1FBB0]  }
0x421: {  	v44 =	vmul.f32 v49, v4;
	v4 =	vadd.f32 v8, v0;
	v0 =	vld [tilespmem:s30+$0x4B60]  }
0x422: {  	[tilespmem:s5+$0x3340] =	vst v39;
	v39 =	vld [tilespmem:$0x1FBD0]  }
0x423: {  	v13 =	vmul.f32 v13, v60;
	v60 =	vld [tilespmem:$0x1FBE0]  }
0x424: {  	v8 =	vpop (erf);
	v35 =	vmul.f32 v35, v9;
	v9 =	vbroadcast v2, $0x0;
	[tilespmem:s5+$0x3360] =	vst v44;
	v44 =	vld [tilespmem:$0x1FC00]  }
0x425: {  	v55 =	vmul.f32 v29, v51;
	v51 =	vld [tilespmem:s30+$0x4B20];
	v2 =	vmul.f32 v8, v63  }
0x426: {  	[tilespmem:s5+$0x3310] =	vst v16;
	v16 =	vmul.f32 v49, v59;
	v59 =	vmul.f32 v8, v32;
	v32 =	vld [tilespmem:$0x1FBF0]  }
0x427: {  	v52 =	vadd.f32 v53, v52;
	v62 =	vmul.f32 v8, v62;
	v13 =	vadd.f32 v35, v13;
	v35 =	vld [tilespmem:s30+$0x4B40]  }
0x428: {  	v37 =	vadd.f32 v37, v21;
	v29 =	vld [tilespmem:s30+$0x3330];
	v6 =	vadd.f32 v55, v6;
	[tilespmem:s8+$0x3340] =	vst v2;
	v39 =	vmul.f32 v8, v39  }
0x429: {  	v3 =	vmul.f32 v8, v31;
	v31 =	vld [tilespmem:s30+$0x3360];
	v55 =	vmov s4;
	[tilespmem:s8+$0x3360] =	vst v62;
	v60 =	vmul.f32 v8, v60  }
0x42a: {  	v53 =	vmul.f32 $2.000000030e-01, v37;
	v55 =	vand.u32 $0xFFFFFFFA, v55;
	v6 =	vadd.f32 v13, v6;
	[tilespmem:s8+$0x3310] =	vst v39;
	v39 =	vld [tilespmem:s30+$0x3370]  }
0x42b: {  	v55 =	vbroadcast v55, $0x0;
	v13 =	vpop (erf);
	v51 =	vadd.f32 v51, v27;
	[tilespmem:s8+$0x3320] =	vst v60;
	v60 =	vld [tilespmem:s30+$0x4B70];
	v32 =	vmul.f32 v8, v32  }
0x42c: {  	v63 =	vld [tilespmem:s30+$0x3350];
	[tilespmem:s8+$0x3370] =	vst v3;
	v35 =	vadd.f32 v35, v30;
	v3 =	vmul.f32 v13, v61  }
0x42d: {  	v61 =	vld [tilespmem:$0x1FFA0];
	[tilespmem:s8+$0x3330] =	vst v32;
	v32 =	vadd.f32 v36, v29;
	v36 =	vmax.f32 v37, v53;
	v37 =	vmul.f32 $2.000000030e-01, v51  }
0x42e: {  	(xrf2) =	vadd.scan.msk.f32 $0xffff, v52;
	v43 =	vadd.f32 v43, v26;
	v44 =	vmul.f32 v8, v44;
	[tilespmem:s5+$0x3370] =	vst v16;
	v53 =	vld [tilespmem:$0x1FF90]  }
0x42f: {  	v62 =	vld [tilespmem:$0x1FFB0];
	[tilespmem:s8+$0x3300] =	vst v59;
	v0 =	vadd.f32 v0, v31;
	v37 =	vmax.f32 v51, v37;
	v51 =	vmul.f32 $2.000000030e-01, v35  }
0x430: {  	v59 =	vld [tilespmem:$0x1FC10];
	v4 =	vadd.f32 v6, v4;
	v6 =	vmul.f32 $2.000000030e-01, v43;
	[tilespmem:s8+$0x3350] =	vst v44;
	v44 =	vadd.f32 v60, v39  }
0x431: {  	v16 =	vld [tilespmem:$0x1FC20];
	[tilespmem:v55+s19+$0x0] =	vst.idx.msk $0x1, v8;
	v8 =	vmul.f32 v13, v48;
	v35 =	vmax.f32 v35, v51;
	v51 =	vmul.f32 $2.000000030e-01, v0  }
0x432: {  	v2 =	vmax.f32 v43, v6;
	v48 =	vmul.f32 v37, v61;
	v37 =	vld [tilespmem:$0x1FFE0];
	v55 =	vmul.f32 $2.000000030e-01, v44  }
0x433: {  	v36 =	vmul.f32 v36, v28;
	v2 =	vmul.f32 v2, v53;
	v0 =	vmax.f32 v0, v51;
	v51 =	vld [tilespmem:$0x1FFC0]  }
0x434: {  	v60 =	vmax.f32 v44, v55;
	v55 =	vld [tilespmem:$0x1FC30]  }
0x435: {  	v1 =	vadd.f32 v1, v63;
	v6 =	vmul.f32 $2.000000030e-01, v32;
	v2 =	vadd.f32 v2, v36;
	v36 =	vld [tilespmem:$0x1FFD0]  }
0x436: {  	[tilespmem:v41+s19+$0x0] =	vst.idx.msk $0x1, v5;
	v46 =	vmul.f32 v13, v46;
	v44 =	vld [tilespmem:$0x1FFF0]  }
0x437: {  	[tilespmem:s5+$0x3350] =	vst v7;
	v59 =	vmul.f32 v13, v59;
	v6 =	vmax.f32 v32, v6;
	v32 =	vmul.f32 $2.000000030e-01, v1  }
0x438: {  	[tilespmem:v9+s19+$0x0] =	vst.idx.msk $0x1, v49;
	v45 =	vmul.f32 v13, v45;
	v16 =	vmul.f32 v13, v16  }
0x439: {  	(xrf2) =	vadd.scan.msk.f32 $0xffff, v4;
	v6 =	vmul.f32 v6, v62;
	v1 =	vmax.f32 v1, v32;
	v4 =	vmul.f32 v35, v51  }
0x43a: {  	[tilespmem:s6+$0x3300] =	vst v59;
	v32 =	vmul.f32 v13, v55;
	v1 =	vmul.f32 v1, v36  }
0x43b: {  	[tilespmem:s6+$0x3310] =	vst v16;
	v59, _, _ =	vpop (xrf2);
	v0 =	vmul.f32 v0, v37;
	v16 =	vmul.f32 v60, v44  }
0x43c: {  	[tilespmem:s6+$0x3320] =	vst v46;
	v1 =	vadd.f32 v1, v4;
	v4 =	vmul.f32 $1.442695020e+00, v59  }
0x43d: {  	[tilespmem:s6+$0x3330] =	vst v45;
	v6 =	vadd.f32 v6, v48;
	v0 =	vadd.f32 v16, v0  }
0x43e: {  	[tilespmem:s6+$0x3360] =	vst v32;
	v32 =	vpop (erf);
	v4 =	vbroadcast v4, $0xF  }
0x43f: {  	[tilespmem:s6+$0x3340] =	vst v3;
	v2 =	vadd.f32 v6, v2;
	v0 =	vadd.f32 v0, v1;
	v41 =	vmul.f32 v32, v47  }
0x440: {  	v7 =	vmov s13;
	[tilespmem:s6+$0x3350] =	vst v8;
	v43 =	vmul.f32 v32, v40;
	(erf) = vpow2.f32 v4  }
0x441: {  	v7 =	vand.u32 $0xFFFFFFFB, v7;
	v16 =	vld [tilespmem:$0x1FC40];
	v46 =	vmul.f32 v32, v38;
	v0 =	vadd.f32 v0, v2;
	[tilespmem:s0+$0x3300] =	vst v41  }
0x442: {  	v60 =	vbroadcast v7, $0x0;
	v48 =	vmul.f32 v32, v34;
	[tilespmem:s0+$0x3310] =	vst v43  }
0x443: {  	v45, _, _ =	vpop (xrf2);
	v47 =	vmov s12;
	v49 =	vmul.f32 v32, v33;
	[tilespmem:s0+$0x3320] =	vst v46;
	(xrf2) =	vadd.scan.msk.f32 $0xffff, v0  }
0x444: {  	v3 =	vmul.f32 $1.442695020e+00, v45;
	v51 =	vmul.f32 v32, v14;
	v4 =	vand.u32 $0xFFFFFFFC, v47;
	[tilespmem:s0+$0x3330] =	vst v48  }
0x445: {  	v55 =	vmul.f32 v32, v12;
	[tilespmem:s0+$0x3340] =	vst v49;
	v4 =	vbroadcast v4, $0x0  }
0x446: {  	v7 =	vmul.f32 v13, v16;
	[tilespmem:s0+$0x3350] =	vst v51  }
0x447: {  	v3 =	vbroadcast v3, $0xF;
	[tilespmem:s0+$0x3360] =	vst v55  }
0x448: {  	v59 =	vmul.f32 v32, v42;
	[tilespmem:s6+$0x3370] =	vst v7  }
0x449: {  	[tilespmem:v60+s19+$0x0] =	vst.idx.msk $0x1, v13;
	v60 =	vpop (erf);
	(erf) = vpow2.f32 v3  }
0x44a: {  	[tilespmem:s0+$0x3370] =	vst v59;
	v8 =	vmul.f32 v60, v11  }
0x44b: {  	[tilespmem:v4+s19+$0x0] =	vst.idx.msk $0x1, v32;
	v9 =	vmul.f32 v60, v57  }
0x44c: {  	v13 =	vmov s2;
	v12 =	vmul.f32 v60, v58;
	[tilespmem:s14+$0x3300] =	vst v8  }
0x44d: {  	v3 =	vand.u32 $0xFFFFFFFD, v13;
	v14 =	vmul.f32 v60, v56;
	v16 =	vmul.f32 v60, v54;
	v11, _, _ =	vpop (xrf2);
	[tilespmem:s14+$0x3310] =	vst v9  }
0x44e: {  	v3 =	vbroadcast v3, $0x0;
	[tilespmem:s14+$0x3320] =	vst v12;
	v2 =	vmul.f32 $1.442695020e+00, v11  }
0x44f: {  	v32 =	vmul.f32 v60, v50;
	[tilespmem:s14+$0x3330] =	vst v14  }
0x450: {  	v33 =	vmul.f32 v60, v10;
	[tilespmem:s14+$0x3340] =	vst v16;
	v2 =	vbroadcast v2, $0xF  }
0x451: {  	v34 =	vmul.f32 v60, v25;
	[tilespmem:s14+$0x3350] =	vst v32  }
0x452: {  	[tilespmem:s14+$0x3360] =	vst v33;
	v38 =	vpop (erf);
	(erf) = vpow2.f32 v2  }
0x453: {  	[tilespmem:s14+$0x3370] =	vst v34;
	v40 =	vmul.f32 v38, v15  }
0x454: {  	[tilespmem:v3+s19+$0x0] =	vst.idx.msk $0x1, v60;
	v41 =	vmul.f32 v38, v17  }
0x455: {  	v43 =	vmov s15;
	v42 =	vmul.f32 v38, v18;
	[tilespmem:s20+$0x3300] =	vst v40  }
0x456: {  	v2 =	vand.u32 $0xFFFFFFFE, v43;
	v45 =	vmul.f32 v38, v19;
	[tilespmem:s20+$0x3310] =	vst v41  }
0x457: {  	v46 =	vmul.f32 v38, v22;
	v2 =	vbroadcast v2, $0x0;
	[tilespmem:s20+$0x3320] =	vst v42  }
0x458: {  	v47 =	vmul.f32 v38, v20;
	[tilespmem:s20+$0x3330] =	vst v45  }
0x459: {  	v48 =	vmul.f32 v38, v24;
	[tilespmem:s20+$0x3340] =	vst v46  }
0x45a: {  	v49 =	vmul.f32 v38, v23;
	[tilespmem:s20+$0x3350] =	vst v47  }
0x45b: {  	[tilespmem:s20+$0x3360] =	vst v48;
	v50 =	vpop (erf)  }
0x45c: {  	[tilespmem:s20+$0x3370] =	vst v49;
	v51 =	vmul.f32 v50, v21  }
0x45d: {  	[tilespmem:v2+s19+$0x0] =	vst.idx.msk $0x1, v38;
	v54 =	vmul.f32 v50, v26  }
0x45e: {  	v55 =	vmul.f32 v50, v27;
	[tilespmem:s30+$0x3300] =	vst v51  }
0x45f: {  	v56 =	vmul.f32 v50, v29;
	[tilespmem:s30+$0x3310] =	vst v54  }
0x460: {  	v57 =	vmul.f32 v50, v30;
	[tilespmem:s30+$0x3320] =	vst v55  }
0x461: {  	p0 =	slt.u32 s1, $0x20;
	v59 =	vmov s28;
	v58 =	vmul.f32 v50, v63;
	[tilespmem:s30+$0x3330] =	vst v56  }
.Ltmp4:
0x462: {  	v60 =	vmul.f32 v50, v31;
	[tilespmem:s30+$0x3340] =	vst v57;
	(pc) =	sbr.rel @p0 .LBB2_7-.Ltmp4, $4  }
0x463: {  	v63 =	vmul.f32 v50, v39;
	[tilespmem:s30+$0x3350] =	vst v58  }
0x464: {  	[tilespmem:s30+$0x3360] =	vst v60  }
0x465: {  	s31 =	sadd.s32 $0x10, s1;
	[tilespmem:s30+$0x3370] =	vst v63  }
0x466: {  	s1 =	smov.u32 s31;
	v52 =	vmov v28;
	v35 =	vld [tilespmem:$0x1FFC0];
	[tilespmem:v59+s19+$0x0] =	vst.idx.msk $0x1, v50  }
0x467: {  	s0 =	rddreg [dreg:$0x2];
	s1 =	simm.s32 $0x180;
	s2 =	simm.s32 $0x3300  }
0x468: {  	[spmem:s0] =	stream.indirect.scatter.add.f32 [tilespmem:s2], [sflag:$0x5], $0x80, s1, s29, $0xb8;
	[tilespmem:$0x1D5F8] =	vst v63  }
0x469: {  	s28 =	rddreg [dreg:$0x3];
	s30 =	simm.s32 $0x4  }
0x46a: {  	[spmem:s28] =	stream.indirect.scatter.add.f32 [tilespmem:s19], [sflag:$0x5], $0x1, s1, s29, $0xb8;
	[tilespmem:$0x1D5F8] =	vst v63  }
0x46b: {  	_ =	swait.ge [sflag:s30], $0x1800  }
0x46c: {  	[sflag:s30] =	ssyncset.done $0x0  }
0x46d: {  	[sflag:s30] =	ssyncadd.s32 $0xFFFFE800  }
0x46e: {  	_ =	swait.ge [sflag:s30], $0x30  }
0x46f: {  	s0 =	sld [smem:$0x7F5];
	_ =	sdelay $0x1  }
0x470: {  	p0 =	seq.s32 s9, $0x47  }
0x471: {  	s2 =	simm.s32 @!p0 $0x7;
	s0 =	sadd.s32 @!p0 s23, s0  }
0x472: {  	[sflag:s30] =	ssyncset.done $0x0;
	s1 =	rddreg [dreg:$0x7];
	s0 =	sshrl.u32 @!p0 s0, $0x3  }
0x473: {  	[sflag:s30] =	ssyncadd.s32 $0xFFFFFFD0;
	s0 =	sadd.s32 @!p0 s1, s0;
	s1 =	simm.s32 @!p0 $0x0  }
0x474: {  	[tilespmem:s1], [sflag:$0x7] =	stream.linear.gather @!p0 [hbm4b:s0+s1], $0x30, $0x38;
	[tilespmem:$0x1D5F8] =	vst v63  }
0x475: {  	_ =	swait.ge @!p0 [sflag:s2], $0x30  }
0x476: {  	[sflag:s2] =	ssyncset.done @!p0 $0x0  }
0x477: {  	s3 =	simm.s32 @!p0 $0x80;
	s0 =	sadd.s32 @!p0 $0xA200, s0;
	[sflag:s2] =	ssyncadd.s32 @!p0 $0xFFFFFFD0  }
0x478: {  	[tilespmem:s3], [sflag:$0x7] =	stream.linear.gather @!p0 [hbm4b:s0+s1], $0x30, $0x38;
	[tilespmem:$0x1D5F8] =	vst v63  }
0x479: {  	_ =	swait.ge @!p0 [sflag:s2], $0x30  }
0x47a: {  	s0 =	simm.s32 @!p0 $0x30;
	[sflag:s2] =	ssyncset.done @!p0 $0x0  }
0x47b: {  	s4 =	rddreg [dreg:$0x5];
	[sflag:s2] =	ssyncadd.s32 @!p0 $0xFFFFFFD0;
	s2 =	simm.s32 @!p0 $0x300  }
0x47c: {  	[tilespmem:s2], [sflag:$0x1] =	stream.indirect.gather @!p0 [hbm4b:s4+s0], $0x80, s1, s0, $0xb8;
	[tilespmem:$0x1D5F8] =	vst v63  }
0x47d: {  	s31 =	simm.s32 $0x3;
	s1 =	simm.s32 @!p0 $0x1B00;
	s2 =	rddreg [dreg:$0x6]  }
0x47e: {  	[tilespmem:s1], [sflag:$0x1] =	stream.indirect.gather @!p0 [hbm4b:s2+s0], $0x80, s3, s0, $0xb8;
	[tilespmem:$0x1D5F8] =	vst v63  }
0x47f: {  	_ =	swait.ge [sflag:s31], $0x1800  }
0x480: {  	[sflag:s31] =	ssyncset.done $0x0  }
0x481: {  	[sflag:s31] =	ssyncadd.s32 $0xFFFFE800  }
0x482: {  	_ =	swait.ge [sflag:s31], $0x1800  }
0x483: {  	[sflag:s31] =	ssyncset.done $0x0  }
0x484: {  	s1 =	simm.s32 $0x0;
	[sflag:s31] =	ssyncadd.s32 $0xFFFFE800  }
.LBB2_9:
0x485: {  	s0 =	sshll.u32 s1, $0x7  }
0x486: {  	v0 =	vld [tilespmem:s0+$0x6300]  }
0x487: {  	v1 =	vld [tilespmem:s0+$0x7B00]  }
0x488: {  	v45 =	vld [tilespmem:s0+$0x6310]  }
0x489: {  	v2 =	vld [tilespmem:s0+$0x7B10]  }
0x48a: {  	v48 =	vld [tilespmem:s0+$0x6320]  }
0x48b: {  	v3 =	vld [tilespmem:s0+$0x7B20]  }
0x48c: {  	v46 =	vld [tilespmem:s0+$0x6330]  }
0x48d: {  	v4 =	vld [tilespmem:s0+$0x7B30]  }
0x48e: {  	v9 =	vld [tilespmem:s0+$0x6340]  }
0x48f: {  	v5 =	vld [tilespmem:s0+$0x7B40]  }
0x490: {  	v43 =	vld [tilespmem:s0+$0x6350]  }
0x491: {  	v6 =	vld [tilespmem:s0+$0x7B50]  }
0x492: {  	v22 =	vld [tilespmem:s0+$0x6360]  }
0x493: {  	v7 =	vld [tilespmem:s0+$0x7B60]  }
0x494: {  	s12 =	sor.u32 $0x1, s1;
	v24 =	vld [tilespmem:s0+$0x6370]  }
0x495: {  	v8 =	vld [tilespmem:s0+$0x7B70];
	s15 =	sshll.u32 s12, $0x7  }
0x496: {  	v31 =	vld [tilespmem:s15+$0x6300]  }
0x497: {  	v10 =	vld [tilespmem:s15+$0x7B00]  }
0x498: {  	v27 =	vld [tilespmem:s15+$0x6310]  }
0x499: {  	v11 =	vld [tilespmem:s15+$0x7B10]  }
0x49a: {  	v33 =	vld [tilespmem:s15+$0x6320]  }
0x49b: {  	v12 =	vld [tilespmem:s15+$0x7B20]  }
0x49c: {  	v40 =	vld [tilespmem:s15+$0x6330]  }
0x49d: {  	v13 =	vld [tilespmem:s15+$0x7B30]  }
0x49e: {  	v38 =	vld [tilespmem:s15+$0x6340]  }
0x49f: {  	v14 =	vld [tilespmem:s15+$0x7B40]  }
0x4a0: {  	v34 =	vld [tilespmem:s15+$0x6350]  }
0x4a1: {  	v15 =	vld [tilespmem:s15+$0x7B50]  }
0x4a2: {  	v41 =	vld [tilespmem:s15+$0x6360]  }
0x4a3: {  	v16 =	vld [tilespmem:s15+$0x7B60]  }
0x4a4: {  	s30 =	sor.u32 $0x2, s1;
	v26 =	vld [tilespmem:s15+$0x6370]  }
0x4a5: {  	s14 =	sshll.u32 s30, $0x7;
	v17 =	vld [tilespmem:s15+$0x7B70]  }
0x4a6: {  	v29 =	vld [tilespmem:s14+$0x6300]  }
0x4a7: {  	v18 =	vld [tilespmem:s14+$0x7B00]  }
0x4a8: {  	v30 =	vld [tilespmem:s14+$0x6310]  }
0x4a9: {  	v21 =	vld [tilespmem:s14+$0x7B10]  }
0x4aa: {  	v32 =	vld [tilespmem:s14+$0x6320]  }
0x4ab: {  	v39 =	vld [tilespmem:s14+$0x6330]  }
0x4ac: {  	v42 =	vld [tilespmem:s14+$0x6340]  }
0x4ad: {  	v25 =	vld [tilespmem:s14+$0x7B40];
	v1 =	vadd.f32 v1, v0;
	v2 =	vadd.f32 v2, v45  }
0x4ae: {  	v47 =	vld [tilespmem:s14+$0x6350];
	v3 =	vadd.f32 v3, v48;
	v4 =	vadd.f32 v4, v46  }
0x4af: {  	v49 =	vld [tilespmem:s14+$0x6360];
	v5 =	vadd.f32 v5, v9;
	v6 =	vadd.f32 v6, v43  }
0x4b0: {  	s24 =	sor.u32 $0x3, s1;
	v50 =	vld [tilespmem:s14+$0x6370];
	v7 =	vadd.f32 v7, v22;
	v8 =	vadd.f32 v8, v24  }
0x4b1: {  	s17 =	sshll.u32 s24, $0x7;
	[tilespmem:$0x1F4F0] =	vst v22;
	v22 =	vld [tilespmem:s14+$0x7B30];
	v60 =	vadd.f32 v10, v31;
	v19 =	vmul.f32 $2.000000030e-01, v1;
	v20 =	vmul.f32 $2.000000030e-01, v2  }
0x4b2: {  	[tilespmem:$0x1F510] =	vst v31;
	v63 =	vadd.f32 v11, v27;
	v31 =	vld [tilespmem:s17+$0x6300];
	v55 =	vmul.f32 $2.000000030e-01, v3;
	v56 =	vmul.f32 $2.000000030e-01, v4  }
0x4b3: {  	[tilespmem:$0x1F530] =	vst v33;
	v12 =	vadd.f32 v12, v33;
	v33 =	vld [tilespmem:s17+$0x6310];
	v23 =	vmul.f32 $2.000000030e-01, v5;
	v57 =	vmul.f32 $2.000000030e-01, v6  }
0x4b4: {  	[tilespmem:$0x1F520] =	vst v27;
	v17 =	vadd.f32 v17, v26;
	v10 =	vld [tilespmem:s17+$0x6330];
	v58 =	vmul.f32 $2.000000030e-01, v7;
	v59 =	vmul.f32 $2.000000030e-01, v8  }
0x4b5: {  	[tilespmem:$0x1F570] =	vst v26;
	v16 =	vadd.f32 v16, v41;
	v26 =	vld [tilespmem:s17+$0x7B30];
	v51 =	vmul.f32 $2.000000030e-01, v60;
	v11 =	vmul.f32 $2.000000030e-01, v63  }
0x4b6: {  	[tilespmem:$0x1F560] =	vst v41;
	v27 =	vld [tilespmem:s17+$0x6340];
	v41 =	vmul.f32 $2.000000030e-01, v17;
	v1 =	vmax.f32 v1, v19;
	v2 =	vmax.f32 v2, v20  }
0x4b7: {  	v20 =	vld [tilespmem:s14+$0x7B20];
	v3 =	vmax.f32 v3, v55;
	v4 =	vmax.f32 v4, v56;
	v5 =	vmax.f32 v5, v23  }
0x4b8: {  	v6 =	vmax.f32 v6, v57;
	v7 =	vmax.f32 v7, v58;
	v19 =	vld [tilespmem:s14+$0x7B50];
	v8 =	vmax.f32 v8, v59  }
0x4b9: {  	[tilespmem:$0x1F540] =	vst v40;
	v23 =	vld [tilespmem:s14+$0x7B60];
	v55 =	vmul.f32 $2.000000030e-01, v12;
	v56 =	vadd.f32 v13, v40;
	v40 =	vmul.f32 $2.000000030e-01, v16  }
0x4ba: {  	v57 =	vadd.f32 v14, v38;
	v13 =	vld [tilespmem:s17+$0x7B10];
	v1 =	vmul.f32 v1, v52;
	v2 =	vmul.f32 v2, v53  }
0x4bb: {  	s2 =	sor.u32 $0x4, s1;
	[tilespmem:$0x1F550] =	vst v34;
	v59 =	vadd.f32 v15, v34;
	v34 =	vld [tilespmem:s17+$0x6320];
	v3 =	vmul.f32 v3, v61;
	v4 =	vmul.f32 v4, v62  }
0x4bc: {  	s10 =	sshll.u32 s2, $0x7;
	v5 =	vmul.f32 v5, v35;
	v6 =	vmul.f32 v6, v36;
	v14 =	vmax.f32 v17, v41;
	v17 =	vld [tilespmem:s17+$0x7B70]  }
0x4bd: {  	v7 =	vmul.f32 v7, v37;
	v8 =	vmul.f32 v8, v44;
	v41 =	vld [tilespmem:s10+$0x6320]  }
0x4be: {  	v58 =	vmul.f32 $2.000000030e-01, v56;
	v15 =	vmax.f32 v16, v40;
	v40 =	vld [tilespmem:s10+$0x6310];
	v1 =	vadd.f32 v2, v1  }
0x4bf: {  	[tilespmem:$0x1F500] =	vst v24;
	v14 =	vmul.f32 v14, v44;
	v3 =	vadd.f32 v4, v3;
	v24 =	vadd.f32 v8, v7;
	v8 =	vld [tilespmem:s14+$0x7B70]  }
0x4c0: {  	[tilespmem:$0x1F580] =	vst v29;
	v5 =	vadd.f32 v6, v5;
	v2 =	vmax.f32 v60, v51;
	v51 =	vadd.f32 v18, v29;
	v29 =	vld [tilespmem:s17+$0x6350]  }
0x4c1: {  	[tilespmem:$0x1F590] =	vst v30;
	v4 =	vmax.f32 v63, v11;
	v7 =	vmax.f32 v56, v58;
	v56 =	vadd.f32 v21, v30;
	v30 =	vld [tilespmem:s17+$0x6360]  }
0x4c2: {  	v6 =	vmax.f32 v12, v55;
	v60 =	vmul.f32 $2.000000030e-01, v57;
	v63 =	vmul.f32 $2.000000030e-01, v59;
	v21 =	vld [tilespmem:s10+$0x7B00]  }
0x4c3: {  	v2 =	vmul.f32 v2, v52;
	v4 =	vmul.f32 v4, v53;
	v54 =	vadd.f32 v24, v5;
	v5 =	vld [tilespmem:s17+$0x7B00]  }
0x4c4: {  	v6 =	vmul.f32 v6, v61;
	v1 =	vadd.f32 v3, v1;
	v24 =	vld [tilespmem:s17+$0x7B20];
	v7 =	vmul.f32 v7, v62  }
0x4c5: {  	[tilespmem:$0x1F5A0] =	vst v32;
	v11 =	vmax.f32 v57, v60;
	v12 =	vmax.f32 v59, v63;
	v58 =	vadd.f32 v20, v32;
	v32 =	vld [tilespmem:s17+$0x6370]  }
0x4c6: {  	[tilespmem:$0x1F5B0] =	vst v39;
	v55 =	vmul.f32 $2.000000030e-01, v51;
	v59 =	vadd.f32 v22, v39;
	v63 =	vadd.f32 v25, v42;
	v39 =	vld [tilespmem:s10+$0x6300]  }
0x4c7: {  	v19 =	vadd.f32 v19, v47;
	v20 =	vld [tilespmem:s10+$0x7B20];
	v13 =	vadd.f32 v13, v33;
	v11 =	vmul.f32 v11, v35  }
0x4c8: {  	[tilespmem:$0x1F5C0] =	vst v42;
	v42 =	vld [tilespmem:s10+$0x6340];
	v12 =	vmul.f32 v12, v36;
	v2 =	vadd.f32 v4, v2;
	v57 =	vmul.f32 $2.000000030e-01, v56  }
0x4c9: {  	[tilespmem:$0x1F5D0] =	vst v47;
	v22 =	vld [tilespmem:s10+$0x7B60];
	v3 =	vadd.f32 v54, v1;
	v54 =	vmul.f32 v15, v37;
	v60 =	vmul.f32 $2.000000030e-01, v58  }
0x4ca: {  	[tilespmem:$0x1F720] =	vst v33;
	v33 =	vld [tilespmem:s10+$0x6370];
	v6 =	vadd.f32 v7, v6;
	v25 =	vmul.f32 $2.000000030e-01, v59;
	v47 =	vmul.f32 $2.000000030e-01, v63  }
0x4cb: {  	v4 =	vld [tilespmem:s17+$0x7B40];
	v11 =	vadd.f32 v12, v11;
	v7 =	vmax.f32 v56, v57;
	v8 =	vadd.f32 v8, v50  }
0x4cc: {  	v15 =	vld [tilespmem:s17+$0x7B50];
	v2 =	vadd.f32 v6, v2;
	v1 =	vadd.f32 v14, v54;
	v6 =	vmax.f32 v51, v55  }
0x4cd: {  	v12 =	vld [tilespmem:s17+$0x7B60];
	v7 =	vmul.f32 v7, v53;
	v14 =	vmax.f32 v58, v60;
	v51 =	vadd.f32 v23, v49  }
0x4ce: {  	s31 =	sor.u32 $0x5, s1;
	[tilespmem:$0x1F5E0] =	vst v49;
	v54 =	vmul.f32 $2.000000030e-01, v19;
	v23 =	vld [tilespmem:s10+$0x7B10];
	v16 =	vmax.f32 v63, v47;
	v60 =	vmul.f32 $2.000000030e-01, v13  }
0x4cf: {  	s28 =	sshll.u32 s31, $0x7;
	[tilespmem:$0x1F5F0] =	vst v50;
	v47 =	vld [tilespmem:s10+$0x6330];
	v49 =	vadd.f32 v26, v10;
	v6 =	vmul.f32 v6, v52;
	v14 =	vmul.f32 v14, v61  }
0x4d0: {  	[tilespmem:$0x1F740] =	vst v10;
	v26 =	vld [tilespmem:s28+$0x7B00];
	v16 =	vmul.f32 v16, v35;
	v5 =	vadd.f32 v5, v31;
	v63 =	vadd.f32 v24, v34  }
0x4d1: {  	v10 =	vld [tilespmem:s28+$0x6310];
	[tilespmem:$0x1F600] =	vst v39;
	v56 =	vmul.f32 $2.000000030e-01, v8;
	v17 =	vadd.f32 v17, v32;
	v39 =	vadd.f32 v21, v39  }
0x4d2: {  	[tilespmem:$0x1F710] =	vst v31;
	v31 =	vld [tilespmem:s10+$0x6350];
	v1 =	vadd.f32 v1, v11;
	v11 =	vmax.f32 v59, v25;
	v55 =	vmul.f32 $2.000000030e-01, v51  }
0x4d3: {  	[tilespmem:$0x1F750] =	vst v27;
	v24 =	vld [tilespmem:s28+$0x7B10];
	v19 =	vmax.f32 v19, v54;
	v13 =	vmax.f32 v13, v60;
	v54 =	vmul.f32 $2.000000030e-01, v49  }
0x4d4: {  	[tilespmem:$0x1F730] =	vst v34;
	v21 =	vld [tilespmem:s28+$0x7B50];
	v4 =	vadd.f32 v4, v27;
	v11 =	vmul.f32 v11, v62;
	v57 =	vmul.f32 v19, v36  }
0x4d5: {  	[tilespmem:$0x1F620] =	vst v41;
	v27 =	vld [tilespmem:s10+$0x6360];
	v8 =	vmax.f32 v8, v56;
	v58 =	vmul.f32 $2.000000030e-01, v5;
	v6 =	vadd.f32 v7, v6  }
0x4d6: {  	[tilespmem:$0x1F610] =	vst v40;
	v25 =	vld [tilespmem:s28+$0x6320];
	v50 =	vmul.f32 v13, v53;
	v15 =	vadd.f32 v15, v29;
	v60 =	vmul.f32 $2.000000030e-01, v17  }
0x4d7: {  	[tilespmem:$0x1F760] =	vst v29;
	v19 =	vld [tilespmem:s10+$0x7B30];
	v18 =	vmax.f32 v51, v55;
	v8 =	vmul.f32 v8, v44;
	v51 =	vmul.f32 $2.000000030e-01, v63  }
0x4d8: {  	[tilespmem:$0x1F770] =	vst v30;
	v29 =	vld [tilespmem:s28+$0x6350];
	v2 =	vadd.f32 v1, v2;
	v55 =	vmul.f32 $2.000000030e-01, v4;
	v18 =	vmul.f32 v18, v37  }
0x4d9: {  	(xrf2) =	vadd.scan.msk.f32 $0xffff, v3;
	v59 =	vadd.f32 v11, v14;
	v11 =	vld [tilespmem:s10+$0x7B40];
	v1 =	vadd.f32 v57, v16;
	v5 =	vmax.f32 v5, v58  }
0x4da: {  	[tilespmem:$0x1F780] =	vst v32;
	v16 =	vld [tilespmem:s10+$0x7B70];
	v14 =	vmax.f32 v49, v54;
	v5 =	vmul.f32 v5, v52;
	v13 =	vmax.f32 v63, v51  }
0x4db: {  	[tilespmem:$0x1F660] =	vst v33;
	v40 =	vadd.f32 v23, v40;
	v23 =	vld [tilespmem:s28+$0x6330];
	v58 =	vmul.f32 v14, v62;
	v13 =	vmul.f32 v13, v61  }
0x4dc: {  	v12 =	vadd.f32 v12, v30;
	[tilespmem:$0x1F630] =	vst v47;
	v34 =	vmax.f32 v17, v60;
	v17 =	vld [tilespmem:s28+$0x7B30];
	v8 =	vadd.f32 v8, v18  }
0x4dd: {  	v56 =	vmul.f32 $2.000000030e-01, v15;
	[tilespmem:$0x1F680] =	vst v10;
	v18 =	vld [tilespmem:s10+$0x7B50];
	v5 =	vadd.f32 v50, v5;
	v63 =	vadd.f32 v58, v13  }
0x4de: {  	v49 =	vmul.f32 $2.000000030e-01, v39;
	[tilespmem:$0x1F640] =	vst v31;
	v4 =	vmax.f32 v4, v55;
	v8 =	vadd.f32 v8, v1;
	v1 =	vld [tilespmem:s28+$0x6300]  }
0x4df: {  	v57 =	vmul.f32 $2.000000030e-01, v12;
	[tilespmem:$0x1F650] =	vst v27;
	v5 =	vadd.f32 v63, v5;
	v63 =	vadd.f32 v22, v27;
	v27 =	vld [tilespmem:s28+$0x6370]  }
0x4e0: {  	(xrf2) =	vadd.scan.msk.f32 $0xffff, v2;
	v6 =	vadd.f32 v59, v6;
	v59 =	vmax.f32 v15, v56;
	[tilespmem:$0x1F690] =	vst v25;
	v15 =	vld [tilespmem:s28+$0x7B20]  }
0x4e1: {  	v4 =	vmul.f32 v4, v35;
	v54 =	vmul.f32 $2.000000030e-01, v40;
	v12 =	vmax.f32 v12, v57;
	v57 =	vld [tilespmem:s28+$0x6340];
	[tilespmem:$0x1F6B0] =	vst v29  }
0x4e2: {  	v14 =	vmul.f32 v59, v36;
	v50 =	vadd.f32 v20, v41;
	v55 =	vadd.f32 v19, v47;
	v19 =	vld [tilespmem:s28+$0x7B40];
	[tilespmem:$0x1F6A0] =	vst v23  }
0x4e3: {  	v32 =	vmul.f32 v12, v37;
	v12 =	vmul.f32 v34, v44;
	v7 =	vmax.f32 v40, v54;
	v58 =	vld [tilespmem:s28+$0x6360];
	[tilespmem:$0x1F670] =	vst v1  }
0x4e4: {  	s11 =	sor.u32 $0x6, s1;
	v3 =	vadd.f32 v14, v4;
	v34 =	vadd.f32 v16, v33;
	v22 =	vld [tilespmem:s28+$0x7B60];
	v40 =	vmul.f32 $2.000000030e-01, v63;
	[tilespmem:$0x1F6C0] =	vst v27  }
0x4e5: {  	s3 =	sshll.u32 s11, $0x7;
	v4 =	vmax.f32 v39, v49;
	v59 =	vmul.f32 $2.000000030e-01, v50;
	v60 =	vmul.f32 $2.000000030e-01, v55;
	v20 =	vld [tilespmem:s28+$0x7B70]  }
0x4e6: {  	v6 =	vadd.f32 v8, v6;
	v41 =	vmul.f32 $2.000000030e-01, v34;
	v14 =	vmax.f32 v63, v40;
	v30 =	vld [tilespmem:s3+$0x6300]  }
0x4e7: {  	v51 =	vadd.f32 v12, v32;
	v13 =	vmax.f32 v50, v59;
	v47 =	vmul.f32 v14, v37;
	v14 =	vld [tilespmem:s3+$0x7B00]  }
0x4e8: {  	v8 =	vmax.f32 v55, v60;
	v13 =	vmul.f32 v13, v61;
	v12 =	vmax.f32 v34, v41;
	v56 =	vld [tilespmem:s3+$0x6310]  }
0x4e9: {  	v18 =	vadd.f32 v18, v31;
	v8 =	vmul.f32 v8, v62;
	v49 =	vmul.f32 v12, v44;
	v12 =	vld [tilespmem:s3+$0x7B10]  }
0x4ea: {  	v31 =	vld [tilespmem:s3+$0x6320]  }
0x4eb: {  	v2 =	vadd.f32 v51, v3;
	v39 =	vmul.f32 $2.000000030e-01, v18;
	v51 =	vadd.f32 v8, v13;
	v8 =	vld [tilespmem:s3+$0x7B20]  }
0x4ec: {  	v33 =	vadd.f32 v26, v1;
	v26 =	vld [tilespmem:s3+$0x6330]  }
0x4ed: {  	v11 =	vadd.f32 v11, v42;
	v16 =	vmax.f32 v18, v39;
	v39 =	vadd.f32 v15, v25;
	v15 =	vld [tilespmem:s3+$0x7B30]  }
0x4ee: {  	v40 =	vadd.f32 v17, v23;
	v23 =	vld [tilespmem:s3+$0x6340]  }
0x4ef: {  	v32 =	vmul.f32 $2.000000030e-01, v11;
	v17 =	vld [tilespmem:s3+$0x7B40]  }
0x4f0: {  	s16 =	sor.u32 $0x7, s1;
	v7 =	vmul.f32 v7, v53;
	v4 =	vmul.f32 v4, v52;
	v34 =	vadd.f32 v24, v10;
	v54 =	vld [tilespmem:s3+$0x6350]  }
0x4f1: {  	s5 =	sshll.u32 s16, $0x7;
	v11 =	vmax.f32 v11, v32;
	v24 =	vadd.f32 v21, v29;
	v25 =	vadd.f32 v22, v58;
	v22 =	vld [tilespmem:s3+$0x7B60]  }
0x4f2: {  	v4 =	vadd.f32 v7, v4;
	v11 =	vmul.f32 v11, v35;
	v41 =	vmul.f32 $2.000000030e-01, v33;
	v1 =	vld [tilespmem:s5+$0x6330]  }
0x4f3: {  	v2 =	vadd.f32 v2, v5;
	v59 =	vmul.f32 $2.000000030e-01, v34;
	v21 =	vmul.f32 $2.000000030e-01, v24;
	v29 =	vld [tilespmem:s5+$0x6370]  }
0x4f4: {  	v16 =	vmul.f32 v16, v36;
	v50, _, _ =	vpop (xrf2);
	v4 =	vadd.f32 v51, v4;
	v3 =	vadd.f32 v49, v47;
	v49 =	vld [tilespmem:s3+$0x6360]  }
0x4f5: {  	v10 =	vmul.f32 $2.000000030e-01, v40;
	v60 =	vmul.f32 $1.442695020e+00, v50;
	v63, _, _ =	vpop (xrf2);
	v7 =	vmax.f32 v33, v41;
	v50 =	vld [tilespmem:s3+$0x6370]  }
0x4f6: {  	v5 =	vmax.f32 v24, v21;
	v24 =	vld [tilespmem:s5+$0x6310];
	v11 =	vadd.f32 v16, v11;
	v16 =	vmul.f32 $1.442695020e+00, v63  }
0x4f7: {  	v63 =	vadd.f32 v19, v57;
	v19 =	vld [tilespmem:s3+$0x7B50];
	v7 =	vmul.f32 v7, v52;
	v18 =	vbroadcast v60, $0xF  }
0x4f8: {  	s20 =	sor.u32 $0x8, s1;
	(xrf2) =	vadd.scan.msk.f32 $0xffff, v6;
	v5 =	vmul.f32 v5, v36;
	v3 =	vadd.f32 v3, v11;
	v6 =	vbroadcast v16, $0xF;
	v11 =	vld [tilespmem:s3+$0x7B70]  }
0x4f9: {  	s7 =	sshll.u32 s20, $0x7;
	v60 =	vmul.f32 $2.000000030e-01, v39;
	(erf) = vpow2.f32 v18;
	v20 =	vadd.f32 v20, v27;
	v27 =	vld [tilespmem:s5+$0x6350]  }
0x4fa: {  	v33 =	vmul.f32 $2.000000030e-01, v63;
	[tilespmem:$0x1F6D0] =	vst v30;
	v55 =	vadd.f32 v14, v30;
	v30 =	vld [tilespmem:s7+$0x6350];
	(erf) = vpow2.f32 v6  }
0x4fb: {  	(xrf2) =	vadd.scan.msk.f32 $0xffff, v2;
	v47 =	vadd.f32 v3, v4;
	v3 =	vmax.f32 v34, v59;
	v6 =	vmax.f32 v40, v10;
	v10 =	vld [tilespmem:s5+$0x6300]  }
0x4fc: {  	v4 =	vmax.f32 v39, v60;
	v34 =	vmul.f32 $2.000000030e-01, v25;
	v60 =	vadd.f32 v8, v31;
	v8 =	vld [tilespmem:s5+$0x7B20]  }
0x4fd: {  	[tilespmem:$0x1F6E0] =	vst v31;
	v12 =	vadd.f32 v12, v56;
	v13 =	vmax.f32 v63, v33;
	v31 =	vld [tilespmem:s7+$0x7B50];
	v39 =	vmul.f32 $2.000000030e-01, v20  }
0x4fe: {  	v3 =	vmul.f32 v3, v53;
	v13 =	vmul.f32 v13, v35;
	v40 =	vmax.f32 v25, v34;
	v25 =	vld [tilespmem:s5+$0x6320]  }
0x4ff: {  	v4 =	vmul.f32 v4, v61;
	v21 =	vmul.f32 $2.000000030e-01, v12;
	v41 =	vmax.f32 v20, v39;
	v20 =	vld [tilespmem:s5+$0x7B00]  }
0x500: {  	v63 =	vmul.f32 $2.000000030e-01, v55;
	v33 =	vmul.f32 $2.000000030e-01, v60;
	v5 =	vadd.f32 v5, v13;
	v13 =	vld [tilespmem:s5+$0x7B10]  }
0x501: {  	v6 =	vmul.f32 v6, v62;
	v2 =	vmul.f32 v40, v37;
	v39 =	vmax.f32 v12, v21;
	v21 =	vld [tilespmem:s7+$0x7B40]  }
0x502: {  	v34 =	vmax.f32 v55, v63;
	v40 =	vmax.f32 v60, v33;
	v60 =	vadd.f32 v22, v49;
	v22 =	vld [tilespmem:s5+$0x6360]  }
0x503: {  	[tilespmem:$0x1F700] =	vst v23;
	v55 =	vadd.f32 v19, v54;
	v32, _, _ =	vpop (xrf2);
	v18 =	vmul.f32 v41, v44;
	v41 =	vadd.f32 v17, v23;
	v23 =	vld [tilespmem:s5+$0x7B70]  }
0x504: {  	[tilespmem:$0x1F6F0] =	vst v26;
	v16 =	vmul.f32 $1.442695020e+00, v32;
	v32 =	vadd.f32 v15, v26;
	v26 =	vld [tilespmem:s5+$0x6340]  }
0x505: {  	v3 =	vadd.f32 v3, v7;
	v4 =	vadd.f32 v6, v4;
	v51, _, _ =	vpop (xrf2);
	v15 =	vld [tilespmem:s5+$0x7B40];
	v63 =	vmul.f32 $2.000000030e-01, v55  }
0x506: {  	(xrf2) =	vadd.scan.msk.f32 $0xffff, v47;
	v6 =	vmul.f32 v40, v61;
	v2 =	vadd.f32 v18, v2;
	v7 =	vmul.f32 $1.442695020e+00, v51;
	v18 =	vld [tilespmem:s5+$0x7B50]  }
0x507: {  	v11 =	vadd.f32 v11, v50;
	v47 =	vbroadcast v16, $0xF;
	v16 =	vld [tilespmem:s5+$0x7B30];
	v51 =	vmul.f32 $2.000000030e-01, v32  }
0x508: {  	[tilespmem:$0x1F7B0] =	vst v25;
	v33 =	vmax.f32 v55, v63;
	v8 =	vadd.f32 v8, v25;
	v25 =	vld [tilespmem:s7+$0x6320];
	v59 =	vbroadcast v7, $0xF  }
0x509: {  	v2 =	vadd.f32 v2, v5;
	v5 =	vmul.f32 v39, v53;
	v7 =	vld [tilespmem:s5+$0x7B60];
	v39 =	vmul.f32 $2.000000030e-01, v11  }
0x50a: {  	v3 =	vadd.f32 v4, v3;
	v14 =	vmul.f32 v33, v36;
	v53 =	vld [tilespmem:s7+$0x6300];
	(erf) = vpow2.f32 v47  }
0x50b: {  	v36 =	vld [tilespmem:s7+$0x6330];
	v4 =	vmax.f32 v32, v51;
	v51 =	vadd.f32 v13, v24;
	v63 =	vmul.f32 $2.000000030e-01, v8  }
0x50c: {  	v33 =	vld [tilespmem:s7+$0x7B60];
	(erf) = vpow2.f32 v59;
	v2 =	vadd.f32 v2, v3;
	v3 =	vmul.f32 v34, v52  }
0x50d: {  	v13 =	vld [tilespmem:s7+$0x7B10];
	v59 =	vmul.f32 $2.000000030e-01, v41;
	v34 =	vmul.f32 $2.000000030e-01, v60;
	v11 =	vmax.f32 v11, v39  }
0x50e: {  	[tilespmem:$0x1F800] =	vst v29;
	v23 =	vadd.f32 v23, v29;
	v29 =	vld [tilespmem:s7+$0x6360];
	v4 =	vmul.f32 v4, v62;
	v11 =	vmul.f32 v11, v44  }
0x50f: {  	v52 =	vld [tilespmem:s7+$0x6310];
	v32 =	vmax.f32 v41, v59;
	v17 =	vmax.f32 v60, v34;
	v3 =	vadd.f32 v5, v3  }
0x510: {  	v47, _, _ =	vpop (xrf2);
	v4 =	vadd.f32 v4, v6;
	v6 =	vld [tilespmem:s7+$0x7B00];
	v55 =	vadd.f32 v16, v1;
	v60 =	vmul.f32 $2.000000030e-01, v51  }
0x511: {  	(xrf2) =	vadd.scan.msk.f32 $0xffff, v2;
	v12 =	vmul.f32 $1.442695020e+00, v47;
	v2 =	vmul.f32 v32, v35;
	v47 =	vadd.f32 v20, v10;
	v20 =	vld [tilespmem:s7+$0x7B20]  }
0x512: {  	s21 =	sor.u32 $0x9, s1;
	v41 =	vmul.f32 v17, v37;
	v32 =	vld [tilespmem:s7+$0x6340];
	v7 =	vadd.f32 v7, v22;
	v17 =	vmul.f32 $2.000000030e-01, v23  }
0x513: {  	s18 =	sshll.u32 s21, $0x7;
	v3 =	vadd.f32 v4, v3;
	v34 =	vmul.f32 $2.000000030e-01, v55;
	v4 =	vmax.f32 v51, v60;
	v51 =	vld [tilespmem:s7+$0x7B30]  }
0x514: {  	v2 =	vadd.f32 v14, v2;
	v40 =	vbroadcast v12, $0xF;
	v14 =	vadd.f32 v31, v30;
	v31 =	vld [tilespmem:s18+$0x7B30]  }
0x515: {  	v11 =	vadd.f32 v11, v41;
	v59 =	vmul.f32 $2.000000030e-01, v47;
	v12 =	vmax.f32 v55, v34;
	v34 =	vld [tilespmem:s18+$0x7B00]  }
0x516: {  	[tilespmem:$0x1F7A0] =	vst v24;
	v41 =	vadd.f32 v15, v26;
	(erf) = vpow2.f32 v40;
	v40 =	vmax.f32 v8, v63;
	v63 =	vld [tilespmem:$0x1FF90]  }
0x517: {  	s4 =	sor.u32 $0xA, s1;
	[tilespmem:$0x1F790] =	vst v10;
	v10 =	vmul.f32 $2.000000030e-01, v7;
	v24 =	vmax.f32 v47, v59;
	v59 =	vadd.f32 v18, v27;
	v18 =	vld [tilespmem:$0x1FFD0]  }
0x518: {  	s8 =	sshll.u32 s4, $0x7;
	[tilespmem:$0x1F7E0] =	vst v27;
	v27 =	vld [tilespmem:s7+$0x6370]  }
0x519: {  	v23 =	vmax.f32 v23, v17;
	v60 =	vmul.f32 $2.000000030e-01, v41;
	v7 =	vmax.f32 v7, v10;
	v10 =	vld [tilespmem:s8+$0x6300]  }
0x51a: {  	v13 =	vadd.f32 v13, v52;
	v2 =	vadd.f32 v11, v2;
	v11 =	vmul.f32 v24, v28;
	v24 =	vld [tilespmem:s7+$0x7B70]  }
0x51b: {  	[tilespmem:$0x1F7D0] =	vst v26;
	v26 =	vmul.f32 v23, v44;
	v7 =	vmul.f32 v7, v37;
	v8 =	vmax.f32 v41, v60;
	v60 =	vld [tilespmem:s18+$0x6300]  }
0x51c: {  	[tilespmem:$0x1F7C0] =	vst v1;
	v1 =	vmul.f32 $2.000000030e-01, v59;
	v8 =	vmul.f32 v8, v35;
	v35 =	vld [tilespmem:s18+$0x7B10]  }
0x51d: {  	v41 =	vmul.f32 $2.000000030e-01, v13;
	v7 =	vadd.f32 v26, v7;
	v26 =	vld [tilespmem:s18+$0x6340]  }
0x51e: {  	v15 =	vmax.f32 v59, v1;
	v59 =	vld [tilespmem:s18+$0x6310]  }
0x51f: {  	v12 =	vmul.f32 v12, v62;
	v5 =	vmul.f32 v40, v61;
	v39 =	vmax.f32 v13, v41;
	v41 =	vld [tilespmem:$0x1FF90]  }
0x520: {  	v1 =	vld [tilespmem:s18+$0x7B70];
	v4 =	vmul.f32 v4, v63  }
0x521: {  	v5 =	vadd.f32 v12, v5;
	v19 =	vmul.f32 v15, v18;
	v12 =	vadd.f32 v24, v27;
	v24 =	vld [tilespmem:s18+$0x7B60]  }
0x522: {  	v37 =	vadd.f32 v20, v25;
	v47, _, _ =	vpop (xrf2);
	v4 =	vadd.f32 v4, v11;
	v11 =	vld [tilespmem:s18+$0x7B20]  }
0x523: {  	v6 =	vadd.f32 v6, v53;
	v55 =	vmul.f32 $1.442695020e+00, v47;
	v8 =	vadd.f32 v19, v8;
	v19 =	vld [tilespmem:$0x1FFC0]  }
0x524: {  	v13 =	vadd.f32 v21, v32;
	v47 =	vmul.f32 $2.000000030e-01, v37;
	v23 =	vadd.f32 v34, v60;
	v34 =	vld [tilespmem:$0x1FF90]  }
0x525: {  	[tilespmem:$0x1F7F0] =	vst v22;
	v16 =	vadd.f32 v51, v36;
	v40 =	vmul.f32 $2.000000030e-01, v6;
	v22 =	vbroadcast v55, $0xF;
	v55 =	vld [tilespmem:s18+$0x6320]  }
0x526: {  	v2 =	vadd.f32 v2, v3;
	v21 =	vmul.f32 $2.000000030e-01, v13;
	v3 =	vmax.f32 v37, v47;
	v37 =	vld [tilespmem:s18+$0x6330]  }
0x527: {  	v51 =	vmul.f32 $2.000000030e-01, v16;
	v47 =	vadd.f32 v33, v29;
	v33 =	vld [tilespmem:s18+$0x7B40]  }
0x528: {  	v6 =	vmax.f32 v6, v40;
	v18 =	vmax.f32 v13, v21;
	v13 =	vld [tilespmem:s18+$0x7B50]  }
0x529: {  	(xrf2) =	vadd.scan.msk.f32 $0xffff, v2;
	v6 =	vmul.f32 v6, v28;
	v40 =	vmax.f32 v16, v51;
	v21 =	vld [tilespmem:$0x1FFD0]  }
0x52a: {  	v17 =	vmul.f32 $2.000000030e-01, v12;
	v63 =	vadd.f32 v7, v8;
	v7 =	vmul.f32 v39, v41;
	v41 =	vld [tilespmem:s18+$0x6350]  }
0x52b: {  	v4 =	vadd.f32 v5, v4;
	v3 =	vmul.f32 v3, v61;
	v8 =	vmul.f32 v40, v62;
	v39 =	vld [tilespmem:s18+$0x6360]  }
0x52c: {  	v40 =	vld [tilespmem:s8+$0x7B00];
	(erf) = vpow2.f32 v22;
	v15 =	vmul.f32 $2.000000030e-01, v47  }
0x52d: {  	v22 =	vld [tilespmem:$0x1FFE0];
	v51 =	vadd.f32 v63, v4;
	v63 =	vmul.f32 $2.000000030e-01, v14;
	v6 =	vadd.f32 v7, v6  }
0x52e: {  	v3 =	vadd.f32 v8, v3;
	v7 =	vmax.f32 v12, v17;
	v17 =	vld [tilespmem:s8+$0x6320];
	v5 =	vmax.f32 v47, v15  }
0x52f: {  	v20 =	vmul.f32 v18, v19;
	v7 =	vmul.f32 v7, v44;
	v47 =	vadd.f32 v35, v59;
	v35 =	vld [tilespmem:s18+$0x6370]  }
0x530: {  	v15 =	vld [tilespmem:s8+$0x6310];
	v4 =	vmax.f32 v14, v63;
	v3 =	vadd.f32 v3, v6;
	v11 =	vadd.f32 v11, v55  }
0x531: {  	v44 =	vld [tilespmem:s8+$0x7B10];
	(xrf2) =	vadd.scan.msk.f32 $0xffff, v51;
	v51 =	vadd.f32 v31, v37;
	v63 =	vmul.f32 $2.000000030e-01, v23;
	v4 =	vmul.f32 v4, v21  }
0x532: {  	v18 =	vld [tilespmem:s8+$0x6330];
	v21 =	vadd.f32 v33, v26;
	v12 =	vadd.f32 v24, v39;
	v5 =	vmul.f32 v5, v22  }
0x533: {  	v19 =	vld [tilespmem:$0x1FFD0];
	v31 =	vmul.f32 $2.000000030e-01, v11;
	v6 =	vmax.f32 v23, v63;
	v22 =	vmul.f32 $2.000000030e-01, v51;
	v23, _, _ =	vpop (xrf2)  }
0x534: {  	v63 =	vld [tilespmem:$0x1FFC0];
	v2 =	vadd.f32 v4, v20;
	v20 =	vmul.f32 $2.000000030e-01, v47;
	v14 =	vmul.f32 $1.442695020e+00, v23  }
0x535: {  	v6 =	vmul.f32 v6, v28;
	v5 =	vadd.f32 v7, v5;
	v4 =	vmax.f32 v51, v22;
	v22 =	vld [tilespmem:$0x1FFF0]  }
0x536: {  	v11 =	vmax.f32 v11, v31;
	v31 =	vmul.f32 $2.000000030e-01, v21;
	v7 =	vmax.f32 v47, v20;
	v47 =	vld [tilespmem:s8+$0x7B20]  }
0x537: {  	v16 =	vadd.f32 v1, v35;
	v11 =	vmul.f32 v11, v61;
	v4 =	vmul.f32 v4, v62;
	v20 =	vld [tilespmem:$0x1FFE0]  }
0x538: {  	v62 =	vbroadcast v14, $0xF;
	v8 =	vmax.f32 v21, v31;
	v7 =	vmul.f32 v7, v34;
	v34 =	vld [tilespmem:s8+$0x6350]  }
0x539: {  	v31 =	vmul.f32 $2.000000030e-01, v12;
	v8 =	vmul.f32 v8, v63;
	v63 =	vld [tilespmem:s8+$0x6340]  }
0x53a: {  	v51 =	vmul.f32 $2.000000030e-01, v16;
	(erf) = vpow2.f32 v62;
	v62 =	vld [tilespmem:s8+$0x6360]  }
0x53b: {  	v13 =	vadd.f32 v13, v41;
	v2 =	vadd.f32 v5, v2;
	v12 =	vmax.f32 v12, v31;
	v31 =	vld [tilespmem:s8+$0x7B30]  }
0x53c: {  	s13 =	sor.u32 $0xB, s1;
	v4 =	vadd.f32 v4, v11;
	v16 =	vmax.f32 v16, v51;
	v51 =	vld [tilespmem:s8+$0x7B40];
	v6 =	vadd.f32 v7, v6  }
0x53d: {  	s6 =	sshll.u32 s13, $0x7;
	v24 =	vmul.f32 $2.000000030e-01, v13;
	v2 =	vadd.f32 v2, v3;
	v23 =	vmul.f32 v16, v22;
	v16 =	vld [tilespmem:s8+$0x7B50]  }
0x53e: {  	[tilespmem:$0x1F810] =	vst v10;
	v3 =	vadd.f32 v4, v6;
	v6 =	vadd.f32 v40, v10;
	v10 =	vld [tilespmem:s6+$0x6300]  }
0x53f: {  	[tilespmem:$0x1F830] =	vst v17;
	v7 =	vadd.f32 v47, v17;
	v17 =	vld [tilespmem:s6+$0x6310]  }
0x540: {  	v13 =	vmax.f32 v13, v24;
	v47 =	vld [tilespmem:$0x1FFD0]  }
0x541: {  	[tilespmem:$0x1F820] =	vst v15;
	v13 =	vmul.f32 v13, v19;
	v21 =	vmul.f32 v12, v20;
	v24, _, _ =	vpop (xrf2);
	v20 =	vadd.f32 v44, v15;
	v15 =	vld [tilespmem:$0x1F4F0]  }
0x542: {  	(xrf2) =	vadd.scan.msk.f32 $0xffff, v2;
	v2 =	vld [tilespmem:s6+$0x7B70];
	v33 =	vmul.f32 $1.442695020e+00, v24  }
0x543: {  	v8 =	vadd.f32 v13, v8;
	v5 =	vadd.f32 v23, v21;
	v21 =	vld [tilespmem:s8+$0x7B60]  }
0x544: {  	v19 =	vbroadcast v33, $0xF;
	v22 =	vadd.f32 v31, v18;
	v31 =	vld [tilespmem:s8+$0x6370];
	v33 =	vmul.f32 $2.000000030e-01, v20  }
0x545: {  	v13 =	vpop (erf);
	v23 =	vadd.f32 v51, v63;
	v51 =	vld [tilespmem:s8+$0x7B70];
	v12 =	vadd.f32 v16, v34  }
0x546: {  	[tilespmem:$0x1F850] =	vst v34;
	v34 =	vmul.f32 $2.000000030e-01, v7;
	v4 =	vmax.f32 v20, v33;
	v33 =	vmul.f32 v13, v48;
	v48 =	vld [tilespmem:s6+$0x7B20]  }
0x547: {  	(erf) = vpow2.f32 v19;
	v16 =	vmul.f32 v13, v15;
	v15 =	vld [tilespmem:$0x1F530]  }
0x548: {  	v19 =	vmul.f32 $2.000000030e-01, v23;
	v7 =	vmax.f32 v7, v34;
	v34 =	vmul.f32 v13, v46;
	v46 =	vld [tilespmem:s6+$0x6320]  }
0x549: {  	v5 =	vadd.f32 v5, v8;
	v8 =	vadd.f32 v21, v62;
	v21 =	vmul.f32 v13, v45;
	v45 =	vld [tilespmem:s6+$0x7B00]  }
0x54a: {  	[tilespmem:$0x1F840] =	vst v18;
	v11 =	vmax.f32 v23, v19;
	v19 =	vmul.f32 v13, v43;
	v43 =	vld [tilespmem:s6+$0x7B10]  }
0x54b: {  	v24 =	vmul.f32 $2.000000030e-01, v6;
	v18 =	vmul.f32 $2.000000030e-01, v22;
	[tilespmem:s0+$0x6320] =	vst v33;
	v33 =	vld [tilespmem:$0x1FF90]  }
0x54c: {  	v3 =	vadd.f32 v5, v3;
	[tilespmem:s0+$0x6360] =	vst v16;
	v16 =	vld [tilespmem:$0x1F540]  }
0x54d: {  	v6 =	vmax.f32 v6, v24;
	v5 =	vmax.f32 v22, v18;
	v22 =	vmov s1;
	[tilespmem:s0+$0x6330] =	vst v34;
	v34 =	vld [tilespmem:$0x1FFB0]  }
0x54e: {  	v24 =	vmul.f32 v13, v9;
	v20 =	vmul.f32 $2.000000030e-01, v12;
	v40 =	vand.u32 $0xFFFFFFF0, v22;
	(xrf2) =	vadd.scan.msk.f32 $0xffff, v3;
	v3 =	vld [tilespmem:s6+$0x7B60]  }
0x54f: {  	v23 =	vmul.f32 $2.000000030e-01, v8;
	v9 =	vbroadcast v40, $0x0;
	v40 =	vadd.f32 v45, v10;
	v45 =	vld [tilespmem:$0x1FFC0]  }
0x550: {  	[tilespmem:s0+$0x6350] =	vst v19;
	v19 =	vld [tilespmem:$0x1F550]  }
0x551: {  	v0 =	vmul.f32 v13, v0;
	v12 =	vmax.f32 v12, v20;
	[tilespmem:s0+$0x6310] =	vst v21;
	v21 =	vmax.f32 v8, v23;
	v8 =	vld [tilespmem:$0x1F500]  }
0x552: {  	v7 =	vmul.f32 v7, v61;
	v61 =	vmul.f32 v12, v47;
	v47 =	vld [tilespmem:$0x1F570]  }
0x553: {  	[tilespmem:$0x1F860] =	vst v10;
	v4 =	vmul.f32 v4, v33;
	v10 =	vld [tilespmem:$0x1F510];
	v33 =	vmul.f32 $2.000000030e-01, v40  }
0x554: {  	[tilespmem:s0+$0x6300] =	vst v0;
	v44 =	vadd.f32 v51, v31;
	v5 =	vmul.f32 v5, v34;
	v34 =	vld [tilespmem:s6+$0x7B30];
	v0 =	vmul.f32 v11, v45  }
0x555: {  	v18 =	vadd.f32 v43, v17;
	v20 =	vmax.f32 v40, v33;
	v33 =	vld [tilespmem:$0x1F560]  }
0x556: {  	[tilespmem:$0x1F870] =	vst v17;
	v1 =	vmul.f32 $2.000000030e-01, v44;
	v45 =	vld [tilespmem:s6+$0x6330];
	v22 =	vadd.f32 v61, v0;
	v0 =	vmul.f32 v13, v8  }
0x557: {  	[tilespmem:s0+$0x6340] =	vst v24;
	v23 =	vadd.f32 v5, v7;
	v7 =	vpop (erf);
	v40 =	vmul.f32 $2.000000030e-01, v18;
	v11 =	vld [tilespmem:$0x1F520]  }
0x558: {  	v6 =	vmul.f32 v6, v28;
	v51 =	vmax.f32 v44, v1;
	v14 =	vmul.f32 v7, v10;
	v10 =	vld [tilespmem:s6+$0x7B40];
	[tilespmem:s0+$0x6370] =	vst v0  }
0x559: {  	v44 =	vmul.f32 v7, v15;
	v18 =	vmax.f32 v18, v40;
	v40 =	vld [tilespmem:$0x1F580];
	[tilespmem:v9+s22+$0x0] =	vst.idx.msk $0x1, v13  }
0x55a: {  	v24 =	vadd.f32 v4, v6;
	v5 =	vmul.f32 v7, v16;
	v61 =	vld [tilespmem:s6+$0x6340];
	[tilespmem:s15+$0x6300] =	vst v14  }
0x55b: {  	v15 =	vmul.f32 v7, v38;
	v8 =	vld [tilespmem:s6+$0x7B50];
	v9 =	vadd.f32 v34, v45;
	v34 =	vmov s12;
	[tilespmem:s15+$0x6320] =	vst v44  }
0x55c: {  	v6 =	vmul.f32 v7, v19;
	v0 =	vadd.f32 v48, v46;
	v48 =	vld [tilespmem:s6+$0x6350];
	v12 =	vand.u32 $0xFFFFFFF1, v34;
	[tilespmem:s15+$0x6330] =	vst v5  }
0x55d: {  	v43 =	vmul.f32 v7, v33;
	v33 =	vld [tilespmem:s6+$0x6360];
	[tilespmem:s15+$0x6340] =	vst v15;
	v12 =	vbroadcast v12, $0x0  }
0x55e: {  	v11 =	vmul.f32 v7, v11;
	v44 =	vld [tilespmem:$0x1F590];
	[tilespmem:s15+$0x6350] =	vst v6  }
0x55f: {  	v14 =	vmul.f32 v7, v47;
	v47 =	vld [tilespmem:$0x1F5A0];
	[tilespmem:s15+$0x6360] =	vst v43  }
0x560: {  	v4 =	vmul.f32 $2.000000030e-01, v0;
	v5 =	vld [tilespmem:$0x1F5B0];
	[tilespmem:s15+$0x6310] =	vst v11  }
0x561: {  	v13 =	vpop (erf);
	v38 =	vmul.f32 $2.000000030e-01, v9;
	v11 =	vld [tilespmem:$0x1F5C0];
	[tilespmem:s15+$0x6370] =	vst v14  }
0x562: {  	v15 =	vld [tilespmem:$0x1F5D0];
	v17 =	vmax.f32 v0, v4;
	v4 =	vmul.f32 v13, v40;
	[tilespmem:$0x1F880] =	vst v33  }
0x563: {  	v19 =	vmov s30;
	v43 =	vld [tilespmem:$0x1F5F0];
	v44 =	vmul.f32 v13, v44;
	[tilespmem:v12+s22+$0x0] =	vst.idx.msk $0x1, v7  }
0x564: {  	v40 =	vld [tilespmem:$0x1F5E0];
	v0 =	vand.u32 $0xFFFFFFF2, v19;
	v16 =	vmax.f32 v9, v38;
	v9 =	vmul.f32 v13, v47;
	[tilespmem:s14+$0x6300] =	vst v4  }
0x565: {  	s12 =	sor.u32 $0xC, s1;
	v34 =	vld [tilespmem:s6+$0x6370];
	v19 =	vbroadcast v0, $0x0;
	v5 =	vmul.f32 v13, v5;
	v38, _, _ =	vpop (xrf2);
	[tilespmem:s14+$0x6310] =	vst v44  }
0x566: {  	s0 =	sshll.u32 s12, $0x7;
	v11 =	vmul.f32 v13, v11;
	v1 =	vmul.f32 $1.442695020e+00, v38;
	v47, _, _ =	vpop (xrf2);
	v38 =	vld [tilespmem:$0x1FFE0];
	[tilespmem:s14+$0x6320] =	vst v9  }
0x567: {  	v10 =	vadd.f32 v10, v61;
	v15 =	vmul.f32 v13, v15;
	v0 =	vmul.f32 $1.442695020e+00, v47;
	v47 =	vld [tilespmem:s0+$0x6300];
	[tilespmem:s14+$0x6330] =	vst v5  }
0x568: {  	v43 =	vmul.f32 v13, v43;
	v12 =	vadd.f32 v3, v33;
	v33 =	vld [tilespmem:$0x1FFF0];
	[tilespmem:s14+$0x6340] =	vst v11  }
0x569: {  	v6 =	vmul.f32 v13, v40;
	v40 =	vmul.f32 $2.000000030e-01, v10;
	v44 =	vld [tilespmem:$0x1FFA0];
	[tilespmem:s14+$0x6350] =	vst v15  }
0x56a: {  	v15 =	vld [tilespmem:$0x1FFE0];
	[tilespmem:s14+$0x6370] =	vst v43  }
0x56b: {  	v10 =	vmax.f32 v10, v40;
	v40 =	vld [tilespmem:s0+$0x6310];
	[tilespmem:s14+$0x6360] =	vst v6  }
0x56c: {  	v14 =	vmul.f32 $2.000000030e-01, v12;
	[tilespmem:v19+s22+$0x0] =	vst.idx.msk $0x1, v13;
	v19 =	vld [tilespmem:s0+$0x7B50]  }
0x56d: {  	v8 =	vadd.f32 v8, v48;
	v7 =	vmul.f32 v21, v38;
	v21 =	vadd.f32 v2, v34;
	v2 =	vld [tilespmem:s0+$0x7B10]  }
0x56e: {  	v12 =	vmax.f32 v12, v14;
	v14 =	vld [tilespmem:$0x1FFB0]  }
0x56f: {  	v38 =	vmul.f32 $2.000000030e-01, v8;
	v4 =	vmul.f32 v51, v33;
	v33 =	vld [tilespmem:$0x1FF90]  }
0x570: {  	v51 =	vld [tilespmem:s0+$0x7B00]  }
0x571: {  	v8 =	vmax.f32 v8, v38;
	v38 =	vld [tilespmem:s0+$0x6320]  }
0x572: {  	[tilespmem:$0x1F890] =	vst v34;
	v34 =	vmul.f32 $2.000000030e-01, v21;
	v17 =	vmul.f32 v17, v44;
	v44 =	vld [tilespmem:$0x1FFC0]  }
0x573: {  	v7 =	vadd.f32 v4, v7;
	v16 =	vmul.f32 v16, v14;
	v14 =	vld [tilespmem:$0x1FFD0]  }
0x574: {  	v9 =	vmul.f32 v18, v33;
	v33 =	vmax.f32 v21, v34;
	v34 =	vld [tilespmem:$0x1FFF0]  }
0x575: {  	v7 =	vadd.f32 v7, v22;
	v22 =	vld [tilespmem:$0x1F600]  }
0x576: {  	v20 =	vmul.f32 v20, v28;
	v18 =	vld [tilespmem:s0+$0x7B20]  }
0x577: {  	v21 =	vmul.f32 v12, v15;
	v15 =	vld [tilespmem:s0+$0x7B30]  }
0x578: {  	v12 =	vld [tilespmem:s0+$0x6360];
	v10 =	vmul.f32 v10, v44;
	v6 =	vadd.f32 v9, v20  }
0x579: {  	v9 =	vadd.f32 v16, v17;
	v16 =	vld [tilespmem:s0+$0x7B40];
	v8 =	vmul.f32 v8, v14;
	v11 =	vmul.f32 v33, v34  }
0x57a: {  	v5 =	vpop (erf);
	v14 =	vld [tilespmem:s0+$0x6350]  }
0x57b: {  	v1 =	vbroadcast v1, $0xF;
	v13 =	vpop (erf);
	v33 =	vld [tilespmem:s0+$0x6340];
	v44 =	vadd.f32 v8, v10;
	v20 =	vadd.f32 v11, v21  }
0x57c: {  	v2 =	vadd.f32 v2, v40;
	v21 =	vadd.f32 v23, v24;
	v23 =	vmul.f32 v13, v22;
	v24 =	vld [tilespmem:$0x1F610]  }
0x57d: {  	v0 =	vbroadcast v0, $0xF;
	(erf) = vpow2.f32 v1;
	v1 =	vadd.f32 v20, v44;
	v44 =	vld [tilespmem:$0x1F620]  }
0x57e: {  	v6 =	vadd.f32 v9, v6;
	v9 =	vmul.f32 $2.000000030e-01, v2;
	v8 =	vadd.f32 v18, v38;
	[tilespmem:s10+$0x6300] =	vst v23;
	v23 =	vld [tilespmem:$0x1F630]  }
0x57f: {  	v3 =	vmov s2;
	(erf) = vpow2.f32 v0;
	v17 =	vadd.f32 v51, v47;
	v22 =	vld [tilespmem:$0x1F640]  }
0x580: {  	v34 =	vld [tilespmem:s0+$0x6330];
	v10 =	vand.u32 $0xFFFFFFF4, v3;
	v2 =	vmax.f32 v2, v9;
	v11 =	vmul.f32 $2.000000030e-01, v8  }
0x581: {  	v9 =	vld [tilespmem:$0x1FFA0];
	v0 =	vadd.f32 v7, v21;
	v1 =	vadd.f32 v1, v6;
	v6 =	vbroadcast v10, $0x0  }
0x582: {  	v20 =	vld [tilespmem:s0+$0x7B60];
	v16 =	vadd.f32 v16, v33;
	v43 =	vmul.f32 v13, v24;
	v51 =	vmul.f32 v13, v44  }
0x583: {  	v21 =	vld [tilespmem:s0+$0x7B70];
	(xrf2) =	vadd.scan.msk.f32 $0xffff, v0;
	v24 =	vmul.f32 $2.000000030e-01, v17;
	v7 =	vmul.f32 v13, v23  }
0x584: {  	v0 =	vmax.f32 v8, v11;
	v10 =	vld [tilespmem:$0x1FFB0];
	v11 =	vmul.f32 $2.000000030e-01, v16;
	v23 =	vmul.f32 v13, v22;
	[tilespmem:s10+$0x6320] =	vst v51  }
0x585: {  	[tilespmem:s10+$0x6330] =	vst v7;
	v7 =	vmax.f32 v17, v24;
	v24 =	vld [tilespmem:$0x1F650]  }
0x586: {  	v51 =	vmul.f32 v13, v42;
	[tilespmem:s10+$0x6350] =	vst v23;
	v23 =	vmax.f32 v16, v11;
	v11 =	vld [tilespmem:$0x1FFC0]  }
0x587: {  	v42 =	vld [tilespmem:s0+$0x6370]  }
0x588: {  	v15 =	vadd.f32 v15, v34;
	[tilespmem:s10+$0x6340] =	vst v51;
	v51 =	vld [tilespmem:$0x1F660]  }
0x589: {  	s2 =	sor.u32 $0xD, s1;
	[tilespmem:s10+$0x6310] =	vst v43;
	v43 =	vadd.f32 v19, v14;
	v19 =	vadd.f32 v20, v12;
	v20 =	vld [tilespmem:$0x1F670]  }
0x58a: {  	s14 =	sshll.u32 s2, $0x7;
	(xrf2) =	vadd.scan.msk.f32 $0xffff, v1;
	v44 =	vmul.f32 $2.000000030e-01, v15;
	v17 =	vld [tilespmem:$0x1FFE0];
	v1 =	vmul.f32 v13, v24  }
0x58b: {  	v8 =	vmul.f32 v23, v11;
	v11 =	vld [tilespmem:s14+$0x6300]  }
0x58c: {  	v21 =	vadd.f32 v21, v42;
	v24 =	vmul.f32 $2.000000030e-01, v19;
	[tilespmem:s10+$0x6360] =	vst v1;
	v1 =	vmax.f32 v15, v44;
	v44 =	vld [tilespmem:$0x1FF90]  }
0x58d: {  	v4 =	vmul.f32 v13, v51;
	v15 =	vld [tilespmem:$0x1FFD0]  }
0x58e: {  	v51 =	vmul.f32 $2.000000030e-01, v21;
	v16 =	vmax.f32 v19, v24;
	v19 =	vld [tilespmem:$0x1FFF0]  }
0x58f: {  	v22 =	vmul.f32 $2.000000030e-01, v43;
	v18 =	vmul.f32 v16, v17;
	v17 =	vld [tilespmem:s14+$0x7B10];
	[tilespmem:s10+$0x6370] =	vst v4  }
0x590: {  	v0 =	vmul.f32 v0, v9;
	[tilespmem:v6+s22+$0x0] =	vst.idx.msk $0x1, v13;
	v13 =	vmax.f32 v21, v51;
	v21 =	vld [tilespmem:$0x1F680]  }
0x591: {  	v7 =	vmul.f32 v7, v28;
	v43 =	vmax.f32 v43, v22;
	v1 =	vmul.f32 v1, v10;
	v51 =	vld [tilespmem:$0x1F6A0]  }
0x592: {  	v2 =	vmul.f32 v2, v44;
	v6 =	vmul.f32 v43, v15;
	v43 =	vld [tilespmem:$0x1F690]  }
0x593: {  	v23 =	vmov s31;
	v10 =	vld [tilespmem:s14+$0x6360];
	v13 =	vmul.f32 v13, v19;
	v15 =	vpop (erf)  }
0x594: {  	v0 =	vadd.f32 v1, v0;
	v1 =	vmul.f32 v15, v20;
	v20 =	vld [tilespmem:s14+$0x7B00];
	v2 =	vadd.f32 v2, v7  }
0x595: {  	v7 =	vadd.f32 v13, v18;
	v18 =	vand.u32 $0xFFFFFFF5, v23;
	v23 =	vld [tilespmem:$0x1F6C0];
	v22 =	vmul.f32 v15, v21  }
0x596: {  	[tilespmem:s28+$0x6300] =	vst v1;
	v4 =	vmul.f32 v15, v51;
	v51 =	vld [tilespmem:$0x1F6B0]  }
0x597: {  	v0 =	vadd.f32 v0, v2;
	v2 =	vbroadcast v18, $0x0;
	v18 =	vld [tilespmem:s14+$0x7B30];
	v13 =	vmul.f32 v15, v43;
	[tilespmem:s28+$0x6310] =	vst v22  }
0x598: {  	v44, _, _ =	vpop (xrf2);
	v43 =	vmul.f32 v15, v57;
	[tilespmem:s28+$0x6330] =	vst v4;
	v22 =	vmul.f32 v15, v58;
	v58 =	vld [tilespmem:s14+$0x6320]  }
0x599: {  	v16 =	vmul.f32 $1.442695020e+00, v44;
	v24, _, _ =	vpop (xrf2);
	v6 =	vadd.f32 v6, v8;
	[tilespmem:s28+$0x6320] =	vst v13;
	v13 =	vld [tilespmem:s14+$0x7B20]  }
0x59a: {  	v19 =	vmul.f32 $1.442695020e+00, v24;
	[tilespmem:s28+$0x6340] =	vst v43;
	v24 =	vmul.f32 v15, v23;
	v43 =	vld [tilespmem:$0x1F6D0]  }
0x59b: {  	v6 =	vadd.f32 v7, v6;
	v7 =	vpop (erf);
	[tilespmem:s28+$0x6360] =	vst v22;
	v22 =	vld [tilespmem:$0x1F6E0];
	v3 =	vmul.f32 v15, v51  }
0x59c: {  	v44 =	vbroadcast v16, $0xF;
	v51 =	vmul.f32 v7, v56;
	v56 =	vld [tilespmem:s14+$0x6330];
	[tilespmem:s28+$0x6370] =	vst v24  }
0x59d: {  	v21 =	vbroadcast v19, $0xF;
	v24 =	vld [tilespmem:$0x1F700];
	[tilespmem:s28+$0x6350] =	vst v3  }
0x59e: {  	(erf) = vpow2.f32 v44;
	v0 =	vadd.f32 v6, v0;
	v23 =	vld [tilespmem:$0x1F6F0];
	v8 =	vmul.f32 v7, v49;
	[tilespmem:v2+s22+$0x0] =	vst.idx.msk $0x1, v15  }
0x59f: {  	v1 =	vmov s11;
	v57 =	vld [tilespmem:s14+$0x6310];
	(erf) = vpow2.f32 v21;
	v44 =	vmul.f32 v7, v43;
	[tilespmem:s3+$0x6310] =	vst v51  }
0x5a0: {  	v21 =	vld [tilespmem:s14+$0x7B40];
	v16 =	vmul.f32 v7, v50;
	(xrf2) =	vadd.scan.msk.f32 $0xffff, v0;
	v0 =	vmul.f32 v7, v22;
	[tilespmem:s3+$0x6360] =	vst v8  }
0x5a1: {  	v50 =	vld [tilespmem:s14+$0x6350];
	v13 =	vadd.f32 v13, v58;
	[tilespmem:s3+$0x6300] =	vst v44;
	v44 =	vadd.f32 v20, v11;
	v20 =	vand.u32 $0xFFFFFFF6, v1  }
0x5a2: {  	v15 =	vmul.f32 v7, v54;
	v54 =	vld [tilespmem:s14+$0x6340];
	[tilespmem:s3+$0x6370] =	vst v16;
	v18 =	vadd.f32 v18, v56;
	v43 =	vmul.f32 v7, v24  }
0x5a3: {  	v49 =	vpop (erf);
	v6 =	vmul.f32 v7, v23;
	v23 =	vld [tilespmem:s14+$0x7B50];
	[tilespmem:s3+$0x6320] =	vst v0;
	v9 =	vmul.f32 $2.000000030e-01, v13  }
0x5a4: {  	v0 =	vbroadcast v20, $0x0;
	v51 =	vmul.f32 $2.000000030e-01, v18;
	[tilespmem:s3+$0x6340] =	vst v43;
	v43 =	vld [tilespmem:s14+$0x7B60];
	v20 =	vpop (erf)  }
0x5a5: {  	[tilespmem:s3+$0x6350] =	vst v15;
	v8 =	vmax.f32 v13, v9;
	v9 =	vmov s20;
	v15 =	vmul.f32 v20, v25;
	v25 =	vld [tilespmem:s14+$0x6370]  }
0x5a6: {  	s15 =	sor.u32 $0xE, s1;
	[tilespmem:s3+$0x6330] =	vst v6;
	v16 =	vmax.f32 v18, v51;
	v6 =	vmul.f32 v20, v53;
	v19 =	vmul.f32 v20, v52;
	v53 =	vld [tilespmem:s14+$0x7B70]  }
0x5a7: {  	s20 =	sshll.u32 s15, $0x7;
	v52 =	vmul.f32 v20, v36;
	v18 =	vmul.f32 v20, v30;
	v36 =	vand.u32 $0xFFFFFFF8, v9;
	v9 =	vld [tilespmem:$0x1FF90]  }
0x5a8: {  	[tilespmem:s7+$0x6320] =	vst v15;
	v15 =	vld [tilespmem:s20+$0x6300]  }
0x5a9: {  	v17 =	vadd.f32 v17, v57;
	[tilespmem:s7+$0x6350] =	vst v18;
	v18 =	vld [tilespmem:$0x1FFA0]  }
0x5aa: {  	v23 =	vadd.f32 v23, v50;
	v24 =	vmul.f32 v20, v29;
	[tilespmem:s7+$0x6310] =	vst v19;
	v19 =	vld [tilespmem:$0x1FFB0]  }
0x5ab: {  	v4 =	vmul.f32 $2.000000030e-01, v17;
	[tilespmem:s7+$0x6300] =	vst v6;
	v6 =	vbroadcast v36, $0x0;
	v36 =	vld [tilespmem:$0x1FFC0]  }
0x5ac: {  	v30 =	vmul.f32 $2.000000030e-01, v23;
	[tilespmem:s7+$0x6360] =	vst v24;
	v24 =	vld [tilespmem:s20+$0x7B10];
	v51 =	vadd.f32 v43, v10  }
0x5ad: {  	v17 =	vmax.f32 v17, v4;
	v3 =	vmul.f32 $2.000000030e-01, v44;
	v43 =	vld [tilespmem:$0x1FFD0]  }
0x5ae: {  	[tilespmem:s7+$0x6330] =	vst v52;
	v29 =	vadd.f32 v53, v25;
	v52 =	vmul.f32 $2.000000030e-01, v51;
	v53 =	vmax.f32 v23, v30;
	v30 =	vld [tilespmem:s20+$0x7B00]  }
0x5af: {  	v2 =	vmax.f32 v44, v3;
	v3 =	vadd.f32 v21, v54;
	v23 =	vmul.f32 v17, v9;
	v17 =	vld [tilespmem:s20+$0x6310]  }
0x5b0: {  	[tilespmem:v0+s22+$0x0] =	vst.idx.msk $0x1, v7;
	v0 =	vmul.f32 v20, v27;
	v27, _, _ =	vpop (xrf2);
	v13 =	vmax.f32 v51, v52;
	v51 =	vld [tilespmem:$0x1FFE0]  }
0x5b1: {  	v2 =	vmul.f32 v2, v28;
	v44 =	vmul.f32 $1.442695020e+00, v27;
	v52 =	vld [tilespmem:$0x1FFF0]  }
0x5b2: {  	v27 =	vmul.f32 $2.000000030e-01, v3;
	v8 =	vmul.f32 v8, v18;
	v18 =	vld [tilespmem:s20+$0x6320]  }
0x5b3: {  	v22 =	vmul.f32 v20, v32;
	v2 =	vadd.f32 v23, v2;
	v23 =	vld [tilespmem:$0x1F710]  }
0x5b4: {  	v21 =	vbroadcast v44, $0xF;
	v7 =	vmax.f32 v3, v27;
	v16 =	vmul.f32 v16, v19;
	v19 =	vld [tilespmem:s20+$0x6330]  }
0x5b5: {  	[tilespmem:s7+$0x6340] =	vst v22;
	v7 =	vmul.f32 v7, v36;
	v36 =	vld [tilespmem:$0x1F730]  }
0x5b6: {  	[tilespmem:s7+$0x6370] =	vst v0;
	(erf) = vpow2.f32 v21;
	v21 =	vld [tilespmem:s20+$0x7B30]  }
0x5b7: {  	v27 =	vmul.f32 $2.000000030e-01, v29;
	[tilespmem:v6+s22+$0x0] =	vst.idx.msk $0x1, v20;
	v20 =	vld [tilespmem:s20+$0x6350]  }
0x5b8: {  	v22 =	vadd.f32 v16, v8;
	v8 =	vld [tilespmem:s20+$0x7B20]  }
0x5b9: {  	v32 =	vmax.f32 v29, v27;
	v29 =	vadd.f32 v30, v15;
	v30 =	vld [tilespmem:s20+$0x7B40]  }
0x5ba: {  	v44 =	vmul.f32 v53, v43;
	v53 =	vmul.f32 v32, v52;
	v32 =	vld [tilespmem:$0x1F720]  }
0x5bb: {  	v52 =	vadd.f32 v22, v2;
	v22 =	vld [tilespmem:s20+$0x6340]  }
0x5bc: {  	v7 =	vadd.f32 v44, v7;
	v16 =	vpop (erf);
	v6 =	vmul.f32 v5, v36;
	v36 =	vld [tilespmem:s20+$0x7B50]  }
0x5bd: {  	v0 =	vmul.f32 v13, v51;
	v44 =	vmul.f32 v16, v59;
	v59 =	vadd.f32 v24, v17;
	v24 =	vld [tilespmem:s20+$0x6360]  }
0x5be: {  	v13 =	vmul.f32 v5, v23;
	v27 =	vmul.f32 v16, v37;
	v37 =	vld [tilespmem:s20+$0x7B60]  }
0x5bf: {  	v43 =	vmul.f32 v16, v60;
	v51 =	vmul.f32 v16, v55;
	v60 =	vmov s21;
	v23 =	vld [tilespmem:s20+$0x6370]  }
0x5c0: {  	v55 =	vmul.f32 v16, v26;
	v1 =	vand.u32 $0xFFFFFFF9, v60;
	v60 =	vld [tilespmem:$0x1F760]  }
0x5c1: {  	v3 =	vmul.f32 $2.000000030e-01, v29;
	[tilespmem:s18+$0x6320] =	vst v51;
	v51 =	vld [tilespmem:$0x1F740]  }
0x5c2: {  	v0 =	vadd.f32 v53, v0;
	v4 =	vmul.f32 $2.000000030e-01, v59;
	[tilespmem:s18+$0x6340] =	vst v55;
	v55 =	vmul.f32 v16, v35;
	v35 =	vld [tilespmem:s20+$0x7B70]  }
0x5c3: {  	v21 =	vadd.f32 v21, v19;
	[tilespmem:s18+$0x6330] =	vst v27;
	v27 =	vmax.f32 v29, v3;
	v29 =	vmul.f32 v16, v41;
	v41 =	vld [tilespmem:$0x1F780]  }
0x5c4: {  	s28 =	sor.u32 $0xF, s1;
	[tilespmem:s18+$0x6300] =	vst v43;
	v53 =	vadd.f32 v0, v7;
	v0 =	vmax.f32 v59, v4;
	v59 =	vld [tilespmem:$0x1F750]  }
0x5c5: {  	s30 =	sshll.u32 s28, $0x7;
	[tilespmem:s18+$0x6310] =	vst v44;
	v8 =	vadd.f32 v8, v18;
	v43 =	vmul.f32 v16, v39;
	v44 =	vmul.f32 $2.000000030e-01, v21;
	v4 =	vld [tilespmem:$0x1F770]  }
0x5c6: {  	v7 =	vbroadcast v1, $0x0;
	v1 =	vld [tilespmem:s30+$0x7B50]  }
0x5c7: {  	v9 =	vmul.f32 $2.000000030e-01, v8;
	[tilespmem:s18+$0x6360] =	vst v43;
	v26 =	vmax.f32 v21, v44;
	v21 =	vld [tilespmem:s30+$0x6300];
	v43 =	vmul.f32 v5, v60  }
0x5c8: {  	v2 =	vmul.f32 v5, v32;
	v60 =	vld [tilespmem:$0x1F7A0]  }
0x5c9: {  	v8 =	vmax.f32 v8, v9;
	v9 =	vadd.f32 v30, v22;
	v30 =	vmov s24;
	[tilespmem:s17+$0x6350] =	vst v43;
	v43 =	vld [tilespmem:$0x1FFA0]  }
0x5ca: {  	[tilespmem:s18+$0x6350] =	vst v29;
	v29 =	vmul.f32 v5, v51;
	v44 =	vand.u32 $0xFFFFFFF3, v30;
	v39 =	vmul.f32 v5, v59;
	v59 =	vld [tilespmem:$0x1F790]  }
0x5cb: {  	[tilespmem:s18+$0x6370] =	vst v55;
	v51 =	vadd.f32 v37, v24;
	v55 =	vmul.f32 $2.000000030e-01, v9;
	v32 =	vmul.f32 v5, v4;
	v4 =	vld [tilespmem:$0x1F7B0]  }
0x5cc: {  	[tilespmem:v7+s22+$0x0] =	vst.idx.msk $0x1, v16;
	v7 =	vmul.f32 v5, v41;
	v41 =	vbroadcast v44, $0x0;
	v44 =	vld [tilespmem:$0x1FFB0]  }
0x5cd: {  	[tilespmem:s17+$0x6320] =	vst v6;
	v30 =	vadd.f32 v36, v20;
	v37 =	vmul.f32 $2.000000030e-01, v51;
	v6 =	vmax.f32 v9, v55;
	v55 =	vld [tilespmem:$0x1F7C0]  }
0x5ce: {  	[tilespmem:s17+$0x6340] =	vst v39;
	v39 =	vld [tilespmem:$0x1FF90]  }
0x5cf: {  	[tilespmem:s17+$0x6300] =	vst v13;
	v36 =	vmul.f32 $2.000000030e-01, v30;
	v13 =	vmax.f32 v51, v37;
	v37 =	vld [tilespmem:s30+$0x7B00]  }
0x5d0: {  	v16 =	vmul.f32 v49, v60;
	v60 =	vld [tilespmem:$0x1F7E0]  }
0x5d1: {  	[tilespmem:s17+$0x6330] =	vst v29;
	v29 =	vmax.f32 v30, v36;
	v36 =	vld [tilespmem:$0x1FFC0]  }
0x5d2: {  	v35 =	vadd.f32 v35, v23;
	v8 =	vmul.f32 v8, v43;
	v43 =	vld [tilespmem:s30+$0x7B10]  }
0x5d3: {  	[tilespmem:s17+$0x6310] =	vst v2;
	v2 =	vmul.f32 v49, v59;
	v59 =	vld [tilespmem:$0x1F7D0]  }
0x5d4: {  	v9 =	vmul.f32 $2.000000030e-01, v35;
	v30 =	vmul.f32 v49, v4;
	v4 =	vld [tilespmem:$0x1F7F0]  }
0x5d5: {  	v51 =	vmul.f32 v26, v44;
	v26 =	vld [tilespmem:s30+$0x6310]  }
0x5d6: {  	v35 =	vmax.f32 v35, v9;
	[tilespmem:s17+$0x6370] =	vst v7;
	v9 =	vmov s16;
	v7 =	vmul.f32 v49, v60;
	v60 =	vld [tilespmem:$0x1FFE0]  }
0x5d7: {  	[tilespmem:s5+$0x6300] =	vst v2;
	v2 =	vand.u32 $0xFFFFFFF7, v9;
	v9 =	vld [tilespmem:$0x1FFF0]  }
0x5d8: {  	[tilespmem:s17+$0x6360] =	vst v32;
	v6 =	vmul.f32 v6, v36;
	v36 =	vld [tilespmem:s30+$0x7B30]  }
0x5d9: {  	v32 =	vmul.f32 v49, v55;
	[tilespmem:s5+$0x6320] =	vst v30;
	v30 =	vld [tilespmem:s30+$0x6340]  }
0x5da: {  	v27 =	vmul.f32 v27, v28;
	v0 =	vmul.f32 v0, v39;
	v8 =	vadd.f32 v51, v8;
	v51 =	vld [tilespmem:$0x1FFD0]  }
0x5db: {  	[tilespmem:s5+$0x6330] =	vst v32;
	v32 =	vld [tilespmem:$0x1F810]  }
0x5dc: {  	v0 =	vadd.f32 v0, v27;
	v27 =	vld [tilespmem:s30+$0x6320]  }
0x5dd: {  	v39 =	vmul.f32 v49, v59;
	v59 =	vld [tilespmem:$0x1F800]  }
0x5de: {  	v44 =	vmul.f32 v49, v4;
	v4 =	vadd.f32 v8, v0;
	v0 =	vld [tilespmem:s30+$0x7B60]  }
0x5df: {  	[tilespmem:s5+$0x6340] =	vst v39;
	v39 =	vld [tilespmem:$0x1F820]  }
0x5e0: {  	v13 =	vmul.f32 v13, v60;
	v60 =	vld [tilespmem:$0x1F830]  }
0x5e1: {  	v8 =	vpop (erf);
	v35 =	vmul.f32 v35, v9;
	v9 =	vbroadcast v2, $0x0;
	[tilespmem:s5+$0x6360] =	vst v44;
	v44 =	vld [tilespmem:$0x1F850]  }
0x5e2: {  	v55 =	vmul.f32 v29, v51;
	v51 =	vld [tilespmem:s30+$0x7B20];
	v2 =	vmul.f32 v8, v63  }
0x5e3: {  	[tilespmem:s5+$0x6310] =	vst v16;
	v16 =	vmul.f32 v49, v59;
	v59 =	vmul.f32 v8, v32;
	v32 =	vld [tilespmem:$0x1F840]  }
0x5e4: {  	v52 =	vadd.f32 v53, v52;
	v62 =	vmul.f32 v8, v62;
	v13 =	vadd.f32 v35, v13;
	v35 =	vld [tilespmem:s30+$0x7B40]  }
0x5e5: {  	v37 =	vadd.f32 v37, v21;
	v29 =	vld [tilespmem:s30+$0x6330];
	v6 =	vadd.f32 v55, v6;
	[tilespmem:s8+$0x6340] =	vst v2;
	v39 =	vmul.f32 v8, v39  }
0x5e6: {  	v3 =	vmul.f32 v8, v31;
	v31 =	vld [tilespmem:s30+$0x6360];
	v55 =	vmov s4;
	[tilespmem:s8+$0x6360] =	vst v62;
	v60 =	vmul.f32 v8, v60  }
0x5e7: {  	v53 =	vmul.f32 $2.000000030e-01, v37;
	v55 =	vand.u32 $0xFFFFFFFA, v55;
	v6 =	vadd.f32 v13, v6;
	[tilespmem:s8+$0x6310] =	vst v39;
	v39 =	vld [tilespmem:s30+$0x6370]  }
0x5e8: {  	v55 =	vbroadcast v55, $0x0;
	v13 =	vpop (erf);
	v51 =	vadd.f32 v51, v27;
	[tilespmem:s8+$0x6320] =	vst v60;
	v60 =	vld [tilespmem:s30+$0x7B70];
	v32 =	vmul.f32 v8, v32  }
0x5e9: {  	v63 =	vld [tilespmem:s30+$0x6350];
	[tilespmem:s8+$0x6370] =	vst v3;
	v35 =	vadd.f32 v35, v30;
	v3 =	vmul.f32 v13, v61  }
0x5ea: {  	v61 =	vld [tilespmem:$0x1FFA0];
	[tilespmem:s8+$0x6330] =	vst v32;
	v32 =	vadd.f32 v36, v29;
	v36 =	vmax.f32 v37, v53;
	v37 =	vmul.f32 $2.000000030e-01, v51  }
0x5eb: {  	(xrf2) =	vadd.scan.msk.f32 $0xffff, v52;
	v43 =	vadd.f32 v43, v26;
	v44 =	vmul.f32 v8, v44;
	[tilespmem:s5+$0x6370] =	vst v16;
	v53 =	vld [tilespmem:$0x1FF90]  }
0x5ec: {  	v62 =	vld [tilespmem:$0x1FFB0];
	[tilespmem:s8+$0x6300] =	vst v59;
	v0 =	vadd.f32 v0, v31;
	v37 =	vmax.f32 v51, v37;
	v51 =	vmul.f32 $2.000000030e-01, v35  }
0x5ed: {  	v59 =	vld [tilespmem:$0x1F860];
	v4 =	vadd.f32 v6, v4;
	v6 =	vmul.f32 $2.000000030e-01, v43;
	[tilespmem:s8+$0x6350] =	vst v44;
	v44 =	vadd.f32 v60, v39  }
0x5ee: {  	v16 =	vld [tilespmem:$0x1F870];
	[tilespmem:v55+s22+$0x0] =	vst.idx.msk $0x1, v8;
	v8 =	vmul.f32 v13, v48;
	v35 =	vmax.f32 v35, v51;
	v51 =	vmul.f32 $2.000000030e-01, v0  }
0x5ef: {  	v2 =	vmax.f32 v43, v6;
	v48 =	vmul.f32 v37, v61;
	v37 =	vld [tilespmem:$0x1FFE0];
	v55 =	vmul.f32 $2.000000030e-01, v44  }
0x5f0: {  	v36 =	vmul.f32 v36, v28;
	v2 =	vmul.f32 v2, v53;
	v0 =	vmax.f32 v0, v51;
	v51 =	vld [tilespmem:$0x1FFC0]  }
0x5f1: {  	v60 =	vmax.f32 v44, v55;
	v55 =	vld [tilespmem:$0x1F880]  }
0x5f2: {  	v1 =	vadd.f32 v1, v63;
	v6 =	vmul.f32 $2.000000030e-01, v32;
	v2 =	vadd.f32 v2, v36;
	v36 =	vld [tilespmem:$0x1FFD0]  }
0x5f3: {  	[tilespmem:v41+s22+$0x0] =	vst.idx.msk $0x1, v5;
	v46 =	vmul.f32 v13, v46;
	v44 =	vld [tilespmem:$0x1FFF0]  }
0x5f4: {  	[tilespmem:s5+$0x6350] =	vst v7;
	v59 =	vmul.f32 v13, v59;
	v6 =	vmax.f32 v32, v6;
	v32 =	vmul.f32 $2.000000030e-01, v1  }
0x5f5: {  	[tilespmem:v9+s22+$0x0] =	vst.idx.msk $0x1, v49;
	v45 =	vmul.f32 v13, v45;
	v16 =	vmul.f32 v13, v16  }
0x5f6: {  	(xrf2) =	vadd.scan.msk.f32 $0xffff, v4;
	v6 =	vmul.f32 v6, v62;
	v1 =	vmax.f32 v1, v32;
	v4 =	vmul.f32 v35, v51  }
0x5f7: {  	[tilespmem:s6+$0x6300] =	vst v59;
	v32 =	vmul.f32 v13, v55;
	v1 =	vmul.f32 v1, v36  }
0x5f8: {  	[tilespmem:s6+$0x6310] =	vst v16;
	v59, _, _ =	vpop (xrf2);
	v0 =	vmul.f32 v0, v37;
	v16 =	vmul.f32 v60, v44  }
0x5f9: {  	[tilespmem:s6+$0x6320] =	vst v46;
	v1 =	vadd.f32 v1, v4;
	v4 =	vmul.f32 $1.442695020e+00, v59  }
0x5fa: {  	[tilespmem:s6+$0x6330] =	vst v45;
	v6 =	vadd.f32 v6, v48;
	v0 =	vadd.f32 v16, v0  }
0x5fb: {  	[tilespmem:s6+$0x6360] =	vst v32;
	v32 =	vpop (erf);
	v4 =	vbroadcast v4, $0xF  }
0x5fc: {  	[tilespmem:s6+$0x6340] =	vst v3;
	v2 =	vadd.f32 v6, v2;
	v0 =	vadd.f32 v0, v1;
	v41 =	vmul.f32 v32, v47  }
0x5fd: {  	v7 =	vmov s13;
	[tilespmem:s6+$0x6350] =	vst v8;
	v43 =	vmul.f32 v32, v40;
	(erf) = vpow2.f32 v4  }
0x5fe: {  	v7 =	vand.u32 $0xFFFFFFFB, v7;
	v16 =	vld [tilespmem:$0x1F890];
	v46 =	vmul.f32 v32, v38;
	v0 =	vadd.f32 v0, v2;
	[tilespmem:s0+$0x6300] =	vst v41  }
0x5ff: {  	v60 =	vbroadcast v7, $0x0;
	v48 =	vmul.f32 v32, v34;
	[tilespmem:s0+$0x6310] =	vst v43  }
0x600: {  	v45, _, _ =	vpop (xrf2);
	v47 =	vmov s12;
	v49 =	vmul.f32 v32, v33;
	[tilespmem:s0+$0x6320] =	vst v46;
	(xrf2) =	vadd.scan.msk.f32 $0xffff, v0  }
0x601: {  	v3 =	vmul.f32 $1.442695020e+00, v45;
	v51 =	vmul.f32 v32, v14;
	v4 =	vand.u32 $0xFFFFFFFC, v47;
	[tilespmem:s0+$0x6330] =	vst v48  }
0x602: {  	v55 =	vmul.f32 v32, v12;
	[tilespmem:s0+$0x6340] =	vst v49;
	v4 =	vbroadcast v4, $0x0  }
0x603: {  	v7 =	vmul.f32 v13, v16;
	[tilespmem:s0+$0x6350] =	vst v51  }
0x604: {  	v3 =	vbroadcast v3, $0xF;
	[tilespmem:s0+$0x6360] =	vst v55  }
0x605: {  	v59 =	vmul.f32 v32, v42;
	[tilespmem:s6+$0x6370] =	vst v7  }
0x606: {  	[tilespmem:v60+s22+$0x0] =	vst.idx.msk $0x1, v13;
	v60 =	vpop (erf);
	(erf) = vpow2.f32 v3  }
0x607: {  	[tilespmem:s0+$0x6370] =	vst v59;
	v8 =	vmul.f32 v60, v11  }
0x608: {  	[tilespmem:v4+s22+$0x0] =	vst.idx.msk $0x1, v32;
	v9 =	vmul.f32 v60, v57  }
0x609: {  	v13 =	vmov s2;
	v12 =	vmul.f32 v60, v58;
	[tilespmem:s14+$0x6300] =	vst v8  }
0x60a: {  	v3 =	vand.u32 $0xFFFFFFFD, v13;
	v14 =	vmul.f32 v60, v56;
	v16 =	vmul.f32 v60, v54;
	v11, _, _ =	vpop (xrf2);
	[tilespmem:s14+$0x6310] =	vst v9  }
0x60b: {  	v3 =	vbroadcast v3, $0x0;
	[tilespmem:s14+$0x6320] =	vst v12;
	v2 =	vmul.f32 $1.442695020e+00, v11  }
0x60c: {  	v32 =	vmul.f32 v60, v50;
	[tilespmem:s14+$0x6330] =	vst v14  }
0x60d: {  	v33 =	vmul.f32 v60, v10;
	[tilespmem:s14+$0x6340] =	vst v16;
	v2 =	vbroadcast v2, $0xF  }
0x60e: {  	v34 =	vmul.f32 v60, v25;
	[tilespmem:s14+$0x6350] =	vst v32  }
0x60f: {  	[tilespmem:s14+$0x6360] =	vst v33;
	v38 =	vpop (erf);
	(erf) = vpow2.f32 v2  }
0x610: {  	[tilespmem:s14+$0x6370] =	vst v34;
	v40 =	vmul.f32 v38, v15  }
0x611: {  	[tilespmem:v3+s22+$0x0] =	vst.idx.msk $0x1, v60;
	v41 =	vmul.f32 v38, v17  }
0x612: {  	v43 =	vmov s15;
	v42 =	vmul.f32 v38, v18;
	[tilespmem:s20+$0x6300] =	vst v40  }
0x613: {  	v2 =	vand.u32 $0xFFFFFFFE, v43;
	v45 =	vmul.f32 v38, v19;
	[tilespmem:s20+$0x6310] =	vst v41  }
0x614: {  	v46 =	vmul.f32 v38, v22;
	v2 =	vbroadcast v2, $0x0;
	[tilespmem:s20+$0x6320] =	vst v42  }
0x615: {  	v47 =	vmul.f32 v38, v20;
	[tilespmem:s20+$0x6330] =	vst v45  }
0x616: {  	v48 =	vmul.f32 v38, v24;
	[tilespmem:s20+$0x6340] =	vst v46  }
0x617: {  	v49 =	vmul.f32 v38, v23;
	[tilespmem:s20+$0x6350] =	vst v47  }
0x618: {  	[tilespmem:s20+$0x6360] =	vst v48;
	v50 =	vpop (erf)  }
0x619: {  	[tilespmem:s20+$0x6370] =	vst v49;
	v51 =	vmul.f32 v50, v21  }
0x61a: {  	[tilespmem:v2+s22+$0x0] =	vst.idx.msk $0x1, v38;
	v54 =	vmul.f32 v50, v26  }
0x61b: {  	v55 =	vmul.f32 v50, v27;
	[tilespmem:s30+$0x6300] =	vst v51  }
0x61c: {  	v56 =	vmul.f32 v50, v29;
	[tilespmem:s30+$0x6310] =	vst v54  }
0x61d: {  	v57 =	vmul.f32 v50, v30;
	[tilespmem:s30+$0x6320] =	vst v55  }
0x61e: {  	p1 =	slt.u32 s1, $0x20;
	v59 =	vmov s28;
	v58 =	vmul.f32 v50, v63;
	[tilespmem:s30+$0x6330] =	vst v56  }
.Ltmp5:
0x61f: {  	v60 =	vmul.f32 v50, v31;
	[tilespmem:s30+$0x6340] =	vst v57;
	(pc) =	sbr.rel @p1 .LBB2_9-.Ltmp5, $4  }
0x620: {  	v63 =	vmul.f32 v50, v39;
	[tilespmem:s30+$0x6350] =	vst v58  }
0x621: {  	[tilespmem:s30+$0x6360] =	vst v60  }
0x622: {  	s31 =	sadd.s32 $0x10, s1;
	[tilespmem:s30+$0x6370] =	vst v63  }
0x623: {  	s1 =	smov.u32 s31;
	v52 =	vmov v28;
	v35 =	vld [tilespmem:$0x1FFC0];
	[tilespmem:v59+s22+$0x0] =	vst.idx.msk $0x1, v50  }
0x624: {  	s0 =	rddreg [dreg:$0x2];
	s1 =	simm.s32 $0x280;
	s2 =	simm.s32 $0x6300  }
0x625: {  	[spmem:s0] =	stream.indirect.scatter.add.f32 [tilespmem:s2], [sflag:$0x6], $0x80, s1, s29, $0xb8;
	[tilespmem:$0x1D5F8] =	vst v63  }
0x626: {  	s30 =	rddreg [dreg:$0x3];
	s31 =	simm.s32 $0x5  }
0x627: {  	[spmem:s30] =	stream.indirect.scatter.add.f32 [tilespmem:s22], [sflag:$0x6], $0x1, s1, s29, $0xb8;
	[tilespmem:$0x1D5F8] =	vst v63  }
0x628: {  	_ =	swait.ge [sflag:s31], $0x1800  }
.Ltmp6:
0x629: {  	[sflag:s31] =	ssyncset.done $0x0;
	(pc) =	sbr.rel @p0 .LBB2_12-.Ltmp6, $4  }
0x62a: {  	[sflag:s31] =	ssyncadd.s32 $0xFFFFE800  }
0x62b: {  	_ =	swait.ge [sflag:s31], $0x30  }
0x62c: {  	[sflag:s31] =	ssyncset.done $0x0  }
0x62d: {  	[sflag:s31] =	ssyncadd.s32 $0xFFFFFFD0  }
0x62e: {  	s0 =	sld [smem:$0x7F6];
	_ =	sdelay $0x2  }
0x62f: {  	s0 =	sadd.s32 s23, s0  }
0x630: {  	s1 =	rddreg [dreg:$0x7];
	s0 =	sshrl.u32 s0, $0x3  }
0x631: {  	s2 =	simm.s32 $0x100;
	s23 =	simm.s32 $0x0;
	s0 =	sadd.s32 s1, s0  }
0x632: {  	[tilespmem:s2], [sflag:$0x7] =	stream.linear.gather [hbm4b:s0+s23], $0x30, $0x38;
	[tilespmem:$0x1D5F8] =	vst v63  }
0x633: {  	_ =	swait.ge [sflag:s25], $0x30  }
0x634: {  	[sflag:s25] =	ssyncset.done $0x0  }
0x635: {  	s3 =	simm.s32 $0x180;
	s0 =	sadd.s32 $0xA200, s0;
	[sflag:s25] =	ssyncadd.s32 $0xFFFFFFD0  }
0x636: {  	[tilespmem:s3], [sflag:$0x7] =	stream.linear.gather [hbm4b:s0+s23], $0x30, $0x38;
	[tilespmem:$0x1D5F8] =	vst v63  }
0x637: {  	_ =	swait.ge [sflag:s25], $0x30  }
.Ltmp7:
0x638: {  	[sflag:s25] =	ssyncset.done $0x0;
	(pc) =	sbr.rel .LBB2_4-.Ltmp7, $4  }
0x639: {  	s28 =	simm.s32 $0x3300;
	s24 =	rddreg [dreg:$0x5];
	[sflag:s25] =	ssyncadd.s32 $0xFFFFFFD0  }
0x63a: {  	[tilespmem:s28], [sflag:$0x2] =	stream.indirect.gather [hbm4b:s24+s29], $0x80, s2, s29, $0xb8;
	[tilespmem:$0x1D5F8] =	vst v63  }
0x63b: {  	s31 =	simm.s32 $0x4B00;
	s9 =	sadd.s32 $0x1, s9;
	s30 =	rddreg [dreg:$0x6]  }
0x63c: {  	[tilespmem:s31], [sflag:$0x2] =	stream.indirect.gather [hbm4b:s30+s29], $0x80, s3, s29, $0xb8;
	[tilespmem:$0x1D5F8] =	vst v63  }
.LBB2_13:
0x63d: {  	_ =	sfence.sel $0x180000  }
0x63e: {  	[bflag:$0x0] =	sbarrier.arrive $0xFFFF  }
0x63f: {  	_ =	strace $0x90000047  }
0x640: {  	s0 =	stileid.u32;
	[bflag:$0x2] =	sbarrier.arrive $0xFFFF  }
0x641: {  	p0 =	sne.s32 s0, $0x0;
	s0 =	rddreg [dreg:$0x4]  }
0x642: {  	s0 =	sadd.s32 @!p0 $0x100000, s0  }
0x643: {  	[sflag:s0] =	ssyncadd.tile.s32 @!p0 $0x1;
	_ =	shalt  }
.Lfunc_end2:
_tile_overlayer_lowered:
.L_overlay_start_2:
0x644: {  	(tag) =	ssettag $0x2  }
0x645: {  	s0 =	rddreg [dreg:$0x0];
	s2 =	stileid.u32  }
0x646: {  	s1 =	rddreg [dreg:$0x1];
	p0 =	sne.s32 s2, $0x0  }
0x647: {  	s3 =	rddreg [dreg:$0x2];
	[bflag:$0x3] =	sbarrier.arrive $0xFFFF;
	s2 =	simm.s32 @!p0 $0x1C07  }
0x648: {  	[timem:s3], [sflag:s2] =	dma.local @!p0 [hbm:s0], s1  }
0x649: {  	s0 =	simm.s32 @!p0 $0x7  }
0x64a: {  	_ =	swait.ge @!p0 [sflag:s0], s1  }
0x64b: {  	s1 =	ssub.s32 @!p0 $0x0, s1;
	[sflag:s0] =	ssyncset.done @!p0 $0x0  }
0x64c: {  	[sflag:s0] =	ssyncadd.s32 @!p0 s1  }
0x64d: {  	[bflag:$0x3] =	sbarrier.arrive $0xFFFF  }
0x64e: {  	_ =	shalt  }

</sc_bundles>
